<compile_context>
chip_gen: v7x
topology: tpu7x:2x2x1
jax: 0.10.2.dev20260603
libtpu: 0.0.44.dev20260713+nightly
codegen_flags: <defaults>
</compile_context>

<pallas_src>
import functools

import jax
import jax.numpy as jnp
from jax import lax
from jax.experimental import pallas as pl
from jax.experimental.pallas import tpu as pltpu
from jax.experimental.pallas import tpu_sc as plsc

NUM_ROWS = 1000000
BATCH = 16384
D = 30
ROW32 = 32
NR32 = NUM_ROWS * D // ROW32
MAXR = NR32 - 1

_info = plsc.get_sparse_core_info()
NC = _info.num_cores
NS = _info.num_subcores
L = _info.num_lanes
NW = NC * NS
BPW = BATCH // NW
IDX_CHUNK = 128
NCHUNK = BPW // IDX_CHUNK

_mesh = plsc.VectorSubcoreMesh(core_axis_name="c", subcore_axis_name="s")


@functools.partial(
    pl.kernel,
    mesh=_mesh,
    out_type=jax.ShapeDtypeStruct((BATCH,), jnp.float32),
    compiler_params=pltpu.CompilerParams(
        use_tc_tiling_on_sc=False,
        needs_layout_passes=False,
    ),
    scratch_types=[
        pltpu.VMEM((BPW,), jnp.int32),
        pltpu.VMEM((BPW,), jnp.int32),
        pltpu.VMEM((NCHUNK, IDX_CHUNK), jnp.int32),
        pltpu.VMEM((NCHUNK, IDX_CHUNK), jnp.int32),
        pltpu.VMEM((NCHUNK, IDX_CHUNK), jnp.int32),
        pltpu.VMEM((NCHUNK, IDX_CHUNK), jnp.int32),
        pltpu.VMEM((2 * BPW, ROW32), jnp.float32),
        pltpu.VMEM((2 * BPW, ROW32), jnp.float32),
        pltpu.VMEM((BPW,), jnp.float32),
        pltpu.SemaphoreType.DMA,
    ],
)
def _recommender_sc(uraw_hbm, iraw_hbm, w_hbm, x_hbm, out_hbm,
                    uraw_v, iraw_v, ua_v, ub_v, xa_v, xb_v,
                    wbuf, xbuf, out_v, sem):
    wid = lax.axis_index("s") * NC + lax.axis_index("c")
    base = wid * BPW

    pltpu.sync_copy(uraw_hbm.at[wid], uraw_v)
    pltpu.sync_copy(iraw_hbm.at[wid], iraw_v)

    for j in range(NCHUNK):
        for k in range(IDX_CHUNK // L):
            sl = pl.ds(j * IDX_CHUNK + k * L, L)
            dsl = pl.ds(k * L, L)
            for raw_v, a_v, b_v in ((uraw_v, ua_v, ub_v),
                                    (iraw_v, xa_v, xb_v)):
                t = raw_v[sl] * D
                a = t >> 5
                a_v[j, dsl] = a
                b_v[j, dsl] = jnp.minimum(a + 1, MAXR)

    copies = []
    for j in range(NCHUNK):
        losl = pl.ds(j * IDX_CHUNK, IDX_CHUNK)
        hisl = pl.ds(BPW + j * IDX_CHUNK, IDX_CHUNK)
        copies.append(pltpu.async_copy(w_hbm.at[ua_v.at[j]], wbuf.at[losl], sem))
        copies.append(pltpu.async_copy(w_hbm.at[ub_v.at[j]], wbuf.at[hisl], sem))
        copies.append(pltpu.async_copy(x_hbm.at[xa_v.at[j]], xbuf.at[losl], sem))
        copies.append(pltpu.async_copy(x_hbm.at[xb_v.at[j]], xbuf.at[hisl], sem))
    for c in copies:
        c.wait()

    lane = lax.iota(jnp.int32, L)

    def group_body(g, carry):
        gs = pl.ds(g * L, L)
        rows = g * L + lane
        uo = (uraw_v[gs] * D) & 31
        io = (iraw_v[gs] * D) & 31
        acc = jnp.zeros((L,), jnp.float32)
        for d in range(D):
            uw = uo + d
            iw = io + d
            wv = plsc.load_gather(wbuf, [rows + ((uw >> 5) << 9), uw & 31])
            xv = plsc.load_gather(xbuf, [rows + ((iw >> 5) << 9), iw & 31])
            acc = acc + wv * xv
        out_v[gs] = acc
        return carry

    lax.fori_loop(0, BPW // L, group_body, 0)

    pltpu.sync_copy(out_v, out_hbm.at[pl.ds(base, BPW)])


def kernel(x, W, X):
    uraw = x[:, 0].astype(jnp.int32).reshape(NW, BPW)
    iraw = x[:, 1].astype(jnp.int32).reshape(NW, BPW)
    w32 = W.reshape(NR32, ROW32)
    x32 = X.reshape(NR32, ROW32)
    return _recommender_sc(uraw, iraw, w32, x32)

# --- scband reference (transcript-rebuilt; emitter-appended) ---
"""Pipeline reference for scband-recommender-34531537059923 (READ-ONLY COPY).

The authoritative reference and input builder live on the scoring server;
editing this copy changes nothing except your own understanding.
"""

import jax, jax.numpy as jnp
import numpy as np

NUM_USERS = 1000000
NUM_ITEMS = 1000000
NUM_LATENT = 30
BATCH = 16384


def setup_inputs(seed: int = 0) -> dict:
    key = jax.random.key(seed)
    k1, k2, k3 = jax.random.split(key, 3)
    x = jax.random.randint(k1, (BATCH, 2), 0, NUM_USERS, dtype=jnp.int64) if jax.config.jax_enable_x64 else jax.random.randint(k1, (BATCH, 2), 0, NUM_USERS, dtype=jnp.int32)
    W = jax.random.normal(k2, (NUM_USERS, NUM_LATENT), dtype=jnp.float32)
    X = jax.random.normal(k3, (NUM_ITEMS, NUM_LATENT), dtype=jnp.float32)
    return {"x": x, "W": W, "X": X}


def reference(x, W, X):
    user_indices = x[:, 0].astype(jnp.int32)
    item_indices = x[:, 1].astype(jnp.int32)
    item_emb = jnp.take(X, item_indices, axis=0)
    user_emb = jnp.take(W, user_indices, axis=0)
    return jnp.sum(item_emb * user_emb, axis=1)

if __name__ == "__main__":
    import jax
    _d = setup_inputs()
    print(jax.jit(kernel)(*tuple(_d.values())))

</pallas_src>

<mosaic_0001>
#map = affine_map<(d0, d1) -> (0, 0)>
#map1 = affine_map<(d0, d1) -> (0)>
module attributes {stable_mosaic.version = 14 : i64} {
  func.func @_recommender_sc(%arg0: i32, %arg1: i32, %arg2: memref<32x512xi32, #tpu.memory_space<hbm>>, %arg3: memref<32x512xi32, #tpu.memory_space<hbm>>, %arg4: memref<937500x32xf32, #tpu.memory_space<hbm>>, %arg5: memref<937500x32xf32, #tpu.memory_space<hbm>>, %arg6: memref<16384xf32, #tpu.memory_space<hbm>>, %arg7: memref<512xi32, #tpu.memory_space<vmem>>, %arg8: memref<512xi32, #tpu.memory_space<vmem>>, %arg9: memref<4x128xi32, #tpu.memory_space<vmem>>, %arg10: memref<4x128xi32, #tpu.memory_space<vmem>>, %arg11: memref<4x128xi32, #tpu.memory_space<vmem>>, %arg12: memref<4x128xi32, #tpu.memory_space<vmem>>, %arg13: memref<1024x32xf32, #tpu.memory_space<vmem>>, %arg14: memref<1024x32xf32, #tpu.memory_space<vmem>>, %arg15: memref<512xf32, #tpu.memory_space<vmem>>, %arg16: memref<!tpu.dma_semaphore, #tpu.memory_space<semaphore_mem>>) attributes {dimension_semantics = [#tpu.dimension_semantics<core_parallel>, #tpu.dimension_semantics<subcore_parallel>], iteration_bounds = array<i64: 2, 16>, scalar_prefetch = 0 : i64, scratch_operands = 10 : i64, tpu.core_type = #tpu.core_type<sc_vector_subcore>, window_params = [{transform_indices = #map}, {transform_indices = #map}, {transform_indices = #map}, {transform_indices = #map}, {transform_indices = #map1}]} {
    %mul3A = arith.constant 2 : i32
    %mul3A_0 = arith.muli %arg1, %mul3A : i32
    %add3A = arith.addi %mul3A_0, %arg0 : i32
    %mul3A_1 = arith.constant 512 : i32
    %mul3A_2 = arith.muli %add3A, %mul3A_1 : i32
    "tpu.region"() ({
      %run_scoped3A = tpu.sem_alloc : memref<!tpu.dma_semaphore, #tpu.memory_space<semaphore_mem>>
      %dma_start3A_1730 = arith.constant 0 : i32
      %dma_start3A_1731 = tpu.memref_slice %arg2[%add3A, %dma_start3A_1730] : memref<32x512xi32, #tpu.memory_space<hbm>> -> memref<1x512xi32, #tpu.memory_space<hbm>>
      %dma_start3A_1732 = tpu.memref_squeeze %dma_start3A_1731 : memref<1x512xi32, #tpu.memory_space<hbm>> -> memref<512xi32, #tpu.memory_space<hbm>>
      %dma_start3A_1733 = arith.constant 0 : i32
      %dma_start3A_1734 = tpu.memref_slice %arg2[%add3A, %dma_start3A_1733] : memref<32x512xi32, #tpu.memory_space<hbm>> -> memref<1x512xi32, #tpu.memory_space<hbm>>
      %dma_start3A_1735 = tpu.memref_squeeze %dma_start3A_1734 : memref<1x512xi32, #tpu.memory_space<hbm>> -> memref<512xi32, #tpu.memory_space<hbm>>
      tpu.enqueue_dma source(%dma_start3A_1735 : memref<512xi32, #tpu.memory_space<hbm>>) target(%arg7 : memref<512xi32, #tpu.memory_space<vmem>>) target_semaphore(%run_scoped3A : memref<!tpu.dma_semaphore, #tpu.memory_space<semaphore_mem>>)
      %dma_wait3A_1736 = arith.constant 0 : i32
      %dma_wait3A_1737 = tpu.memref_slice %arg2[%add3A, %dma_wait3A_1736] : memref<32x512xi32, #tpu.memory_space<hbm>> -> memref<1x512xi32, #tpu.memory_space<hbm>>
      %dma_wait3A_1738 = tpu.memref_squeeze %dma_wait3A_1737 : memref<1x512xi32, #tpu.memory_space<hbm>> -> memref<512xi32, #tpu.memory_space<hbm>>
      %dma_wait3A_1739 = arith.constant 0 : i32
      %dma_wait3A_1740 = tpu.memref_slice %arg2[%add3A, %dma_wait3A_1739] : memref<32x512xi32, #tpu.memory_space<hbm>> -> memref<1x512xi32, #tpu.memory_space<hbm>>
      %dma_wait3A_1741 = tpu.memref_squeeze %dma_wait3A_1740 : memref<1x512xi32, #tpu.memory_space<hbm>> -> memref<512xi32, #tpu.memory_space<hbm>>
      tpu.wait_dma2 semaphore(%run_scoped3A : memref<!tpu.dma_semaphore, #tpu.memory_space<semaphore_mem>>) src(%dma_wait3A_1741 : memref<512xi32, #tpu.memory_space<hbm>>) dst(%arg7 : memref<512xi32, #tpu.memory_space<vmem>>)
      tpu.yield
    }) : () -> ()
    "tpu.region"() ({
      %run_scoped3A = tpu.sem_alloc : memref<!tpu.dma_semaphore, #tpu.memory_space<semaphore_mem>>
      %dma_start3A_1730 = arith.constant 0 : i32
      %dma_start3A_1731 = tpu.memref_slice %arg3[%add3A, %dma_start3A_1730] : memref<32x512xi32, #tpu.memory_space<hbm>> -> memref<1x512xi32, #tpu.memory_space<hbm>>
      %dma_start3A_1732 = tpu.memref_squeeze %dma_start3A_1731 : memref<1x512xi32, #tpu.memory_space<hbm>> -> memref<512xi32, #tpu.memory_space<hbm>>
      %dma_start3A_1733 = arith.constant 0 : i32
      %dma_start3A_1734 = tpu.memref_slice %arg3[%add3A, %dma_start3A_1733] : memref<32x512xi32, #tpu.memory_space<hbm>> -> memref<1x512xi32, #tpu.memory_space<hbm>>
      %dma_start3A_1735 = tpu.memref_squeeze %dma_start3A_1734 : memref<1x512xi32, #tpu.memory_space<hbm>> -> memref<512xi32, #tpu.memory_space<hbm>>
      tpu.enqueue_dma source(%dma_start3A_1735 : memref<512xi32, #tpu.memory_space<hbm>>) target(%arg8 : memref<512xi32, #tpu.memory_space<vmem>>) target_semaphore(%run_scoped3A : memref<!tpu.dma_semaphore, #tpu.memory_space<semaphore_mem>>)
      %dma_wait3A_1736 = arith.constant 0 : i32
      %dma_wait3A_1737 = tpu.memref_slice %arg3[%add3A, %dma_wait3A_1736] : memref<32x512xi32, #tpu.memory_space<hbm>> -> memref<1x512xi32, #tpu.memory_space<hbm>>
      %dma_wait3A_1738 = tpu.memref_squeeze %dma_wait3A_1737 : memref<1x512xi32, #tpu.memory_space<hbm>> -> memref<512xi32, #tpu.memory_space<hbm>>
      %dma_wait3A_1739 = arith.constant 0 : i32
      %dma_wait3A_1740 = tpu.memref_slice %arg3[%add3A, %dma_wait3A_1739] : memref<32x512xi32, #tpu.memory_space<hbm>> -> memref<1x512xi32, #tpu.memory_space<hbm>>
      %dma_wait3A_1741 = tpu.memref_squeeze %dma_wait3A_1740 : memref<1x512xi32, #tpu.memory_space<hbm>> -> memref<512xi32, #tpu.memory_space<hbm>>
      tpu.wait_dma2 semaphore(%run_scoped3A : memref<!tpu.dma_semaphore, #tpu.memory_space<semaphore_mem>>) src(%dma_wait3A_1741 : memref<512xi32, #tpu.memory_space<hbm>>) dst(%arg8 : memref<512xi32, #tpu.memory_space<vmem>>)
      tpu.yield
    }) : () -> ()
    %get3A = arith.constant 0 : index
    %get3A_3 = tpu.vector_load %arg7[%get3A] {strides = array<i32>} : memref<512xi32, #tpu.memory_space<vmem>>, vector<16xi32>,
    %mul3A_4 = arith.constant 30 : i32
    %mul3A_5 = vector.broadcast %mul3A_4 : i32 to vector<16xi32>
    %mul3A_6 = arith.muli %get3A_3, %mul3A_5 : vector<16xi32>
    %shift_right_arithmetic3A = arith.constant 5 : i32
    %shift_right_arithmetic3A_7 = vector.broadcast %shift_right_arithmetic3A : i32 to vector<16xi32>
    %shift_right_arithmetic3A_8 = arith.shrsi %mul3A_6, %shift_right_arithmetic3A_7 : vector<16xi32>
    %swap3A = arith.constant 0 : i32
    %swap3A_9 = arith.index_cast %swap3A : i32 to index
    %swap3A_10 = arith.constant 0 : index
    %swap3A_11 = tpu.vector_load %arg9[%swap3A_9, %swap3A_10] {strides = array<i32>} : memref<4x128xi32, #tpu.memory_space<vmem>>, vector<16xi32>,
    tpu.vector_store %arg9[%swap3A_9, %swap3A_10], %shift_right_arithmetic3A_8 {strides = array<i32>} : memref<4x128xi32, #tpu.memory_space<vmem>>, vector<16xi32>,
    %add3A_12 = arith.constant 1 : i32
    %add3A_13 = vector.broadcast %add3A_12 : i32 to vector<16xi32>
    %add3A_14 = arith.addi %shift_right_arithmetic3A_8, %add3A_13 : vector<16xi32>
    %min3A = arith.constant 937499 : i32
    %min3A_15 = vector.broadcast %min3A : i32 to vector<16xi32>
    %min3A_16 = arith.minsi %add3A_14, %min3A_15 : vector<16xi32>
    %swap3A_17 = arith.constant 0 : i32
    %swap3A_18 = arith.index_cast %swap3A_17 : i32 to index
    %swap3A_19 = arith.constant 0 : index
    %swap3A_20 = tpu.vector_load %arg10[%swap3A_18, %swap3A_19] {strides = array<i32>} : memref<4x128xi32, #tpu.memory_space<vmem>>, vector<16xi32>,
    tpu.vector_store %arg10[%swap3A_18, %swap3A_19], %min3A_16 {strides = array<i32>} : memref<4x128xi32, #tpu.memory_space<vmem>>, vector<16xi32>,
    %get3A_21 = arith.constant 0 : index
    %get3A_22 = tpu.vector_load %arg8[%get3A_21] {strides = array<i32>} : memref<512xi32, #tpu.memory_space<vmem>>, vector<16xi32>,
    %mul3A_23 = arith.constant 30 : i32
    %mul3A_24 = vector.broadcast %mul3A_23 : i32 to vector<16xi32>
    %mul3A_25 = arith.muli %get3A_22, %mul3A_24 : vector<16xi32>
    %shift_right_arithmetic3A_26 = arith.constant 5 : i32
    %shift_right_arithmetic3A_27 = vector.broadcast %shift_right_arithmetic3A_26 : i32 to vector<16xi32>
    %shift_right_arithmetic3A_28 = arith.shrsi %mul3A_25, %shift_right_arithmetic3A_27 : vector<16xi32>
    %swap3A_29 = arith.constant 0 : i32
    %swap3A_30 = arith.index_cast %swap3A_29 : i32 to index
    %swap3A_31 = arith.constant 0 : index
    %swap3A_32 = tpu.vector_load %arg11[%swap3A_30, %swap3A_31] {strides = array<i32>} : memref<4x128xi32, #tpu.memory_space<vmem>>, vector<16xi32>,
    tpu.vector_store %arg11[%swap3A_30, %swap3A_31], %shift_right_arithmetic3A_28 {strides = array<i32>} : memref<4x128xi32, #tpu.memory_space<vmem>>, vector<16xi32>,
    %add3A_33 = arith.constant 1 : i32
    %add3A_34 = vector.broadcast %add3A_33 : i32 to vector<16xi32>
    %add3A_35 = arith.addi %shift_right_arithmetic3A_28, %add3A_34 : vector<16xi32>
    %min3A_36 = arith.constant 937499 : i32
    %min3A_37 = vector.broadcast %min3A_36 : i32 to vector<16xi32>
    %min3A_38 = arith.minsi %add3A_35, %min3A_37 : vector<16xi32>
    %swap3A_39 = arith.constant 0 : i32
    %swap3A_40 = arith.index_cast %swap3A_39 : i32 to index
    %swap3A_41 = arith.constant 0 : index
    %swap3A_42 = tpu.vector_load %arg12[%swap3A_40, %swap3A_41] {strides = array<i32>} : memref<4x128xi32, #tpu.memory_space<vmem>>, vector<16xi32>,
    tpu.vector_store %arg12[%swap3A_40, %swap3A_41], %min3A_38 {strides = array<i32>} : memref<4x128xi32, #tpu.memory_space<vmem>>, vector<16xi32>,
    %get3A_43 = arith.constant 16 : index
    %get3A_44 = tpu.vector_load %arg7[%get3A_43] {strides = array<i32>} : memref<512xi32, #tpu.memory_space<vmem>>, vector<16xi32>,
    %mul3A_45 = arith.constant 30 : i32
    %mul3A_46 = vector.broadcast %mul3A_45 : i32 to vector<16xi32>
    %mul3A_47 = arith.muli %get3A_44, %mul3A_46 : vector<16xi32>
    %shift_right_arithmetic3A_48 = arith.constant 5 : i32
    %shift_right_arithmetic3A_49 = vector.broadcast %shift_right_arithmetic3A_48 : i32 to vector<16xi32>
    %shift_right_arithmetic3A_50 = arith.shrsi %mul3A_47, %shift_right_arithmetic3A_49 : vector<16xi32>
    %swap3A_51 = arith.constant 0 : i32
    %swap3A_52 = arith.index_cast %swap3A_51 : i32 to index
    %swap3A_53 = arith.constant 16 : index
    %swap3A_54 = tpu.vector_load %arg9[%swap3A_52, %swap3A_53] {strides = array<i32>} : memref<4x128xi32, #tpu.memory_space<vmem>>, vector<16xi32>,
    tpu.vector_store %arg9[%swap3A_52, %swap3A_53], %shift_right_arithmetic3A_50 {strides = array<i32>} : memref<4x128xi32, #tpu.memory_space<vmem>>, vector<16xi32>,
    %add3A_55 = arith.constant 1 : i32
    %add3A_56 = vector.broadcast %add3A_55 : i32 to vector<16xi32>
    %add3A_57 = arith.addi %shift_right_arithmetic3A_50, %add3A_56 : vector<16xi32>
    %min3A_58 = arith.constant 937499 : i32
    %min3A_59 = vector.broadcast %min3A_58 : i32 to vector<16xi32>
    %min3A_60 = arith.minsi %add3A_57, %min3A_59 : vector<16xi32>
    %swap3A_61 = arith.constant 0 : i32
    %swap3A_62 = arith.index_cast %swap3A_61 : i32 to index
    %swap3A_63 = arith.constant 16 : index
    %swap3A_64 = tpu.vector_load %arg10[%swap3A_62, %swap3A_63] {strides = array<i32>} : memref<4x128xi32, #tpu.memory_space<vmem>>, vector<16xi32>,
    tpu.vector_store %arg10[%swap3A_62, %swap3A_63], %min3A_60 {strides = array<i32>} : memref<4x128xi32, #tpu.memory_space<vmem>>, vector<16xi32>,
    %get3A_65 = arith.constant 16 : index
    %get3A_66 = tpu.vector_load %arg8[%get3A_65] {strides = array<i32>} : memref<512xi32, #tpu.memory_space<vmem>>, vector<16xi32>,
    %mul3A_67 = arith.constant 30 : i32
    %mul3A_68 = vector.broadcast %mul3A_67 : i32 to vector<16xi32>
    %mul3A_69 = arith.muli %get3A_66, %mul3A_68 : vector<16xi32>
    %shift_right_arithmetic3A_70 = arith.constant 5 : i32
    %shift_right_arithmetic3A_71 = vector.broadcast %shift_right_arithmetic3A_70 : i32 to vector<16xi32>
    %shift_right_arithmetic3A_72 = arith.shrsi %mul3A_69, %shift_right_arithmetic3A_71 : vector<16xi32>
    %swap3A_73 = arith.constant 0 : i32
    %swap3A_74 = arith.index_cast %swap3A_73 : i32 to index
    %swap3A_75 = arith.constant 16 : index
    %swap3A_76 = tpu.vector_load %arg11[%swap3A_74, %swap3A_75] {strides = array<i32>} : memref<4x128xi32, #tpu.memory_space<vmem>>, vector<16xi32>,
    tpu.vector_store %arg11[%swap3A_74, %swap3A_75], %shift_right_arithmetic3A_72 {strides = array<i32>} : memref<4x128xi32, #tpu.memory_space<vmem>>, vector<16xi32>,
    %add3A_77 = arith.constant 1 : i32
    %add3A_78 = vector.broadcast %add3A_77 : i32 to vector<16xi32>
    %add3A_79 = arith.addi %shift_right_arithmetic3A_72, %add3A_78 : vector<16xi32>
    %min3A_80 = arith.constant 937499 : i32
    %min3A_81 = vector.broadcast %min3A_80 : i32 to vector<16xi32>
    %min3A_82 = arith.minsi %add3A_79, %min3A_81 : vector<16xi32>
    %swap3A_83 = arith.constant 0 : i32
    %swap3A_84 = arith.index_cast %swap3A_83 : i32 to index
    %swap3A_85 = arith.constant 16 : index
    %swap3A_86 = tpu.vector_load %arg12[%swap3A_84, %swap3A_85] {strides = array<i32>} : memref<4x128xi32, #tpu.memory_space<vmem>>, vector<16xi32>,
    tpu.vector_store %arg12[%swap3A_84, %swap3A_85], %min3A_82 {strides = array<i32>} : memref<4x128xi32, #tpu.memory_space<vmem>>, vector<16xi32>,
    %get3A_87 = arith.constant 32 : index
    %get3A_88 = tpu.vector_load %arg7[%get3A_87] {strides = array<i32>} : memref<512xi32, #tpu.memory_space<vmem>>, vector<16xi32>,
    %mul3A_89 = arith.constant 30 : i32
    %mul3A_90 = vector.broadcast %mul3A_89 : i32 to vector<16xi32>
    %mul3A_91 = arith.muli %get3A_88, %mul3A_90 : vector<16xi32>
    %shift_right_arithmetic3A_92 = arith.constant 5 : i32
    %shift_right_arithmetic3A_93 = vector.broadcast %shift_right_arithmetic3A_92 : i32 to vector<16xi32>
    %shift_right_arithmetic3A_94 = arith.shrsi %mul3A_91, %shift_right_arithmetic3A_93 : vector<16xi32>
    %swap3A_95 = arith.constant 0 : i32
    %swap3A_96 = arith.index_cast %swap3A_95 : i32 to index
    %swap3A_97 = arith.constant 32 : index
    %swap3A_98 = tpu.vector_load %arg9[%swap3A_96, %swap3A_97] {strides = array<i32>} : memref<4x128xi32, #tpu.memory_space<vmem>>, vector<16xi32>,
    tpu.vector_store %arg9[%swap3A_96, %swap3A_97], %shift_right_arithmetic3A_94 {strides = array<i32>} : memref<4x128xi32, #tpu.memory_space<vmem>>, vector<16xi32>,
    %add3A_99 = arith.constant 1 : i32
    %add3A_100 = vector.broadcast %add3A_99 : i32 to vector<16xi32>
    %add3A_101 = arith.addi %shift_right_arithmetic3A_94, %add3A_100 : vector<16xi32>
    %min3A_102 = arith.constant 937499 : i32
    %min3A_103 = vector.broadcast %min3A_102 : i32 to vector<16xi32>
    %min3A_104 = arith.minsi %add3A_101, %min3A_103 : vector<16xi32>
    %swap3A_105 = arith.constant 0 : i32
    %swap3A_106 = arith.index_cast %swap3A_105 : i32 to index
    %swap3A_107 = arith.constant 32 : index
    %swap3A_108 = tpu.vector_load %arg10[%swap3A_106, %swap3A_107] {strides = array<i32>} : memref<4x128xi32, #tpu.memory_space<vmem>>, vector<16xi32>,
    tpu.vector_store %arg10[%swap3A_106, %swap3A_107], %min3A_104 {strides = array<i32>} : memref<4x128xi32, #tpu.memory_space<vmem>>, vector<16xi32>,
    %get3A_109 = arith.constant 32 : index
    %get3A_110 = tpu.vector_load %arg8[%get3A_109] {strides = array<i32>} : memref<512xi32, #tpu.memory_space<vmem>>, vector<16xi32>,
    %mul3A_111 = arith.constant 30 : i32
    %mul3A_112 = vector.broadcast %mul3A_111 : i32 to vector<16xi32>
    %mul3A_113 = arith.muli %get3A_110, %mul3A_112 : vector<16xi32>
    %shift_right_arithmetic3A_114 = arith.constant 5 : i32
    %shift_right_arithmetic3A_115 = vector.broadcast %shift_right_arithmetic3A_114 : i32 to vector<16xi32>
    %shift_right_arithmetic3A_116 = arith.shrsi %mul3A_113, %shift_right_arithmetic3A_115 : vector<16xi32>
    %swap3A_117 = arith.constant 0 : i32
    %swap3A_118 = arith.index_cast %swap3A_117 : i32 to index
    %swap3A_119 = arith.constant 32 : index
    %swap3A_120 = tpu.vector_load %arg11[%swap3A_118, %swap3A_119] {strides = array<i32>} : memref<4x128xi32, #tpu.memory_space<vmem>>, vector<16xi32>,
    tpu.vector_store %arg11[%swap3A_118, %swap3A_119], %shift_right_arithmetic3A_116 {strides = array<i32>} : memref<4x128xi32, #tpu.memory_space<vmem>>, vector<16xi32>,
    %add3A_121 = arith.constant 1 : i32
    %add3A_122 = vector.broadcast %add3A_121 : i32 to vector<16xi32>
    %add3A_123 = arith.addi %shift_right_arithmetic3A_116, %add3A_122 : vector<16xi32>
    %min3A_124 = arith.constant 937499 : i32
    %min3A_125 = vector.broadcast %min3A_124 : i32 to vector<16xi32>
    %min3A_126 = arith.minsi %add3A_123, %min3A_125 : vector<16xi32>
    %swap3A_127 = arith.constant 0 : i32
    %swap3A_128 = arith.index_cast %swap3A_127 : i32 to index
    %swap3A_129 = arith.constant 32 : index
    %swap3A_130 = tpu.vector_load %arg12[%swap3A_128, %swap3A_129] {strides = array<i32>} : memref<4x128xi32, #tpu.memory_space<vmem>>, vector<16xi32>,
    tpu.vector_store %arg12[%swap3A_128, %swap3A_129], %min3A_126 {strides = array<i32>} : memref<4x128xi32, #tpu.memory_space<vmem>>, vector<16xi32>,
    %get3A_131 = arith.constant 48 : index
    %get3A_132 = tpu.vector_load %arg7[%get3A_131] {strides = array<i32>} : memref<512xi32, #tpu.memory_space<vmem>>, vector<16xi32>,
    %mul3A_133 = arith.constant 30 : i32
    %mul3A_134 = vector.broadcast %mul3A_133 : i32 to vector<16xi32>
    %mul3A_135 = arith.muli %get3A_132, %mul3A_134 : vector<16xi32>
    %shift_right_arithmetic3A_136 = arith.constant 5 : i32
    %shift_right_arithmetic3A_137 = vector.broadcast %shift_right_arithmetic3A_136 : i32 to vector<16xi32>
    %shift_right_arithmetic3A_138 = arith.shrsi %mul3A_135, %shift_right_arithmetic3A_137 : vector<16xi32>
    %swap3A_139 = arith.constant 0 : i32
    %swap3A_140 = arith.index_cast %swap3A_139 : i32 to index
    %swap3A_141 = arith.constant 48 : index
    %swap3A_142 = tpu.vector_load %arg9[%swap3A_140, %swap3A_141] {strides = array<i32>} : memref<4x128xi32, #tpu.memory_space<vmem>>, vector<16xi32>,
    tpu.vector_store %arg9[%swap3A_140, %swap3A_141], %shift_right_arithmetic3A_138 {strides = array<i32>} : memref<4x128xi32, #tpu.memory_space<vmem>>, vector<16xi32>,
    %add3A_143 = arith.constant 1 : i32
    %add3A_144 = vector.broadcast %add3A_143 : i32 to vector<16xi32>
    %add3A_145 = arith.addi %shift_right_arithmetic3A_138, %add3A_144 : vector<16xi32>
    %min3A_146 = arith.constant 937499 : i32
    %min3A_147 = vector.broadcast %min3A_146 : i32 to vector<16xi32>
    %min3A_148 = arith.minsi %add3A_145, %min3A_147 : vector<16xi32>
    %swap3A_149 = arith.constant 0 : i32
    %swap3A_150 = arith.index_cast %swap3A_149 : i32 to index
    %swap3A_151 = arith.constant 48 : index
    %swap3A_152 = tpu.vector_load %arg10[%swap3A_150, %swap3A_151] {strides = array<i32>} : memref<4x128xi32, #tpu.memory_space<vmem>>, vector<16xi32>,
    tpu.vector_store %arg10[%swap3A_150, %swap3A_151], %min3A_148 {strides = array<i32>} : memref<4x128xi32, #tpu.memory_space<vmem>>, vector<16xi32>,
    %get3A_153 = arith.constant 48 : index
    %get3A_154 = tpu.vector_load %arg8[%get3A_153] {strides = array<i32>} : memref<512xi32, #tpu.memory_space<vmem>>, vector<16xi32>,
    %mul3A_155 = arith.constant 30 : i32
    %mul3A_156 = vector.broadcast %mul3A_155 : i32 to vector<16xi32>
    %mul3A_157 = arith.muli %get3A_154, %mul3A_156 : vector<16xi32>
    %shift_right_arithmetic3A_158 = arith.constant 5 : i32
    %shift_right_arithmetic3A_159 = vector.broadcast %shift_right_arithmetic3A_158 : i32 to vector<16xi32>
    %shift_right_arithmetic3A_160 = arith.shrsi %mul3A_157, %shift_right_arithmetic3A_159 : vector<16xi32>
    %swap3A_161 = arith.constant 0 : i32
    %swap3A_162 = arith.index_cast %swap3A_161 : i32 to index
    %swap3A_163 = arith.constant 48 : index
    %swap3A_164 = tpu.vector_load %arg11[%swap3A_162, %swap3A_163] {strides = array<i32>} : memref<4x128xi32, #tpu.memory_space<vmem>>, vector<16xi32>,
    tpu.vector_store %arg11[%swap3A_162, %swap3A_163], %shift_right_arithmetic3A_160 {strides = array<i32>} : memref<4x128xi32, #tpu.memory_space<vmem>>, vector<16xi32>,
    %add3A_165 = arith.constant 1 : i32
    %add3A_166 = vector.broadcast %add3A_165 : i32 to vector<16xi32>
    %add3A_167 = arith.addi %shift_right_arithmetic3A_160, %add3A_166 : vector<16xi32>
    %min3A_168 = arith.constant 937499 : i32
    %min3A_169 = vector.broadcast %min3A_168 : i32 to vector<16xi32>
    %min3A_170 = arith.minsi %add3A_167, %min3A_169 : vector<16xi32>
    %swap3A_171 = arith.constant 0 : i32
    %swap3A_172 = arith.index_cast %swap3A_171 : i32 to index
    %swap3A_173 = arith.constant 48 : index
    %swap3A_174 = tpu.vector_load %arg12[%swap3A_172, %swap3A_173] {strides = array<i32>} : memref<4x128xi32, #tpu.memory_space<vmem>>, vector<16xi32>,
    tpu.vector_store %arg12[%swap3A_172, %swap3A_173], %min3A_170 {strides = array<i32>} : memref<4x128xi32, #tpu.memory_space<vmem>>, vector<16xi32>,
    %get3A_175 = arith.constant 64 : index
    %get3A_176 = tpu.vector_load %arg7[%get3A_175] {strides = array<i32>} : memref<512xi32, #tpu.memory_space<vmem>>, vector<16xi32>,
    %mul3A_177 = arith.constant 30 : i32
    %mul3A_178 = vector.broadcast %mul3A_177 : i32 to vector<16xi32>
    %mul3A_179 = arith.muli %get3A_176, %mul3A_178 : vector<16xi32>
    %shift_right_arithmetic3A_180 = arith.constant 5 : i32
    %shift_right_arithmetic3A_181 = vector.broadcast %shift_right_arithmetic3A_180 : i32 to vector<16xi32>
    %shift_right_arithmetic3A_182 = arith.shrsi %mul3A_179, %shift_right_arithmetic3A_181 : vector<16xi32>
    %swap3A_183 = arith.constant 0 : i32
    %swap3A_184 = arith.index_cast %swap3A_183 : i32 to index
    %swap3A_185 = arith.constant 64 : index
    %swap3A_186 = tpu.vector_load %arg9[%swap3A_184, %swap3A_185] {strides = array<i32>} : memref<4x128xi32, #tpu.memory_space<vmem>>, vector<16xi32>,
    tpu.vector_store %arg9[%swap3A_184, %swap3A_185], %shift_right_arithmetic3A_182 {strides = array<i32>} : memref<4x128xi32, #tpu.memory_space<vmem>>, vector<16xi32>,
    %add3A_187 = arith.constant 1 : i32
    %add3A_188 = vector.broadcast %add3A_187 : i32 to vector<16xi32>
    %add3A_189 = arith.addi %shift_right_arithmetic3A_182, %add3A_188 : vector<16xi32>
    %min3A_190 = arith.constant 937499 : i32
    %min3A_191 = vector.broadcast %min3A_190 : i32 to vector<16xi32>
    %min3A_192 = arith.minsi %add3A_189, %min3A_191 : vector<16xi32>
    %swap3A_193 = arith.constant 0 : i32
    %swap3A_194 = arith.index_cast %swap3A_193 : i32 to index
    %swap3A_195 = arith.constant 64 : index
    %swap3A_196 = tpu.vector_load %arg10[%swap3A_194, %swap3A_195] {strides = array<i32>} : memref<4x128xi32, #tpu.memory_space<vmem>>, vector<16xi32>,
    tpu.vector_store %arg10[%swap3A_194, %swap3A_195], %min3A_192 {strides = array<i32>} : memref<4x128xi32, #tpu.memory_space<vmem>>, vector<16xi32>,
    %get3A_197 = arith.constant 64 : index
    %get3A_198 = tpu.vector_load %arg8[%get3A_197] {strides = array<i32>} : memref<512xi32, #tpu.memory_space<vmem>>, vector<16xi32>,
    %mul3A_199 = arith.constant 30 : i32
    %mul3A_200 = vector.broadcast %mul3A_199 : i32 to vector<16xi32>
    %mul3A_201 = arith.muli %get3A_198, %mul3A_200 : vector<16xi32>
    %shift_right_arithmetic3A_202 = arith.constant 5 : i32
    %shift_right_arithmetic3A_203 = vector.broadcast %shift_right_arithmetic3A_202 : i32 to vector<16xi32>
    %shift_right_arithmetic3A_204 = arith.shrsi %mul3A_201, %shift_right_arithmetic3A_203 : vector<16xi32>
    %swap3A_205 = arith.constant 0 : i32
    %swap3A_206 = arith.index_cast %swap3A_205 : i32 to index
    %swap3A_207 = arith.constant 64 : index
    %swap3A_208 = tpu.vector_load %arg11[%swap3A_206, %swap3A_207] {strides = array<i32>} : memref<4x128xi32, #tpu.memory_space<vmem>>, vector<16xi32>,
    tpu.vector_store %arg11[%swap3A_206, %swap3A_207], %shift_right_arithmetic3A_204 {strides = array<i32>} : memref<4x128xi32, #tpu.memory_space<vmem>>, vector<16xi32>,
    %add3A_209 = arith.constant 1 : i32
    %add3A_210 = vector.broadcast %add3A_209 : i32 to vector<16xi32>
    %add3A_211 = arith.addi %shift_right_arithmetic3A_204, %add3A_210 : vector<16xi32>
    %min3A_212 = arith.constant 937499 : i32
    %min3A_213 = vector.broadcast %min3A_212 : i32 to vector<16xi32>
    %min3A_214 = arith.minsi %add3A_211, %min3A_213 : vector<16xi32>
    %swap3A_215 = arith.constant 0 : i32
    %swap3A_216 = arith.index_cast %swap3A_215 : i32 to index
    %swap3A_217 = arith.constant 64 : index
    %swap3A_218 = tpu.vector_load %arg12[%swap3A_216, %swap3A_217] {strides = array<i32>} : memref<4x128xi32, #tpu.memory_space<vmem>>, vector<16xi32>,
    tpu.vector_store %arg12[%swap3A_216, %swap3A_217], %min3A_214 {strides = array<i32>} : memref<4x128xi32, #tpu.memory_space<vmem>>, vector<16xi32>,
    %get3A_219 = arith.constant 80 : index
    %get3A_220 = tpu.vector_load %arg7[%get3A_219] {strides = array<i32>} : memref<512xi32, #tpu.memory_space<vmem>>, vector<16xi32>,
    %mul3A_221 = arith.constant 30 : i32
    %mul3A_222 = vector.broadcast %mul3A_221 : i32 to vector<16xi32>
    %mul3A_223 = arith.muli %get3A_220, %mul3A_222 : vector<16xi32>
    %shift_right_arithmetic3A_224 = arith.constant 5 : i32
    %shift_right_arithmetic3A_225 = vector.broadcast %shift_right_arithmetic3A_224 : i32 to vector<16xi32>
    %shift_right_arithmetic3A_226 = arith.shrsi %mul3A_223, %shift_right_arithmetic3A_225 : vector<16xi32>
    %swap3A_227 = arith.constant 0 : i32
    %swap3A_228 = arith.index_cast %swap3A_227 : i32 to index
    %swap3A_229 = arith.constant 80 : index
    %swap3A_230 = tpu.vector_load %arg9[%swap3A_228, %swap3A_229] {strides = array<i32>} : memref<4x128xi32, #tpu.memory_space<vmem>>, vector<16xi32>,
    tpu.vector_store %arg9[%swap3A_228, %swap3A_229], %shift_right_arithmetic3A_226 {strides = array<i32>} : memref<4x128xi32, #tpu.memory_space<vmem>>, vector<16xi32>,
    %add3A_231 = arith.constant 1 : i32
    %add3A_232 = vector.broadcast %add3A_231 : i32 to vector<16xi32>
    %add3A_233 = arith.addi %shift_right_arithmetic3A_226, %add3A_232 : vector<16xi32>
    %min3A_234 = arith.constant 937499 : i32
    %min3A_235 = vector.broadcast %min3A_234 : i32 to vector<16xi32>
    %min3A_236 = arith.minsi %add3A_233, %min3A_235 : vector<16xi32>
    %swap3A_237 = arith.constant 0 : i32
    %swap3A_238 = arith.index_cast %swap3A_237 : i32 to index
    %swap3A_239 = arith.constant 80 : index
    %swap3A_240 = tpu.vector_load %arg10[%swap3A_238, %swap3A_239] {strides = array<i32>} : memref<4x128xi32, #tpu.memory_space<vmem>>, vector<16xi32>,
    tpu.vector_store %arg10[%swap3A_238, %swap3A_239], %min3A_236 {strides = array<i32>} : memref<4x128xi32, #tpu.memory_space<vmem>>, vector<16xi32>,
    %get3A_241 = arith.constant 80 : index
    %get3A_242 = tpu.vector_load %arg8[%get3A_241] {strides = array<i32>} : memref<512xi32, #tpu.memory_space<vmem>>, vector<16xi32>,
    %mul3A_243 = arith.constant 30 : i32
    %mul3A_244 = vector.broadcast %mul3A_243 : i32 to vector<16xi32>
    %mul3A_245 = arith.muli %get3A_242, %mul3A_244 : vector<16xi32>
    %shift_right_arithmetic3A_246 = arith.constant 5 : i32
    %shift_right_arithmetic3A_247 = vector.broadcast %shift_right_arithmetic3A_246 : i32 to vector<16xi32>
    %shift_right_arithmetic3A_248 = arith.shrsi %mul3A_245, %shift_right_arithmetic3A_247 : vector<16xi32>
    %swap3A_249 = arith.constant 0 : i32
    %swap3A_250 = arith.index_cast %swap3A_249 : i32 to index
    %swap3A_251 = arith.constant 80 : index
    %swap3A_252 = tpu.vector_load %arg11[%swap3A_250, %swap3A_251] {strides = array<i32>} : memref<4x128xi32, #tpu.memory_space<vmem>>, vector<16xi32>,
    tpu.vector_store %arg11[%swap3A_250, %swap3A_251], %shift_right_arithmetic3A_248 {strides = array<i32>} : memref<4x128xi32, #tpu.memory_space<vmem>>, vector<16xi32>,
    %add3A_253 = arith.constant 1 : i32
    %add3A_254 = vector.broadcast %add3A_253 : i32 to vector<16xi32>
    %add3A_255 = arith.addi %shift_right_arithmetic3A_248, %add3A_254 : vector<16xi32>
    %min3A_256 = arith.constant 937499 : i32
    %min3A_257 = vector.broadcast %min3A_256 : i32 to vector<16xi32>
    %min3A_258 = arith.minsi %add3A_255, %min3A_257 : vector<16xi32>
    %swap3A_259 = arith.constant 0 : i32
    %swap3A_260 = arith.index_cast %swap3A_259 : i32 to index
    %swap3A_261 = arith.constant 80 : index
    %swap3A_262 = tpu.vector_load %arg12[%swap3A_260, %swap3A_261] {strides = array<i32>} : memref<4x128xi32, #tpu.memory_space<vmem>>, vector<16xi32>,
    tpu.vector_store %arg12[%swap3A_260, %swap3A_261], %min3A_258 {strides = array<i32>} : memref<4x128xi32, #tpu.memory_space<vmem>>, vector<16xi32>,
    %get3A_263 = arith.constant 96 : index
    %get3A_264 = tpu.vector_load %arg7[%get3A_263] {strides = array<i32>} : memref<512xi32, #tpu.memory_space<vmem>>, vector<16xi32>,
    %mul3A_265 = arith.constant 30 : i32
    %mul3A_266 = vector.broadcast %mul3A_265 : i32 to vector<16xi32>
    %mul3A_267 = arith.muli %get3A_264, %mul3A_266 : vector<16xi32>
    %shift_right_arithmetic3A_268 = arith.constant 5 : i32
    %shift_right_arithmetic3A_269 = vector.broadcast %shift_right_arithmetic3A_268 : i32 to vector<16xi32>
    %shift_right_arithmetic3A_270 = arith.shrsi %mul3A_267, %shift_right_arithmetic3A_269 : vector<16xi32>
    %swap3A_271 = arith.constant 0 : i32
    %swap3A_272 = arith.index_cast %swap3A_271 : i32 to index
    %swap3A_273 = arith.constant 96 : index
    %swap3A_274 = tpu.vector_load %arg9[%swap3A_272, %swap3A_273] {strides = array<i32>} : memref<4x128xi32, #tpu.memory_space<vmem>>, vector<16xi32>,
    tpu.vector_store %arg9[%swap3A_272, %swap3A_273], %shift_right_arithmetic3A_270 {strides = array<i32>} : memref<4x128xi32, #tpu.memory_space<vmem>>, vector<16xi32>,
    %add3A_275 = arith.constant 1 : i32
    %add3A_276 = vector.broadcast %add3A_275 : i32 to vector<16xi32>
    %add3A_277 = arith.addi %shift_right_arithmetic3A_270, %add3A_276 : vector<16xi32>
    %min3A_278 = arith.constant 937499 : i32
    %min3A_279 = vector.broadcast %min3A_278 : i32 to vector<16xi32>
    %min3A_280 = arith.minsi %add3A_277, %min3A_279 : vector<16xi32>
    %swap3A_281 = arith.constant 0 : i32
    %swap3A_282 = arith.index_cast %swap3A_281 : i32 to index
    %swap3A_283 = arith.constant 96 : index
    %swap3A_284 = tpu.vector_load %arg10[%swap3A_282, %swap3A_283] {strides = array<i32>} : memref<4x128xi32, #tpu.memory_space<vmem>>, vector<16xi32>,
    tpu.vector_store %arg10[%swap3A_282, %swap3A_283], %min3A_280 {strides = array<i32>} : memref<4x128xi32, #tpu.memory_space<vmem>>, vector<16xi32>,
    %get3A_285 = arith.constant 96 : index
    %get3A_286 = tpu.vector_load %arg8[%get3A_285] {strides = array<i32>} : memref<512xi32, #tpu.memory_space<vmem>>, vector<16xi32>,
    %mul3A_287 = arith.constant 30 : i32
    %mul3A_288 = vector.broadcast %mul3A_287 : i32 to vector<16xi32>
    %mul3A_289 = arith.muli %get3A_286, %mul3A_288 : vector<16xi32>
    %shift_right_arithmetic3A_290 = arith.constant 5 : i32
    %shift_right_arithmetic3A_291 = vector.broadcast %shift_right_arithmetic3A_290 : i32 to vector<16xi32>
    %shift_right_arithmetic3A_292 = arith.shrsi %mul3A_289, %shift_right_arithmetic3A_291 : vector<16xi32>
    %swap3A_293 = arith.constant 0 : i32
    %swap3A_294 = arith.index_cast %swap3A_293 : i32 to index
    %swap3A_295 = arith.constant 96 : index
    %swap3A_296 = tpu.vector_load %arg11[%swap3A_294, %swap3A_295] {strides = array<i32>} : memref<4x128xi32, #tpu.memory_space<vmem>>, vector<16xi32>,
    tpu.vector_store %arg11[%swap3A_294, %swap3A_295], %shift_right_arithmetic3A_292 {strides = array<i32>} : memref<4x128xi32, #tpu.memory_space<vmem>>, vector<16xi32>,
    %add3A_297 = arith.constant 1 : i32
    %add3A_298 = vector.broadcast %add3A_297 : i32 to vector<16xi32>
    %add3A_299 = arith.addi %shift_right_arithmetic3A_292, %add3A_298 : vector<16xi32>
    %min3A_300 = arith.constant 937499 : i32
    %min3A_301 = vector.broadcast %min3A_300 : i32 to vector<16xi32>
    %min3A_302 = arith.minsi %add3A_299, %min3A_301 : vector<16xi32>
    %swap3A_303 = arith.constant 0 : i32
    %swap3A_304 = arith.index_cast %swap3A_303 : i32 to index
    %swap3A_305 = arith.constant 96 : index
    %swap3A_306 = tpu.vector_load %arg12[%swap3A_304, %swap3A_305] {strides = array<i32>} : memref<4x128xi32, #tpu.memory_space<vmem>>, vector<16xi32>,
    tpu.vector_store %arg12[%swap3A_304, %swap3A_305], %min3A_302 {strides = array<i32>} : memref<4x128xi32, #tpu.memory_space<vmem>>, vector<16xi32>,
    %get3A_307 = arith.constant 112 : index
    %get3A_308 = tpu.vector_load %arg7[%get3A_307] {strides = array<i32>} : memref<512xi32, #tpu.memory_space<vmem>>, vector<16xi32>,
    %mul3A_309 = arith.constant 30 : i32
    %mul3A_310 = vector.broadcast %mul3A_309 : i32 to vector<16xi32>
    %mul3A_311 = arith.muli %get3A_308, %mul3A_310 : vector<16xi32>
    %shift_right_arithmetic3A_312 = arith.constant 5 : i32
    %shift_right_arithmetic3A_313 = vector.broadcast %shift_right_arithmetic3A_312 : i32 to vector<16xi32>
    %shift_right_arithmetic3A_314 = arith.shrsi %mul3A_311, %shift_right_arithmetic3A_313 : vector<16xi32>
    %swap3A_315 = arith.constant 0 : i32
    %swap3A_316 = arith.index_cast %swap3A_315 : i32 to index
    %swap3A_317 = arith.constant 112 : index
    %swap3A_318 = tpu.vector_load %arg9[%swap3A_316, %swap3A_317] {strides = array<i32>} : memref<4x128xi32, #tpu.memory_space<vmem>>, vector<16xi32>,
    tpu.vector_store %arg9[%swap3A_316, %swap3A_317], %shift_right_arithmetic3A_314 {strides = array<i32>} : memref<4x128xi32, #tpu.memory_space<vmem>>, vector<16xi32>,
    %add3A_319 = arith.constant 1 : i32
    %add3A_320 = vector.broadcast %add3A_319 : i32 to vector<16xi32>
    %add3A_321 = arith.addi %shift_right_arithmetic3A_314, %add3A_320 : vector<16xi32>
    %min3A_322 = arith.constant 937499 : i32
    %min3A_323 = vector.broadcast %min3A_322 : i32 to vector<16xi32>
    %min3A_324 = arith.minsi %add3A_321, %min3A_323 : vector<16xi32>
    %swap3A_325 = arith.constant 0 : i32
    %swap3A_326 = arith.index_cast %swap3A_325 : i32 to index
    %swap3A_327 = arith.constant 112 : index
    %swap3A_328 = tpu.vector_load %arg10[%swap3A_326, %swap3A_327] {strides = array<i32>} : memref<4x128xi32, #tpu.memory_space<vmem>>, vector<16xi32>,
    tpu.vector_store %arg10[%swap3A_326, %swap3A_327], %min3A_324 {strides = array<i32>} : memref<4x128xi32, #tpu.memory_space<vmem>>, vector<16xi32>,
    %get3A_329 = arith.constant 112 : index
    %get3A_330 = tpu.vector_load %arg8[%get3A_329] {strides = array<i32>} : memref<512xi32, #tpu.memory_space<vmem>>, vector<16xi32>,
    %mul3A_331 = arith.constant 30 : i32
    %mul3A_332 = vector.broadcast %mul3A_331 : i32 to vector<16xi32>
    %mul3A_333 = arith.muli %get3A_330, %mul3A_332 : vector<16xi32>
    %shift_right_arithmetic3A_334 = arith.constant 5 : i32
    %shift_right_arithmetic3A_335 = vector.broadcast %shift_right_arithmetic3A_334 : i32 to vector<16xi32>
    %shift_right_arithmetic3A_336 = arith.shrsi %mul3A_333, %shift_right_arithmetic3A_335 : vector<16xi32>
    %swap3A_337 = arith.constant 0 : i32
    %swap3A_338 = arith.index_cast %swap3A_337 : i32 to index
    %swap3A_339 = arith.constant 112 : index
    %swap3A_340 = tpu.vector_load %arg11[%swap3A_338, %swap3A_339] {strides = array<i32>} : memref<4x128xi32, #tpu.memory_space<vmem>>, vector<16xi32>,
    tpu.vector_store %arg11[%swap3A_338, %swap3A_339], %shift_right_arithmetic3A_336 {strides = array<i32>} : memref<4x128xi32, #tpu.memory_space<vmem>>, vector<16xi32>,
    %add3A_341 = arith.constant 1 : i32
    %add3A_342 = vector.broadcast %add3A_341 : i32 to vector<16xi32>
    %add3A_343 = arith.addi %shift_right_arithmetic3A_336, %add3A_342 : vector<16xi32>
    %min3A_344 = arith.constant 937499 : i32
    %min3A_345 = vector.broadcast %min3A_344 : i32 to vector<16xi32>
    %min3A_346 = arith.minsi %add3A_343, %min3A_345 : vector<16xi32>
    %swap3A_347 = arith.constant 0 : i32
    %swap3A_348 = arith.index_cast %swap3A_347 : i32 to index
    %swap3A_349 = arith.constant 112 : index
    %swap3A_350 = tpu.vector_load %arg12[%swap3A_348, %swap3A_349] {strides = array<i32>} : memref<4x128xi32, #tpu.memory_space<vmem>>, vector<16xi32>,
    tpu.vector_store %arg12[%swap3A_348, %swap3A_349], %min3A_346 {strides = array<i32>} : memref<4x128xi32, #tpu.memory_space<vmem>>, vector<16xi32>,
    %get3A_351 = arith.constant 128 : index
    %get3A_352 = tpu.vector_load %arg7[%get3A_351] {strides = array<i32>} : memref<512xi32, #tpu.memory_space<vmem>>, vector<16xi32>,
    %mul3A_353 = arith.constant 30 : i32
    %mul3A_354 = vector.broadcast %mul3A_353 : i32 to vector<16xi32>
    %mul3A_355 = arith.muli %get3A_352, %mul3A_354 : vector<16xi32>
    %shift_right_arithmetic3A_356 = arith.constant 5 : i32
    %shift_right_arithmetic3A_357 = vector.broadcast %shift_right_arithmetic3A_356 : i32 to vector<16xi32>
    %shift_right_arithmetic3A_358 = arith.shrsi %mul3A_355, %shift_right_arithmetic3A_357 : vector<16xi32>
    %swap3A_359 = arith.constant 1 : i32
    %swap3A_360 = arith.index_cast %swap3A_359 : i32 to index
    %swap3A_361 = arith.constant 0 : index
    %swap3A_362 = tpu.vector_load %arg9[%swap3A_360, %swap3A_361] {strides = array<i32>} : memref<4x128xi32, #tpu.memory_space<vmem>>, vector<16xi32>,
    tpu.vector_store %arg9[%swap3A_360, %swap3A_361], %shift_right_arithmetic3A_358 {strides = array<i32>} : memref<4x128xi32, #tpu.memory_space<vmem>>, vector<16xi32>,
    %add3A_363 = arith.constant 1 : i32
    %add3A_364 = vector.broadcast %add3A_363 : i32 to vector<16xi32>
    %add3A_365 = arith.addi %shift_right_arithmetic3A_358, %add3A_364 : vector<16xi32>
    %min3A_366 = arith.constant 937499 : i32
    %min3A_367 = vector.broadcast %min3A_366 : i32 to vector<16xi32>
    %min3A_368 = arith.minsi %add3A_365, %min3A_367 : vector<16xi32>
    %swap3A_369 = arith.constant 1 : i32
    %swap3A_370 = arith.index_cast %swap3A_369 : i32 to index
    %swap3A_371 = arith.constant 0 : index
    %swap3A_372 = tpu.vector_load %arg10[%swap3A_370, %swap3A_371] {strides = array<i32>} : memref<4x128xi32, #tpu.memory_space<vmem>>, vector<16xi32>,
    tpu.vector_store %arg10[%swap3A_370, %swap3A_371], %min3A_368 {strides = array<i32>} : memref<4x128xi32, #tpu.memory_space<vmem>>, vector<16xi32>,
    %get3A_373 = arith.constant 128 : index
    %get3A_374 = tpu.vector_load %arg8[%get3A_373] {strides = array<i32>} : memref<512xi32, #tpu.memory_space<vmem>>, vector<16xi32>,
    %mul3A_375 = arith.constant 30 : i32
    %mul3A_376 = vector.broadcast %mul3A_375 : i32 to vector<16xi32>
    %mul3A_377 = arith.muli %get3A_374, %mul3A_376 : vector<16xi32>
    %shift_right_arithmetic3A_378 = arith.constant 5 : i32
    %shift_right_arithmetic3A_379 = vector.broadcast %shift_right_arithmetic3A_378 : i32 to vector<16xi32>
    %shift_right_arithmetic3A_380 = arith.shrsi %mul3A_377, %shift_right_arithmetic3A_379 : vector<16xi32>
    %swap3A_381 = arith.constant 1 : i32
    %swap3A_382 = arith.index_cast %swap3A_381 : i32 to index
    %swap3A_383 = arith.constant 0 : index
    %swap3A_384 = tpu.vector_load %arg11[%swap3A_382, %swap3A_383] {strides = array<i32>} : memref<4x128xi32, #tpu.memory_space<vmem>>, vector<16xi32>,
    tpu.vector_store %arg11[%swap3A_382, %swap3A_383], %shift_right_arithmetic3A_380 {strides = array<i32>} : memref<4x128xi32, #tpu.memory_space<vmem>>, vector<16xi32>,
    %add3A_385 = arith.constant 1 : i32
    %add3A_386 = vector.broadcast %add3A_385 : i32 to vector<16xi32>
    %add3A_387 = arith.addi %shift_right_arithmetic3A_380, %add3A_386 : vector<16xi32>
    %min3A_388 = arith.constant 937499 : i32
    %min3A_389 = vector.broadcast %min3A_388 : i32 to vector<16xi32>
    %min3A_390 = arith.minsi %add3A_387, %min3A_389 : vector<16xi32>
    %swap3A_391 = arith.constant 1 : i32
    %swap3A_392 = arith.index_cast %swap3A_391 : i32 to index
    %swap3A_393 = arith.constant 0 : index
    %swap3A_394 = tpu.vector_load %arg12[%swap3A_392, %swap3A_393] {strides = array<i32>} : memref<4x128xi32, #tpu.memory_space<vmem>>, vector<16xi32>,
    tpu.vector_store %arg12[%swap3A_392, %swap3A_393], %min3A_390 {strides = array<i32>} : memref<4x128xi32, #tpu.memory_space<vmem>>, vector<16xi32>,
    %get3A_395 = arith.constant 144 : index
    %get3A_396 = tpu.vector_load %arg7[%get3A_395] {strides = array<i32>} : memref<512xi32, #tpu.memory_space<vmem>>, vector<16xi32>,
    %mul3A_397 = arith.constant 30 : i32
    %mul3A_398 = vector.broadcast %mul3A_397 : i32 to vector<16xi32>
    %mul3A_399 = arith.muli %get3A_396, %mul3A_398 : vector<16xi32>
    %shift_right_arithmetic3A_400 = arith.constant 5 : i32
    %shift_right_arithmetic3A_401 = vector.broadcast %shift_right_arithmetic3A_400 : i32 to vector<16xi32>
    %shift_right_arithmetic3A_402 = arith.shrsi %mul3A_399, %shift_right_arithmetic3A_401 : vector<16xi32>
    %swap3A_403 = arith.constant 1 : i32
    %swap3A_404 = arith.index_cast %swap3A_403 : i32 to index
    %swap3A_405 = arith.constant 16 : index
    %swap3A_406 = tpu.vector_load %arg9[%swap3A_404, %swap3A_405] {strides = array<i32>} : memref<4x128xi32, #tpu.memory_space<vmem>>, vector<16xi32>,
    tpu.vector_store %arg9[%swap3A_404, %swap3A_405], %shift_right_arithmetic3A_402 {strides = array<i32>} : memref<4x128xi32, #tpu.memory_space<vmem>>, vector<16xi32>,
    %add3A_407 = arith.constant 1 : i32
    %add3A_408 = vector.broadcast %add3A_407 : i32 to vector<16xi32>
    %add3A_409 = arith.addi %shift_right_arithmetic3A_402, %add3A_408 : vector<16xi32>
    %min3A_410 = arith.constant 937499 : i32
    %min3A_411 = vector.broadcast %min3A_410 : i32 to vector<16xi32>
    %min3A_412 = arith.minsi %add3A_409, %min3A_411 : vector<16xi32>
    %swap3A_413 = arith.constant 1 : i32
    %swap3A_414 = arith.index_cast %swap3A_413 : i32 to index
    %swap3A_415 = arith.constant 16 : index
    %swap3A_416 = tpu.vector_load %arg10[%swap3A_414, %swap3A_415] {strides = array<i32>} : memref<4x128xi32, #tpu.memory_space<vmem>>, vector<16xi32>,
    tpu.vector_store %arg10[%swap3A_414, %swap3A_415], %min3A_412 {strides = array<i32>} : memref<4x128xi32, #tpu.memory_space<vmem>>, vector<16xi32>,
    %get3A_417 = arith.constant 144 : index
    %get3A_418 = tpu.vector_load %arg8[%get3A_417] {strides = array<i32>} : memref<512xi32, #tpu.memory_space<vmem>>, vector<16xi32>,
    %mul3A_419 = arith.constant 30 : i32
    %mul3A_420 = vector.broadcast %mul3A_419 : i32 to vector<16xi32>
    %mul3A_421 = arith.muli %get3A_418, %mul3A_420 : vector<16xi32>
    %shift_right_arithmetic3A_422 = arith.constant 5 : i32
    %shift_right_arithmetic3A_423 = vector.broadcast %shift_right_arithmetic3A_422 : i32 to vector<16xi32>
    %shift_right_arithmetic3A_424 = arith.shrsi %mul3A_421, %shift_right_arithmetic3A_423 : vector<16xi32>
    %swap3A_425 = arith.constant 1 : i32
    %swap3A_426 = arith.index_cast %swap3A_425 : i32 to index
    %swap3A_427 = arith.constant 16 : index
    %swap3A_428 = tpu.vector_load %arg11[%swap3A_426, %swap3A_427] {strides = array<i32>} : memref<4x128xi32, #tpu.memory_space<vmem>>, vector<16xi32>,
    tpu.vector_store %arg11[%swap3A_426, %swap3A_427], %shift_right_arithmetic3A_424 {strides = array<i32>} : memref<4x128xi32, #tpu.memory_space<vmem>>, vector<16xi32>,
    %add3A_429 = arith.constant 1 : i32
    %add3A_430 = vector.broadcast %add3A_429 : i32 to vector<16xi32>
    %add3A_431 = arith.addi %shift_right_arithmetic3A_424, %add3A_430 : vector<16xi32>
    %min3A_432 = arith.constant 937499 : i32
    %min3A_433 = vector.broadcast %min3A_432 : i32 to vector<16xi32>
    %min3A_434 = arith.minsi %add3A_431, %min3A_433 : vector<16xi32>
    %swap3A_435 = arith.constant 1 : i32
    %swap3A_436 = arith.index_cast %swap3A_435 : i32 to index
    %swap3A_437 = arith.constant 16 : index
    %swap3A_438 = tpu.vector_load %arg12[%swap3A_436, %swap3A_437] {strides = array<i32>} : memref<4x128xi32, #tpu.memory_space<vmem>>, vector<16xi32>,
    tpu.vector_store %arg12[%swap3A_436, %swap3A_437], %min3A_434 {strides = array<i32>} : memref<4x128xi32, #tpu.memory_space<vmem>>, vector<16xi32>,
    %get3A_439 = arith.constant 160 : index
    %get3A_440 = tpu.vector_load %arg7[%get3A_439] {strides = array<i32>} : memref<512xi32, #tpu.memory_space<vmem>>, vector<16xi32>,
    %mul3A_441 = arith.constant 30 : i32
    %mul3A_442 = vector.broadcast %mul3A_441 : i32 to vector<16xi32>
    %mul3A_443 = arith.muli %get3A_440, %mul3A_442 : vector<16xi32>
    %shift_right_arithmetic3A_444 = arith.constant 5 : i32
    %shift_right_arithmetic3A_445 = vector.broadcast %shift_right_arithmetic3A_444 : i32 to vector<16xi32>
    %shift_right_arithmetic3A_446 = arith.shrsi %mul3A_443, %shift_right_arithmetic3A_445 : vector<16xi32>
    %swap3A_447 = arith.constant 1 : i32
    %swap3A_448 = arith.index_cast %swap3A_447 : i32 to index
    %swap3A_449 = arith.constant 32 : index
    %swap3A_450 = tpu.vector_load %arg9[%swap3A_448, %swap3A_449] {strides = array<i32>} : memref<4x128xi32, #tpu.memory_space<vmem>>, vector<16xi32>,
    tpu.vector_store %arg9[%swap3A_448, %swap3A_449], %shift_right_arithmetic3A_446 {strides = array<i32>} : memref<4x128xi32, #tpu.memory_space<vmem>>, vector<16xi32>,
    %add3A_451 = arith.constant 1 : i32
    %add3A_452 = vector.broadcast %add3A_451 : i32 to vector<16xi32>
    %add3A_453 = arith.addi %shift_right_arithmetic3A_446, %add3A_452 : vector<16xi32>
    %min3A_454 = arith.constant 937499 : i32
    %min3A_455 = vector.broadcast %min3A_454 : i32 to vector<16xi32>
    %min3A_456 = arith.minsi %add3A_453, %min3A_455 : vector<16xi32>
    %swap3A_457 = arith.constant 1 : i32
    %swap3A_458 = arith.index_cast %swap3A_457 : i32 to index
    %swap3A_459 = arith.constant 32 : index
    %swap3A_460 = tpu.vector_load %arg10[%swap3A_458, %swap3A_459] {strides = array<i32>} : memref<4x128xi32, #tpu.memory_space<vmem>>, vector<16xi32>,
    tpu.vector_store %arg10[%swap3A_458, %swap3A_459], %min3A_456 {strides = array<i32>} : memref<4x128xi32, #tpu.memory_space<vmem>>, vector<16xi32>,
    %get3A_461 = arith.constant 160 : index
    %get3A_462 = tpu.vector_load %arg8[%get3A_461] {strides = array<i32>} : memref<512xi32, #tpu.memory_space<vmem>>, vector<16xi32>,
    %mul3A_463 = arith.constant 30 : i32
    %mul3A_464 = vector.broadcast %mul3A_463 : i32 to vector<16xi32>
    %mul3A_465 = arith.muli %get3A_462, %mul3A_464 : vector<16xi32>
    %shift_right_arithmetic3A_466 = arith.constant 5 : i32
    %shift_right_arithmetic3A_467 = vector.broadcast %shift_right_arithmetic3A_466 : i32 to vector<16xi32>
    %shift_right_arithmetic3A_468 = arith.shrsi %mul3A_465, %shift_right_arithmetic3A_467 : vector<16xi32>
    %swap3A_469 = arith.constant 1 : i32
    %swap3A_470 = arith.index_cast %swap3A_469 : i32 to index
    %swap3A_471 = arith.constant 32 : index
    %swap3A_472 = tpu.vector_load %arg11[%swap3A_470, %swap3A_471] {strides = array<i32>} : memref<4x128xi32, #tpu.memory_space<vmem>>, vector<16xi32>,
    tpu.vector_store %arg11[%swap3A_470, %swap3A_471], %shift_right_arithmetic3A_468 {strides = array<i32>} : memref<4x128xi32, #tpu.memory_space<vmem>>, vector<16xi32>,
    %add3A_473 = arith.constant 1 : i32
    %add3A_474 = vector.broadcast %add3A_473 : i32 to vector<16xi32>
    %add3A_475 = arith.addi %shift_right_arithmetic3A_468, %add3A_474 : vector<16xi32>
    %min3A_476 = arith.constant 937499 : i32
    %min3A_477 = vector.broadcast %min3A_476 : i32 to vector<16xi32>
    %min3A_478 = arith.minsi %add3A_475, %min3A_477 : vector<16xi32>
    %swap3A_479 = arith.constant 1 : i32
    %swap3A_480 = arith.index_cast %swap3A_479 : i32 to index
    %swap3A_481 = arith.constant 32 : index
    %swap3A_482 = tpu.vector_load %arg12[%swap3A_480, %swap3A_481] {strides = array<i32>} : memref<4x128xi32, #tpu.memory_space<vmem>>, vector<16xi32>,
    tpu.vector_store %arg12[%swap3A_480, %swap3A_481], %min3A_478 {strides = array<i32>} : memref<4x128xi32, #tpu.memory_space<vmem>>, vector<16xi32>,
    %get3A_483 = arith.constant 176 : index
    %get3A_484 = tpu.vector_load %arg7[%get3A_483] {strides = array<i32>} : memref<512xi32, #tpu.memory_space<vmem>>, vector<16xi32>,
    %mul3A_485 = arith.constant 30 : i32
    %mul3A_486 = vector.broadcast %mul3A_485 : i32 to vector<16xi32>
    %mul3A_487 = arith.muli %get3A_484, %mul3A_486 : vector<16xi32>
    %shift_right_arithmetic3A_488 = arith.constant 5 : i32
    %shift_right_arithmetic3A_489 = vector.broadcast %shift_right_arithmetic3A_488 : i32 to vector<16xi32>
    %shift_right_arithmetic3A_490 = arith.shrsi %mul3A_487, %shift_right_arithmetic3A_489 : vector<16xi32>
    %swap3A_491 = arith.constant 1 : i32
    %swap3A_492 = arith.index_cast %swap3A_491 : i32 to index
    %swap3A_493 = arith.constant 48 : index
    %swap3A_494 = tpu.vector_load %arg9[%swap3A_492, %swap3A_493] {strides = array<i32>} : memref<4x128xi32, #tpu.memory_space<vmem>>, vector<16xi32>,
    tpu.vector_store %arg9[%swap3A_492, %swap3A_493], %shift_right_arithmetic3A_490 {strides = array<i32>} : memref<4x128xi32, #tpu.memory_space<vmem>>, vector<16xi32>,
    %add3A_495 = arith.constant 1 : i32
    %add3A_496 = vector.broadcast %add3A_495 : i32 to vector<16xi32>
    %add3A_497 = arith.addi %shift_right_arithmetic3A_490, %add3A_496 : vector<16xi32>
    %min3A_498 = arith.constant 937499 : i32
    %min3A_499 = vector.broadcast %min3A_498 : i32 to vector<16xi32>
    %min3A_500 = arith.minsi %add3A_497, %min3A_499 : vector<16xi32>
    %swap3A_501 = arith.constant 1 : i32
    %swap3A_502 = arith.index_cast %swap3A_501 : i32 to index
    %swap3A_503 = arith.constant 48 : index
    %swap3A_504 = tpu.vector_load %arg10[%swap3A_502, %swap3A_503] {strides = array<i32>} : memref<4x128xi32, #tpu.memory_space<vmem>>, vector<16xi32>,
    tpu.vector_store %arg10[%swap3A_502, %swap3A_503], %min3A_500 {strides = array<i32>} : memref<4x128xi32, #tpu.memory_space<vmem>>, vector<16xi32>,
    %get3A_505 = arith.constant 176 : index
    %get3A_506 = tpu.vector_load %arg8[%get3A_505] {strides = array<i32>} : memref<512xi32, #tpu.memory_space<vmem>>, vector<16xi32>,
    %mul3A_507 = arith.constant 30 : i32
    %mul3A_508 = vector.broadcast %mul3A_507 : i32 to vector<16xi32>
    %mul3A_509 = arith.muli %get3A_506, %mul3A_508 : vector<16xi32>
    %shift_right_arithmetic3A_510 = arith.constant 5 : i32
    %shift_right_arithmetic3A_511 = vector.broadcast %shift_right_arithmetic3A_510 : i32 to vector<16xi32>
    %shift_right_arithmetic3A_512 = arith.shrsi %mul3A_509, %shift_right_arithmetic3A_511 : vector<16xi32>
    %swap3A_513 = arith.constant 1 : i32
    %swap3A_514 = arith.index_cast %swap3A_513 : i32 to index
    %swap3A_515 = arith.constant 48 : index
    %swap3A_516 = tpu.vector_load %arg11[%swap3A_514, %swap3A_515] {strides = array<i32>} : memref<4x128xi32, #tpu.memory_space<vmem>>, vector<16xi32>,
    tpu.vector_store %arg11[%swap3A_514, %swap3A_515], %shift_right_arithmetic3A_512 {strides = array<i32>} : memref<4x128xi32, #tpu.memory_space<vmem>>, vector<16xi32>,
    %add3A_517 = arith.constant 1 : i32
    %add3A_518 = vector.broadcast %add3A_517 : i32 to vector<16xi32>
    %add3A_519 = arith.addi %shift_right_arithmetic3A_512, %add3A_518 : vector<16xi32>
    %min3A_520 = arith.constant 937499 : i32
    %min3A_521 = vector.broadcast %min3A_520 : i32 to vector<16xi32>
    %min3A_522 = arith.minsi %add3A_519, %min3A_521 : vector<16xi32>
    %swap3A_523 = arith.constant 1 : i32
    %swap3A_524 = arith.index_cast %swap3A_523 : i32 to index
    %swap3A_525 = arith.constant 48 : index
    %swap3A_526 = tpu.vector_load %arg12[%swap3A_524, %swap3A_525] {strides = array<i32>} : memref<4x128xi32, #tpu.memory_space<vmem>>, vector<16xi32>,
    tpu.vector_store %arg12[%swap3A_524, %swap3A_525], %min3A_522 {strides = array<i32>} : memref<4x128xi32, #tpu.memory_space<vmem>>, vector<16xi32>,
    %get3A_527 = arith.constant 192 : index
    %get3A_528 = tpu.vector_load %arg7[%get3A_527] {strides = array<i32>} : memref<512xi32, #tpu.memory_space<vmem>>, vector<16xi32>,
    %mul3A_529 = arith.constant 30 : i32
    %mul3A_530 = vector.broadcast %mul3A_529 : i32 to vector<16xi32>
    %mul3A_531 = arith.muli %get3A_528, %mul3A_530 : vector<16xi32>
    %shift_right_arithmetic3A_532 = arith.constant 5 : i32
    %shift_right_arithmetic3A_533 = vector.broadcast %shift_right_arithmetic3A_532 : i32 to vector<16xi32>
    %shift_right_arithmetic3A_534 = arith.shrsi %mul3A_531, %shift_right_arithmetic3A_533 : vector<16xi32>
    %swap3A_535 = arith.constant 1 : i32
    %swap3A_536 = arith.index_cast %swap3A_535 : i32 to index
    %swap3A_537 = arith.constant 64 : index
    %swap3A_538 = tpu.vector_load %arg9[%swap3A_536, %swap3A_537] {strides = array<i32>} : memref<4x128xi32, #tpu.memory_space<vmem>>, vector<16xi32>,
    tpu.vector_store %arg9[%swap3A_536, %swap3A_537], %shift_right_arithmetic3A_534 {strides = array<i32>} : memref<4x128xi32, #tpu.memory_space<vmem>>, vector<16xi32>,
    %add3A_539 = arith.constant 1 : i32
    %add3A_540 = vector.broadcast %add3A_539 : i32 to vector<16xi32>
    %add3A_541 = arith.addi %shift_right_arithmetic3A_534, %add3A_540 : vector<16xi32>
    %min3A_542 = arith.constant 937499 : i32
    %min3A_543 = vector.broadcast %min3A_542 : i32 to vector<16xi32>
    %min3A_544 = arith.minsi %add3A_541, %min3A_543 : vector<16xi32>
    %swap3A_545 = arith.constant 1 : i32
    %swap3A_546 = arith.index_cast %swap3A_545 : i32 to index
    %swap3A_547 = arith.constant 64 : index
    %swap3A_548 = tpu.vector_load %arg10[%swap3A_546, %swap3A_547] {strides = array<i32>} : memref<4x128xi32, #tpu.memory_space<vmem>>, vector<16xi32>,
    tpu.vector_store %arg10[%swap3A_546, %swap3A_547], %min3A_544 {strides = array<i32>} : memref<4x128xi32, #tpu.memory_space<vmem>>, vector<16xi32>,
    %get3A_549 = arith.constant 192 : index
    %get3A_550 = tpu.vector_load %arg8[%get3A_549] {strides = array<i32>} : memref<512xi32, #tpu.memory_space<vmem>>, vector<16xi32>,
    %mul3A_551 = arith.constant 30 : i32
    %mul3A_552 = vector.broadcast %mul3A_551 : i32 to vector<16xi32>
    %mul3A_553 = arith.muli %get3A_550, %mul3A_552 : vector<16xi32>
    %shift_right_arithmetic3A_554 = arith.constant 5 : i32
    %shift_right_arithmetic3A_555 = vector.broadcast %shift_right_arithmetic3A_554 : i32 to vector<16xi32>
    %shift_right_arithmetic3A_556 = arith.shrsi %mul3A_553, %shift_right_arithmetic3A_555 : vector<16xi32>
    %swap3A_557 = arith.constant 1 : i32
    %swap3A_558 = arith.index_cast %swap3A_557 : i32 to index
    %swap3A_559 = arith.constant 64 : index
    %swap3A_560 = tpu.vector_load %arg11[%swap3A_558, %swap3A_559] {strides = array<i32>} : memref<4x128xi32, #tpu.memory_space<vmem>>, vector<16xi32>,
    tpu.vector_store %arg11[%swap3A_558, %swap3A_559], %shift_right_arithmetic3A_556 {strides = array<i32>} : memref<4x128xi32, #tpu.memory_space<vmem>>, vector<16xi32>,
    %add3A_561 = arith.constant 1 : i32
    %add3A_562 = vector.broadcast %add3A_561 : i32 to vector<16xi32>
    %add3A_563 = arith.addi %shift_right_arithmetic3A_556, %add3A_562 : vector<16xi32>
    %min3A_564 = arith.constant 937499 : i32
    %min3A_565 = vector.broadcast %min3A_564 : i32 to vector<16xi32>
    %min3A_566 = arith.minsi %add3A_563, %min3A_565 : vector<16xi32>
    %swap3A_567 = arith.constant 1 : i32
    %swap3A_568 = arith.index_cast %swap3A_567 : i32 to index
    %swap3A_569 = arith.constant 64 : index
    %swap3A_570 = tpu.vector_load %arg12[%swap3A_568, %swap3A_569] {strides = array<i32>} : memref<4x128xi32, #tpu.memory_space<vmem>>, vector<16xi32>,
    tpu.vector_store %arg12[%swap3A_568, %swap3A_569], %min3A_566 {strides = array<i32>} : memref<4x128xi32, #tpu.memory_space<vmem>>, vector<16xi32>,
    %get3A_571 = arith.constant 208 : index
    %get3A_572 = tpu.vector_load %arg7[%get3A_571] {strides = array<i32>} : memref<512xi32, #tpu.memory_space<vmem>>, vector<16xi32>,
    %mul3A_573 = arith.constant 30 : i32
    %mul3A_574 = vector.broadcast %mul3A_573 : i32 to vector<16xi32>
    %mul3A_575 = arith.muli %get3A_572, %mul3A_574 : vector<16xi32>
    %shift_right_arithmetic3A_576 = arith.constant 5 : i32
    %shift_right_arithmetic3A_577 = vector.broadcast %shift_right_arithmetic3A_576 : i32 to vector<16xi32>
    %shift_right_arithmetic3A_578 = arith.shrsi %mul3A_575, %shift_right_arithmetic3A_577 : vector<16xi32>
    %swap3A_579 = arith.constant 1 : i32
    %swap3A_580 = arith.index_cast %swap3A_579 : i32 to index
    %swap3A_581 = arith.constant 80 : index
    %swap3A_582 = tpu.vector_load %arg9[%swap3A_580, %swap3A_581] {strides = array<i32>} : memref<4x128xi32, #tpu.memory_space<vmem>>, vector<16xi32>,
    tpu.vector_store %arg9[%swap3A_580, %swap3A_581], %shift_right_arithmetic3A_578 {strides = array<i32>} : memref<4x128xi32, #tpu.memory_space<vmem>>, vector<16xi32>,
    %add3A_583 = arith.constant 1 : i32
    %add3A_584 = vector.broadcast %add3A_583 : i32 to vector<16xi32>
    %add3A_585 = arith.addi %shift_right_arithmetic3A_578, %add3A_584 : vector<16xi32>
    %min3A_586 = arith.constant 937499 : i32
    %min3A_587 = vector.broadcast %min3A_586 : i32 to vector<16xi32>
    %min3A_588 = arith.minsi %add3A_585, %min3A_587 : vector<16xi32>
    %swap3A_589 = arith.constant 1 : i32
    %swap3A_590 = arith.index_cast %swap3A_589 : i32 to index
    %swap3A_591 = arith.constant 80 : index
    %swap3A_592 = tpu.vector_load %arg10[%swap3A_590, %swap3A_591] {strides = array<i32>} : memref<4x128xi32, #tpu.memory_space<vmem>>, vector<16xi32>,
    tpu.vector_store %arg10[%swap3A_590, %swap3A_591], %min3A_588 {strides = array<i32>} : memref<4x128xi32, #tpu.memory_space<vmem>>, vector<16xi32>,
    %get3A_593 = arith.constant 208 : index
    %get3A_594 = tpu.vector_load %arg8[%get3A_593] {strides = array<i32>} : memref<512xi32, #tpu.memory_space<vmem>>, vector<16xi32>,
    %mul3A_595 = arith.constant 30 : i32
    %mul3A_596 = vector.broadcast %mul3A_595 : i32 to vector<16xi32>
    %mul3A_597 = arith.muli %get3A_594, %mul3A_596 : vector<16xi32>
    %shift_right_arithmetic3A_598 = arith.constant 5 : i32
    %shift_right_arithmetic3A_599 = vector.broadcast %shift_right_arithmetic3A_598 : i32 to vector<16xi32>
    %shift_right_arithmetic3A_600 = arith.shrsi %mul3A_597, %shift_right_arithmetic3A_599 : vector<16xi32>
    %swap3A_601 = arith.constant 1 : i32
    %swap3A_602 = arith.index_cast %swap3A_601 : i32 to index
    %swap3A_603 = arith.constant 80 : index
    %swap3A_604 = tpu.vector_load %arg11[%swap3A_602, %swap3A_603] {strides = array<i32>} : memref<4x128xi32, #tpu.memory_space<vmem>>, vector<16xi32>,
    tpu.vector_store %arg11[%swap3A_602, %swap3A_603], %shift_right_arithmetic3A_600 {strides = array<i32>} : memref<4x128xi32, #tpu.memory_space<vmem>>, vector<16xi32>,
    %add3A_605 = arith.constant 1 : i32
    %add3A_606 = vector.broadcast %add3A_605 : i32 to vector<16xi32>
    %add3A_607 = arith.addi %shift_right_arithmetic3A_600, %add3A_606 : vector<16xi32>
    %min3A_608 = arith.constant 937499 : i32
    %min3A_609 = vector.broadcast %min3A_608 : i32 to vector<16xi32>
    %min3A_610 = arith.minsi %add3A_607, %min3A_609 : vector<16xi32>
    %swap3A_611 = arith.constant 1 : i32
    %swap3A_612 = arith.index_cast %swap3A_611 : i32 to index
    %swap3A_613 = arith.constant 80 : index
    %swap3A_614 = tpu.vector_load %arg12[%swap3A_612, %swap3A_613] {strides = array<i32>} : memref<4x128xi32, #tpu.memory_space<vmem>>, vector<16xi32>,
    tpu.vector_store %arg12[%swap3A_612, %swap3A_613], %min3A_610 {strides = array<i32>} : memref<4x128xi32, #tpu.memory_space<vmem>>, vector<16xi32>,
    %get3A_615 = arith.constant 224 : index
    %get3A_616 = tpu.vector_load %arg7[%get3A_615] {strides = array<i32>} : memref<512xi32, #tpu.memory_space<vmem>>, vector<16xi32>,
    %mul3A_617 = arith.constant 30 : i32
    %mul3A_618 = vector.broadcast %mul3A_617 : i32 to vector<16xi32>
    %mul3A_619 = arith.muli %get3A_616, %mul3A_618 : vector<16xi32>
    %shift_right_arithmetic3A_620 = arith.constant 5 : i32
    %shift_right_arithmetic3A_621 = vector.broadcast %shift_right_arithmetic3A_620 : i32 to vector<16xi32>
    %shift_right_arithmetic3A_622 = arith.shrsi %mul3A_619, %shift_right_arithmetic3A_621 : vector<16xi32>
    %swap3A_623 = arith.constant 1 : i32
    %swap3A_624 = arith.index_cast %swap3A_623 : i32 to index
    %swap3A_625 = arith.constant 96 : index
    %swap3A_626 = tpu.vector_load %arg9[%swap3A_624, %swap3A_625] {strides = array<i32>} : memref<4x128xi32, #tpu.memory_space<vmem>>, vector<16xi32>,
    tpu.vector_store %arg9[%swap3A_624, %swap3A_625], %shift_right_arithmetic3A_622 {strides = array<i32>} : memref<4x128xi32, #tpu.memory_space<vmem>>, vector<16xi32>,
    %add3A_627 = arith.constant 1 : i32
    %add3A_628 = vector.broadcast %add3A_627 : i32 to vector<16xi32>
    %add3A_629 = arith.addi %shift_right_arithmetic3A_622, %add3A_628 : vector<16xi32>
    %min3A_630 = arith.constant 937499 : i32
    %min3A_631 = vector.broadcast %min3A_630 : i32 to vector<16xi32>
    %min3A_632 = arith.minsi %add3A_629, %min3A_631 : vector<16xi32>
    %swap3A_633 = arith.constant 1 : i32
    %swap3A_634 = arith.index_cast %swap3A_633 : i32 to index
    %swap3A_635 = arith.constant 96 : index
    %swap3A_636 = tpu.vector_load %arg10[%swap3A_634, %swap3A_635] {strides = array<i32>} : memref<4x128xi32, #tpu.memory_space<vmem>>, vector<16xi32>,
    tpu.vector_store %arg10[%swap3A_634, %swap3A_635], %min3A_632 {strides = array<i32>} : memref<4x128xi32, #tpu.memory_space<vmem>>, vector<16xi32>,
    %get3A_637 = arith.constant 224 : index
    %get3A_638 = tpu.vector_load %arg8[%get3A_637] {strides = array<i32>} : memref<512xi32, #tpu.memory_space<vmem>>, vector<16xi32>,
    %mul3A_639 = arith.constant 30 : i32
    %mul3A_640 = vector.broadcast %mul3A_639 : i32 to vector<16xi32>
    %mul3A_641 = arith.muli %get3A_638, %mul3A_640 : vector<16xi32>
    %shift_right_arithmetic3A_642 = arith.constant 5 : i32
    %shift_right_arithmetic3A_643 = vector.broadcast %shift_right_arithmetic3A_642 : i32 to vector<16xi32>
    %shift_right_arithmetic3A_644 = arith.shrsi %mul3A_641, %shift_right_arithmetic3A_643 : vector<16xi32>
    %swap3A_645 = arith.constant 1 : i32
    %swap3A_646 = arith.index_cast %swap3A_645 : i32 to index
    %swap3A_647 = arith.constant 96 : index
    %swap3A_648 = tpu.vector_load %arg11[%swap3A_646, %swap3A_647] {strides = array<i32>} : memref<4x128xi32, #tpu.memory_space<vmem>>, vector<16xi32>,
    tpu.vector_store %arg11[%swap3A_646, %swap3A_647], %shift_right_arithmetic3A_644 {strides = array<i32>} : memref<4x128xi32, #tpu.memory_space<vmem>>, vector<16xi32>,
    %add3A_649 = arith.constant 1 : i32
    %add3A_650 = vector.broadcast %add3A_649 : i32 to vector<16xi32>
    %add3A_651 = arith.addi %shift_right_arithmetic3A_644, %add3A_650 : vector<16xi32>
    %min3A_652 = arith.constant 937499 : i32
    %min3A_653 = vector.broadcast %min3A_652 : i32 to vector<16xi32>
    %min3A_654 = arith.minsi %add3A_651, %min3A_653 : vector<16xi32>
    %swap3A_655 = arith.constant 1 : i32
    %swap3A_656 = arith.index_cast %swap3A_655 : i32 to index
    %swap3A_657 = arith.constant 96 : index
    %swap3A_658 = tpu.vector_load %arg12[%swap3A_656, %swap3A_657] {strides = array<i32>} : memref<4x128xi32, #tpu.memory_space<vmem>>, vector<16xi32>,
    tpu.vector_store %arg12[%swap3A_656, %swap3A_657], %min3A_654 {strides = array<i32>} : memref<4x128xi32, #tpu.memory_space<vmem>>, vector<16xi32>,
    %get3A_659 = arith.constant 240 : index
    %get3A_660 = tpu.vector_load %arg7[%get3A_659] {strides = array<i32>} : memref<512xi32, #tpu.memory_space<vmem>>, vector<16xi32>,
    %mul3A_661 = arith.constant 30 : i32
    %mul3A_662 = vector.broadcast %mul3A_661 : i32 to vector<16xi32>
    %mul3A_663 = arith.muli %get3A_660, %mul3A_662 : vector<16xi32>
    %shift_right_arithmetic3A_664 = arith.constant 5 : i32
    %shift_right_arithmetic3A_665 = vector.broadcast %shift_right_arithmetic3A_664 : i32 to vector<16xi32>
    %shift_right_arithmetic3A_666 = arith.shrsi %mul3A_663, %shift_right_arithmetic3A_665 : vector<16xi32>
    %swap3A_667 = arith.constant 1 : i32
    %swap3A_668 = arith.index_cast %swap3A_667 : i32 to index
    %swap3A_669 = arith.constant 112 : index
    %swap3A_670 = tpu.vector_load %arg9[%swap3A_668, %swap3A_669] {strides = array<i32>} : memref<4x128xi32, #tpu.memory_space<vmem>>, vector<16xi32>,
    tpu.vector_store %arg9[%swap3A_668, %swap3A_669], %shift_right_arithmetic3A_666 {strides = array<i32>} : memref<4x128xi32, #tpu.memory_space<vmem>>, vector<16xi32>,
    %add3A_671 = arith.constant 1 : i32
    %add3A_672 = vector.broadcast %add3A_671 : i32 to vector<16xi32>
    %add3A_673 = arith.addi %shift_right_arithmetic3A_666, %add3A_672 : vector<16xi32>
    %min3A_674 = arith.constant 937499 : i32
    %min3A_675 = vector.broadcast %min3A_674 : i32 to vector<16xi32>
    %min3A_676 = arith.minsi %add3A_673, %min3A_675 : vector<16xi32>
    %swap3A_677 = arith.constant 1 : i32
    %swap3A_678 = arith.index_cast %swap3A_677 : i32 to index
    %swap3A_679 = arith.constant 112 : index
    %swap3A_680 = tpu.vector_load %arg10[%swap3A_678, %swap3A_679] {strides = array<i32>} : memref<4x128xi32, #tpu.memory_space<vmem>>, vector<16xi32>,
    tpu.vector_store %arg10[%swap3A_678, %swap3A_679], %min3A_676 {strides = array<i32>} : memref<4x128xi32, #tpu.memory_space<vmem>>, vector<16xi32>,
    %get3A_681 = arith.constant 240 : index
    %get3A_682 = tpu.vector_load %arg8[%get3A_681] {strides = array<i32>} : memref<512xi32, #tpu.memory_space<vmem>>, vector<16xi32>,
    %mul3A_683 = arith.constant 30 : i32
    %mul3A_684 = vector.broadcast %mul3A_683 : i32 to vector<16xi32>
    %mul3A_685 = arith.muli %get3A_682, %mul3A_684 : vector<16xi32>
    %shift_right_arithmetic3A_686 = arith.constant 5 : i32
    %shift_right_arithmetic3A_687 = vector.broadcast %shift_right_arithmetic3A_686 : i32 to vector<16xi32>
    %shift_right_arithmetic3A_688 = arith.shrsi %mul3A_685, %shift_right_arithmetic3A_687 : vector<16xi32>
    %swap3A_689 = arith.constant 1 : i32
    %swap3A_690 = arith.index_cast %swap3A_689 : i32 to index
    %swap3A_691 = arith.constant 112 : index
    %swap3A_692 = tpu.vector_load %arg11[%swap3A_690, %swap3A_691] {strides = array<i32>} : memref<4x128xi32, #tpu.memory_space<vmem>>, vector<16xi32>,
    tpu.vector_store %arg11[%swap3A_690, %swap3A_691], %shift_right_arithmetic3A_688 {strides = array<i32>} : memref<4x128xi32, #tpu.memory_space<vmem>>, vector<16xi32>,
    %add3A_693 = arith.constant 1 : i32
    %add3A_694 = vector.broadcast %add3A_693 : i32 to vector<16xi32>
    %add3A_695 = arith.addi %shift_right_arithmetic3A_688, %add3A_694 : vector<16xi32>
    %min3A_696 = arith.constant 937499 : i32
    %min3A_697 = vector.broadcast %min3A_696 : i32 to vector<16xi32>
    %min3A_698 = arith.minsi %add3A_695, %min3A_697 : vector<16xi32>
    %swap3A_699 = arith.constant 1 : i32
    %swap3A_700 = arith.index_cast %swap3A_699 : i32 to index
    %swap3A_701 = arith.constant 112 : index
    %swap3A_702 = tpu.vector_load %arg12[%swap3A_700, %swap3A_701] {strides = array<i32>} : memref<4x128xi32, #tpu.memory_space<vmem>>, vector<16xi32>,
    tpu.vector_store %arg12[%swap3A_700, %swap3A_701], %min3A_698 {strides = array<i32>} : memref<4x128xi32, #tpu.memory_space<vmem>>, vector<16xi32>,
    %get3A_703 = arith.constant 256 : index
    %get3A_704 = tpu.vector_load %arg7[%get3A_703] {strides = array<i32>} : memref<512xi32, #tpu.memory_space<vmem>>, vector<16xi32>,
    %mul3A_705 = arith.constant 30 : i32
    %mul3A_706 = vector.broadcast %mul3A_705 : i32 to vector<16xi32>
    %mul3A_707 = arith.muli %get3A_704, %mul3A_706 : vector<16xi32>
    %shift_right_arithmetic3A_708 = arith.constant 5 : i32
    %shift_right_arithmetic3A_709 = vector.broadcast %shift_right_arithmetic3A_708 : i32 to vector<16xi32>
    %shift_right_arithmetic3A_710 = arith.shrsi %mul3A_707, %shift_right_arithmetic3A_709 : vector<16xi32>
    %swap3A_711 = arith.constant 2 : i32
    %swap3A_712 = arith.index_cast %swap3A_711 : i32 to index
    %swap3A_713 = arith.constant 0 : index
    %swap3A_714 = tpu.vector_load %arg9[%swap3A_712, %swap3A_713] {strides = array<i32>} : memref<4x128xi32, #tpu.memory_space<vmem>>, vector<16xi32>,
    tpu.vector_store %arg9[%swap3A_712, %swap3A_713], %shift_right_arithmetic3A_710 {strides = array<i32>} : memref<4x128xi32, #tpu.memory_space<vmem>>, vector<16xi32>,
    %add3A_715 = arith.constant 1 : i32
    %add3A_716 = vector.broadcast %add3A_715 : i32 to vector<16xi32>
    %add3A_717 = arith.addi %shift_right_arithmetic3A_710, %add3A_716 : vector<16xi32>
    %min3A_718 = arith.constant 937499 : i32
    %min3A_719 = vector.broadcast %min3A_718 : i32 to vector<16xi32>
    %min3A_720 = arith.minsi %add3A_717, %min3A_719 : vector<16xi32>
    %swap3A_721 = arith.constant 2 : i32
    %swap3A_722 = arith.index_cast %swap3A_721 : i32 to index
    %swap3A_723 = arith.constant 0 : index
    %swap3A_724 = tpu.vector_load %arg10[%swap3A_722, %swap3A_723] {strides = array<i32>} : memref<4x128xi32, #tpu.memory_space<vmem>>, vector<16xi32>,
    tpu.vector_store %arg10[%swap3A_722, %swap3A_723], %min3A_720 {strides = array<i32>} : memref<4x128xi32, #tpu.memory_space<vmem>>, vector<16xi32>,
    %get3A_725 = arith.constant 256 : index
    %get3A_726 = tpu.vector_load %arg8[%get3A_725] {strides = array<i32>} : memref<512xi32, #tpu.memory_space<vmem>>, vector<16xi32>,
    %mul3A_727 = arith.constant 30 : i32
    %mul3A_728 = vector.broadcast %mul3A_727 : i32 to vector<16xi32>
    %mul3A_729 = arith.muli %get3A_726, %mul3A_728 : vector<16xi32>
    %shift_right_arithmetic3A_730 = arith.constant 5 : i32
    %shift_right_arithmetic3A_731 = vector.broadcast %shift_right_arithmetic3A_730 : i32 to vector<16xi32>
    %shift_right_arithmetic3A_732 = arith.shrsi %mul3A_729, %shift_right_arithmetic3A_731 : vector<16xi32>
    %swap3A_733 = arith.constant 2 : i32
    %swap3A_734 = arith.index_cast %swap3A_733 : i32 to index
    %swap3A_735 = arith.constant 0 : index
    %swap3A_736 = tpu.vector_load %arg11[%swap3A_734, %swap3A_735] {strides = array<i32>} : memref<4x128xi32, #tpu.memory_space<vmem>>, vector<16xi32>,
    tpu.vector_store %arg11[%swap3A_734, %swap3A_735], %shift_right_arithmetic3A_732 {strides = array<i32>} : memref<4x128xi32, #tpu.memory_space<vmem>>, vector<16xi32>,
    %add3A_737 = arith.constant 1 : i32
    %add3A_738 = vector.broadcast %add3A_737 : i32 to vector<16xi32>
    %add3A_739 = arith.addi %shift_right_arithmetic3A_732, %add3A_738 : vector<16xi32>
    %min3A_740 = arith.constant 937499 : i32
    %min3A_741 = vector.broadcast %min3A_740 : i32 to vector<16xi32>
    %min3A_742 = arith.minsi %add3A_739, %min3A_741 : vector<16xi32>
    %swap3A_743 = arith.constant 2 : i32
    %swap3A_744 = arith.index_cast %swap3A_743 : i32 to index
    %swap3A_745 = arith.constant 0 : index
    %swap3A_746 = tpu.vector_load %arg12[%swap3A_744, %swap3A_745] {strides = array<i32>} : memref<4x128xi32, #tpu.memory_space<vmem>>, vector<16xi32>,
    tpu.vector_store %arg12[%swap3A_744, %swap3A_745], %min3A_742 {strides = array<i32>} : memref<4x128xi32, #tpu.memory_space<vmem>>, vector<16xi32>,
    %get3A_747 = arith.constant 272 : index
    %get3A_748 = tpu.vector_load %arg7[%get3A_747] {strides = array<i32>} : memref<512xi32, #tpu.memory_space<vmem>>, vector<16xi32>,
    %mul3A_749 = arith.constant 30 : i32
    %mul3A_750 = vector.broadcast %mul3A_749 : i32 to vector<16xi32>
    %mul3A_751 = arith.muli %get3A_748, %mul3A_750 : vector<16xi32>
    %shift_right_arithmetic3A_752 = arith.constant 5 : i32
    %shift_right_arithmetic3A_753 = vector.broadcast %shift_right_arithmetic3A_752 : i32 to vector<16xi32>
    %shift_right_arithmetic3A_754 = arith.shrsi %mul3A_751, %shift_right_arithmetic3A_753 : vector<16xi32>
    %swap3A_755 = arith.constant 2 : i32
    %swap3A_756 = arith.index_cast %swap3A_755 : i32 to index
    %swap3A_757 = arith.constant 16 : index
    %swap3A_758 = tpu.vector_load %arg9[%swap3A_756, %swap3A_757] {strides = array<i32>} : memref<4x128xi32, #tpu.memory_space<vmem>>, vector<16xi32>,
    tpu.vector_store %arg9[%swap3A_756, %swap3A_757], %shift_right_arithmetic3A_754 {strides = array<i32>} : memref<4x128xi32, #tpu.memory_space<vmem>>, vector<16xi32>,
    %add3A_759 = arith.constant 1 : i32
    %add3A_760 = vector.broadcast %add3A_759 : i32 to vector<16xi32>
    %add3A_761 = arith.addi %shift_right_arithmetic3A_754, %add3A_760 : vector<16xi32>
    %min3A_762 = arith.constant 937499 : i32
    %min3A_763 = vector.broadcast %min3A_762 : i32 to vector<16xi32>
    %min3A_764 = arith.minsi %add3A_761, %min3A_763 : vector<16xi32>
    %swap3A_765 = arith.constant 2 : i32
    %swap3A_766 = arith.index_cast %swap3A_765 : i32 to index
    %swap3A_767 = arith.constant 16 : index
    %swap3A_768 = tpu.vector_load %arg10[%swap3A_766, %swap3A_767] {strides = array<i32>} : memref<4x128xi32, #tpu.memory_space<vmem>>, vector<16xi32>,
    tpu.vector_store %arg10[%swap3A_766, %swap3A_767], %min3A_764 {strides = array<i32>} : memref<4x128xi32, #tpu.memory_space<vmem>>, vector<16xi32>,
    %get3A_769 = arith.constant 272 : index
    %get3A_770 = tpu.vector_load %arg8[%get3A_769] {strides = array<i32>} : memref<512xi32, #tpu.memory_space<vmem>>, vector<16xi32>,
    %mul3A_771 = arith.constant 30 : i32
    %mul3A_772 = vector.broadcast %mul3A_771 : i32 to vector<16xi32>
    %mul3A_773 = arith.muli %get3A_770, %mul3A_772 : vector<16xi32>
    %shift_right_arithmetic3A_774 = arith.constant 5 : i32
    %shift_right_arithmetic3A_775 = vector.broadcast %shift_right_arithmetic3A_774 : i32 to vector<16xi32>
    %shift_right_arithmetic3A_776 = arith.shrsi %mul3A_773, %shift_right_arithmetic3A_775 : vector<16xi32>
    %swap3A_777 = arith.constant 2 : i32
    %swap3A_778 = arith.index_cast %swap3A_777 : i32 to index
    %swap3A_779 = arith.constant 16 : index
    %swap3A_780 = tpu.vector_load %arg11[%swap3A_778, %swap3A_779] {strides = array<i32>} : memref<4x128xi32, #tpu.memory_space<vmem>>, vector<16xi32>,
    tpu.vector_store %arg11[%swap3A_778, %swap3A_779], %shift_right_arithmetic3A_776 {strides = array<i32>} : memref<4x128xi32, #tpu.memory_space<vmem>>, vector<16xi32>,
    %add3A_781 = arith.constant 1 : i32
    %add3A_782 = vector.broadcast %add3A_781 : i32 to vector<16xi32>
    %add3A_783 = arith.addi %shift_right_arithmetic3A_776, %add3A_782 : vector<16xi32>
    %min3A_784 = arith.constant 937499 : i32
    %min3A_785 = vector.broadcast %min3A_784 : i32 to vector<16xi32>
    %min3A_786 = arith.minsi %add3A_783, %min3A_785 : vector<16xi32>
    %swap3A_787 = arith.constant 2 : i32
    %swap3A_788 = arith.index_cast %swap3A_787 : i32 to index
    %swap3A_789 = arith.constant 16 : index
    %swap3A_790 = tpu.vector_load %arg12[%swap3A_788, %swap3A_789] {strides = array<i32>} : memref<4x128xi32, #tpu.memory_space<vmem>>, vector<16xi32>,
    tpu.vector_store %arg12[%swap3A_788, %swap3A_789], %min3A_786 {strides = array<i32>} : memref<4x128xi32, #tpu.memory_space<vmem>>, vector<16xi32>,
    %get3A_791 = arith.constant 288 : index
    %get3A_792 = tpu.vector_load %arg7[%get3A_791] {strides = array<i32>} : memref<512xi32, #tpu.memory_space<vmem>>, vector<16xi32>,
    %mul3A_793 = arith.constant 30 : i32
    %mul3A_794 = vector.broadcast %mul3A_793 : i32 to vector<16xi32>
    %mul3A_795 = arith.muli %get3A_792, %mul3A_794 : vector<16xi32>
    %shift_right_arithmetic3A_796 = arith.constant 5 : i32
    %shift_right_arithmetic3A_797 = vector.broadcast %shift_right_arithmetic3A_796 : i32 to vector<16xi32>
    %shift_right_arithmetic3A_798 = arith.shrsi %mul3A_795, %shift_right_arithmetic3A_797 : vector<16xi32>
    %swap3A_799 = arith.constant 2 : i32
    %swap3A_800 = arith.index_cast %swap3A_799 : i32 to index
    %swap3A_801 = arith.constant 32 : index
    %swap3A_802 = tpu.vector_load %arg9[%swap3A_800, %swap3A_801] {strides = array<i32>} : memref<4x128xi32, #tpu.memory_space<vmem>>, vector<16xi32>,
    tpu.vector_store %arg9[%swap3A_800, %swap3A_801], %shift_right_arithmetic3A_798 {strides = array<i32>} : memref<4x128xi32, #tpu.memory_space<vmem>>, vector<16xi32>,
    %add3A_803 = arith.constant 1 : i32
    %add3A_804 = vector.broadcast %add3A_803 : i32 to vector<16xi32>
    %add3A_805 = arith.addi %shift_right_arithmetic3A_798, %add3A_804 : vector<16xi32>
    %min3A_806 = arith.constant 937499 : i32
    %min3A_807 = vector.broadcast %min3A_806 : i32 to vector<16xi32>
    %min3A_808 = arith.minsi %add3A_805, %min3A_807 : vector<16xi32>
    %swap3A_809 = arith.constant 2 : i32
    %swap3A_810 = arith.index_cast %swap3A_809 : i32 to index
    %swap3A_811 = arith.constant 32 : index
    %swap3A_812 = tpu.vector_load %arg10[%swap3A_810, %swap3A_811] {strides = array<i32>} : memref<4x128xi32, #tpu.memory_space<vmem>>, vector<16xi32>,
    tpu.vector_store %arg10[%swap3A_810, %swap3A_811], %min3A_808 {strides = array<i32>} : memref<4x128xi32, #tpu.memory_space<vmem>>, vector<16xi32>,
    %get3A_813 = arith.constant 288 : index
    %get3A_814 = tpu.vector_load %arg8[%get3A_813] {strides = array<i32>} : memref<512xi32, #tpu.memory_space<vmem>>, vector<16xi32>,
    %mul3A_815 = arith.constant 30 : i32
    %mul3A_816 = vector.broadcast %mul3A_815 : i32 to vector<16xi32>
    %mul3A_817 = arith.muli %get3A_814, %mul3A_816 : vector<16xi32>
    %shift_right_arithmetic3A_818 = arith.constant 5 : i32
    %shift_right_arithmetic3A_819 = vector.broadcast %shift_right_arithmetic3A_818 : i32 to vector<16xi32>
    %shift_right_arithmetic3A_820 = arith.shrsi %mul3A_817, %shift_right_arithmetic3A_819 : vector<16xi32>
    %swap3A_821 = arith.constant 2 : i32
    %swap3A_822 = arith.index_cast %swap3A_821 : i32 to index
    %swap3A_823 = arith.constant 32 : index
    %swap3A_824 = tpu.vector_load %arg11[%swap3A_822, %swap3A_823] {strides = array<i32>} : memref<4x128xi32, #tpu.memory_space<vmem>>, vector<16xi32>,
    tpu.vector_store %arg11[%swap3A_822, %swap3A_823], %shift_right_arithmetic3A_820 {strides = array<i32>} : memref<4x128xi32, #tpu.memory_space<vmem>>, vector<16xi32>,
    %add3A_825 = arith.constant 1 : i32
    %add3A_826 = vector.broadcast %add3A_825 : i32 to vector<16xi32>
    %add3A_827 = arith.addi %shift_right_arithmetic3A_820, %add3A_826 : vector<16xi32>
    %min3A_828 = arith.constant 937499 : i32
    %min3A_829 = vector.broadcast %min3A_828 : i32 to vector<16xi32>
    %min3A_830 = arith.minsi %add3A_827, %min3A_829 : vector<16xi32>
    %swap3A_831 = arith.constant 2 : i32
    %swap3A_832 = arith.index_cast %swap3A_831 : i32 to index
    %swap3A_833 = arith.constant 32 : index
    %swap3A_834 = tpu.vector_load %arg12[%swap3A_832, %swap3A_833] {strides = array<i32>} : memref<4x128xi32, #tpu.memory_space<vmem>>, vector<16xi32>,
    tpu.vector_store %arg12[%swap3A_832, %swap3A_833], %min3A_830 {strides = array<i32>} : memref<4x128xi32, #tpu.memory_space<vmem>>, vector<16xi32>,
    %get3A_835 = arith.constant 304 : index
    %get3A_836 = tpu.vector_load %arg7[%get3A_835] {strides = array<i32>} : memref<512xi32, #tpu.memory_space<vmem>>, vector<16xi32>,
    %mul3A_837 = arith.constant 30 : i32
    %mul3A_838 = vector.broadcast %mul3A_837 : i32 to vector<16xi32>
    %mul3A_839 = arith.muli %get3A_836, %mul3A_838 : vector<16xi32>
    %shift_right_arithmetic3A_840 = arith.constant 5 : i32
    %shift_right_arithmetic3A_841 = vector.broadcast %shift_right_arithmetic3A_840 : i32 to vector<16xi32>
    %shift_right_arithmetic3A_842 = arith.shrsi %mul3A_839, %shift_right_arithmetic3A_841 : vector<16xi32>
    %swap3A_843 = arith.constant 2 : i32
    %swap3A_844 = arith.index_cast %swap3A_843 : i32 to index
    %swap3A_845 = arith.constant 48 : index
    %swap3A_846 = tpu.vector_load %arg9[%swap3A_844, %swap3A_845] {strides = array<i32>} : memref<4x128xi32, #tpu.memory_space<vmem>>, vector<16xi32>,
    tpu.vector_store %arg9[%swap3A_844, %swap3A_845], %shift_right_arithmetic3A_842 {strides = array<i32>} : memref<4x128xi32, #tpu.memory_space<vmem>>, vector<16xi32>,
    %add3A_847 = arith.constant 1 : i32
    %add3A_848 = vector.broadcast %add3A_847 : i32 to vector<16xi32>
    %add3A_849 = arith.addi %shift_right_arithmetic3A_842, %add3A_848 : vector<16xi32>
    %min3A_850 = arith.constant 937499 : i32
    %min3A_851 = vector.broadcast %min3A_850 : i32 to vector<16xi32>
    %min3A_852 = arith.minsi %add3A_849, %min3A_851 : vector<16xi32>
    %swap3A_853 = arith.constant 2 : i32
    %swap3A_854 = arith.index_cast %swap3A_853 : i32 to index
    %swap3A_855 = arith.constant 48 : index
    %swap3A_856 = tpu.vector_load %arg10[%swap3A_854, %swap3A_855] {strides = array<i32>} : memref<4x128xi32, #tpu.memory_space<vmem>>, vector<16xi32>,
    tpu.vector_store %arg10[%swap3A_854, %swap3A_855], %min3A_852 {strides = array<i32>} : memref<4x128xi32, #tpu.memory_space<vmem>>, vector<16xi32>,
    %get3A_857 = arith.constant 304 : index
    %get3A_858 = tpu.vector_load %arg8[%get3A_857] {strides = array<i32>} : memref<512xi32, #tpu.memory_space<vmem>>, vector<16xi32>,
    %mul3A_859 = arith.constant 30 : i32
    %mul3A_860 = vector.broadcast %mul3A_859 : i32 to vector<16xi32>
    %mul3A_861 = arith.muli %get3A_858, %mul3A_860 : vector<16xi32>
    %shift_right_arithmetic3A_862 = arith.constant 5 : i32
    %shift_right_arithmetic3A_863 = vector.broadcast %shift_right_arithmetic3A_862 : i32 to vector<16xi32>
    %shift_right_arithmetic3A_864 = arith.shrsi %mul3A_861, %shift_right_arithmetic3A_863 : vector<16xi32>
    %swap3A_865 = arith.constant 2 : i32
    %swap3A_866 = arith.index_cast %swap3A_865 : i32 to index
    %swap3A_867 = arith.constant 48 : index
    %swap3A_868 = tpu.vector_load %arg11[%swap3A_866, %swap3A_867] {strides = array<i32>} : memref<4x128xi32, #tpu.memory_space<vmem>>, vector<16xi32>,
    tpu.vector_store %arg11[%swap3A_866, %swap3A_867], %shift_right_arithmetic3A_864 {strides = array<i32>} : memref<4x128xi32, #tpu.memory_space<vmem>>, vector<16xi32>,
    %add3A_869 = arith.constant 1 : i32
    %add3A_870 = vector.broadcast %add3A_869 : i32 to vector<16xi32>
    %add3A_871 = arith.addi %shift_right_arithmetic3A_864, %add3A_870 : vector<16xi32>
    %min3A_872 = arith.constant 937499 : i32
    %min3A_873 = vector.broadcast %min3A_872 : i32 to vector<16xi32>
    %min3A_874 = arith.minsi %add3A_871, %min3A_873 : vector<16xi32>
    %swap3A_875 = arith.constant 2 : i32
    %swap3A_876 = arith.index_cast %swap3A_875 : i32 to index
    %swap3A_877 = arith.constant 48 : index
    %swap3A_878 = tpu.vector_load %arg12[%swap3A_876, %swap3A_877] {strides = array<i32>} : memref<4x128xi32, #tpu.memory_space<vmem>>, vector<16xi32>,
    tpu.vector_store %arg12[%swap3A_876, %swap3A_877], %min3A_874 {strides = array<i32>} : memref<4x128xi32, #tpu.memory_space<vmem>>, vector<16xi32>,
    %get3A_879 = arith.constant 320 : index
    %get3A_880 = tpu.vector_load %arg7[%get3A_879] {strides = array<i32>} : memref<512xi32, #tpu.memory_space<vmem>>, vector<16xi32>,
    %mul3A_881 = arith.constant 30 : i32
    %mul3A_882 = vector.broadcast %mul3A_881 : i32 to vector<16xi32>
    %mul3A_883 = arith.muli %get3A_880, %mul3A_882 : vector<16xi32>
    %shift_right_arithmetic3A_884 = arith.constant 5 : i32
    %shift_right_arithmetic3A_885 = vector.broadcast %shift_right_arithmetic3A_884 : i32 to vector<16xi32>
    %shift_right_arithmetic3A_886 = arith.shrsi %mul3A_883, %shift_right_arithmetic3A_885 : vector<16xi32>
    %swap3A_887 = arith.constant 2 : i32
    %swap3A_888 = arith.index_cast %swap3A_887 : i32 to index
    %swap3A_889 = arith.constant 64 : index
    %swap3A_890 = tpu.vector_load %arg9[%swap3A_888, %swap3A_889] {strides = array<i32>} : memref<4x128xi32, #tpu.memory_space<vmem>>, vector<16xi32>,
    tpu.vector_store %arg9[%swap3A_888, %swap3A_889], %shift_right_arithmetic3A_886 {strides = array<i32>} : memref<4x128xi32, #tpu.memory_space<vmem>>, vector<16xi32>,
    %add3A_891 = arith.constant 1 : i32
    %add3A_892 = vector.broadcast %add3A_891 : i32 to vector<16xi32>
    %add3A_893 = arith.addi %shift_right_arithmetic3A_886, %add3A_892 : vector<16xi32>
    %min3A_894 = arith.constant 937499 : i32
    %min3A_895 = vector.broadcast %min3A_894 : i32 to vector<16xi32>
    %min3A_896 = arith.minsi %add3A_893, %min3A_895 : vector<16xi32>
    %swap3A_897 = arith.constant 2 : i32
    %swap3A_898 = arith.index_cast %swap3A_897 : i32 to index
    %swap3A_899 = arith.constant 64 : index
    %swap3A_900 = tpu.vector_load %arg10[%swap3A_898, %swap3A_899] {strides = array<i32>} : memref<4x128xi32, #tpu.memory_space<vmem>>, vector<16xi32>,
    tpu.vector_store %arg10[%swap3A_898, %swap3A_899], %min3A_896 {strides = array<i32>} : memref<4x128xi32, #tpu.memory_space<vmem>>, vector<16xi32>,
    %get3A_901 = arith.constant 320 : index
    %get3A_902 = tpu.vector_load %arg8[%get3A_901] {strides = array<i32>} : memref<512xi32, #tpu.memory_space<vmem>>, vector<16xi32>,
    %mul3A_903 = arith.constant 30 : i32
    %mul3A_904 = vector.broadcast %mul3A_903 : i32 to vector<16xi32>
    %mul3A_905 = arith.muli %get3A_902, %mul3A_904 : vector<16xi32>
    %shift_right_arithmetic3A_906 = arith.constant 5 : i32
    %shift_right_arithmetic3A_907 = vector.broadcast %shift_right_arithmetic3A_906 : i32 to vector<16xi32>
    %shift_right_arithmetic3A_908 = arith.shrsi %mul3A_905, %shift_right_arithmetic3A_907 : vector<16xi32>
    %swap3A_909 = arith.constant 2 : i32
    %swap3A_910 = arith.index_cast %swap3A_909 : i32 to index
    %swap3A_911 = arith.constant 64 : index
    %swap3A_912 = tpu.vector_load %arg11[%swap3A_910, %swap3A_911] {strides = array<i32>} : memref<4x128xi32, #tpu.memory_space<vmem>>, vector<16xi32>,
    tpu.vector_store %arg11[%swap3A_910, %swap3A_911], %shift_right_arithmetic3A_908 {strides = array<i32>} : memref<4x128xi32, #tpu.memory_space<vmem>>, vector<16xi32>,
    %add3A_913 = arith.constant 1 : i32
    %add3A_914 = vector.broadcast %add3A_913 : i32 to vector<16xi32>
    %add3A_915 = arith.addi %shift_right_arithmetic3A_908, %add3A_914 : vector<16xi32>
    %min3A_916 = arith.constant 937499 : i32
    %min3A_917 = vector.broadcast %min3A_916 : i32 to vector<16xi32>
    %min3A_918 = arith.minsi %add3A_915, %min3A_917 : vector<16xi32>
    %swap3A_919 = arith.constant 2 : i32
    %swap3A_920 = arith.index_cast %swap3A_919 : i32 to index
    %swap3A_921 = arith.constant 64 : index
    %swap3A_922 = tpu.vector_load %arg12[%swap3A_920, %swap3A_921] {strides = array<i32>} : memref<4x128xi32, #tpu.memory_space<vmem>>, vector<16xi32>,
    tpu.vector_store %arg12[%swap3A_920, %swap3A_921], %min3A_918 {strides = array<i32>} : memref<4x128xi32, #tpu.memory_space<vmem>>, vector<16xi32>,
    %get3A_923 = arith.constant 336 : index
    %get3A_924 = tpu.vector_load %arg7[%get3A_923] {strides = array<i32>} : memref<512xi32, #tpu.memory_space<vmem>>, vector<16xi32>,
    %mul3A_925 = arith.constant 30 : i32
    %mul3A_926 = vector.broadcast %mul3A_925 : i32 to vector<16xi32>
    %mul3A_927 = arith.muli %get3A_924, %mul3A_926 : vector<16xi32>
    %shift_right_arithmetic3A_928 = arith.constant 5 : i32
    %shift_right_arithmetic3A_929 = vector.broadcast %shift_right_arithmetic3A_928 : i32 to vector<16xi32>
    %shift_right_arithmetic3A_930 = arith.shrsi %mul3A_927, %shift_right_arithmetic3A_929 : vector<16xi32>
    %swap3A_931 = arith.constant 2 : i32
    %swap3A_932 = arith.index_cast %swap3A_931 : i32 to index
    %swap3A_933 = arith.constant 80 : index
    %swap3A_934 = tpu.vector_load %arg9[%swap3A_932, %swap3A_933] {strides = array<i32>} : memref<4x128xi32, #tpu.memory_space<vmem>>, vector<16xi32>,
    tpu.vector_store %arg9[%swap3A_932, %swap3A_933], %shift_right_arithmetic3A_930 {strides = array<i32>} : memref<4x128xi32, #tpu.memory_space<vmem>>, vector<16xi32>,
    %add3A_935 = arith.constant 1 : i32
    %add3A_936 = vector.broadcast %add3A_935 : i32 to vector<16xi32>
    %add3A_937 = arith.addi %shift_right_arithmetic3A_930, %add3A_936 : vector<16xi32>
    %min3A_938 = arith.constant 937499 : i32
    %min3A_939 = vector.broadcast %min3A_938 : i32 to vector<16xi32>
    %min3A_940 = arith.minsi %add3A_937, %min3A_939 : vector<16xi32>
    %swap3A_941 = arith.constant 2 : i32
    %swap3A_942 = arith.index_cast %swap3A_941 : i32 to index
    %swap3A_943 = arith.constant 80 : index
    %swap3A_944 = tpu.vector_load %arg10[%swap3A_942, %swap3A_943] {strides = array<i32>} : memref<4x128xi32, #tpu.memory_space<vmem>>, vector<16xi32>,
    tpu.vector_store %arg10[%swap3A_942, %swap3A_943], %min3A_940 {strides = array<i32>} : memref<4x128xi32, #tpu.memory_space<vmem>>, vector<16xi32>,
    %get3A_945 = arith.constant 336 : index
    %get3A_946 = tpu.vector_load %arg8[%get3A_945] {strides = array<i32>} : memref<512xi32, #tpu.memory_space<vmem>>, vector<16xi32>,
    %mul3A_947 = arith.constant 30 : i32
    %mul3A_948 = vector.broadcast %mul3A_947 : i32 to vector<16xi32>
    %mul3A_949 = arith.muli %get3A_946, %mul3A_948 : vector<16xi32>
    %shift_right_arithmetic3A_950 = arith.constant 5 : i32
    %shift_right_arithmetic3A_951 = vector.broadcast %shift_right_arithmetic3A_950 : i32 to vector<16xi32>
    %shift_right_arithmetic3A_952 = arith.shrsi %mul3A_949, %shift_right_arithmetic3A_951 : vector<16xi32>
    %swap3A_953 = arith.constant 2 : i32
    %swap3A_954 = arith.index_cast %swap3A_953 : i32 to index
    %swap3A_955 = arith.constant 80 : index
    %swap3A_956 = tpu.vector_load %arg11[%swap3A_954, %swap3A_955] {strides = array<i32>} : memref<4x128xi32, #tpu.memory_space<vmem>>, vector<16xi32>,
    tpu.vector_store %arg11[%swap3A_954, %swap3A_955], %shift_right_arithmetic3A_952 {strides = array<i32>} : memref<4x128xi32, #tpu.memory_space<vmem>>, vector<16xi32>,
    %add3A_957 = arith.constant 1 : i32
    %add3A_958 = vector.broadcast %add3A_957 : i32 to vector<16xi32>
    %add3A_959 = arith.addi %shift_right_arithmetic3A_952, %add3A_958 : vector<16xi32>
    %min3A_960 = arith.constant 937499 : i32
    %min3A_961 = vector.broadcast %min3A_960 : i32 to vector<16xi32>
    %min3A_962 = arith.minsi %add3A_959, %min3A_961 : vector<16xi32>
    %swap3A_963 = arith.constant 2 : i32
    %swap3A_964 = arith.index_cast %swap3A_963 : i32 to index
    %swap3A_965 = arith.constant 80 : index
    %swap3A_966 = tpu.vector_load %arg12[%swap3A_964, %swap3A_965] {strides = array<i32>} : memref<4x128xi32, #tpu.memory_space<vmem>>, vector<16xi32>,
    tpu.vector_store %arg12[%swap3A_964, %swap3A_965], %min3A_962 {strides = array<i32>} : memref<4x128xi32, #tpu.memory_space<vmem>>, vector<16xi32>,
    %get3A_967 = arith.constant 352 : index
    %get3A_968 = tpu.vector_load %arg7[%get3A_967] {strides = array<i32>} : memref<512xi32, #tpu.memory_space<vmem>>, vector<16xi32>,
    %mul3A_969 = arith.constant 30 : i32
    %mul3A_970 = vector.broadcast %mul3A_969 : i32 to vector<16xi32>
    %mul3A_971 = arith.muli %get3A_968, %mul3A_970 : vector<16xi32>
    %shift_right_arithmetic3A_972 = arith.constant 5 : i32
    %shift_right_arithmetic3A_973 = vector.broadcast %shift_right_arithmetic3A_972 : i32 to vector<16xi32>
    %shift_right_arithmetic3A_974 = arith.shrsi %mul3A_971, %shift_right_arithmetic3A_973 : vector<16xi32>
    %swap3A_975 = arith.constant 2 : i32
    %swap3A_976 = arith.index_cast %swap3A_975 : i32 to index
    %swap3A_977 = arith.constant 96 : index
    %swap3A_978 = tpu.vector_load %arg9[%swap3A_976, %swap3A_977] {strides = array<i32>} : memref<4x128xi32, #tpu.memory_space<vmem>>, vector<16xi32>,
    tpu.vector_store %arg9[%swap3A_976, %swap3A_977], %shift_right_arithmetic3A_974 {strides = array<i32>} : memref<4x128xi32, #tpu.memory_space<vmem>>, vector<16xi32>,
    %add3A_979 = arith.constant 1 : i32
    %add3A_980 = vector.broadcast %add3A_979 : i32 to vector<16xi32>
    %add3A_981 = arith.addi %shift_right_arithmetic3A_974, %add3A_980 : vector<16xi32>
    %min3A_982 = arith.constant 937499 : i32
    %min3A_983 = vector.broadcast %min3A_982 : i32 to vector<16xi32>
    %min3A_984 = arith.minsi %add3A_981, %min3A_983 : vector<16xi32>
    %swap3A_985 = arith.constant 2 : i32
    %swap3A_986 = arith.index_cast %swap3A_985 : i32 to index
    %swap3A_987 = arith.constant 96 : index
    %swap3A_988 = tpu.vector_load %arg10[%swap3A_986, %swap3A_987] {strides = array<i32>} : memref<4x128xi32, #tpu.memory_space<vmem>>, vector<16xi32>,
    tpu.vector_store %arg10[%swap3A_986, %swap3A_987], %min3A_984 {strides = array<i32>} : memref<4x128xi32, #tpu.memory_space<vmem>>, vector<16xi32>,
    %get3A_989 = arith.constant 352 : index
    %get3A_990 = tpu.vector_load %arg8[%get3A_989] {strides = array<i32>} : memref<512xi32, #tpu.memory_space<vmem>>, vector<16xi32>,
    %mul3A_991 = arith.constant 30 : i32
    %mul3A_992 = vector.broadcast %mul3A_991 : i32 to vector<16xi32>
    %mul3A_993 = arith.muli %get3A_990, %mul3A_992 : vector<16xi32>
    %shift_right_arithmetic3A_994 = arith.constant 5 : i32
    %shift_right_arithmetic3A_995 = vector.broadcast %shift_right_arithmetic3A_994 : i32 to vector<16xi32>
    %shift_right_arithmetic3A_996 = arith.shrsi %mul3A_993, %shift_right_arithmetic3A_995 : vector<16xi32>
    %swap3A_997 = arith.constant 2 : i32
    %swap3A_998 = arith.index_cast %swap3A_997 : i32 to index
    %swap3A_999 = arith.constant 96 : index
    %swap3A_1000 = tpu.vector_load %arg11[%swap3A_998, %swap3A_999] {strides = array<i32>} : memref<4x128xi32, #tpu.memory_space<vmem>>, vector<16xi32>,
    tpu.vector_store %arg11[%swap3A_998, %swap3A_999], %shift_right_arithmetic3A_996 {strides = array<i32>} : memref<4x128xi32, #tpu.memory_space<vmem>>, vector<16xi32>,
    %add3A_1001 = arith.constant 1 : i32
    %add3A_1002 = vector.broadcast %add3A_1001 : i32 to vector<16xi32>
    %add3A_1003 = arith.addi %shift_right_arithmetic3A_996, %add3A_1002 : vector<16xi32>
    %min3A_1004 = arith.constant 937499 : i32
    %min3A_1005 = vector.broadcast %min3A_1004 : i32 to vector<16xi32>
    %min3A_1006 = arith.minsi %add3A_1003, %min3A_1005 : vector<16xi32>
    %swap3A_1007 = arith.constant 2 : i32
    %swap3A_1008 = arith.index_cast %swap3A_1007 : i32 to index
    %swap3A_1009 = arith.constant 96 : index
    %swap3A_1010 = tpu.vector_load %arg12[%swap3A_1008, %swap3A_1009] {strides = array<i32>} : memref<4x128xi32, #tpu.memory_space<vmem>>, vector<16xi32>,
    tpu.vector_store %arg12[%swap3A_1008, %swap3A_1009], %min3A_1006 {strides = array<i32>} : memref<4x128xi32, #tpu.memory_space<vmem>>, vector<16xi32>,
    %get3A_1011 = arith.constant 368 : index
    %get3A_1012 = tpu.vector_load %arg7[%get3A_1011] {strides = array<i32>} : memref<512xi32, #tpu.memory_space<vmem>>, vector<16xi32>,
    %mul3A_1013 = arith.constant 30 : i32
    %mul3A_1014 = vector.broadcast %mul3A_1013 : i32 to vector<16xi32>
    %mul3A_1015 = arith.muli %get3A_1012, %mul3A_1014 : vector<16xi32>
    %shift_right_arithmetic3A_1016 = arith.constant 5 : i32
    %shift_right_arithmetic3A_1017 = vector.broadcast %shift_right_arithmetic3A_1016 : i32 to vector<16xi32>
    %shift_right_arithmetic3A_1018 = arith.shrsi %mul3A_1015, %shift_right_arithmetic3A_1017 : vector<16xi32>
    %swap3A_1019 = arith.constant 2 : i32
    %swap3A_1020 = arith.index_cast %swap3A_1019 : i32 to index
    %swap3A_1021 = arith.constant 112 : index
    %swap3A_1022 = tpu.vector_load %arg9[%swap3A_1020, %swap3A_1021] {strides = array<i32>} : memref<4x128xi32, #tpu.memory_space<vmem>>, vector<16xi32>,
    tpu.vector_store %arg9[%swap3A_1020, %swap3A_1021], %shift_right_arithmetic3A_1018 {strides = array<i32>} : memref<4x128xi32, #tpu.memory_space<vmem>>, vector<16xi32>,
    %add3A_1023 = arith.constant 1 : i32
    %add3A_1024 = vector.broadcast %add3A_1023 : i32 to vector<16xi32>
    %add3A_1025 = arith.addi %shift_right_arithmetic3A_1018, %add3A_1024 : vector<16xi32>
    %min3A_1026 = arith.constant 937499 : i32
    %min3A_1027 = vector.broadcast %min3A_1026 : i32 to vector<16xi32>
    %min3A_1028 = arith.minsi %add3A_1025, %min3A_1027 : vector<16xi32>
    %swap3A_1029 = arith.constant 2 : i32
    %swap3A_1030 = arith.index_cast %swap3A_1029 : i32 to index
    %swap3A_1031 = arith.constant 112 : index
    %swap3A_1032 = tpu.vector_load %arg10[%swap3A_1030, %swap3A_1031] {strides = array<i32>} : memref<4x128xi32, #tpu.memory_space<vmem>>, vector<16xi32>,
    tpu.vector_store %arg10[%swap3A_1030, %swap3A_1031], %min3A_1028 {strides = array<i32>} : memref<4x128xi32, #tpu.memory_space<vmem>>, vector<16xi32>,
    %get3A_1033 = arith.constant 368 : index
    %get3A_1034 = tpu.vector_load %arg8[%get3A_1033] {strides = array<i32>} : memref<512xi32, #tpu.memory_space<vmem>>, vector<16xi32>,
    %mul3A_1035 = arith.constant 30 : i32
    %mul3A_1036 = vector.broadcast %mul3A_1035 : i32 to vector<16xi32>
    %mul3A_1037 = arith.muli %get3A_1034, %mul3A_1036 : vector<16xi32>
    %shift_right_arithmetic3A_1038 = arith.constant 5 : i32
    %shift_right_arithmetic3A_1039 = vector.broadcast %shift_right_arithmetic3A_1038 : i32 to vector<16xi32>
    %shift_right_arithmetic3A_1040 = arith.shrsi %mul3A_1037, %shift_right_arithmetic3A_1039 : vector<16xi32>
    %swap3A_1041 = arith.constant 2 : i32
    %swap3A_1042 = arith.index_cast %swap3A_1041 : i32 to index
    %swap3A_1043 = arith.constant 112 : index
    %swap3A_1044 = tpu.vector_load %arg11[%swap3A_1042, %swap3A_1043] {strides = array<i32>} : memref<4x128xi32, #tpu.memory_space<vmem>>, vector<16xi32>,
    tpu.vector_store %arg11[%swap3A_1042, %swap3A_1043], %shift_right_arithmetic3A_1040 {strides = array<i32>} : memref<4x128xi32, #tpu.memory_space<vmem>>, vector<16xi32>,
    %add3A_1045 = arith.constant 1 : i32
    %add3A_1046 = vector.broadcast %add3A_1045 : i32 to vector<16xi32>
    %add3A_1047 = arith.addi %shift_right_arithmetic3A_1040, %add3A_1046 : vector<16xi32>
    %min3A_1048 = arith.constant 937499 : i32
    %min3A_1049 = vector.broadcast %min3A_1048 : i32 to vector<16xi32>
    %min3A_1050 = arith.minsi %add3A_1047, %min3A_1049 : vector<16xi32>
    %swap3A_1051 = arith.constant 2 : i32
    %swap3A_1052 = arith.index_cast %swap3A_1051 : i32 to index
    %swap3A_1053 = arith.constant 112 : index
    %swap3A_1054 = tpu.vector_load %arg12[%swap3A_1052, %swap3A_1053] {strides = array<i32>} : memref<4x128xi32, #tpu.memory_space<vmem>>, vector<16xi32>,
    tpu.vector_store %arg12[%swap3A_1052, %swap3A_1053], %min3A_1050 {strides = array<i32>} : memref<4x128xi32, #tpu.memory_space<vmem>>, vector<16xi32>,
    %get3A_1055 = arith.constant 384 : index
    %get3A_1056 = tpu.vector_load %arg7[%get3A_1055] {strides = array<i32>} : memref<512xi32, #tpu.memory_space<vmem>>, vector<16xi32>,
    %mul3A_1057 = arith.constant 30 : i32
    %mul3A_1058 = vector.broadcast %mul3A_1057 : i32 to vector<16xi32>
    %mul3A_1059 = arith.muli %get3A_1056, %mul3A_1058 : vector<16xi32>
    %shift_right_arithmetic3A_1060 = arith.constant 5 : i32
    %shift_right_arithmetic3A_1061 = vector.broadcast %shift_right_arithmetic3A_1060 : i32 to vector<16xi32>
    %shift_right_arithmetic3A_1062 = arith.shrsi %mul3A_1059, %shift_right_arithmetic3A_1061 : vector<16xi32>
    %swap3A_1063 = arith.constant 3 : i32
    %swap3A_1064 = arith.index_cast %swap3A_1063 : i32 to index
    %swap3A_1065 = arith.constant 0 : index
    %swap3A_1066 = tpu.vector_load %arg9[%swap3A_1064, %swap3A_1065] {strides = array<i32>} : memref<4x128xi32, #tpu.memory_space<vmem>>, vector<16xi32>,
    tpu.vector_store %arg9[%swap3A_1064, %swap3A_1065], %shift_right_arithmetic3A_1062 {strides = array<i32>} : memref<4x128xi32, #tpu.memory_space<vmem>>, vector<16xi32>,
    %add3A_1067 = arith.constant 1 : i32
    %add3A_1068 = vector.broadcast %add3A_1067 : i32 to vector<16xi32>
    %add3A_1069 = arith.addi %shift_right_arithmetic3A_1062, %add3A_1068 : vector<16xi32>
    %min3A_1070 = arith.constant 937499 : i32
    %min3A_1071 = vector.broadcast %min3A_1070 : i32 to vector<16xi32>
    %min3A_1072 = arith.minsi %add3A_1069, %min3A_1071 : vector<16xi32>
    %swap3A_1073 = arith.constant 3 : i32
    %swap3A_1074 = arith.index_cast %swap3A_1073 : i32 to index
    %swap3A_1075 = arith.constant 0 : index
    %swap3A_1076 = tpu.vector_load %arg10[%swap3A_1074, %swap3A_1075] {strides = array<i32>} : memref<4x128xi32, #tpu.memory_space<vmem>>, vector<16xi32>,
    tpu.vector_store %arg10[%swap3A_1074, %swap3A_1075], %min3A_1072 {strides = array<i32>} : memref<4x128xi32, #tpu.memory_space<vmem>>, vector<16xi32>,
    %get3A_1077 = arith.constant 384 : index
    %get3A_1078 = tpu.vector_load %arg8[%get3A_1077] {strides = array<i32>} : memref<512xi32, #tpu.memory_space<vmem>>, vector<16xi32>,
    %mul3A_1079 = arith.constant 30 : i32
    %mul3A_1080 = vector.broadcast %mul3A_1079 : i32 to vector<16xi32>
    %mul3A_1081 = arith.muli %get3A_1078, %mul3A_1080 : vector<16xi32>
    %shift_right_arithmetic3A_1082 = arith.constant 5 : i32
    %shift_right_arithmetic3A_1083 = vector.broadcast %shift_right_arithmetic3A_1082 : i32 to vector<16xi32>
    %shift_right_arithmetic3A_1084 = arith.shrsi %mul3A_1081, %shift_right_arithmetic3A_1083 : vector<16xi32>
    %swap3A_1085 = arith.constant 3 : i32
    %swap3A_1086 = arith.index_cast %swap3A_1085 : i32 to index
    %swap3A_1087 = arith.constant 0 : index
    %swap3A_1088 = tpu.vector_load %arg11[%swap3A_1086, %swap3A_1087] {strides = array<i32>} : memref<4x128xi32, #tpu.memory_space<vmem>>, vector<16xi32>,
    tpu.vector_store %arg11[%swap3A_1086, %swap3A_1087], %shift_right_arithmetic3A_1084 {strides = array<i32>} : memref<4x128xi32, #tpu.memory_space<vmem>>, vector<16xi32>,
    %add3A_1089 = arith.constant 1 : i32
    %add3A_1090 = vector.broadcast %add3A_1089 : i32 to vector<16xi32>
    %add3A_1091 = arith.addi %shift_right_arithmetic3A_1084, %add3A_1090 : vector<16xi32>
    %min3A_1092 = arith.constant 937499 : i32
    %min3A_1093 = vector.broadcast %min3A_1092 : i32 to vector<16xi32>
    %min3A_1094 = arith.minsi %add3A_1091, %min3A_1093 : vector<16xi32>
    %swap3A_1095 = arith.constant 3 : i32
    %swap3A_1096 = arith.index_cast %swap3A_1095 : i32 to index
    %swap3A_1097 = arith.constant 0 : index
    %swap3A_1098 = tpu.vector_load %arg12[%swap3A_1096, %swap3A_1097] {strides = array<i32>} : memref<4x128xi32, #tpu.memory_space<vmem>>, vector<16xi32>,
    tpu.vector_store %arg12[%swap3A_1096, %swap3A_1097], %min3A_1094 {strides = array<i32>} : memref<4x128xi32, #tpu.memory_space<vmem>>, vector<16xi32>,
    %get3A_1099 = arith.constant 400 : index
    %get3A_1100 = tpu.vector_load %arg7[%get3A_1099] {strides = array<i32>} : memref<512xi32, #tpu.memory_space<vmem>>, vector<16xi32>,
    %mul3A_1101 = arith.constant 30 : i32
    %mul3A_1102 = vector.broadcast %mul3A_1101 : i32 to vector<16xi32>
    %mul3A_1103 = arith.muli %get3A_1100, %mul3A_1102 : vector<16xi32>
    %shift_right_arithmetic3A_1104 = arith.constant 5 : i32
    %shift_right_arithmetic3A_1105 = vector.broadcast %shift_right_arithmetic3A_1104 : i32 to vector<16xi32>
    %shift_right_arithmetic3A_1106 = arith.shrsi %mul3A_1103, %shift_right_arithmetic3A_1105 : vector<16xi32>
    %swap3A_1107 = arith.constant 3 : i32
    %swap3A_1108 = arith.index_cast %swap3A_1107 : i32 to index
    %swap3A_1109 = arith.constant 16 : index
    %swap3A_1110 = tpu.vector_load %arg9[%swap3A_1108, %swap3A_1109] {strides = array<i32>} : memref<4x128xi32, #tpu.memory_space<vmem>>, vector<16xi32>,
    tpu.vector_store %arg9[%swap3A_1108, %swap3A_1109], %shift_right_arithmetic3A_1106 {strides = array<i32>} : memref<4x128xi32, #tpu.memory_space<vmem>>, vector<16xi32>,
    %add3A_1111 = arith.constant 1 : i32
    %add3A_1112 = vector.broadcast %add3A_1111 : i32 to vector<16xi32>
    %add3A_1113 = arith.addi %shift_right_arithmetic3A_1106, %add3A_1112 : vector<16xi32>
    %min3A_1114 = arith.constant 937499 : i32
    %min3A_1115 = vector.broadcast %min3A_1114 : i32 to vector<16xi32>
    %min3A_1116 = arith.minsi %add3A_1113, %min3A_1115 : vector<16xi32>
    %swap3A_1117 = arith.constant 3 : i32
    %swap3A_1118 = arith.index_cast %swap3A_1117 : i32 to index
    %swap3A_1119 = arith.constant 16 : index
    %swap3A_1120 = tpu.vector_load %arg10[%swap3A_1118, %swap3A_1119] {strides = array<i32>} : memref<4x128xi32, #tpu.memory_space<vmem>>, vector<16xi32>,
    tpu.vector_store %arg10[%swap3A_1118, %swap3A_1119], %min3A_1116 {strides = array<i32>} : memref<4x128xi32, #tpu.memory_space<vmem>>, vector<16xi32>,
    %get3A_1121 = arith.constant 400 : index
    %get3A_1122 = tpu.vector_load %arg8[%get3A_1121] {strides = array<i32>} : memref<512xi32, #tpu.memory_space<vmem>>, vector<16xi32>,
    %mul3A_1123 = arith.constant 30 : i32
    %mul3A_1124 = vector.broadcast %mul3A_1123 : i32 to vector<16xi32>
    %mul3A_1125 = arith.muli %get3A_1122, %mul3A_1124 : vector<16xi32>
    %shift_right_arithmetic3A_1126 = arith.constant 5 : i32
    %shift_right_arithmetic3A_1127 = vector.broadcast %shift_right_arithmetic3A_1126 : i32 to vector<16xi32>
    %shift_right_arithmetic3A_1128 = arith.shrsi %mul3A_1125, %shift_right_arithmetic3A_1127 : vector<16xi32>
    %swap3A_1129 = arith.constant 3 : i32
    %swap3A_1130 = arith.index_cast %swap3A_1129 : i32 to index
    %swap3A_1131 = arith.constant 16 : index
    %swap3A_1132 = tpu.vector_load %arg11[%swap3A_1130, %swap3A_1131] {strides = array<i32>} : memref<4x128xi32, #tpu.memory_space<vmem>>, vector<16xi32>,
    tpu.vector_store %arg11[%swap3A_1130, %swap3A_1131], %shift_right_arithmetic3A_1128 {strides = array<i32>} : memref<4x128xi32, #tpu.memory_space<vmem>>, vector<16xi32>,
    %add3A_1133 = arith.constant 1 : i32
    %add3A_1134 = vector.broadcast %add3A_1133 : i32 to vector<16xi32>
    %add3A_1135 = arith.addi %shift_right_arithmetic3A_1128, %add3A_1134 : vector<16xi32>
    %min3A_1136 = arith.constant 937499 : i32
    %min3A_1137 = vector.broadcast %min3A_1136 : i32 to vector<16xi32>
    %min3A_1138 = arith.minsi %add3A_1135, %min3A_1137 : vector<16xi32>
    %swap3A_1139 = arith.constant 3 : i32
    %swap3A_1140 = arith.index_cast %swap3A_1139 : i32 to index
    %swap3A_1141 = arith.constant 16 : index
    %swap3A_1142 = tpu.vector_load %arg12[%swap3A_1140, %swap3A_1141] {strides = array<i32>} : memref<4x128xi32, #tpu.memory_space<vmem>>, vector<16xi32>,
    tpu.vector_store %arg12[%swap3A_1140, %swap3A_1141], %min3A_1138 {strides = array<i32>} : memref<4x128xi32, #tpu.memory_space<vmem>>, vector<16xi32>,
    %get3A_1143 = arith.constant 416 : index
    %get3A_1144 = tpu.vector_load %arg7[%get3A_1143] {strides = array<i32>} : memref<512xi32, #tpu.memory_space<vmem>>, vector<16xi32>,
    %mul3A_1145 = arith.constant 30 : i32
    %mul3A_1146 = vector.broadcast %mul3A_1145 : i32 to vector<16xi32>
    %mul3A_1147 = arith.muli %get3A_1144, %mul3A_1146 : vector<16xi32>
    %shift_right_arithmetic3A_1148 = arith.constant 5 : i32
    %shift_right_arithmetic3A_1149 = vector.broadcast %shift_right_arithmetic3A_1148 : i32 to vector<16xi32>
    %shift_right_arithmetic3A_1150 = arith.shrsi %mul3A_1147, %shift_right_arithmetic3A_1149 : vector<16xi32>
    %swap3A_1151 = arith.constant 3 : i32
    %swap3A_1152 = arith.index_cast %swap3A_1151 : i32 to index
    %swap3A_1153 = arith.constant 32 : index
    %swap3A_1154 = tpu.vector_load %arg9[%swap3A_1152, %swap3A_1153] {strides = array<i32>} : memref<4x128xi32, #tpu.memory_space<vmem>>, vector<16xi32>,
    tpu.vector_store %arg9[%swap3A_1152, %swap3A_1153], %shift_right_arithmetic3A_1150 {strides = array<i32>} : memref<4x128xi32, #tpu.memory_space<vmem>>, vector<16xi32>,
    %add3A_1155 = arith.constant 1 : i32
    %add3A_1156 = vector.broadcast %add3A_1155 : i32 to vector<16xi32>
    %add3A_1157 = arith.addi %shift_right_arithmetic3A_1150, %add3A_1156 : vector<16xi32>
    %min3A_1158 = arith.constant 937499 : i32
    %min3A_1159 = vector.broadcast %min3A_1158 : i32 to vector<16xi32>
    %min3A_1160 = arith.minsi %add3A_1157, %min3A_1159 : vector<16xi32>
    %swap3A_1161 = arith.constant 3 : i32
    %swap3A_1162 = arith.index_cast %swap3A_1161 : i32 to index
    %swap3A_1163 = arith.constant 32 : index
    %swap3A_1164 = tpu.vector_load %arg10[%swap3A_1162, %swap3A_1163] {strides = array<i32>} : memref<4x128xi32, #tpu.memory_space<vmem>>, vector<16xi32>,
    tpu.vector_store %arg10[%swap3A_1162, %swap3A_1163], %min3A_1160 {strides = array<i32>} : memref<4x128xi32, #tpu.memory_space<vmem>>, vector<16xi32>,
    %get3A_1165 = arith.constant 416 : index
    %get3A_1166 = tpu.vector_load %arg8[%get3A_1165] {strides = array<i32>} : memref<512xi32, #tpu.memory_space<vmem>>, vector<16xi32>,
    %mul3A_1167 = arith.constant 30 : i32
    %mul3A_1168 = vector.broadcast %mul3A_1167 : i32 to vector<16xi32>
    %mul3A_1169 = arith.muli %get3A_1166, %mul3A_1168 : vector<16xi32>
    %shift_right_arithmetic3A_1170 = arith.constant 5 : i32
    %shift_right_arithmetic3A_1171 = vector.broadcast %shift_right_arithmetic3A_1170 : i32 to vector<16xi32>
    %shift_right_arithmetic3A_1172 = arith.shrsi %mul3A_1169, %shift_right_arithmetic3A_1171 : vector<16xi32>
    %swap3A_1173 = arith.constant 3 : i32
    %swap3A_1174 = arith.index_cast %swap3A_1173 : i32 to index
    %swap3A_1175 = arith.constant 32 : index
    %swap3A_1176 = tpu.vector_load %arg11[%swap3A_1174, %swap3A_1175] {strides = array<i32>} : memref<4x128xi32, #tpu.memory_space<vmem>>, vector<16xi32>,
    tpu.vector_store %arg11[%swap3A_1174, %swap3A_1175], %shift_right_arithmetic3A_1172 {strides = array<i32>} : memref<4x128xi32, #tpu.memory_space<vmem>>, vector<16xi32>,
    %add3A_1177 = arith.constant 1 : i32
    %add3A_1178 = vector.broadcast %add3A_1177 : i32 to vector<16xi32>
    %add3A_1179 = arith.addi %shift_right_arithmetic3A_1172, %add3A_1178 : vector<16xi32>
    %min3A_1180 = arith.constant 937499 : i32
    %min3A_1181 = vector.broadcast %min3A_1180 : i32 to vector<16xi32>
    %min3A_1182 = arith.minsi %add3A_1179, %min3A_1181 : vector<16xi32>
    %swap3A_1183 = arith.constant 3 : i32
    %swap3A_1184 = arith.index_cast %swap3A_1183 : i32 to index
    %swap3A_1185 = arith.constant 32 : index
    %swap3A_1186 = tpu.vector_load %arg12[%swap3A_1184, %swap3A_1185] {strides = array<i32>} : memref<4x128xi32, #tpu.memory_space<vmem>>, vector<16xi32>,
    tpu.vector_store %arg12[%swap3A_1184, %swap3A_1185], %min3A_1182 {strides = array<i32>} : memref<4x128xi32, #tpu.memory_space<vmem>>, vector<16xi32>,
    %get3A_1187 = arith.constant 432 : index
    %get3A_1188 = tpu.vector_load %arg7[%get3A_1187] {strides = array<i32>} : memref<512xi32, #tpu.memory_space<vmem>>, vector<16xi32>,
    %mul3A_1189 = arith.constant 30 : i32
    %mul3A_1190 = vector.broadcast %mul3A_1189 : i32 to vector<16xi32>
    %mul3A_1191 = arith.muli %get3A_1188, %mul3A_1190 : vector<16xi32>
    %shift_right_arithmetic3A_1192 = arith.constant 5 : i32
    %shift_right_arithmetic3A_1193 = vector.broadcast %shift_right_arithmetic3A_1192 : i32 to vector<16xi32>
    %shift_right_arithmetic3A_1194 = arith.shrsi %mul3A_1191, %shift_right_arithmetic3A_1193 : vector<16xi32>
    %swap3A_1195 = arith.constant 3 : i32
    %swap3A_1196 = arith.index_cast %swap3A_1195 : i32 to index
    %swap3A_1197 = arith.constant 48 : index
    %swap3A_1198 = tpu.vector_load %arg9[%swap3A_1196, %swap3A_1197] {strides = array<i32>} : memref<4x128xi32, #tpu.memory_space<vmem>>, vector<16xi32>,
    tpu.vector_store %arg9[%swap3A_1196, %swap3A_1197], %shift_right_arithmetic3A_1194 {strides = array<i32>} : memref<4x128xi32, #tpu.memory_space<vmem>>, vector<16xi32>,
    %add3A_1199 = arith.constant 1 : i32
    %add3A_1200 = vector.broadcast %add3A_1199 : i32 to vector<16xi32>
    %add3A_1201 = arith.addi %shift_right_arithmetic3A_1194, %add3A_1200 : vector<16xi32>
    %min3A_1202 = arith.constant 937499 : i32
    %min3A_1203 = vector.broadcast %min3A_1202 : i32 to vector<16xi32>
    %min3A_1204 = arith.minsi %add3A_1201, %min3A_1203 : vector<16xi32>
    %swap3A_1205 = arith.constant 3 : i32
    %swap3A_1206 = arith.index_cast %swap3A_1205 : i32 to index
    %swap3A_1207 = arith.constant 48 : index
    %swap3A_1208 = tpu.vector_load %arg10[%swap3A_1206, %swap3A_1207] {strides = array<i32>} : memref<4x128xi32, #tpu.memory_space<vmem>>, vector<16xi32>,
    tpu.vector_store %arg10[%swap3A_1206, %swap3A_1207], %min3A_1204 {strides = array<i32>} : memref<4x128xi32, #tpu.memory_space<vmem>>, vector<16xi32>,
    %get3A_1209 = arith.constant 432 : index
    %get3A_1210 = tpu.vector_load %arg8[%get3A_1209] {strides = array<i32>} : memref<512xi32, #tpu.memory_space<vmem>>, vector<16xi32>,
    %mul3A_1211 = arith.constant 30 : i32
    %mul3A_1212 = vector.broadcast %mul3A_1211 : i32 to vector<16xi32>
    %mul3A_1213 = arith.muli %get3A_1210, %mul3A_1212 : vector<16xi32>
    %shift_right_arithmetic3A_1214 = arith.constant 5 : i32
    %shift_right_arithmetic3A_1215 = vector.broadcast %shift_right_arithmetic3A_1214 : i32 to vector<16xi32>
    %shift_right_arithmetic3A_1216 = arith.shrsi %mul3A_1213, %shift_right_arithmetic3A_1215 : vector<16xi32>
    %swap3A_1217 = arith.constant 3 : i32
    %swap3A_1218 = arith.index_cast %swap3A_1217 : i32 to index
    %swap3A_1219 = arith.constant 48 : index
    %swap3A_1220 = tpu.vector_load %arg11[%swap3A_1218, %swap3A_1219] {strides = array<i32>} : memref<4x128xi32, #tpu.memory_space<vmem>>, vector<16xi32>,
    tpu.vector_store %arg11[%swap3A_1218, %swap3A_1219], %shift_right_arithmetic3A_1216 {strides = array<i32>} : memref<4x128xi32, #tpu.memory_space<vmem>>, vector<16xi32>,
    %add3A_1221 = arith.constant 1 : i32
    %add3A_1222 = vector.broadcast %add3A_1221 : i32 to vector<16xi32>
    %add3A_1223 = arith.addi %shift_right_arithmetic3A_1216, %add3A_1222 : vector<16xi32>
    %min3A_1224 = arith.constant 937499 : i32
    %min3A_1225 = vector.broadcast %min3A_1224 : i32 to vector<16xi32>
    %min3A_1226 = arith.minsi %add3A_1223, %min3A_1225 : vector<16xi32>
    %swap3A_1227 = arith.constant 3 : i32
    %swap3A_1228 = arith.index_cast %swap3A_1227 : i32 to index
    %swap3A_1229 = arith.constant 48 : index
    %swap3A_1230 = tpu.vector_load %arg12[%swap3A_1228, %swap3A_1229] {strides = array<i32>} : memref<4x128xi32, #tpu.memory_space<vmem>>, vector<16xi32>,
    tpu.vector_store %arg12[%swap3A_1228, %swap3A_1229], %min3A_1226 {strides = array<i32>} : memref<4x128xi32, #tpu.memory_space<vmem>>, vector<16xi32>,
    %get3A_1231 = arith.constant 448 : index
    %get3A_1232 = tpu.vector_load %arg7[%get3A_1231] {strides = array<i32>} : memref<512xi32, #tpu.memory_space<vmem>>, vector<16xi32>,
    %mul3A_1233 = arith.constant 30 : i32
    %mul3A_1234 = vector.broadcast %mul3A_1233 : i32 to vector<16xi32>
    %mul3A_1235 = arith.muli %get3A_1232, %mul3A_1234 : vector<16xi32>
    %shift_right_arithmetic3A_1236 = arith.constant 5 : i32
    %shift_right_arithmetic3A_1237 = vector.broadcast %shift_right_arithmetic3A_1236 : i32 to vector<16xi32>
    %shift_right_arithmetic3A_1238 = arith.shrsi %mul3A_1235, %shift_right_arithmetic3A_1237 : vector<16xi32>
    %swap3A_1239 = arith.constant 3 : i32
    %swap3A_1240 = arith.index_cast %swap3A_1239 : i32 to index
    %swap3A_1241 = arith.constant 64 : index
    %swap3A_1242 = tpu.vector_load %arg9[%swap3A_1240, %swap3A_1241] {strides = array<i32>} : memref<4x128xi32, #tpu.memory_space<vmem>>, vector<16xi32>,
    tpu.vector_store %arg9[%swap3A_1240, %swap3A_1241], %shift_right_arithmetic3A_1238 {strides = array<i32>} : memref<4x128xi32, #tpu.memory_space<vmem>>, vector<16xi32>,
    %add3A_1243 = arith.constant 1 : i32
    %add3A_1244 = vector.broadcast %add3A_1243 : i32 to vector<16xi32>
    %add3A_1245 = arith.addi %shift_right_arithmetic3A_1238, %add3A_1244 : vector<16xi32>
    %min3A_1246 = arith.constant 937499 : i32
    %min3A_1247 = vector.broadcast %min3A_1246 : i32 to vector<16xi32>
    %min3A_1248 = arith.minsi %add3A_1245, %min3A_1247 : vector<16xi32>
    %swap3A_1249 = arith.constant 3 : i32
    %swap3A_1250 = arith.index_cast %swap3A_1249 : i32 to index
    %swap3A_1251 = arith.constant 64 : index
    %swap3A_1252 = tpu.vector_load %arg10[%swap3A_1250, %swap3A_1251] {strides = array<i32>} : memref<4x128xi32, #tpu.memory_space<vmem>>, vector<16xi32>,
    tpu.vector_store %arg10[%swap3A_1250, %swap3A_1251], %min3A_1248 {strides = array<i32>} : memref<4x128xi32, #tpu.memory_space<vmem>>, vector<16xi32>,
    %get3A_1253 = arith.constant 448 : index
    %get3A_1254 = tpu.vector_load %arg8[%get3A_1253] {strides = array<i32>} : memref<512xi32, #tpu.memory_space<vmem>>, vector<16xi32>,
    %mul3A_1255 = arith.constant 30 : i32
    %mul3A_1256 = vector.broadcast %mul3A_1255 : i32 to vector<16xi32>
    %mul3A_1257 = arith.muli %get3A_1254, %mul3A_1256 : vector<16xi32>
    %shift_right_arithmetic3A_1258 = arith.constant 5 : i32
    %shift_right_arithmetic3A_1259 = vector.broadcast %shift_right_arithmetic3A_1258 : i32 to vector<16xi32>
    %shift_right_arithmetic3A_1260 = arith.shrsi %mul3A_1257, %shift_right_arithmetic3A_1259 : vector<16xi32>
    %swap3A_1261 = arith.constant 3 : i32
    %swap3A_1262 = arith.index_cast %swap3A_1261 : i32 to index
    %swap3A_1263 = arith.constant 64 : index
    %swap3A_1264 = tpu.vector_load %arg11[%swap3A_1262, %swap3A_1263] {strides = array<i32>} : memref<4x128xi32, #tpu.memory_space<vmem>>, vector<16xi32>,
    tpu.vector_store %arg11[%swap3A_1262, %swap3A_1263], %shift_right_arithmetic3A_1260 {strides = array<i32>} : memref<4x128xi32, #tpu.memory_space<vmem>>, vector<16xi32>,
    %add3A_1265 = arith.constant 1 : i32
    %add3A_1266 = vector.broadcast %add3A_1265 : i32 to vector<16xi32>
    %add3A_1267 = arith.addi %shift_right_arithmetic3A_1260, %add3A_1266 : vector<16xi32>
    %min3A_1268 = arith.constant 937499 : i32
    %min3A_1269 = vector.broadcast %min3A_1268 : i32 to vector<16xi32>
    %min3A_1270 = arith.minsi %add3A_1267, %min3A_1269 : vector<16xi32>
    %swap3A_1271 = arith.constant 3 : i32
    %swap3A_1272 = arith.index_cast %swap3A_1271 : i32 to index
    %swap3A_1273 = arith.constant 64 : index
    %swap3A_1274 = tpu.vector_load %arg12[%swap3A_1272, %swap3A_1273] {strides = array<i32>} : memref<4x128xi32, #tpu.memory_space<vmem>>, vector<16xi32>,
    tpu.vector_store %arg12[%swap3A_1272, %swap3A_1273], %min3A_1270 {strides = array<i32>} : memref<4x128xi32, #tpu.memory_space<vmem>>, vector<16xi32>,
    %get3A_1275 = arith.constant 464 : index
    %get3A_1276 = tpu.vector_load %arg7[%get3A_1275] {strides = array<i32>} : memref<512xi32, #tpu.memory_space<vmem>>, vector<16xi32>,
    %mul3A_1277 = arith.constant 30 : i32
    %mul3A_1278 = vector.broadcast %mul3A_1277 : i32 to vector<16xi32>
    %mul3A_1279 = arith.muli %get3A_1276, %mul3A_1278 : vector<16xi32>
    %shift_right_arithmetic3A_1280 = arith.constant 5 : i32
    %shift_right_arithmetic3A_1281 = vector.broadcast %shift_right_arithmetic3A_1280 : i32 to vector<16xi32>
    %shift_right_arithmetic3A_1282 = arith.shrsi %mul3A_1279, %shift_right_arithmetic3A_1281 : vector<16xi32>
    %swap3A_1283 = arith.constant 3 : i32
    %swap3A_1284 = arith.index_cast %swap3A_1283 : i32 to index
    %swap3A_1285 = arith.constant 80 : index
    %swap3A_1286 = tpu.vector_load %arg9[%swap3A_1284, %swap3A_1285] {strides = array<i32>} : memref<4x128xi32, #tpu.memory_space<vmem>>, vector<16xi32>,
    tpu.vector_store %arg9[%swap3A_1284, %swap3A_1285], %shift_right_arithmetic3A_1282 {strides = array<i32>} : memref<4x128xi32, #tpu.memory_space<vmem>>, vector<16xi32>,
    %add3A_1287 = arith.constant 1 : i32
    %add3A_1288 = vector.broadcast %add3A_1287 : i32 to vector<16xi32>
    %add3A_1289 = arith.addi %shift_right_arithmetic3A_1282, %add3A_1288 : vector<16xi32>
    %min3A_1290 = arith.constant 937499 : i32
    %min3A_1291 = vector.broadcast %min3A_1290 : i32 to vector<16xi32>
    %min3A_1292 = arith.minsi %add3A_1289, %min3A_1291 : vector<16xi32>
    %swap3A_1293 = arith.constant 3 : i32
    %swap3A_1294 = arith.index_cast %swap3A_1293 : i32 to index
    %swap3A_1295 = arith.constant 80 : index
    %swap3A_1296 = tpu.vector_load %arg10[%swap3A_1294, %swap3A_1295] {strides = array<i32>} : memref<4x128xi32, #tpu.memory_space<vmem>>, vector<16xi32>,
    tpu.vector_store %arg10[%swap3A_1294, %swap3A_1295], %min3A_1292 {strides = array<i32>} : memref<4x128xi32, #tpu.memory_space<vmem>>, vector<16xi32>,
    %get3A_1297 = arith.constant 464 : index
    %get3A_1298 = tpu.vector_load %arg8[%get3A_1297] {strides = array<i32>} : memref<512xi32, #tpu.memory_space<vmem>>, vector<16xi32>,
    %mul3A_1299 = arith.constant 30 : i32
    %mul3A_1300 = vector.broadcast %mul3A_1299 : i32 to vector<16xi32>
    %mul3A_1301 = arith.muli %get3A_1298, %mul3A_1300 : vector<16xi32>
    %shift_right_arithmetic3A_1302 = arith.constant 5 : i32
    %shift_right_arithmetic3A_1303 = vector.broadcast %shift_right_arithmetic3A_1302 : i32 to vector<16xi32>
    %shift_right_arithmetic3A_1304 = arith.shrsi %mul3A_1301, %shift_right_arithmetic3A_1303 : vector<16xi32>
    %swap3A_1305 = arith.constant 3 : i32
    %swap3A_1306 = arith.index_cast %swap3A_1305 : i32 to index
    %swap3A_1307 = arith.constant 80 : index
    %swap3A_1308 = tpu.vector_load %arg11[%swap3A_1306, %swap3A_1307] {strides = array<i32>} : memref<4x128xi32, #tpu.memory_space<vmem>>, vector<16xi32>,
    tpu.vector_store %arg11[%swap3A_1306, %swap3A_1307], %shift_right_arithmetic3A_1304 {strides = array<i32>} : memref<4x128xi32, #tpu.memory_space<vmem>>, vector<16xi32>,
    %add3A_1309 = arith.constant 1 : i32
    %add3A_1310 = vector.broadcast %add3A_1309 : i32 to vector<16xi32>
    %add3A_1311 = arith.addi %shift_right_arithmetic3A_1304, %add3A_1310 : vector<16xi32>
    %min3A_1312 = arith.constant 937499 : i32
    %min3A_1313 = vector.broadcast %min3A_1312 : i32 to vector<16xi32>
    %min3A_1314 = arith.minsi %add3A_1311, %min3A_1313 : vector<16xi32>
    %swap3A_1315 = arith.constant 3 : i32
    %swap3A_1316 = arith.index_cast %swap3A_1315 : i32 to index
    %swap3A_1317 = arith.constant 80 : index
    %swap3A_1318 = tpu.vector_load %arg12[%swap3A_1316, %swap3A_1317] {strides = array<i32>} : memref<4x128xi32, #tpu.memory_space<vmem>>, vector<16xi32>,
    tpu.vector_store %arg12[%swap3A_1316, %swap3A_1317], %min3A_1314 {strides = array<i32>} : memref<4x128xi32, #tpu.memory_space<vmem>>, vector<16xi32>,
    %get3A_1319 = arith.constant 480 : index
    %get3A_1320 = tpu.vector_load %arg7[%get3A_1319] {strides = array<i32>} : memref<512xi32, #tpu.memory_space<vmem>>, vector<16xi32>,
    %mul3A_1321 = arith.constant 30 : i32
    %mul3A_1322 = vector.broadcast %mul3A_1321 : i32 to vector<16xi32>
    %mul3A_1323 = arith.muli %get3A_1320, %mul3A_1322 : vector<16xi32>
    %shift_right_arithmetic3A_1324 = arith.constant 5 : i32
    %shift_right_arithmetic3A_1325 = vector.broadcast %shift_right_arithmetic3A_1324 : i32 to vector<16xi32>
    %shift_right_arithmetic3A_1326 = arith.shrsi %mul3A_1323, %shift_right_arithmetic3A_1325 : vector<16xi32>
    %swap3A_1327 = arith.constant 3 : i32
    %swap3A_1328 = arith.index_cast %swap3A_1327 : i32 to index
    %swap3A_1329 = arith.constant 96 : index
    %swap3A_1330 = tpu.vector_load %arg9[%swap3A_1328, %swap3A_1329] {strides = array<i32>} : memref<4x128xi32, #tpu.memory_space<vmem>>, vector<16xi32>,
    tpu.vector_store %arg9[%swap3A_1328, %swap3A_1329], %shift_right_arithmetic3A_1326 {strides = array<i32>} : memref<4x128xi32, #tpu.memory_space<vmem>>, vector<16xi32>,
    %add3A_1331 = arith.constant 1 : i32
    %add3A_1332 = vector.broadcast %add3A_1331 : i32 to vector<16xi32>
    %add3A_1333 = arith.addi %shift_right_arithmetic3A_1326, %add3A_1332 : vector<16xi32>
    %min3A_1334 = arith.constant 937499 : i32
    %min3A_1335 = vector.broadcast %min3A_1334 : i32 to vector<16xi32>
    %min3A_1336 = arith.minsi %add3A_1333, %min3A_1335 : vector<16xi32>
    %swap3A_1337 = arith.constant 3 : i32
    %swap3A_1338 = arith.index_cast %swap3A_1337 : i32 to index
    %swap3A_1339 = arith.constant 96 : index
    %swap3A_1340 = tpu.vector_load %arg10[%swap3A_1338, %swap3A_1339] {strides = array<i32>} : memref<4x128xi32, #tpu.memory_space<vmem>>, vector<16xi32>,
    tpu.vector_store %arg10[%swap3A_1338, %swap3A_1339], %min3A_1336 {strides = array<i32>} : memref<4x128xi32, #tpu.memory_space<vmem>>, vector<16xi32>,
    %get3A_1341 = arith.constant 480 : index
    %get3A_1342 = tpu.vector_load %arg8[%get3A_1341] {strides = array<i32>} : memref<512xi32, #tpu.memory_space<vmem>>, vector<16xi32>,
    %mul3A_1343 = arith.constant 30 : i32
    %mul3A_1344 = vector.broadcast %mul3A_1343 : i32 to vector<16xi32>
    %mul3A_1345 = arith.muli %get3A_1342, %mul3A_1344 : vector<16xi32>
    %shift_right_arithmetic3A_1346 = arith.constant 5 : i32
    %shift_right_arithmetic3A_1347 = vector.broadcast %shift_right_arithmetic3A_1346 : i32 to vector<16xi32>
    %shift_right_arithmetic3A_1348 = arith.shrsi %mul3A_1345, %shift_right_arithmetic3A_1347 : vector<16xi32>
    %swap3A_1349 = arith.constant 3 : i32
    %swap3A_1350 = arith.index_cast %swap3A_1349 : i32 to index
    %swap3A_1351 = arith.constant 96 : index
    %swap3A_1352 = tpu.vector_load %arg11[%swap3A_1350, %swap3A_1351] {strides = array<i32>} : memref<4x128xi32, #tpu.memory_space<vmem>>, vector<16xi32>,
    tpu.vector_store %arg11[%swap3A_1350, %swap3A_1351], %shift_right_arithmetic3A_1348 {strides = array<i32>} : memref<4x128xi32, #tpu.memory_space<vmem>>, vector<16xi32>,
    %add3A_1353 = arith.constant 1 : i32
    %add3A_1354 = vector.broadcast %add3A_1353 : i32 to vector<16xi32>
    %add3A_1355 = arith.addi %shift_right_arithmetic3A_1348, %add3A_1354 : vector<16xi32>
    %min3A_1356 = arith.constant 937499 : i32
    %min3A_1357 = vector.broadcast %min3A_1356 : i32 to vector<16xi32>
    %min3A_1358 = arith.minsi %add3A_1355, %min3A_1357 : vector<16xi32>
    %swap3A_1359 = arith.constant 3 : i32
    %swap3A_1360 = arith.index_cast %swap3A_1359 : i32 to index
    %swap3A_1361 = arith.constant 96 : index
    %swap3A_1362 = tpu.vector_load %arg12[%swap3A_1360, %swap3A_1361] {strides = array<i32>} : memref<4x128xi32, #tpu.memory_space<vmem>>, vector<16xi32>,
    tpu.vector_store %arg12[%swap3A_1360, %swap3A_1361], %min3A_1358 {strides = array<i32>} : memref<4x128xi32, #tpu.memory_space<vmem>>, vector<16xi32>,
    %get3A_1363 = arith.constant 496 : index
    %get3A_1364 = tpu.vector_load %arg7[%get3A_1363] {strides = array<i32>} : memref<512xi32, #tpu.memory_space<vmem>>, vector<16xi32>,
    %mul3A_1365 = arith.constant 30 : i32
    %mul3A_1366 = vector.broadcast %mul3A_1365 : i32 to vector<16xi32>
    %mul3A_1367 = arith.muli %get3A_1364, %mul3A_1366 : vector<16xi32>
    %shift_right_arithmetic3A_1368 = arith.constant 5 : i32
    %shift_right_arithmetic3A_1369 = vector.broadcast %shift_right_arithmetic3A_1368 : i32 to vector<16xi32>
    %shift_right_arithmetic3A_1370 = arith.shrsi %mul3A_1367, %shift_right_arithmetic3A_1369 : vector<16xi32>
    %swap3A_1371 = arith.constant 3 : i32
    %swap3A_1372 = arith.index_cast %swap3A_1371 : i32 to index
    %swap3A_1373 = arith.constant 112 : index
    %swap3A_1374 = tpu.vector_load %arg9[%swap3A_1372, %swap3A_1373] {strides = array<i32>} : memref<4x128xi32, #tpu.memory_space<vmem>>, vector<16xi32>,
    tpu.vector_store %arg9[%swap3A_1372, %swap3A_1373], %shift_right_arithmetic3A_1370 {strides = array<i32>} : memref<4x128xi32, #tpu.memory_space<vmem>>, vector<16xi32>,
    %add3A_1375 = arith.constant 1 : i32
    %add3A_1376 = vector.broadcast %add3A_1375 : i32 to vector<16xi32>
    %add3A_1377 = arith.addi %shift_right_arithmetic3A_1370, %add3A_1376 : vector<16xi32>
    %min3A_1378 = arith.constant 937499 : i32
    %min3A_1379 = vector.broadcast %min3A_1378 : i32 to vector<16xi32>
    %min3A_1380 = arith.minsi %add3A_1377, %min3A_1379 : vector<16xi32>
    %swap3A_1381 = arith.constant 3 : i32
    %swap3A_1382 = arith.index_cast %swap3A_1381 : i32 to index
    %swap3A_1383 = arith.constant 112 : index
    %swap3A_1384 = tpu.vector_load %arg10[%swap3A_1382, %swap3A_1383] {strides = array<i32>} : memref<4x128xi32, #tpu.memory_space<vmem>>, vector<16xi32>,
    tpu.vector_store %arg10[%swap3A_1382, %swap3A_1383], %min3A_1380 {strides = array<i32>} : memref<4x128xi32, #tpu.memory_space<vmem>>, vector<16xi32>,
    %get3A_1385 = arith.constant 496 : index
    %get3A_1386 = tpu.vector_load %arg8[%get3A_1385] {strides = array<i32>} : memref<512xi32, #tpu.memory_space<vmem>>, vector<16xi32>,
    %mul3A_1387 = arith.constant 30 : i32
    %mul3A_1388 = vector.broadcast %mul3A_1387 : i32 to vector<16xi32>
    %mul3A_1389 = arith.muli %get3A_1386, %mul3A_1388 : vector<16xi32>
    %shift_right_arithmetic3A_1390 = arith.constant 5 : i32
    %shift_right_arithmetic3A_1391 = vector.broadcast %shift_right_arithmetic3A_1390 : i32 to vector<16xi32>
    %shift_right_arithmetic3A_1392 = arith.shrsi %mul3A_1389, %shift_right_arithmetic3A_1391 : vector<16xi32>
    %swap3A_1393 = arith.constant 3 : i32
    %swap3A_1394 = arith.index_cast %swap3A_1393 : i32 to index
    %swap3A_1395 = arith.constant 112 : index
    %swap3A_1396 = tpu.vector_load %arg11[%swap3A_1394, %swap3A_1395] {strides = array<i32>} : memref<4x128xi32, #tpu.memory_space<vmem>>, vector<16xi32>,
    tpu.vector_store %arg11[%swap3A_1394, %swap3A_1395], %shift_right_arithmetic3A_1392 {strides = array<i32>} : memref<4x128xi32, #tpu.memory_space<vmem>>, vector<16xi32>,
    %add3A_1397 = arith.constant 1 : i32
    %add3A_1398 = vector.broadcast %add3A_1397 : i32 to vector<16xi32>
    %add3A_1399 = arith.addi %shift_right_arithmetic3A_1392, %add3A_1398 : vector<16xi32>
    %min3A_1400 = arith.constant 937499 : i32
    %min3A_1401 = vector.broadcast %min3A_1400 : i32 to vector<16xi32>
    %min3A_1402 = arith.minsi %add3A_1399, %min3A_1401 : vector<16xi32>
    %swap3A_1403 = arith.constant 3 : i32
    %swap3A_1404 = arith.index_cast %swap3A_1403 : i32 to index
    %swap3A_1405 = arith.constant 112 : index
    %swap3A_1406 = tpu.vector_load %arg12[%swap3A_1404, %swap3A_1405] {strides = array<i32>} : memref<4x128xi32, #tpu.memory_space<vmem>>, vector<16xi32>,
    tpu.vector_store %arg12[%swap3A_1404, %swap3A_1405], %min3A_1402 {strides = array<i32>} : memref<4x128xi32, #tpu.memory_space<vmem>>, vector<16xi32>,
    %dma_start3A = arith.constant 0 : i32
    %dma_start3A_1407 = arith.constant 0 : i32
    %dma_start3A_1408 = arith.constant 0 : i32
    %dma_start3A_1409 = tpu.memref_slice %arg13[%dma_start3A_1407, %dma_start3A_1408] : memref<1024x32xf32, #tpu.memory_space<vmem>> -> memref<128x32xf32, #tpu.memory_space<vmem>>
    %dma_start3A_1410 = arith.constant 0 : i32
    %dma_start3A_1411 = tpu.memref_slice %arg9[%dma_start3A, %dma_start3A_1410] : memref<4x128xi32, #tpu.memory_space<vmem>> -> memref<1x128xi32, #tpu.memory_space<vmem>>
    %dma_start3A_1412 = tpu.memref_squeeze %dma_start3A_1411 : memref<1x128xi32, #tpu.memory_space<vmem>> -> memref<128xi32, #tpu.memory_space<vmem>>
    %dma_start3A_1413 = arith.constant 0 : i32
    %dma_start3A_1414 = arith.constant 0 : i32
    %dma_start3A_1415 = tpu.memref_slice %arg4[%dma_start3A_1413, %dma_start3A_1414] : memref<937500x32xf32, #tpu.memory_space<hbm>> -> memref<937500x32xf32, #tpu.memory_space<hbm>>
    tpu.enqueue_indirect_dma source(%dma_start3A_1415 : memref<937500x32xf32, #tpu.memory_space<hbm>>) target(%dma_start3A_1409 : memref<128x32xf32, #tpu.memory_space<vmem>>) offsets(%dma_start3A_1412 : memref<128xi32, #tpu.memory_space<vmem>>) semaphore(%arg16 : memref<!tpu.dma_semaphore, #tpu.memory_space<semaphore_mem>>)
    %dma_start3A_1416 = arith.constant 0 : i32
    %dma_start3A_1417 = arith.constant 512 : i32
    %dma_start3A_1418 = arith.constant 0 : i32
    %dma_start3A_1419 = tpu.memref_slice %arg13[%dma_start3A_1417, %dma_start3A_1418] : memref<1024x32xf32, #tpu.memory_space<vmem>> -> memref<128x32xf32, #tpu.memory_space<vmem>>
    %dma_start3A_1420 = arith.constant 0 : i32
    %dma_start3A_1421 = tpu.memref_slice %arg10[%dma_start3A_1416, %dma_start3A_1420] : memref<4x128xi32, #tpu.memory_space<vmem>> -> memref<1x128xi32, #tpu.memory_space<vmem>>
    %dma_start3A_1422 = tpu.memref_squeeze %dma_start3A_1421 : memref<1x128xi32, #tpu.memory_space<vmem>> -> memref<128xi32, #tpu.memory_space<vmem>>
    %dma_start3A_1423 = arith.constant 0 : i32
    %dma_start3A_1424 = arith.constant 0 : i32
    %dma_start3A_1425 = tpu.memref_slice %arg4[%dma_start3A_1423, %dma_start3A_1424] : memref<937500x32xf32, #tpu.memory_space<hbm>> -> memref<937500x32xf32, #tpu.memory_space<hbm>>
    tpu.enqueue_indirect_dma source(%dma_start3A_1425 : memref<937500x32xf32, #tpu.memory_space<hbm>>) target(%dma_start3A_1419 : memref<128x32xf32, #tpu.memory_space<vmem>>) offsets(%dma_start3A_1422 : memref<128xi32, #tpu.memory_space<vmem>>) semaphore(%arg16 : memref<!tpu.dma_semaphore, #tpu.memory_space<semaphore_mem>>)
    %dma_start3A_1426 = arith.constant 0 : i32
    %dma_start3A_1427 = arith.constant 0 : i32
    %dma_start3A_1428 = arith.constant 0 : i32
    %dma_start3A_1429 = tpu.memref_slice %arg14[%dma_start3A_1427, %dma_start3A_1428] : memref<1024x32xf32, #tpu.memory_space<vmem>> -> memref<128x32xf32, #tpu.memory_space<vmem>>
    %dma_start3A_1430 = arith.constant 0 : i32
    %dma_start3A_1431 = tpu.memref_slice %arg11[%dma_start3A_1426, %dma_start3A_1430] : memref<4x128xi32, #tpu.memory_space<vmem>> -> memref<1x128xi32, #tpu.memory_space<vmem>>
    %dma_start3A_1432 = tpu.memref_squeeze %dma_start3A_1431 : memref<1x128xi32, #tpu.memory_space<vmem>> -> memref<128xi32, #tpu.memory_space<vmem>>
    %dma_start3A_1433 = arith.constant 0 : i32
    %dma_start3A_1434 = arith.constant 0 : i32
    %dma_start3A_1435 = tpu.memref_slice %arg5[%dma_start3A_1433, %dma_start3A_1434] : memref<937500x32xf32, #tpu.memory_space<hbm>> -> memref<937500x32xf32, #tpu.memory_space<hbm>>
    tpu.enqueue_indirect_dma source(%dma_start3A_1435 : memref<937500x32xf32, #tpu.memory_space<hbm>>) target(%dma_start3A_1429 : memref<128x32xf32, #tpu.memory_space<vmem>>) offsets(%dma_start3A_1432 : memref<128xi32, #tpu.memory_space<vmem>>) semaphore(%arg16 : memref<!tpu.dma_semaphore, #tpu.memory_space<semaphore_mem>>)
    %dma_start3A_1436 = arith.constant 0 : i32
    %dma_start3A_1437 = arith.constant 512 : i32
    %dma_start3A_1438 = arith.constant 0 : i32
    %dma_start3A_1439 = tpu.memref_slice %arg14[%dma_start3A_1437, %dma_start3A_1438] : memref<1024x32xf32, #tpu.memory_space<vmem>> -> memref<128x32xf32, #tpu.memory_space<vmem>>
    %dma_start3A_1440 = arith.constant 0 : i32
    %dma_start3A_1441 = tpu.memref_slice %arg12[%dma_start3A_1436, %dma_start3A_1440] : memref<4x128xi32, #tpu.memory_space<vmem>> -> memref<1x128xi32, #tpu.memory_space<vmem>>
    %dma_start3A_1442 = tpu.memref_squeeze %dma_start3A_1441 : memref<1x128xi32, #tpu.memory_space<vmem>> -> memref<128xi32, #tpu.memory_space<vmem>>
    %dma_start3A_1443 = arith.constant 0 : i32
    %dma_start3A_1444 = arith.constant 0 : i32
    %dma_start3A_1445 = tpu.memref_slice %arg5[%dma_start3A_1443, %dma_start3A_1444] : memref<937500x32xf32, #tpu.memory_space<hbm>> -> memref<937500x32xf32, #tpu.memory_space<hbm>>
    tpu.enqueue_indirect_dma source(%dma_start3A_1445 : memref<937500x32xf32, #tpu.memory_space<hbm>>) target(%dma_start3A_1439 : memref<128x32xf32, #tpu.memory_space<vmem>>) offsets(%dma_start3A_1442 : memref<128xi32, #tpu.memory_space<vmem>>) semaphore(%arg16 : memref<!tpu.dma_semaphore, #tpu.memory_space<semaphore_mem>>)
    %dma_start3A_1446 = arith.constant 1 : i32
    %dma_start3A_1447 = arith.constant 128 : i32
    %dma_start3A_1448 = arith.constant 0 : i32
    %dma_start3A_1449 = tpu.memref_slice %arg13[%dma_start3A_1447, %dma_start3A_1448] : memref<1024x32xf32, #tpu.memory_space<vmem>> -> memref<128x32xf32, #tpu.memory_space<vmem>>
    %dma_start3A_1450 = arith.constant 0 : i32
    %dma_start3A_1451 = tpu.memref_slice %arg9[%dma_start3A_1446, %dma_start3A_1450] : memref<4x128xi32, #tpu.memory_space<vmem>> -> memref<1x128xi32, #tpu.memory_space<vmem>>
    %dma_start3A_1452 = tpu.memref_squeeze %dma_start3A_1451 : memref<1x128xi32, #tpu.memory_space<vmem>> -> memref<128xi32, #tpu.memory_space<vmem>>
    %dma_start3A_1453 = arith.constant 0 : i32
    %dma_start3A_1454 = arith.constant 0 : i32
    %dma_start3A_1455 = tpu.memref_slice %arg4[%dma_start3A_1453, %dma_start3A_1454] : memref<937500x32xf32, #tpu.memory_space<hbm>> -> memref<937500x32xf32, #tpu.memory_space<hbm>>
    tpu.enqueue_indirect_dma source(%dma_start3A_1455 : memref<937500x32xf32, #tpu.memory_space<hbm>>) target(%dma_start3A_1449 : memref<128x32xf32, #tpu.memory_space<vmem>>) offsets(%dma_start3A_1452 : memref<128xi32, #tpu.memory_space<vmem>>) semaphore(%arg16 : memref<!tpu.dma_semaphore, #tpu.memory_space<semaphore_mem>>)
    %dma_start3A_1456 = arith.constant 1 : i32
    %dma_start3A_1457 = arith.constant 640 : i32
    %dma_start3A_1458 = arith.constant 0 : i32
    %dma_start3A_1459 = tpu.memref_slice %arg13[%dma_start3A_1457, %dma_start3A_1458] : memref<1024x32xf32, #tpu.memory_space<vmem>> -> memref<128x32xf32, #tpu.memory_space<vmem>>
    %dma_start3A_1460 = arith.constant 0 : i32
    %dma_start3A_1461 = tpu.memref_slice %arg10[%dma_start3A_1456, %dma_start3A_1460] : memref<4x128xi32, #tpu.memory_space<vmem>> -> memref<1x128xi32, #tpu.memory_space<vmem>>
    %dma_start3A_1462 = tpu.memref_squeeze %dma_start3A_1461 : memref<1x128xi32, #tpu.memory_space<vmem>> -> memref<128xi32, #tpu.memory_space<vmem>>
    %dma_start3A_1463 = arith.constant 0 : i32
    %dma_start3A_1464 = arith.constant 0 : i32
    %dma_start3A_1465 = tpu.memref_slice %arg4[%dma_start3A_1463, %dma_start3A_1464] : memref<937500x32xf32, #tpu.memory_space<hbm>> -> memref<937500x32xf32, #tpu.memory_space<hbm>>
    tpu.enqueue_indirect_dma source(%dma_start3A_1465 : memref<937500x32xf32, #tpu.memory_space<hbm>>) target(%dma_start3A_1459 : memref<128x32xf32, #tpu.memory_space<vmem>>) offsets(%dma_start3A_1462 : memref<128xi32, #tpu.memory_space<vmem>>) semaphore(%arg16 : memref<!tpu.dma_semaphore, #tpu.memory_space<semaphore_mem>>)
    %dma_start3A_1466 = arith.constant 1 : i32
    %dma_start3A_1467 = arith.constant 128 : i32
    %dma_start3A_1468 = arith.constant 0 : i32
    %dma_start3A_1469 = tpu.memref_slice %arg14[%dma_start3A_1467, %dma_start3A_1468] : memref<1024x32xf32, #tpu.memory_space<vmem>> -> memref<128x32xf32, #tpu.memory_space<vmem>>
    %dma_start3A_1470 = arith.constant 0 : i32
    %dma_start3A_1471 = tpu.memref_slice %arg11[%dma_start3A_1466, %dma_start3A_1470] : memref<4x128xi32, #tpu.memory_space<vmem>> -> memref<1x128xi32, #tpu.memory_space<vmem>>
    %dma_start3A_1472 = tpu.memref_squeeze %dma_start3A_1471 : memref<1x128xi32, #tpu.memory_space<vmem>> -> memref<128xi32, #tpu.memory_space<vmem>>
    %dma_start3A_1473 = arith.constant 0 : i32
    %dma_start3A_1474 = arith.constant 0 : i32
    %dma_start3A_1475 = tpu.memref_slice %arg5[%dma_start3A_1473, %dma_start3A_1474] : memref<937500x32xf32, #tpu.memory_space<hbm>> -> memref<937500x32xf32, #tpu.memory_space<hbm>>
    tpu.enqueue_indirect_dma source(%dma_start3A_1475 : memref<937500x32xf32, #tpu.memory_space<hbm>>) target(%dma_start3A_1469 : memref<128x32xf32, #tpu.memory_space<vmem>>) offsets(%dma_start3A_1472 : memref<128xi32, #tpu.memory_space<vmem>>) semaphore(%arg16 : memref<!tpu.dma_semaphore, #tpu.memory_space<semaphore_mem>>)
    %dma_start3A_1476 = arith.constant 1 : i32
    %dma_start3A_1477 = arith.constant 640 : i32
    %dma_start3A_1478 = arith.constant 0 : i32
    %dma_start3A_1479 = tpu.memref_slice %arg14[%dma_start3A_1477, %dma_start3A_1478] : memref<1024x32xf32, #tpu.memory_space<vmem>> -> memref<128x32xf32, #tpu.memory_space<vmem>>
    %dma_start3A_1480 = arith.constant 0 : i32
    %dma_start3A_1481 = tpu.memref_slice %arg12[%dma_start3A_1476, %dma_start3A_1480] : memref<4x128xi32, #tpu.memory_space<vmem>> -> memref<1x128xi32, #tpu.memory_space<vmem>>
    %dma_start3A_1482 = tpu.memref_squeeze %dma_start3A_1481 : memref<1x128xi32, #tpu.memory_space<vmem>> -> memref<128xi32, #tpu.memory_space<vmem>>
    %dma_start3A_1483 = arith.constant 0 : i32
    %dma_start3A_1484 = arith.constant 0 : i32
    %dma_start3A_1485 = tpu.memref_slice %arg5[%dma_start3A_1483, %dma_start3A_1484] : memref<937500x32xf32, #tpu.memory_space<hbm>> -> memref<937500x32xf32, #tpu.memory_space<hbm>>
    tpu.enqueue_indirect_dma source(%dma_start3A_1485 : memref<937500x32xf32, #tpu.memory_space<hbm>>) target(%dma_start3A_1479 : memref<128x32xf32, #tpu.memory_space<vmem>>) offsets(%dma_start3A_1482 : memref<128xi32, #tpu.memory_space<vmem>>) semaphore(%arg16 : memref<!tpu.dma_semaphore, #tpu.memory_space<semaphore_mem>>)
    %dma_start3A_1486 = arith.constant 2 : i32
    %dma_start3A_1487 = arith.constant 256 : i32
    %dma_start3A_1488 = arith.constant 0 : i32
    %dma_start3A_1489 = tpu.memref_slice %arg13[%dma_start3A_1487, %dma_start3A_1488] : memref<1024x32xf32, #tpu.memory_space<vmem>> -> memref<128x32xf32, #tpu.memory_space<vmem>>
    %dma_start3A_1490 = arith.constant 0 : i32
    %dma_start3A_1491 = tpu.memref_slice %arg9[%dma_start3A_1486, %dma_start3A_1490] : memref<4x128xi32, #tpu.memory_space<vmem>> -> memref<1x128xi32, #tpu.memory_space<vmem>>
    %dma_start3A_1492 = tpu.memref_squeeze %dma_start3A_1491 : memref<1x128xi32, #tpu.memory_space<vmem>> -> memref<128xi32, #tpu.memory_space<vmem>>
    %dma_start3A_1493 = arith.constant 0 : i32
    %dma_start3A_1494 = arith.constant 0 : i32
    %dma_start3A_1495 = tpu.memref_slice %arg4[%dma_start3A_1493, %dma_start3A_1494] : memref<937500x32xf32, #tpu.memory_space<hbm>> -> memref<937500x32xf32, #tpu.memory_space<hbm>>
    tpu.enqueue_indirect_dma source(%dma_start3A_1495 : memref<937500x32xf32, #tpu.memory_space<hbm>>) target(%dma_start3A_1489 : memref<128x32xf32, #tpu.memory_space<vmem>>) offsets(%dma_start3A_1492 : memref<128xi32, #tpu.memory_space<vmem>>) semaphore(%arg16 : memref<!tpu.dma_semaphore, #tpu.memory_space<semaphore_mem>>)
    %dma_start3A_1496 = arith.constant 2 : i32
    %dma_start3A_1497 = arith.constant 768 : i32
    %dma_start3A_1498 = arith.constant 0 : i32
    %dma_start3A_1499 = tpu.memref_slice %arg13[%dma_start3A_1497, %dma_start3A_1498] : memref<1024x32xf32, #tpu.memory_space<vmem>> -> memref<128x32xf32, #tpu.memory_space<vmem>>
    %dma_start3A_1500 = arith.constant 0 : i32
    %dma_start3A_1501 = tpu.memref_slice %arg10[%dma_start3A_1496, %dma_start3A_1500] : memref<4x128xi32, #tpu.memory_space<vmem>> -> memref<1x128xi32, #tpu.memory_space<vmem>>
    %dma_start3A_1502 = tpu.memref_squeeze %dma_start3A_1501 : memref<1x128xi32, #tpu.memory_space<vmem>> -> memref<128xi32, #tpu.memory_space<vmem>>
    %dma_start3A_1503 = arith.constant 0 : i32
    %dma_start3A_1504 = arith.constant 0 : i32
    %dma_start3A_1505 = tpu.memref_slice %arg4[%dma_start3A_1503, %dma_start3A_1504] : memref<937500x32xf32, #tpu.memory_space<hbm>> -> memref<937500x32xf32, #tpu.memory_space<hbm>>
    tpu.enqueue_indirect_dma source(%dma_start3A_1505 : memref<937500x32xf32, #tpu.memory_space<hbm>>) target(%dma_start3A_1499 : memref<128x32xf32, #tpu.memory_space<vmem>>) offsets(%dma_start3A_1502 : memref<128xi32, #tpu.memory_space<vmem>>) semaphore(%arg16 : memref<!tpu.dma_semaphore, #tpu.memory_space<semaphore_mem>>)
    %dma_start3A_1506 = arith.constant 2 : i32
    %dma_start3A_1507 = arith.constant 256 : i32
    %dma_start3A_1508 = arith.constant 0 : i32
    %dma_start3A_1509 = tpu.memref_slice %arg14[%dma_start3A_1507, %dma_start3A_1508] : memref<1024x32xf32, #tpu.memory_space<vmem>> -> memref<128x32xf32, #tpu.memory_space<vmem>>
    %dma_start3A_1510 = arith.constant 0 : i32
    %dma_start3A_1511 = tpu.memref_slice %arg11[%dma_start3A_1506, %dma_start3A_1510] : memref<4x128xi32, #tpu.memory_space<vmem>> -> memref<1x128xi32, #tpu.memory_space<vmem>>
    %dma_start3A_1512 = tpu.memref_squeeze %dma_start3A_1511 : memref<1x128xi32, #tpu.memory_space<vmem>> -> memref<128xi32, #tpu.memory_space<vmem>>
    %dma_start3A_1513 = arith.constant 0 : i32
    %dma_start3A_1514 = arith.constant 0 : i32
    %dma_start3A_1515 = tpu.memref_slice %arg5[%dma_start3A_1513, %dma_start3A_1514] : memref<937500x32xf32, #tpu.memory_space<hbm>> -> memref<937500x32xf32, #tpu.memory_space<hbm>>
    tpu.enqueue_indirect_dma source(%dma_start3A_1515 : memref<937500x32xf32, #tpu.memory_space<hbm>>) target(%dma_start3A_1509 : memref<128x32xf32, #tpu.memory_space<vmem>>) offsets(%dma_start3A_1512 : memref<128xi32, #tpu.memory_space<vmem>>) semaphore(%arg16 : memref<!tpu.dma_semaphore, #tpu.memory_space<semaphore_mem>>)
    %dma_start3A_1516 = arith.constant 2 : i32
    %dma_start3A_1517 = arith.constant 768 : i32
    %dma_start3A_1518 = arith.constant 0 : i32
    %dma_start3A_1519 = tpu.memref_slice %arg14[%dma_start3A_1517, %dma_start3A_1518] : memref<1024x32xf32, #tpu.memory_space<vmem>> -> memref<128x32xf32, #tpu.memory_space<vmem>>
    %dma_start3A_1520 = arith.constant 0 : i32
    %dma_start3A_1521 = tpu.memref_slice %arg12[%dma_start3A_1516, %dma_start3A_1520] : memref<4x128xi32, #tpu.memory_space<vmem>> -> memref<1x128xi32, #tpu.memory_space<vmem>>
    %dma_start3A_1522 = tpu.memref_squeeze %dma_start3A_1521 : memref<1x128xi32, #tpu.memory_space<vmem>> -> memref<128xi32, #tpu.memory_space<vmem>>
    %dma_start3A_1523 = arith.constant 0 : i32
    %dma_start3A_1524 = arith.constant 0 : i32
    %dma_start3A_1525 = tpu.memref_slice %arg5[%dma_start3A_1523, %dma_start3A_1524] : memref<937500x32xf32, #tpu.memory_space<hbm>> -> memref<937500x32xf32, #tpu.memory_space<hbm>>
    tpu.enqueue_indirect_dma source(%dma_start3A_1525 : memref<937500x32xf32, #tpu.memory_space<hbm>>) target(%dma_start3A_1519 : memref<128x32xf32, #tpu.memory_space<vmem>>) offsets(%dma_start3A_1522 : memref<128xi32, #tpu.memory_space<vmem>>) semaphore(%arg16 : memref<!tpu.dma_semaphore, #tpu.memory_space<semaphore_mem>>)
    %dma_start3A_1526 = arith.constant 3 : i32
    %dma_start3A_1527 = arith.constant 384 : i32
    %dma_start3A_1528 = arith.constant 0 : i32
    %dma_start3A_1529 = tpu.memref_slice %arg13[%dma_start3A_1527, %dma_start3A_1528] : memref<1024x32xf32, #tpu.memory_space<vmem>> -> memref<128x32xf32, #tpu.memory_space<vmem>>
    %dma_start3A_1530 = arith.constant 0 : i32
    %dma_start3A_1531 = tpu.memref_slice %arg9[%dma_start3A_1526, %dma_start3A_1530] : memref<4x128xi32, #tpu.memory_space<vmem>> -> memref<1x128xi32, #tpu.memory_space<vmem>>
    %dma_start3A_1532 = tpu.memref_squeeze %dma_start3A_1531 : memref<1x128xi32, #tpu.memory_space<vmem>> -> memref<128xi32, #tpu.memory_space<vmem>>
    %dma_start3A_1533 = arith.constant 0 : i32
    %dma_start3A_1534 = arith.constant 0 : i32
    %dma_start3A_1535 = tpu.memref_slice %arg4[%dma_start3A_1533, %dma_start3A_1534] : memref<937500x32xf32, #tpu.memory_space<hbm>> -> memref<937500x32xf32, #tpu.memory_space<hbm>>
    tpu.enqueue_indirect_dma source(%dma_start3A_1535 : memref<937500x32xf32, #tpu.memory_space<hbm>>) target(%dma_start3A_1529 : memref<128x32xf32, #tpu.memory_space<vmem>>) offsets(%dma_start3A_1532 : memref<128xi32, #tpu.memory_space<vmem>>) semaphore(%arg16 : memref<!tpu.dma_semaphore, #tpu.memory_space<semaphore_mem>>)
    %dma_start3A_1536 = arith.constant 3 : i32
    %dma_start3A_1537 = arith.constant 896 : i32
    %dma_start3A_1538 = arith.constant 0 : i32
    %dma_start3A_1539 = tpu.memref_slice %arg13[%dma_start3A_1537, %dma_start3A_1538] : memref<1024x32xf32, #tpu.memory_space<vmem>> -> memref<128x32xf32, #tpu.memory_space<vmem>>
    %dma_start3A_1540 = arith.constant 0 : i32
    %dma_start3A_1541 = tpu.memref_slice %arg10[%dma_start3A_1536, %dma_start3A_1540] : memref<4x128xi32, #tpu.memory_space<vmem>> -> memref<1x128xi32, #tpu.memory_space<vmem>>
    %dma_start3A_1542 = tpu.memref_squeeze %dma_start3A_1541 : memref<1x128xi32, #tpu.memory_space<vmem>> -> memref<128xi32, #tpu.memory_space<vmem>>
    %dma_start3A_1543 = arith.constant 0 : i32
    %dma_start3A_1544 = arith.constant 0 : i32
    %dma_start3A_1545 = tpu.memref_slice %arg4[%dma_start3A_1543, %dma_start3A_1544] : memref<937500x32xf32, #tpu.memory_space<hbm>> -> memref<937500x32xf32, #tpu.memory_space<hbm>>
    tpu.enqueue_indirect_dma source(%dma_start3A_1545 : memref<937500x32xf32, #tpu.memory_space<hbm>>) target(%dma_start3A_1539 : memref<128x32xf32, #tpu.memory_space<vmem>>) offsets(%dma_start3A_1542 : memref<128xi32, #tpu.memory_space<vmem>>) semaphore(%arg16 : memref<!tpu.dma_semaphore, #tpu.memory_space<semaphore_mem>>)
    %dma_start3A_1546 = arith.constant 3 : i32
    %dma_start3A_1547 = arith.constant 384 : i32
    %dma_start3A_1548 = arith.constant 0 : i32
    %dma_start3A_1549 = tpu.memref_slice %arg14[%dma_start3A_1547, %dma_start3A_1548] : memref<1024x32xf32, #tpu.memory_space<vmem>> -> memref<128x32xf32, #tpu.memory_space<vmem>>
    %dma_start3A_1550 = arith.constant 0 : i32
    %dma_start3A_1551 = tpu.memref_slice %arg11[%dma_start3A_1546, %dma_start3A_1550] : memref<4x128xi32, #tpu.memory_space<vmem>> -> memref<1x128xi32, #tpu.memory_space<vmem>>
    %dma_start3A_1552 = tpu.memref_squeeze %dma_start3A_1551 : memref<1x128xi32, #tpu.memory_space<vmem>> -> memref<128xi32, #tpu.memory_space<vmem>>
    %dma_start3A_1553 = arith.constant 0 : i32
    %dma_start3A_1554 = arith.constant 0 : i32
    %dma_start3A_1555 = tpu.memref_slice %arg5[%dma_start3A_1553, %dma_start3A_1554] : memref<937500x32xf32, #tpu.memory_space<hbm>> -> memref<937500x32xf32, #tpu.memory_space<hbm>>
    tpu.enqueue_indirect_dma source(%dma_start3A_1555 : memref<937500x32xf32, #tpu.memory_space<hbm>>) target(%dma_start3A_1549 : memref<128x32xf32, #tpu.memory_space<vmem>>) offsets(%dma_start3A_1552 : memref<128xi32, #tpu.memory_space<vmem>>) semaphore(%arg16 : memref<!tpu.dma_semaphore, #tpu.memory_space<semaphore_mem>>)
    %dma_start3A_1556 = arith.constant 3 : i32
    %dma_start3A_1557 = arith.constant 896 : i32
    %dma_start3A_1558 = arith.constant 0 : i32
    %dma_start3A_1559 = tpu.memref_slice %arg14[%dma_start3A_1557, %dma_start3A_1558] : memref<1024x32xf32, #tpu.memory_space<vmem>> -> memref<128x32xf32, #tpu.memory_space<vmem>>
    %dma_start3A_1560 = arith.constant 0 : i32
    %dma_start3A_1561 = tpu.memref_slice %arg12[%dma_start3A_1556, %dma_start3A_1560] : memref<4x128xi32, #tpu.memory_space<vmem>> -> memref<1x128xi32, #tpu.memory_space<vmem>>
    %dma_start3A_1562 = tpu.memref_squeeze %dma_start3A_1561 : memref<1x128xi32, #tpu.memory_space<vmem>> -> memref<128xi32, #tpu.memory_space<vmem>>
    %dma_start3A_1563 = arith.constant 0 : i32
    %dma_start3A_1564 = arith.constant 0 : i32
    %dma_start3A_1565 = tpu.memref_slice %arg5[%dma_start3A_1563, %dma_start3A_1564] : memref<937500x32xf32, #tpu.memory_space<hbm>> -> memref<937500x32xf32, #tpu.memory_space<hbm>>
    tpu.enqueue_indirect_dma source(%dma_start3A_1565 : memref<937500x32xf32, #tpu.memory_space<hbm>>) target(%dma_start3A_1559 : memref<128x32xf32, #tpu.memory_space<vmem>>) offsets(%dma_start3A_1562 : memref<128xi32, #tpu.memory_space<vmem>>) semaphore(%arg16 : memref<!tpu.dma_semaphore, #tpu.memory_space<semaphore_mem>>)
    %dma_wait3A = arith.constant 0 : i32
    %dma_wait3A_1566 = arith.constant 0 : i32
    %dma_wait3A_1567 = arith.constant 0 : i32
    %dma_wait3A_1568 = tpu.memref_slice %arg13[%dma_wait3A_1566, %dma_wait3A_1567] : memref<1024x32xf32, #tpu.memory_space<vmem>> -> memref<128x32xf32, #tpu.memory_space<vmem>>
    %dma_wait3A_1569 = arith.constant 0 : i32
    %dma_wait3A_1570 = tpu.memref_slice %arg9[%dma_wait3A, %dma_wait3A_1569] : memref<4x128xi32, #tpu.memory_space<vmem>> -> memref<1x128xi32, #tpu.memory_space<vmem>>
    %dma_wait3A_1571 = tpu.memref_squeeze %dma_wait3A_1570 : memref<1x128xi32, #tpu.memory_space<vmem>> -> memref<128xi32, #tpu.memory_space<vmem>>
    %dma_wait3A_1572 = arith.constant 0 : i32
    %dma_wait3A_1573 = arith.constant 0 : i32
    %dma_wait3A_1574 = tpu.memref_slice %arg4[%dma_wait3A_1572, %dma_wait3A_1573] : memref<937500x32xf32, #tpu.memory_space<hbm>> -> memref<937500x32xf32, #tpu.memory_space<hbm>>
    tpu.wait_indirect_dma semaphore(%arg16 : memref<!tpu.dma_semaphore, #tpu.memory_space<semaphore_mem>>) src(%dma_wait3A_1574 : memref<937500x32xf32, #tpu.memory_space<hbm>>) dst(%dma_wait3A_1568 : memref<128x32xf32, #tpu.memory_space<vmem>>)
    %dma_wait3A_1575 = arith.constant 0 : i32
    %dma_wait3A_1576 = arith.constant 512 : i32
    %dma_wait3A_1577 = arith.constant 0 : i32
    %dma_wait3A_1578 = tpu.memref_slice %arg13[%dma_wait3A_1576, %dma_wait3A_1577] : memref<1024x32xf32, #tpu.memory_space<vmem>> -> memref<128x32xf32, #tpu.memory_space<vmem>>
    %dma_wait3A_1579 = arith.constant 0 : i32
    %dma_wait3A_1580 = tpu.memref_slice %arg10[%dma_wait3A_1575, %dma_wait3A_1579] : memref<4x128xi32, #tpu.memory_space<vmem>> -> memref<1x128xi32, #tpu.memory_space<vmem>>
    %dma_wait3A_1581 = tpu.memref_squeeze %dma_wait3A_1580 : memref<1x128xi32, #tpu.memory_space<vmem>> -> memref<128xi32, #tpu.memory_space<vmem>>
    %dma_wait3A_1582 = arith.constant 0 : i32
    %dma_wait3A_1583 = arith.constant 0 : i32
    %dma_wait3A_1584 = tpu.memref_slice %arg4[%dma_wait3A_1582, %dma_wait3A_1583] : memref<937500x32xf32, #tpu.memory_space<hbm>> -> memref<937500x32xf32, #tpu.memory_space<hbm>>
    tpu.wait_indirect_dma semaphore(%arg16 : memref<!tpu.dma_semaphore, #tpu.memory_space<semaphore_mem>>) src(%dma_wait3A_1584 : memref<937500x32xf32, #tpu.memory_space<hbm>>) dst(%dma_wait3A_1578 : memref<128x32xf32, #tpu.memory_space<vmem>>)
    %dma_wait3A_1585 = arith.constant 0 : i32
    %dma_wait3A_1586 = arith.constant 0 : i32
    %dma_wait3A_1587 = arith.constant 0 : i32
    %dma_wait3A_1588 = tpu.memref_slice %arg14[%dma_wait3A_1586, %dma_wait3A_1587] : memref<1024x32xf32, #tpu.memory_space<vmem>> -> memref<128x32xf32, #tpu.memory_space<vmem>>
    %dma_wait3A_1589 = arith.constant 0 : i32
    %dma_wait3A_1590 = tpu.memref_slice %arg11[%dma_wait3A_1585, %dma_wait3A_1589] : memref<4x128xi32, #tpu.memory_space<vmem>> -> memref<1x128xi32, #tpu.memory_space<vmem>>
    %dma_wait3A_1591 = tpu.memref_squeeze %dma_wait3A_1590 : memref<1x128xi32, #tpu.memory_space<vmem>> -> memref<128xi32, #tpu.memory_space<vmem>>
    %dma_wait3A_1592 = arith.constant 0 : i32
    %dma_wait3A_1593 = arith.constant 0 : i32
    %dma_wait3A_1594 = tpu.memref_slice %arg5[%dma_wait3A_1592, %dma_wait3A_1593] : memref<937500x32xf32, #tpu.memory_space<hbm>> -> memref<937500x32xf32, #tpu.memory_space<hbm>>
    tpu.wait_indirect_dma semaphore(%arg16 : memref<!tpu.dma_semaphore, #tpu.memory_space<semaphore_mem>>) src(%dma_wait3A_1594 : memref<937500x32xf32, #tpu.memory_space<hbm>>) dst(%dma_wait3A_1588 : memref<128x32xf32, #tpu.memory_space<vmem>>)
    %dma_wait3A_1595 = arith.constant 0 : i32
    %dma_wait3A_1596 = arith.constant 512 : i32
    %dma_wait3A_1597 = arith.constant 0 : i32
    %dma_wait3A_1598 = tpu.memref_slice %arg14[%dma_wait3A_1596, %dma_wait3A_1597] : memref<1024x32xf32, #tpu.memory_space<vmem>> -> memref<128x32xf32, #tpu.memory_space<vmem>>
    %dma_wait3A_1599 = arith.constant 0 : i32
    %dma_wait3A_1600 = tpu.memref_slice %arg12[%dma_wait3A_1595, %dma_wait3A_1599] : memref<4x128xi32, #tpu.memory_space<vmem>> -> memref<1x128xi32, #tpu.memory_space<vmem>>
    %dma_wait3A_1601 = tpu.memref_squeeze %dma_wait3A_1600 : memref<1x128xi32, #tpu.memory_space<vmem>> -> memref<128xi32, #tpu.memory_space<vmem>>
    %dma_wait3A_1602 = arith.constant 0 : i32
    %dma_wait3A_1603 = arith.constant 0 : i32
    %dma_wait3A_1604 = tpu.memref_slice %arg5[%dma_wait3A_1602, %dma_wait3A_1603] : memref<937500x32xf32, #tpu.memory_space<hbm>> -> memref<937500x32xf32, #tpu.memory_space<hbm>>
    tpu.wait_indirect_dma semaphore(%arg16 : memref<!tpu.dma_semaphore, #tpu.memory_space<semaphore_mem>>) src(%dma_wait3A_1604 : memref<937500x32xf32, #tpu.memory_space<hbm>>) dst(%dma_wait3A_1598 : memref<128x32xf32, #tpu.memory_space<vmem>>)
    %dma_wait3A_1605 = arith.constant 1 : i32
    %dma_wait3A_1606 = arith.constant 128 : i32
    %dma_wait3A_1607 = arith.constant 0 : i32
    %dma_wait3A_1608 = tpu.memref_slice %arg13[%dma_wait3A_1606, %dma_wait3A_1607] : memref<1024x32xf32, #tpu.memory_space<vmem>> -> memref<128x32xf32, #tpu.memory_space<vmem>>
    %dma_wait3A_1609 = arith.constant 0 : i32
    %dma_wait3A_1610 = tpu.memref_slice %arg9[%dma_wait3A_1605, %dma_wait3A_1609] : memref<4x128xi32, #tpu.memory_space<vmem>> -> memref<1x128xi32, #tpu.memory_space<vmem>>
    %dma_wait3A_1611 = tpu.memref_squeeze %dma_wait3A_1610 : memref<1x128xi32, #tpu.memory_space<vmem>> -> memref<128xi32, #tpu.memory_space<vmem>>
    %dma_wait3A_1612 = arith.constant 0 : i32
    %dma_wait3A_1613 = arith.constant 0 : i32
    %dma_wait3A_1614 = tpu.memref_slice %arg4[%dma_wait3A_1612, %dma_wait3A_1613] : memref<937500x32xf32, #tpu.memory_space<hbm>> -> memref<937500x32xf32, #tpu.memory_space<hbm>>
    tpu.wait_indirect_dma semaphore(%arg16 : memref<!tpu.dma_semaphore, #tpu.memory_space<semaphore_mem>>) src(%dma_wait3A_1614 : memref<937500x32xf32, #tpu.memory_space<hbm>>) dst(%dma_wait3A_1608 : memref<128x32xf32, #tpu.memory_space<vmem>>)
    %dma_wait3A_1615 = arith.constant 1 : i32
    %dma_wait3A_1616 = arith.constant 640 : i32
    %dma_wait3A_1617 = arith.constant 0 : i32
    %dma_wait3A_1618 = tpu.memref_slice %arg13[%dma_wait3A_1616, %dma_wait3A_1617] : memref<1024x32xf32, #tpu.memory_space<vmem>> -> memref<128x32xf32, #tpu.memory_space<vmem>>
    %dma_wait3A_1619 = arith.constant 0 : i32
    %dma_wait3A_1620 = tpu.memref_slice %arg10[%dma_wait3A_1615, %dma_wait3A_1619] : memref<4x128xi32, #tpu.memory_space<vmem>> -> memref<1x128xi32, #tpu.memory_space<vmem>>
    %dma_wait3A_1621 = tpu.memref_squeeze %dma_wait3A_1620 : memref<1x128xi32, #tpu.memory_space<vmem>> -> memref<128xi32, #tpu.memory_space<vmem>>
    %dma_wait3A_1622 = arith.constant 0 : i32
    %dma_wait3A_1623 = arith.constant 0 : i32
    %dma_wait3A_1624 = tpu.memref_slice %arg4[%dma_wait3A_1622, %dma_wait3A_1623] : memref<937500x32xf32, #tpu.memory_space<hbm>> -> memref<937500x32xf32, #tpu.memory_space<hbm>>
    tpu.wait_indirect_dma semaphore(%arg16 : memref<!tpu.dma_semaphore, #tpu.memory_space<semaphore_mem>>) src(%dma_wait3A_1624 : memref<937500x32xf32, #tpu.memory_space<hbm>>) dst(%dma_wait3A_1618 : memref<128x32xf32, #tpu.memory_space<vmem>>)
    %dma_wait3A_1625 = arith.constant 1 : i32
    %dma_wait3A_1626 = arith.constant 128 : i32
    %dma_wait3A_1627 = arith.constant 0 : i32
    %dma_wait3A_1628 = tpu.memref_slice %arg14[%dma_wait3A_1626, %dma_wait3A_1627] : memref<1024x32xf32, #tpu.memory_space<vmem>> -> memref<128x32xf32, #tpu.memory_space<vmem>>
    %dma_wait3A_1629 = arith.constant 0 : i32
    %dma_wait3A_1630 = tpu.memref_slice %arg11[%dma_wait3A_1625, %dma_wait3A_1629] : memref<4x128xi32, #tpu.memory_space<vmem>> -> memref<1x128xi32, #tpu.memory_space<vmem>>
    %dma_wait3A_1631 = tpu.memref_squeeze %dma_wait3A_1630 : memref<1x128xi32, #tpu.memory_space<vmem>> -> memref<128xi32, #tpu.memory_space<vmem>>
    %dma_wait3A_1632 = arith.constant 0 : i32
    %dma_wait3A_1633 = arith.constant 0 : i32
    %dma_wait3A_1634 = tpu.memref_slice %arg5[%dma_wait3A_1632, %dma_wait3A_1633] : memref<937500x32xf32, #tpu.memory_space<hbm>> -> memref<937500x32xf32, #tpu.memory_space<hbm>>
    tpu.wait_indirect_dma semaphore(%arg16 : memref<!tpu.dma_semaphore, #tpu.memory_space<semaphore_mem>>) src(%dma_wait3A_1634 : memref<937500x32xf32, #tpu.memory_space<hbm>>) dst(%dma_wait3A_1628 : memref<128x32xf32, #tpu.memory_space<vmem>>)
    %dma_wait3A_1635 = arith.constant 1 : i32
    %dma_wait3A_1636 = arith.constant 640 : i32
    %dma_wait3A_1637 = arith.constant 0 : i32
    %dma_wait3A_1638 = tpu.memref_slice %arg14[%dma_wait3A_1636, %dma_wait3A_1637] : memref<1024x32xf32, #tpu.memory_space<vmem>> -> memref<128x32xf32, #tpu.memory_space<vmem>>
    %dma_wait3A_1639 = arith.constant 0 : i32
    %dma_wait3A_1640 = tpu.memref_slice %arg12[%dma_wait3A_1635, %dma_wait3A_1639] : memref<4x128xi32, #tpu.memory_space<vmem>> -> memref<1x128xi32, #tpu.memory_space<vmem>>
    %dma_wait3A_1641 = tpu.memref_squeeze %dma_wait3A_1640 : memref<1x128xi32, #tpu.memory_space<vmem>> -> memref<128xi32, #tpu.memory_space<vmem>>
    %dma_wait3A_1642 = arith.constant 0 : i32
    %dma_wait3A_1643 = arith.constant 0 : i32
    %dma_wait3A_1644 = tpu.memref_slice %arg5[%dma_wait3A_1642, %dma_wait3A_1643] : memref<937500x32xf32, #tpu.memory_space<hbm>> -> memref<937500x32xf32, #tpu.memory_space<hbm>>
    tpu.wait_indirect_dma semaphore(%arg16 : memref<!tpu.dma_semaphore, #tpu.memory_space<semaphore_mem>>) src(%dma_wait3A_1644 : memref<937500x32xf32, #tpu.memory_space<hbm>>) dst(%dma_wait3A_1638 : memref<128x32xf32, #tpu.memory_space<vmem>>)
    %dma_wait3A_1645 = arith.constant 2 : i32
    %dma_wait3A_1646 = arith.constant 256 : i32
    %dma_wait3A_1647 = arith.constant 0 : i32
    %dma_wait3A_1648 = tpu.memref_slice %arg13[%dma_wait3A_1646, %dma_wait3A_1647] : memref<1024x32xf32, #tpu.memory_space<vmem>> -> memref<128x32xf32, #tpu.memory_space<vmem>>
    %dma_wait3A_1649 = arith.constant 0 : i32
    %dma_wait3A_1650 = tpu.memref_slice %arg9[%dma_wait3A_1645, %dma_wait3A_1649] : memref<4x128xi32, #tpu.memory_space<vmem>> -> memref<1x128xi32, #tpu.memory_space<vmem>>
    %dma_wait3A_1651 = tpu.memref_squeeze %dma_wait3A_1650 : memref<1x128xi32, #tpu.memory_space<vmem>> -> memref<128xi32, #tpu.memory_space<vmem>>
    %dma_wait3A_1652 = arith.constant 0 : i32
    %dma_wait3A_1653 = arith.constant 0 : i32
    %dma_wait3A_1654 = tpu.memref_slice %arg4[%dma_wait3A_1652, %dma_wait3A_1653] : memref<937500x32xf32, #tpu.memory_space<hbm>> -> memref<937500x32xf32, #tpu.memory_space<hbm>>
    tpu.wait_indirect_dma semaphore(%arg16 : memref<!tpu.dma_semaphore, #tpu.memory_space<semaphore_mem>>) src(%dma_wait3A_1654 : memref<937500x32xf32, #tpu.memory_space<hbm>>) dst(%dma_wait3A_1648 : memref<128x32xf32, #tpu.memory_space<vmem>>)
    %dma_wait3A_1655 = arith.constant 2 : i32
    %dma_wait3A_1656 = arith.constant 768 : i32
    %dma_wait3A_1657 = arith.constant 0 : i32
    %dma_wait3A_1658 = tpu.memref_slice %arg13[%dma_wait3A_1656, %dma_wait3A_1657] : memref<1024x32xf32, #tpu.memory_space<vmem>> -> memref<128x32xf32, #tpu.memory_space<vmem>>
    %dma_wait3A_1659 = arith.constant 0 : i32
    %dma_wait3A_1660 = tpu.memref_slice %arg10[%dma_wait3A_1655, %dma_wait3A_1659] : memref<4x128xi32, #tpu.memory_space<vmem>> -> memref<1x128xi32, #tpu.memory_space<vmem>>
    %dma_wait3A_1661 = tpu.memref_squeeze %dma_wait3A_1660 : memref<1x128xi32, #tpu.memory_space<vmem>> -> memref<128xi32, #tpu.memory_space<vmem>>
    %dma_wait3A_1662 = arith.constant 0 : i32
    %dma_wait3A_1663 = arith.constant 0 : i32
    %dma_wait3A_1664 = tpu.memref_slice %arg4[%dma_wait3A_1662, %dma_wait3A_1663] : memref<937500x32xf32, #tpu.memory_space<hbm>> -> memref<937500x32xf32, #tpu.memory_space<hbm>>
    tpu.wait_indirect_dma semaphore(%arg16 : memref<!tpu.dma_semaphore, #tpu.memory_space<semaphore_mem>>) src(%dma_wait3A_1664 : memref<937500x32xf32, #tpu.memory_space<hbm>>) dst(%dma_wait3A_1658 : memref<128x32xf32, #tpu.memory_space<vmem>>)
    %dma_wait3A_1665 = arith.constant 2 : i32
    %dma_wait3A_1666 = arith.constant 256 : i32
    %dma_wait3A_1667 = arith.constant 0 : i32
    %dma_wait3A_1668 = tpu.memref_slice %arg14[%dma_wait3A_1666, %dma_wait3A_1667] : memref<1024x32xf32, #tpu.memory_space<vmem>> -> memref<128x32xf32, #tpu.memory_space<vmem>>
    %dma_wait3A_1669 = arith.constant 0 : i32
    %dma_wait3A_1670 = tpu.memref_slice %arg11[%dma_wait3A_1665, %dma_wait3A_1669] : memref<4x128xi32, #tpu.memory_space<vmem>> -> memref<1x128xi32, #tpu.memory_space<vmem>>
    %dma_wait3A_1671 = tpu.memref_squeeze %dma_wait3A_1670 : memref<1x128xi32, #tpu.memory_space<vmem>> -> memref<128xi32, #tpu.memory_space<vmem>>
    %dma_wait3A_1672 = arith.constant 0 : i32
    %dma_wait3A_1673 = arith.constant 0 : i32
    %dma_wait3A_1674 = tpu.memref_slice %arg5[%dma_wait3A_1672, %dma_wait3A_1673] : memref<937500x32xf32, #tpu.memory_space<hbm>> -> memref<937500x32xf32, #tpu.memory_space<hbm>>
    tpu.wait_indirect_dma semaphore(%arg16 : memref<!tpu.dma_semaphore, #tpu.memory_space<semaphore_mem>>) src(%dma_wait3A_1674 : memref<937500x32xf32, #tpu.memory_space<hbm>>) dst(%dma_wait3A_1668 : memref<128x32xf32, #tpu.memory_space<vmem>>)
    %dma_wait3A_1675 = arith.constant 2 : i32
    %dma_wait3A_1676 = arith.constant 768 : i32
    %dma_wait3A_1677 = arith.constant 0 : i32
    %dma_wait3A_1678 = tpu.memref_slice %arg14[%dma_wait3A_1676, %dma_wait3A_1677] : memref<1024x32xf32, #tpu.memory_space<vmem>> -> memref<128x32xf32, #tpu.memory_space<vmem>>
    %dma_wait3A_1679 = arith.constant 0 : i32
    %dma_wait3A_1680 = tpu.memref_slice %arg12[%dma_wait3A_1675, %dma_wait3A_1679] : memref<4x128xi32, #tpu.memory_space<vmem>> -> memref<1x128xi32, #tpu.memory_space<vmem>>
    %dma_wait3A_1681 = tpu.memref_squeeze %dma_wait3A_1680 : memref<1x128xi32, #tpu.memory_space<vmem>> -> memref<128xi32, #tpu.memory_space<vmem>>
    %dma_wait3A_1682 = arith.constant 0 : i32
    %dma_wait3A_1683 = arith.constant 0 : i32
    %dma_wait3A_1684 = tpu.memref_slice %arg5[%dma_wait3A_1682, %dma_wait3A_1683] : memref<937500x32xf32, #tpu.memory_space<hbm>> -> memref<937500x32xf32, #tpu.memory_space<hbm>>
    tpu.wait_indirect_dma semaphore(%arg16 : memref<!tpu.dma_semaphore, #tpu.memory_space<semaphore_mem>>) src(%dma_wait3A_1684 : memref<937500x32xf32, #tpu.memory_space<hbm>>) dst(%dma_wait3A_1678 : memref<128x32xf32, #tpu.memory_space<vmem>>)
    %dma_wait3A_1685 = arith.constant 3 : i32
    %dma_wait3A_1686 = arith.constant 384 : i32
    %dma_wait3A_1687 = arith.constant 0 : i32
    %dma_wait3A_1688 = tpu.memref_slice %arg13[%dma_wait3A_1686, %dma_wait3A_1687] : memref<1024x32xf32, #tpu.memory_space<vmem>> -> memref<128x32xf32, #tpu.memory_space<vmem>>
    %dma_wait3A_1689 = arith.constant 0 : i32
    %dma_wait3A_1690 = tpu.memref_slice %arg9[%dma_wait3A_1685, %dma_wait3A_1689] : memref<4x128xi32, #tpu.memory_space<vmem>> -> memref<1x128xi32, #tpu.memory_space<vmem>>
    %dma_wait3A_1691 = tpu.memref_squeeze %dma_wait3A_1690 : memref<1x128xi32, #tpu.memory_space<vmem>> -> memref<128xi32, #tpu.memory_space<vmem>>
    %dma_wait3A_1692 = arith.constant 0 : i32
    %dma_wait3A_1693 = arith.constant 0 : i32
    %dma_wait3A_1694 = tpu.memref_slice %arg4[%dma_wait3A_1692, %dma_wait3A_1693] : memref<937500x32xf32, #tpu.memory_space<hbm>> -> memref<937500x32xf32, #tpu.memory_space<hbm>>
    tpu.wait_indirect_dma semaphore(%arg16 : memref<!tpu.dma_semaphore, #tpu.memory_space<semaphore_mem>>) src(%dma_wait3A_1694 : memref<937500x32xf32, #tpu.memory_space<hbm>>) dst(%dma_wait3A_1688 : memref<128x32xf32, #tpu.memory_space<vmem>>)
    %dma_wait3A_1695 = arith.constant 3 : i32
    %dma_wait3A_1696 = arith.constant 896 : i32
    %dma_wait3A_1697 = arith.constant 0 : i32
    %dma_wait3A_1698 = tpu.memref_slice %arg13[%dma_wait3A_1696, %dma_wait3A_1697] : memref<1024x32xf32, #tpu.memory_space<vmem>> -> memref<128x32xf32, #tpu.memory_space<vmem>>
    %dma_wait3A_1699 = arith.constant 0 : i32
    %dma_wait3A_1700 = tpu.memref_slice %arg10[%dma_wait3A_1695, %dma_wait3A_1699] : memref<4x128xi32, #tpu.memory_space<vmem>> -> memref<1x128xi32, #tpu.memory_space<vmem>>
    %dma_wait3A_1701 = tpu.memref_squeeze %dma_wait3A_1700 : memref<1x128xi32, #tpu.memory_space<vmem>> -> memref<128xi32, #tpu.memory_space<vmem>>
    %dma_wait3A_1702 = arith.constant 0 : i32
    %dma_wait3A_1703 = arith.constant 0 : i32
    %dma_wait3A_1704 = tpu.memref_slice %arg4[%dma_wait3A_1702, %dma_wait3A_1703] : memref<937500x32xf32, #tpu.memory_space<hbm>> -> memref<937500x32xf32, #tpu.memory_space<hbm>>
    tpu.wait_indirect_dma semaphore(%arg16 : memref<!tpu.dma_semaphore, #tpu.memory_space<semaphore_mem>>) src(%dma_wait3A_1704 : memref<937500x32xf32, #tpu.memory_space<hbm>>) dst(%dma_wait3A_1698 : memref<128x32xf32, #tpu.memory_space<vmem>>)
    %dma_wait3A_1705 = arith.constant 3 : i32
    %dma_wait3A_1706 = arith.constant 384 : i32
    %dma_wait3A_1707 = arith.constant 0 : i32
    %dma_wait3A_1708 = tpu.memref_slice %arg14[%dma_wait3A_1706, %dma_wait3A_1707] : memref<1024x32xf32, #tpu.memory_space<vmem>> -> memref<128x32xf32, #tpu.memory_space<vmem>>
    %dma_wait3A_1709 = arith.constant 0 : i32
    %dma_wait3A_1710 = tpu.memref_slice %arg11[%dma_wait3A_1705, %dma_wait3A_1709] : memref<4x128xi32, #tpu.memory_space<vmem>> -> memref<1x128xi32, #tpu.memory_space<vmem>>
    %dma_wait3A_1711 = tpu.memref_squeeze %dma_wait3A_1710 : memref<1x128xi32, #tpu.memory_space<vmem>> -> memref<128xi32, #tpu.memory_space<vmem>>
    %dma_wait3A_1712 = arith.constant 0 : i32
    %dma_wait3A_1713 = arith.constant 0 : i32
    %dma_wait3A_1714 = tpu.memref_slice %arg5[%dma_wait3A_1712, %dma_wait3A_1713] : memref<937500x32xf32, #tpu.memory_space<hbm>> -> memref<937500x32xf32, #tpu.memory_space<hbm>>
    tpu.wait_indirect_dma semaphore(%arg16 : memref<!tpu.dma_semaphore, #tpu.memory_space<semaphore_mem>>) src(%dma_wait3A_1714 : memref<937500x32xf32, #tpu.memory_space<hbm>>) dst(%dma_wait3A_1708 : memref<128x32xf32, #tpu.memory_space<vmem>>)
    %dma_wait3A_1715 = arith.constant 3 : i32
    %dma_wait3A_1716 = arith.constant 896 : i32
    %dma_wait3A_1717 = arith.constant 0 : i32
    %dma_wait3A_1718 = tpu.memref_slice %arg14[%dma_wait3A_1716, %dma_wait3A_1717] : memref<1024x32xf32, #tpu.memory_space<vmem>> -> memref<128x32xf32, #tpu.memory_space<vmem>>
    %dma_wait3A_1719 = arith.constant 0 : i32
    %dma_wait3A_1720 = tpu.memref_slice %arg12[%dma_wait3A_1715, %dma_wait3A_1719] : memref<4x128xi32, #tpu.memory_space<vmem>> -> memref<1x128xi32, #tpu.memory_space<vmem>>
    %dma_wait3A_1721 = tpu.memref_squeeze %dma_wait3A_1720 : memref<1x128xi32, #tpu.memory_space<vmem>> -> memref<128xi32, #tpu.memory_space<vmem>>
    %dma_wait3A_1722 = arith.constant 0 : i32
    %dma_wait3A_1723 = arith.constant 0 : i32
    %dma_wait3A_1724 = tpu.memref_slice %arg5[%dma_wait3A_1722, %dma_wait3A_1723] : memref<937500x32xf32, #tpu.memory_space<hbm>> -> memref<937500x32xf32, #tpu.memory_space<hbm>>
    tpu.wait_indirect_dma semaphore(%arg16 : memref<!tpu.dma_semaphore, #tpu.memory_space<semaphore_mem>>) src(%dma_wait3A_1724 : memref<937500x32xf32, #tpu.memory_space<hbm>>) dst(%dma_wait3A_1718 : memref<128x32xf32, #tpu.memory_space<vmem>>)
    %iota3A = tpu.iota {dimensions = array<i32: 0>} : vector<16xi32>
    %scan3A = arith.constant 0 : i32
    %scan3A_1725 = arith.constant 0 : i32
    %scan3A_1726 = arith.constant 32 : i32
    %scan3A_1727 = arith.addi %scan3A_1725, %scan3A_1726 : i32
    %scan3A_1728 = arith.constant 1 : i32
    scf.for %scan3A_1730 = %scan3A_1725 to %scan3A_1727 step %scan3A_1728  : i32 {
      %mul3A_1731 = arith.constant 16 : i32
      %mul3A_1732 = arith.muli %scan3A_1730, %mul3A_1731 : i32
      %mul3A_1733 = arith.constant 16 : i32
      %mul3A_1734 = arith.muli %scan3A_1730, %mul3A_1733 : i32
      %add3A_1735 = vector.broadcast %mul3A_1734 : i32 to vector<16xi32>
      %add3A_1736 = arith.addi %add3A_1735, %iota3A : vector<16xi32>
      %get3A_1737 = arith.index_cast %mul3A_1732 : i32 to index
      %get3A_1738 = tpu.vector_load %arg7[%get3A_1737] {strides = array<i32>} : memref<512xi32, #tpu.memory_space<vmem>>, vector<16xi32>,
      %mul3A_1739 = arith.constant 30 : i32
      %mul3A_1740 = vector.broadcast %mul3A_1739 : i32 to vector<16xi32>
      %mul3A_1741 = arith.muli %get3A_1738, %mul3A_1740 : vector<16xi32>
      %and3A = arith.constant 31 : i32
      %and3A_1742 = vector.broadcast %and3A : i32 to vector<16xi32>
      %and3A_1743 = arith.andi %mul3A_1741, %and3A_1742 : vector<16xi32>
      %get3A_1744 = arith.index_cast %mul3A_1732 : i32 to index
      %get3A_1745 = tpu.vector_load %arg8[%get3A_1744] {strides = array<i32>} : memref<512xi32, #tpu.memory_space<vmem>>, vector<16xi32>,
      %mul3A_1746 = arith.constant 30 : i32
      %mul3A_1747 = vector.broadcast %mul3A_1746 : i32 to vector<16xi32>
      %mul3A_1748 = arith.muli %get3A_1745, %mul3A_1747 : vector<16xi32>
      %and3A_1749 = arith.constant 31 : i32
      %and3A_1750 = vector.broadcast %and3A_1749 : i32 to vector<16xi32>
      %and3A_1751 = arith.andi %mul3A_1748, %and3A_1750 : vector<16xi32>
      %broadcast_in_dim3A = arith.constant 0.000000e+00 : f32
      %broadcast_in_dim3A_1752 = vector.broadcast %broadcast_in_dim3A : f32 to vector<16xf32>
      %add3A_1753 = arith.constant 0 : i32
      %add3A_1754 = vector.broadcast %add3A_1753 : i32 to vector<16xi32>
      %add3A_1755 = arith.addi %and3A_1743, %add3A_1754 : vector<16xi32>
      %add3A_1756 = arith.constant 0 : i32
      %add3A_1757 = vector.broadcast %add3A_1756 : i32 to vector<16xi32>
      %add3A_1758 = arith.addi %and3A_1751, %add3A_1757 : vector<16xi32>
      %shift_right_arithmetic3A_1759 = arith.constant 5 : i32
      %shift_right_arithmetic3A_1760 = vector.broadcast %shift_right_arithmetic3A_1759 : i32 to vector<16xi32>
      %shift_right_arithmetic3A_1761 = arith.shrsi %add3A_1755, %shift_right_arithmetic3A_1760 : vector<16xi32>
      %shift_left3A = arith.constant 9 : i32
      %shift_left3A_1762 = vector.broadcast %shift_left3A : i32 to vector<16xi32>
      %shift_left3A_1763 = arith.shli %shift_right_arithmetic3A_1761, %shift_left3A_1762 : vector<16xi32>
      %add3A_1764 = arith.addi %add3A_1736, %shift_left3A_1763 : vector<16xi32>
      %and3A_1765 = arith.constant 31 : i32
      %and3A_1766 = vector.broadcast %and3A_1765 : i32 to vector<16xi32>
      %and3A_1767 = arith.andi %add3A_1755, %and3A_1766 : vector<16xi32>
      %gather3A = tpu.vector_load_idx %arg13[%add3A_1764, %and3A_1767] : memref<1024x32xf32, #tpu.memory_space<vmem>>[vector<16xi32>, vector<16xi32>], vector<16xf32>,
      %shift_right_arithmetic3A_1768 = arith.constant 5 : i32
      %shift_right_arithmetic3A_1769 = vector.broadcast %shift_right_arithmetic3A_1768 : i32 to vector<16xi32>
      %shift_right_arithmetic3A_1770 = arith.shrsi %add3A_1758, %shift_right_arithmetic3A_1769 : vector<16xi32>
      %shift_left3A_1771 = arith.constant 9 : i32
      %shift_left3A_1772 = vector.broadcast %shift_left3A_1771 : i32 to vector<16xi32>
      %shift_left3A_1773 = arith.shli %shift_right_arithmetic3A_1770, %shift_left3A_1772 : vector<16xi32>
      %add3A_1774 = arith.addi %add3A_1736, %shift_left3A_1773 : vector<16xi32>
      %and3A_1775 = arith.constant 31 : i32
      %and3A_1776 = vector.broadcast %and3A_1775 : i32 to vector<16xi32>
      %and3A_1777 = arith.andi %add3A_1758, %and3A_1776 : vector<16xi32>
      %gather3A_1778 = tpu.vector_load_idx %arg14[%add3A_1774, %and3A_1777] : memref<1024x32xf32, #tpu.memory_space<vmem>>[vector<16xi32>, vector<16xi32>], vector<16xf32>,
      %mul3A_1779 = arith.mulf %gather3A, %gather3A_1778 : vector<16xf32>
      %add3A_1780 = arith.addf %broadcast_in_dim3A_1752, %mul3A_1779 : vector<16xf32>
      %add3A_1781 = arith.constant 1 : i32
      %add3A_1782 = vector.broadcast %add3A_1781 : i32 to vector<16xi32>
      %add3A_1783 = arith.addi %and3A_1743, %add3A_1782 : vector<16xi32>
      %add3A_1784 = arith.constant 1 : i32
      %add3A_1785 = vector.broadcast %add3A_1784 : i32 to vector<16xi32>
      %add3A_1786 = arith.addi %and3A_1751, %add3A_1785 : vector<16xi32>
      %shift_right_arithmetic3A_1787 = arith.constant 5 : i32
      %shift_right_arithmetic3A_1788 = vector.broadcast %shift_right_arithmetic3A_1787 : i32 to vector<16xi32>
      %shift_right_arithmetic3A_1789 = arith.shrsi %add3A_1783, %shift_right_arithmetic3A_1788 : vector<16xi32>
      %shift_left3A_1790 = arith.constant 9 : i32
      %shift_left3A_1791 = vector.broadcast %shift_left3A_1790 : i32 to vector<16xi32>
      %shift_left3A_1792 = arith.shli %shift_right_arithmetic3A_1789, %shift_left3A_1791 : vector<16xi32>
      %add3A_1793 = arith.addi %add3A_1736, %shift_left3A_1792 : vector<16xi32>
      %and3A_1794 = arith.constant 31 : i32
      %and3A_1795 = vector.broadcast %and3A_1794 : i32 to vector<16xi32>
      %and3A_1796 = arith.andi %add3A_1783, %and3A_1795 : vector<16xi32>
      %gather3A_1797 = tpu.vector_load_idx %arg13[%add3A_1793, %and3A_1796] : memref<1024x32xf32, #tpu.memory_space<vmem>>[vector<16xi32>, vector<16xi32>], vector<16xf32>,
      %shift_right_arithmetic3A_1798 = arith.constant 5 : i32
      %shift_right_arithmetic3A_1799 = vector.broadcast %shift_right_arithmetic3A_1798 : i32 to vector<16xi32>
      %shift_right_arithmetic3A_1800 = arith.shrsi %add3A_1786, %shift_right_arithmetic3A_1799 : vector<16xi32>
      %shift_left3A_1801 = arith.constant 9 : i32
      %shift_left3A_1802 = vector.broadcast %shift_left3A_1801 : i32 to vector<16xi32>
      %shift_left3A_1803 = arith.shli %shift_right_arithmetic3A_1800, %shift_left3A_1802 : vector<16xi32>
      %add3A_1804 = arith.addi %add3A_1736, %shift_left3A_1803 : vector<16xi32>
      %and3A_1805 = arith.constant 31 : i32
      %and3A_1806 = vector.broadcast %and3A_1805 : i32 to vector<16xi32>
      %and3A_1807 = arith.andi %add3A_1786, %and3A_1806 : vector<16xi32>
      %gather3A_1808 = tpu.vector_load_idx %arg14[%add3A_1804, %and3A_1807] : memref<1024x32xf32, #tpu.memory_space<vmem>>[vector<16xi32>, vector<16xi32>], vector<16xf32>,
      %mul3A_1809 = arith.mulf %gather3A_1797, %gather3A_1808 : vector<16xf32>
      %add3A_1810 = arith.addf %add3A_1780, %mul3A_1809 : vector<16xf32>
      %add3A_1811 = arith.constant 2 : i32
      %add3A_1812 = vector.broadcast %add3A_1811 : i32 to vector<16xi32>
      %add3A_1813 = arith.addi %and3A_1743, %add3A_1812 : vector<16xi32>
      %add3A_1814 = arith.constant 2 : i32
      %add3A_1815 = vector.broadcast %add3A_1814 : i32 to vector<16xi32>
      %add3A_1816 = arith.addi %and3A_1751, %add3A_1815 : vector<16xi32>
      %shift_right_arithmetic3A_1817 = arith.constant 5 : i32
      %shift_right_arithmetic3A_1818 = vector.broadcast %shift_right_arithmetic3A_1817 : i32 to vector<16xi32>
      %shift_right_arithmetic3A_1819 = arith.shrsi %add3A_1813, %shift_right_arithmetic3A_1818 : vector<16xi32>
      %shift_left3A_1820 = arith.constant 9 : i32
      %shift_left3A_1821 = vector.broadcast %shift_left3A_1820 : i32 to vector<16xi32>
      %shift_left3A_1822 = arith.shli %shift_right_arithmetic3A_1819, %shift_left3A_1821 : vector<16xi32>
      %add3A_1823 = arith.addi %add3A_1736, %shift_left3A_1822 : vector<16xi32>
      %and3A_1824 = arith.constant 31 : i32
      %and3A_1825 = vector.broadcast %and3A_1824 : i32 to vector<16xi32>
      %and3A_1826 = arith.andi %add3A_1813, %and3A_1825 : vector<16xi32>
      %gather3A_1827 = tpu.vector_load_idx %arg13[%add3A_1823, %and3A_1826] : memref<1024x32xf32, #tpu.memory_space<vmem>>[vector<16xi32>, vector<16xi32>], vector<16xf32>,
      %shift_right_arithmetic3A_1828 = arith.constant 5 : i32
      %shift_right_arithmetic3A_1829 = vector.broadcast %shift_right_arithmetic3A_1828 : i32 to vector<16xi32>
      %shift_right_arithmetic3A_1830 = arith.shrsi %add3A_1816, %shift_right_arithmetic3A_1829 : vector<16xi32>
      %shift_left3A_1831 = arith.constant 9 : i32
      %shift_left3A_1832 = vector.broadcast %shift_left3A_1831 : i32 to vector<16xi32>
      %shift_left3A_1833 = arith.shli %shift_right_arithmetic3A_1830, %shift_left3A_1832 : vector<16xi32>
      %add3A_1834 = arith.addi %add3A_1736, %shift_left3A_1833 : vector<16xi32>
      %and3A_1835 = arith.constant 31 : i32
      %and3A_1836 = vector.broadcast %and3A_1835 : i32 to vector<16xi32>
      %and3A_1837 = arith.andi %add3A_1816, %and3A_1836 : vector<16xi32>
      %gather3A_1838 = tpu.vector_load_idx %arg14[%add3A_1834, %and3A_1837] : memref<1024x32xf32, #tpu.memory_space<vmem>>[vector<16xi32>, vector<16xi32>], vector<16xf32>,
      %mul3A_1839 = arith.mulf %gather3A_1827, %gather3A_1838 : vector<16xf32>
      %add3A_1840 = arith.addf %add3A_1810, %mul3A_1839 : vector<16xf32>
      %add3A_1841 = arith.constant 3 : i32
      %add3A_1842 = vector.broadcast %add3A_1841 : i32 to vector<16xi32>
      %add3A_1843 = arith.addi %and3A_1743, %add3A_1842 : vector<16xi32>
      %add3A_1844 = arith.constant 3 : i32
      %add3A_1845 = vector.broadcast %add3A_1844 : i32 to vector<16xi32>
      %add3A_1846 = arith.addi %and3A_1751, %add3A_1845 : vector<16xi32>
      %shift_right_arithmetic3A_1847 = arith.constant 5 : i32
      %shift_right_arithmetic3A_1848 = vector.broadcast %shift_right_arithmetic3A_1847 : i32 to vector<16xi32>
      %shift_right_arithmetic3A_1849 = arith.shrsi %add3A_1843, %shift_right_arithmetic3A_1848 : vector<16xi32>
      %shift_left3A_1850 = arith.constant 9 : i32
      %shift_left3A_1851 = vector.broadcast %shift_left3A_1850 : i32 to vector<16xi32>
      %shift_left3A_1852 = arith.shli %shift_right_arithmetic3A_1849, %shift_left3A_1851 : vector<16xi32>
      %add3A_1853 = arith.addi %add3A_1736, %shift_left3A_1852 : vector<16xi32>
      %and3A_1854 = arith.constant 31 : i32
      %and3A_1855 = vector.broadcast %and3A_1854 : i32 to vector<16xi32>
      %and3A_1856 = arith.andi %add3A_1843, %and3A_1855 : vector<16xi32>
      %gather3A_1857 = tpu.vector_load_idx %arg13[%add3A_1853, %and3A_1856] : memref<1024x32xf32, #tpu.memory_space<vmem>>[vector<16xi32>, vector<16xi32>], vector<16xf32>,
      %shift_right_arithmetic3A_1858 = arith.constant 5 : i32
      %shift_right_arithmetic3A_1859 = vector.broadcast %shift_right_arithmetic3A_1858 : i32 to vector<16xi32>
      %shift_right_arithmetic3A_1860 = arith.shrsi %add3A_1846, %shift_right_arithmetic3A_1859 : vector<16xi32>
      %shift_left3A_1861 = arith.constant 9 : i32
      %shift_left3A_1862 = vector.broadcast %shift_left3A_1861 : i32 to vector<16xi32>
      %shift_left3A_1863 = arith.shli %shift_right_arithmetic3A_1860, %shift_left3A_1862 : vector<16xi32>
      %add3A_1864 = arith.addi %add3A_1736, %shift_left3A_1863 : vector<16xi32>
      %and3A_1865 = arith.constant 31 : i32
      %and3A_1866 = vector.broadcast %and3A_1865 : i32 to vector<16xi32>
      %and3A_1867 = arith.andi %add3A_1846, %and3A_1866 : vector<16xi32>
      %gather3A_1868 = tpu.vector_load_idx %arg14[%add3A_1864, %and3A_1867] : memref<1024x32xf32, #tpu.memory_space<vmem>>[vector<16xi32>, vector<16xi32>], vector<16xf32>,
      %mul3A_1869 = arith.mulf %gather3A_1857, %gather3A_1868 : vector<16xf32>
      %add3A_1870 = arith.addf %add3A_1840, %mul3A_1869 : vector<16xf32>
      %add3A_1871 = arith.constant 4 : i32
      %add3A_1872 = vector.broadcast %add3A_1871 : i32 to vector<16xi32>
      %add3A_1873 = arith.addi %and3A_1743, %add3A_1872 : vector<16xi32>
      %add3A_1874 = arith.constant 4 : i32
      %add3A_1875 = vector.broadcast %add3A_1874 : i32 to vector<16xi32>
      %add3A_1876 = arith.addi %and3A_1751, %add3A_1875 : vector<16xi32>
      %shift_right_arithmetic3A_1877 = arith.constant 5 : i32
      %shift_right_arithmetic3A_1878 = vector.broadcast %shift_right_arithmetic3A_1877 : i32 to vector<16xi32>
      %shift_right_arithmetic3A_1879 = arith.shrsi %add3A_1873, %shift_right_arithmetic3A_1878 : vector<16xi32>
      %shift_left3A_1880 = arith.constant 9 : i32
      %shift_left3A_1881 = vector.broadcast %shift_left3A_1880 : i32 to vector<16xi32>
      %shift_left3A_1882 = arith.shli %shift_right_arithmetic3A_1879, %shift_left3A_1881 : vector<16xi32>
      %add3A_1883 = arith.addi %add3A_1736, %shift_left3A_1882 : vector<16xi32>
      %and3A_1884 = arith.constant 31 : i32
      %and3A_1885 = vector.broadcast %and3A_1884 : i32 to vector<16xi32>
      %and3A_1886 = arith.andi %add3A_1873, %and3A_1885 : vector<16xi32>
      %gather3A_1887 = tpu.vector_load_idx %arg13[%add3A_1883, %and3A_1886] : memref<1024x32xf32, #tpu.memory_space<vmem>>[vector<16xi32>, vector<16xi32>], vector<16xf32>,
      %shift_right_arithmetic3A_1888 = arith.constant 5 : i32
      %shift_right_arithmetic3A_1889 = vector.broadcast %shift_right_arithmetic3A_1888 : i32 to vector<16xi32>
      %shift_right_arithmetic3A_1890 = arith.shrsi %add3A_1876, %shift_right_arithmetic3A_1889 : vector<16xi32>
      %shift_left3A_1891 = arith.constant 9 : i32
      %shift_left3A_1892 = vector.broadcast %shift_left3A_1891 : i32 to vector<16xi32>
      %shift_left3A_1893 = arith.shli %shift_right_arithmetic3A_1890, %shift_left3A_1892 : vector<16xi32>
      %add3A_1894 = arith.addi %add3A_1736, %shift_left3A_1893 : vector<16xi32>
      %and3A_1895 = arith.constant 31 : i32
      %and3A_1896 = vector.broadcast %and3A_1895 : i32 to vector<16xi32>
      %and3A_1897 = arith.andi %add3A_1876, %and3A_1896 : vector<16xi32>
      %gather3A_1898 = tpu.vector_load_idx %arg14[%add3A_1894, %and3A_1897] : memref<1024x32xf32, #tpu.memory_space<vmem>>[vector<16xi32>, vector<16xi32>], vector<16xf32>,
      %mul3A_1899 = arith.mulf %gather3A_1887, %gather3A_1898 : vector<16xf32>
      %add3A_1900 = arith.addf %add3A_1870, %mul3A_1899 : vector<16xf32>
      %add3A_1901 = arith.constant 5 : i32
      %add3A_1902 = vector.broadcast %add3A_1901 : i32 to vector<16xi32>
      %add3A_1903 = arith.addi %and3A_1743, %add3A_1902 : vector<16xi32>
      %add3A_1904 = arith.constant 5 : i32
      %add3A_1905 = vector.broadcast %add3A_1904 : i32 to vector<16xi32>
      %add3A_1906 = arith.addi %and3A_1751, %add3A_1905 : vector<16xi32>
      %shift_right_arithmetic3A_1907 = arith.constant 5 : i32
      %shift_right_arithmetic3A_1908 = vector.broadcast %shift_right_arithmetic3A_1907 : i32 to vector<16xi32>
      %shift_right_arithmetic3A_1909 = arith.shrsi %add3A_1903, %shift_right_arithmetic3A_1908 : vector<16xi32>
      %shift_left3A_1910 = arith.constant 9 : i32
      %shift_left3A_1911 = vector.broadcast %shift_left3A_1910 : i32 to vector<16xi32>
      %shift_left3A_1912 = arith.shli %shift_right_arithmetic3A_1909, %shift_left3A_1911 : vector<16xi32>
      %add3A_1913 = arith.addi %add3A_1736, %shift_left3A_1912 : vector<16xi32>
      %and3A_1914 = arith.constant 31 : i32
      %and3A_1915 = vector.broadcast %and3A_1914 : i32 to vector<16xi32>
      %and3A_1916 = arith.andi %add3A_1903, %and3A_1915 : vector<16xi32>
      %gather3A_1917 = tpu.vector_load_idx %arg13[%add3A_1913, %and3A_1916] : memref<1024x32xf32, #tpu.memory_space<vmem>>[vector<16xi32>, vector<16xi32>], vector<16xf32>,
      %shift_right_arithmetic3A_1918 = arith.constant 5 : i32
      %shift_right_arithmetic3A_1919 = vector.broadcast %shift_right_arithmetic3A_1918 : i32 to vector<16xi32>
      %shift_right_arithmetic3A_1920 = arith.shrsi %add3A_1906, %shift_right_arithmetic3A_1919 : vector<16xi32>
      %shift_left3A_1921 = arith.constant 9 : i32
      %shift_left3A_1922 = vector.broadcast %shift_left3A_1921 : i32 to vector<16xi32>
      %shift_left3A_1923 = arith.shli %shift_right_arithmetic3A_1920, %shift_left3A_1922 : vector<16xi32>
      %add3A_1924 = arith.addi %add3A_1736, %shift_left3A_1923 : vector<16xi32>
      %and3A_1925 = arith.constant 31 : i32
      %and3A_1926 = vector.broadcast %and3A_1925 : i32 to vector<16xi32>
      %and3A_1927 = arith.andi %add3A_1906, %and3A_1926 : vector<16xi32>
      %gather3A_1928 = tpu.vector_load_idx %arg14[%add3A_1924, %and3A_1927] : memref<1024x32xf32, #tpu.memory_space<vmem>>[vector<16xi32>, vector<16xi32>], vector<16xf32>,
      %mul3A_1929 = arith.mulf %gather3A_1917, %gather3A_1928 : vector<16xf32>
      %add3A_1930 = arith.addf %add3A_1900, %mul3A_1929 : vector<16xf32>
      %add3A_1931 = arith.constant 6 : i32
      %add3A_1932 = vector.broadcast %add3A_1931 : i32 to vector<16xi32>
      %add3A_1933 = arith.addi %and3A_1743, %add3A_1932 : vector<16xi32>
      %add3A_1934 = arith.constant 6 : i32
      %add3A_1935 = vector.broadcast %add3A_1934 : i32 to vector<16xi32>
      %add3A_1936 = arith.addi %and3A_1751, %add3A_1935 : vector<16xi32>
      %shift_right_arithmetic3A_1937 = arith.constant 5 : i32
      %shift_right_arithmetic3A_1938 = vector.broadcast %shift_right_arithmetic3A_1937 : i32 to vector<16xi32>
      %shift_right_arithmetic3A_1939 = arith.shrsi %add3A_1933, %shift_right_arithmetic3A_1938 : vector<16xi32>
      %shift_left3A_1940 = arith.constant 9 : i32
      %shift_left3A_1941 = vector.broadcast %shift_left3A_1940 : i32 to vector<16xi32>
      %shift_left3A_1942 = arith.shli %shift_right_arithmetic3A_1939, %shift_left3A_1941 : vector<16xi32>
      %add3A_1943 = arith.addi %add3A_1736, %shift_left3A_1942 : vector<16xi32>
      %and3A_1944 = arith.constant 31 : i32
      %and3A_1945 = vector.broadcast %and3A_1944 : i32 to vector<16xi32>
      %and3A_1946 = arith.andi %add3A_1933, %and3A_1945 : vector<16xi32>
      %gather3A_1947 = tpu.vector_load_idx %arg13[%add3A_1943, %and3A_1946] : memref<1024x32xf32, #tpu.memory_space<vmem>>[vector<16xi32>, vector<16xi32>], vector<16xf32>,
      %shift_right_arithmetic3A_1948 = arith.constant 5 : i32
      %shift_right_arithmetic3A_1949 = vector.broadcast %shift_right_arithmetic3A_1948 : i32 to vector<16xi32>
      %shift_right_arithmetic3A_1950 = arith.shrsi %add3A_1936, %shift_right_arithmetic3A_1949 : vector<16xi32>
      %shift_left3A_1951 = arith.constant 9 : i32
      %shift_left3A_1952 = vector.broadcast %shift_left3A_1951 : i32 to vector<16xi32>
      %shift_left3A_1953 = arith.shli %shift_right_arithmetic3A_1950, %shift_left3A_1952 : vector<16xi32>
      %add3A_1954 = arith.addi %add3A_1736, %shift_left3A_1953 : vector<16xi32>
      %and3A_1955 = arith.constant 31 : i32
      %and3A_1956 = vector.broadcast %and3A_1955 : i32 to vector<16xi32>
      %and3A_1957 = arith.andi %add3A_1936, %and3A_1956 : vector<16xi32>
      %gather3A_1958 = tpu.vector_load_idx %arg14[%add3A_1954, %and3A_1957] : memref<1024x32xf32, #tpu.memory_space<vmem>>[vector<16xi32>, vector<16xi32>], vector<16xf32>,
      %mul3A_1959 = arith.mulf %gather3A_1947, %gather3A_1958 : vector<16xf32>
      %add3A_1960 = arith.addf %add3A_1930, %mul3A_1959 : vector<16xf32>
      %add3A_1961 = arith.constant 7 : i32
      %add3A_1962 = vector.broadcast %add3A_1961 : i32 to vector<16xi32>
      %add3A_1963 = arith.addi %and3A_1743, %add3A_1962 : vector<16xi32>
      %add3A_1964 = arith.constant 7 : i32
      %add3A_1965 = vector.broadcast %add3A_1964 : i32 to vector<16xi32>
      %add3A_1966 = arith.addi %and3A_1751, %add3A_1965 : vector<16xi32>
      %shift_right_arithmetic3A_1967 = arith.constant 5 : i32
      %shift_right_arithmetic3A_1968 = vector.broadcast %shift_right_arithmetic3A_1967 : i32 to vector<16xi32>
      %shift_right_arithmetic3A_1969 = arith.shrsi %add3A_1963, %shift_right_arithmetic3A_1968 : vector<16xi32>
      %shift_left3A_1970 = arith.constant 9 : i32
      %shift_left3A_1971 = vector.broadcast %shift_left3A_1970 : i32 to vector<16xi32>
      %shift_left3A_1972 = arith.shli %shift_right_arithmetic3A_1969, %shift_left3A_1971 : vector<16xi32>
      %add3A_1973 = arith.addi %add3A_1736, %shift_left3A_1972 : vector<16xi32>
      %and3A_1974 = arith.constant 31 : i32
      %and3A_1975 = vector.broadcast %and3A_1974 : i32 to vector<16xi32>
      %and3A_1976 = arith.andi %add3A_1963, %and3A_1975 : vector<16xi32>
      %gather3A_1977 = tpu.vector_load_idx %arg13[%add3A_1973, %and3A_1976] : memref<1024x32xf32, #tpu.memory_space<vmem>>[vector<16xi32>, vector<16xi32>], vector<16xf32>,
      %shift_right_arithmetic3A_1978 = arith.constant 5 : i32
      %shift_right_arithmetic3A_1979 = vector.broadcast %shift_right_arithmetic3A_1978 : i32 to vector<16xi32>
      %shift_right_arithmetic3A_1980 = arith.shrsi %add3A_1966, %shift_right_arithmetic3A_1979 : vector<16xi32>
      %shift_left3A_1981 = arith.constant 9 : i32
      %shift_left3A_1982 = vector.broadcast %shift_left3A_1981 : i32 to vector<16xi32>
      %shift_left3A_1983 = arith.shli %shift_right_arithmetic3A_1980, %shift_left3A_1982 : vector<16xi32>
      %add3A_1984 = arith.addi %add3A_1736, %shift_left3A_1983 : vector<16xi32>
      %and3A_1985 = arith.constant 31 : i32
      %and3A_1986 = vector.broadcast %and3A_1985 : i32 to vector<16xi32>
      %and3A_1987 = arith.andi %add3A_1966, %and3A_1986 : vector<16xi32>
      %gather3A_1988 = tpu.vector_load_idx %arg14[%add3A_1984, %and3A_1987] : memref<1024x32xf32, #tpu.memory_space<vmem>>[vector<16xi32>, vector<16xi32>], vector<16xf32>,
      %mul3A_1989 = arith.mulf %gather3A_1977, %gather3A_1988 : vector<16xf32>
      %add3A_1990 = arith.addf %add3A_1960, %mul3A_1989 : vector<16xf32>
      %add3A_1991 = arith.constant 8 : i32
      %add3A_1992 = vector.broadcast %add3A_1991 : i32 to vector<16xi32>
      %add3A_1993 = arith.addi %and3A_1743, %add3A_1992 : vector<16xi32>
      %add3A_1994 = arith.constant 8 : i32
      %add3A_1995 = vector.broadcast %add3A_1994 : i32 to vector<16xi32>
      %add3A_1996 = arith.addi %and3A_1751, %add3A_1995 : vector<16xi32>
      %shift_right_arithmetic3A_1997 = arith.constant 5 : i32
      %shift_right_arithmetic3A_1998 = vector.broadcast %shift_right_arithmetic3A_1997 : i32 to vector<16xi32>
      %shift_right_arithmetic3A_1999 = arith.shrsi %add3A_1993, %shift_right_arithmetic3A_1998 : vector<16xi32>
      %shift_left3A_2000 = arith.constant 9 : i32
      %shift_left3A_2001 = vector.broadcast %shift_left3A_2000 : i32 to vector<16xi32>
      %shift_left3A_2002 = arith.shli %shift_right_arithmetic3A_1999, %shift_left3A_2001 : vector<16xi32>
      %add3A_2003 = arith.addi %add3A_1736, %shift_left3A_2002 : vector<16xi32>
      %and3A_2004 = arith.constant 31 : i32
      %and3A_2005 = vector.broadcast %and3A_2004 : i32 to vector<16xi32>
      %and3A_2006 = arith.andi %add3A_1993, %and3A_2005 : vector<16xi32>
      %gather3A_2007 = tpu.vector_load_idx %arg13[%add3A_2003, %and3A_2006] : memref<1024x32xf32, #tpu.memory_space<vmem>>[vector<16xi32>, vector<16xi32>], vector<16xf32>,
      %shift_right_arithmetic3A_2008 = arith.constant 5 : i32
      %shift_right_arithmetic3A_2009 = vector.broadcast %shift_right_arithmetic3A_2008 : i32 to vector<16xi32>
      %shift_right_arithmetic3A_2010 = arith.shrsi %add3A_1996, %shift_right_arithmetic3A_2009 : vector<16xi32>
      %shift_left3A_2011 = arith.constant 9 : i32
      %shift_left3A_2012 = vector.broadcast %shift_left3A_2011 : i32 to vector<16xi32>
      %shift_left3A_2013 = arith.shli %shift_right_arithmetic3A_2010, %shift_left3A_2012 : vector<16xi32>
      %add3A_2014 = arith.addi %add3A_1736, %shift_left3A_2013 : vector<16xi32>
      %and3A_2015 = arith.constant 31 : i32
      %and3A_2016 = vector.broadcast %and3A_2015 : i32 to vector<16xi32>
      %and3A_2017 = arith.andi %add3A_1996, %and3A_2016 : vector<16xi32>
      %gather3A_2018 = tpu.vector_load_idx %arg14[%add3A_2014, %and3A_2017] : memref<1024x32xf32, #tpu.memory_space<vmem>>[vector<16xi32>, vector<16xi32>], vector<16xf32>,
      %mul3A_2019 = arith.mulf %gather3A_2007, %gather3A_2018 : vector<16xf32>
      %add3A_2020 = arith.addf %add3A_1990, %mul3A_2019 : vector<16xf32>
      %add3A_2021 = arith.constant 9 : i32
      %add3A_2022 = vector.broadcast %add3A_2021 : i32 to vector<16xi32>
      %add3A_2023 = arith.addi %and3A_1743, %add3A_2022 : vector<16xi32>
      %add3A_2024 = arith.constant 9 : i32
      %add3A_2025 = vector.broadcast %add3A_2024 : i32 to vector<16xi32>
      %add3A_2026 = arith.addi %and3A_1751, %add3A_2025 : vector<16xi32>
      %shift_right_arithmetic3A_2027 = arith.constant 5 : i32
      %shift_right_arithmetic3A_2028 = vector.broadcast %shift_right_arithmetic3A_2027 : i32 to vector<16xi32>
      %shift_right_arithmetic3A_2029 = arith.shrsi %add3A_2023, %shift_right_arithmetic3A_2028 : vector<16xi32>
      %shift_left3A_2030 = arith.constant 9 : i32
      %shift_left3A_2031 = vector.broadcast %shift_left3A_2030 : i32 to vector<16xi32>
      %shift_left3A_2032 = arith.shli %shift_right_arithmetic3A_2029, %shift_left3A_2031 : vector<16xi32>
      %add3A_2033 = arith.addi %add3A_1736, %shift_left3A_2032 : vector<16xi32>
      %and3A_2034 = arith.constant 31 : i32
      %and3A_2035 = vector.broadcast %and3A_2034 : i32 to vector<16xi32>
      %and3A_2036 = arith.andi %add3A_2023, %and3A_2035 : vector<16xi32>
      %gather3A_2037 = tpu.vector_load_idx %arg13[%add3A_2033, %and3A_2036] : memref<1024x32xf32, #tpu.memory_space<vmem>>[vector<16xi32>, vector<16xi32>], vector<16xf32>,
      %shift_right_arithmetic3A_2038 = arith.constant 5 : i32
      %shift_right_arithmetic3A_2039 = vector.broadcast %shift_right_arithmetic3A_2038 : i32 to vector<16xi32>
      %shift_right_arithmetic3A_2040 = arith.shrsi %add3A_2026, %shift_right_arithmetic3A_2039 : vector<16xi32>
      %shift_left3A_2041 = arith.constant 9 : i32
      %shift_left3A_2042 = vector.broadcast %shift_left3A_2041 : i32 to vector<16xi32>
      %shift_left3A_2043 = arith.shli %shift_right_arithmetic3A_2040, %shift_left3A_2042 : vector<16xi32>
      %add3A_2044 = arith.addi %add3A_1736, %shift_left3A_2043 : vector<16xi32>
      %and3A_2045 = arith.constant 31 : i32
      %and3A_2046 = vector.broadcast %and3A_2045 : i32 to vector<16xi32>
      %and3A_2047 = arith.andi %add3A_2026, %and3A_2046 : vector<16xi32>
      %gather3A_2048 = tpu.vector_load_idx %arg14[%add3A_2044, %and3A_2047] : memref<1024x32xf32, #tpu.memory_space<vmem>>[vector<16xi32>, vector<16xi32>], vector<16xf32>,
      %mul3A_2049 = arith.mulf %gather3A_2037, %gather3A_2048 : vector<16xf32>
      %add3A_2050 = arith.addf %add3A_2020, %mul3A_2049 : vector<16xf32>
      %add3A_2051 = arith.constant 10 : i32
      %add3A_2052 = vector.broadcast %add3A_2051 : i32 to vector<16xi32>
      %add3A_2053 = arith.addi %and3A_1743, %add3A_2052 : vector<16xi32>
      %add3A_2054 = arith.constant 10 : i32
      %add3A_2055 = vector.broadcast %add3A_2054 : i32 to vector<16xi32>
      %add3A_2056 = arith.addi %and3A_1751, %add3A_2055 : vector<16xi32>
      %shift_right_arithmetic3A_2057 = arith.constant 5 : i32
      %shift_right_arithmetic3A_2058 = vector.broadcast %shift_right_arithmetic3A_2057 : i32 to vector<16xi32>
      %shift_right_arithmetic3A_2059 = arith.shrsi %add3A_2053, %shift_right_arithmetic3A_2058 : vector<16xi32>
      %shift_left3A_2060 = arith.constant 9 : i32
      %shift_left3A_2061 = vector.broadcast %shift_left3A_2060 : i32 to vector<16xi32>
      %shift_left3A_2062 = arith.shli %shift_right_arithmetic3A_2059, %shift_left3A_2061 : vector<16xi32>
      %add3A_2063 = arith.addi %add3A_1736, %shift_left3A_2062 : vector<16xi32>
      %and3A_2064 = arith.constant 31 : i32
      %and3A_2065 = vector.broadcast %and3A_2064 : i32 to vector<16xi32>
      %and3A_2066 = arith.andi %add3A_2053, %and3A_2065 : vector<16xi32>
      %gather3A_2067 = tpu.vector_load_idx %arg13[%add3A_2063, %and3A_2066] : memref<1024x32xf32, #tpu.memory_space<vmem>>[vector<16xi32>, vector<16xi32>], vector<16xf32>,
      %shift_right_arithmetic3A_2068 = arith.constant 5 : i32
      %shift_right_arithmetic3A_2069 = vector.broadcast %shift_right_arithmetic3A_2068 : i32 to vector<16xi32>
      %shift_right_arithmetic3A_2070 = arith.shrsi %add3A_2056, %shift_right_arithmetic3A_2069 : vector<16xi32>
      %shift_left3A_2071 = arith.constant 9 : i32
      %shift_left3A_2072 = vector.broadcast %shift_left3A_2071 : i32 to vector<16xi32>
      %shift_left3A_2073 = arith.shli %shift_right_arithmetic3A_2070, %shift_left3A_2072 : vector<16xi32>
      %add3A_2074 = arith.addi %add3A_1736, %shift_left3A_2073 : vector<16xi32>
      %and3A_2075 = arith.constant 31 : i32
      %and3A_2076 = vector.broadcast %and3A_2075 : i32 to vector<16xi32>
      %and3A_2077 = arith.andi %add3A_2056, %and3A_2076 : vector<16xi32>
      %gather3A_2078 = tpu.vector_load_idx %arg14[%add3A_2074, %and3A_2077] : memref<1024x32xf32, #tpu.memory_space<vmem>>[vector<16xi32>, vector<16xi32>], vector<16xf32>,
      %mul3A_2079 = arith.mulf %gather3A_2067, %gather3A_2078 : vector<16xf32>
      %add3A_2080 = arith.addf %add3A_2050, %mul3A_2079 : vector<16xf32>
      %add3A_2081 = arith.constant 11 : i32
      %add3A_2082 = vector.broadcast %add3A_2081 : i32 to vector<16xi32>
      %add3A_2083 = arith.addi %and3A_1743, %add3A_2082 : vector<16xi32>
      %add3A_2084 = arith.constant 11 : i32
      %add3A_2085 = vector.broadcast %add3A_2084 : i32 to vector<16xi32>
      %add3A_2086 = arith.addi %and3A_1751, %add3A_2085 : vector<16xi32>
      %shift_right_arithmetic3A_2087 = arith.constant 5 : i32
      %shift_right_arithmetic3A_2088 = vector.broadcast %shift_right_arithmetic3A_2087 : i32 to vector<16xi32>
      %shift_right_arithmetic3A_2089 = arith.shrsi %add3A_2083, %shift_right_arithmetic3A_2088 : vector<16xi32>
      %shift_left3A_2090 = arith.constant 9 : i32
      %shift_left3A_2091 = vector.broadcast %shift_left3A_2090 : i32 to vector<16xi32>
      %shift_left3A_2092 = arith.shli %shift_right_arithmetic3A_2089, %shift_left3A_2091 : vector<16xi32>
      %add3A_2093 = arith.addi %add3A_1736, %shift_left3A_2092 : vector<16xi32>
      %and3A_2094 = arith.constant 31 : i32
      %and3A_2095 = vector.broadcast %and3A_2094 : i32 to vector<16xi32>
      %and3A_2096 = arith.andi %add3A_2083, %and3A_2095 : vector<16xi32>
      %gather3A_2097 = tpu.vector_load_idx %arg13[%add3A_2093, %and3A_2096] : memref<1024x32xf32, #tpu.memory_space<vmem>>[vector<16xi32>, vector<16xi32>], vector<16xf32>,
      %shift_right_arithmetic3A_2098 = arith.constant 5 : i32
      %shift_right_arithmetic3A_2099 = vector.broadcast %shift_right_arithmetic3A_2098 : i32 to vector<16xi32>
      %shift_right_arithmetic3A_2100 = arith.shrsi %add3A_2086, %shift_right_arithmetic3A_2099 : vector<16xi32>
      %shift_left3A_2101 = arith.constant 9 : i32
      %shift_left3A_2102 = vector.broadcast %shift_left3A_2101 : i32 to vector<16xi32>
      %shift_left3A_2103 = arith.shli %shift_right_arithmetic3A_2100, %shift_left3A_2102 : vector<16xi32>
      %add3A_2104 = arith.addi %add3A_1736, %shift_left3A_2103 : vector<16xi32>
      %and3A_2105 = arith.constant 31 : i32
      %and3A_2106 = vector.broadcast %and3A_2105 : i32 to vector<16xi32>
      %and3A_2107 = arith.andi %add3A_2086, %and3A_2106 : vector<16xi32>
      %gather3A_2108 = tpu.vector_load_idx %arg14[%add3A_2104, %and3A_2107] : memref<1024x32xf32, #tpu.memory_space<vmem>>[vector<16xi32>, vector<16xi32>], vector<16xf32>,
      %mul3A_2109 = arith.mulf %gather3A_2097, %gather3A_2108 : vector<16xf32>
      %add3A_2110 = arith.addf %add3A_2080, %mul3A_2109 : vector<16xf32>
      %add3A_2111 = arith.constant 12 : i32
      %add3A_2112 = vector.broadcast %add3A_2111 : i32 to vector<16xi32>
      %add3A_2113 = arith.addi %and3A_1743, %add3A_2112 : vector<16xi32>
      %add3A_2114 = arith.constant 12 : i32
      %add3A_2115 = vector.broadcast %add3A_2114 : i32 to vector<16xi32>
      %add3A_2116 = arith.addi %and3A_1751, %add3A_2115 : vector<16xi32>
      %shift_right_arithmetic3A_2117 = arith.constant 5 : i32
      %shift_right_arithmetic3A_2118 = vector.broadcast %shift_right_arithmetic3A_2117 : i32 to vector<16xi32>
      %shift_right_arithmetic3A_2119 = arith.shrsi %add3A_2113, %shift_right_arithmetic3A_2118 : vector<16xi32>
      %shift_left3A_2120 = arith.constant 9 : i32
      %shift_left3A_2121 = vector.broadcast %shift_left3A_2120 : i32 to vector<16xi32>
      %shift_left3A_2122 = arith.shli %shift_right_arithmetic3A_2119, %shift_left3A_2121 : vector<16xi32>
      %add3A_2123 = arith.addi %add3A_1736, %shift_left3A_2122 : vector<16xi32>
      %and3A_2124 = arith.constant 31 : i32
      %and3A_2125 = vector.broadcast %and3A_2124 : i32 to vector<16xi32>
      %and3A_2126 = arith.andi %add3A_2113, %and3A_2125 : vector<16xi32>
      %gather3A_2127 = tpu.vector_load_idx %arg13[%add3A_2123, %and3A_2126] : memref<1024x32xf32, #tpu.memory_space<vmem>>[vector<16xi32>, vector<16xi32>], vector<16xf32>,
      %shift_right_arithmetic3A_2128 = arith.constant 5 : i32
      %shift_right_arithmetic3A_2129 = vector.broadcast %shift_right_arithmetic3A_2128 : i32 to vector<16xi32>
      %shift_right_arithmetic3A_2130 = arith.shrsi %add3A_2116, %shift_right_arithmetic3A_2129 : vector<16xi32>
      %shift_left3A_2131 = arith.constant 9 : i32
      %shift_left3A_2132 = vector.broadcast %shift_left3A_2131 : i32 to vector<16xi32>
      %shift_left3A_2133 = arith.shli %shift_right_arithmetic3A_2130, %shift_left3A_2132 : vector<16xi32>
      %add3A_2134 = arith.addi %add3A_1736, %shift_left3A_2133 : vector<16xi32>
      %and3A_2135 = arith.constant 31 : i32
      %and3A_2136 = vector.broadcast %and3A_2135 : i32 to vector<16xi32>
      %and3A_2137 = arith.andi %add3A_2116, %and3A_2136 : vector<16xi32>
      %gather3A_2138 = tpu.vector_load_idx %arg14[%add3A_2134, %and3A_2137] : memref<1024x32xf32, #tpu.memory_space<vmem>>[vector<16xi32>, vector<16xi32>], vector<16xf32>,
      %mul3A_2139 = arith.mulf %gather3A_2127, %gather3A_2138 : vector<16xf32>
      %add3A_2140 = arith.addf %add3A_2110, %mul3A_2139 : vector<16xf32>
      %add3A_2141 = arith.constant 13 : i32
      %add3A_2142 = vector.broadcast %add3A_2141 : i32 to vector<16xi32>
      %add3A_2143 = arith.addi %and3A_1743, %add3A_2142 : vector<16xi32>
      %add3A_2144 = arith.constant 13 : i32
      %add3A_2145 = vector.broadcast %add3A_2144 : i32 to vector<16xi32>
      %add3A_2146 = arith.addi %and3A_1751, %add3A_2145 : vector<16xi32>
      %shift_right_arithmetic3A_2147 = arith.constant 5 : i32
      %shift_right_arithmetic3A_2148 = vector.broadcast %shift_right_arithmetic3A_2147 : i32 to vector<16xi32>
      %shift_right_arithmetic3A_2149 = arith.shrsi %add3A_2143, %shift_right_arithmetic3A_2148 : vector<16xi32>
      %shift_left3A_2150 = arith.constant 9 : i32
      %shift_left3A_2151 = vector.broadcast %shift_left3A_2150 : i32 to vector<16xi32>
      %shift_left3A_2152 = arith.shli %shift_right_arithmetic3A_2149, %shift_left3A_2151 : vector<16xi32>
      %add3A_2153 = arith.addi %add3A_1736, %shift_left3A_2152 : vector<16xi32>
      %and3A_2154 = arith.constant 31 : i32
      %and3A_2155 = vector.broadcast %and3A_2154 : i32 to vector<16xi32>
      %and3A_2156 = arith.andi %add3A_2143, %and3A_2155 : vector<16xi32>
      %gather3A_2157 = tpu.vector_load_idx %arg13[%add3A_2153, %and3A_2156] : memref<1024x32xf32, #tpu.memory_space<vmem>>[vector<16xi32>, vector<16xi32>], vector<16xf32>,
      %shift_right_arithmetic3A_2158 = arith.constant 5 : i32
      %shift_right_arithmetic3A_2159 = vector.broadcast %shift_right_arithmetic3A_2158 : i32 to vector<16xi32>
      %shift_right_arithmetic3A_2160 = arith.shrsi %add3A_2146, %shift_right_arithmetic3A_2159 : vector<16xi32>
      %shift_left3A_2161 = arith.constant 9 : i32
      %shift_left3A_2162 = vector.broadcast %shift_left3A_2161 : i32 to vector<16xi32>
      %shift_left3A_2163 = arith.shli %shift_right_arithmetic3A_2160, %shift_left3A_2162 : vector<16xi32>
      %add3A_2164 = arith.addi %add3A_1736, %shift_left3A_2163 : vector<16xi32>
      %and3A_2165 = arith.constant 31 : i32
      %and3A_2166 = vector.broadcast %and3A_2165 : i32 to vector<16xi32>
      %and3A_2167 = arith.andi %add3A_2146, %and3A_2166 : vector<16xi32>
      %gather3A_2168 = tpu.vector_load_idx %arg14[%add3A_2164, %and3A_2167] : memref<1024x32xf32, #tpu.memory_space<vmem>>[vector<16xi32>, vector<16xi32>], vector<16xf32>,
      %mul3A_2169 = arith.mulf %gather3A_2157, %gather3A_2168 : vector<16xf32>
      %add3A_2170 = arith.addf %add3A_2140, %mul3A_2169 : vector<16xf32>
      %add3A_2171 = arith.constant 14 : i32
      %add3A_2172 = vector.broadcast %add3A_2171 : i32 to vector<16xi32>
      %add3A_2173 = arith.addi %and3A_1743, %add3A_2172 : vector<16xi32>
      %add3A_2174 = arith.constant 14 : i32
      %add3A_2175 = vector.broadcast %add3A_2174 : i32 to vector<16xi32>
      %add3A_2176 = arith.addi %and3A_1751, %add3A_2175 : vector<16xi32>
      %shift_right_arithmetic3A_2177 = arith.constant 5 : i32
      %shift_right_arithmetic3A_2178 = vector.broadcast %shift_right_arithmetic3A_2177 : i32 to vector<16xi32>
      %shift_right_arithmetic3A_2179 = arith.shrsi %add3A_2173, %shift_right_arithmetic3A_2178 : vector<16xi32>
      %shift_left3A_2180 = arith.constant 9 : i32
      %shift_left3A_2181 = vector.broadcast %shift_left3A_2180 : i32 to vector<16xi32>
      %shift_left3A_2182 = arith.shli %shift_right_arithmetic3A_2179, %shift_left3A_2181 : vector<16xi32>
      %add3A_2183 = arith.addi %add3A_1736, %shift_left3A_2182 : vector<16xi32>
      %and3A_2184 = arith.constant 31 : i32
      %and3A_2185 = vector.broadcast %and3A_2184 : i32 to vector<16xi32>
      %and3A_2186 = arith.andi %add3A_2173, %and3A_2185 : vector<16xi32>
      %gather3A_2187 = tpu.vector_load_idx %arg13[%add3A_2183, %and3A_2186] : memref<1024x32xf32, #tpu.memory_space<vmem>>[vector<16xi32>, vector<16xi32>], vector<16xf32>,
      %shift_right_arithmetic3A_2188 = arith.constant 5 : i32
      %shift_right_arithmetic3A_2189 = vector.broadcast %shift_right_arithmetic3A_2188 : i32 to vector<16xi32>
      %shift_right_arithmetic3A_2190 = arith.shrsi %add3A_2176, %shift_right_arithmetic3A_2189 : vector<16xi32>
      %shift_left3A_2191 = arith.constant 9 : i32
      %shift_left3A_2192 = vector.broadcast %shift_left3A_2191 : i32 to vector<16xi32>
      %shift_left3A_2193 = arith.shli %shift_right_arithmetic3A_2190, %shift_left3A_2192 : vector<16xi32>
      %add3A_2194 = arith.addi %add3A_1736, %shift_left3A_2193 : vector<16xi32>
      %and3A_2195 = arith.constant 31 : i32
      %and3A_2196 = vector.broadcast %and3A_2195 : i32 to vector<16xi32>
      %and3A_2197 = arith.andi %add3A_2176, %and3A_2196 : vector<16xi32>
      %gather3A_2198 = tpu.vector_load_idx %arg14[%add3A_2194, %and3A_2197] : memref<1024x32xf32, #tpu.memory_space<vmem>>[vector<16xi32>, vector<16xi32>], vector<16xf32>,
      %mul3A_2199 = arith.mulf %gather3A_2187, %gather3A_2198 : vector<16xf32>
      %add3A_2200 = arith.addf %add3A_2170, %mul3A_2199 : vector<16xf32>
      %add3A_2201 = arith.constant 15 : i32
      %add3A_2202 = vector.broadcast %add3A_2201 : i32 to vector<16xi32>
      %add3A_2203 = arith.addi %and3A_1743, %add3A_2202 : vector<16xi32>
      %add3A_2204 = arith.constant 15 : i32
      %add3A_2205 = vector.broadcast %add3A_2204 : i32 to vector<16xi32>
      %add3A_2206 = arith.addi %and3A_1751, %add3A_2205 : vector<16xi32>
      %shift_right_arithmetic3A_2207 = arith.constant 5 : i32
      %shift_right_arithmetic3A_2208 = vector.broadcast %shift_right_arithmetic3A_2207 : i32 to vector<16xi32>
      %shift_right_arithmetic3A_2209 = arith.shrsi %add3A_2203, %shift_right_arithmetic3A_2208 : vector<16xi32>
      %shift_left3A_2210 = arith.constant 9 : i32
      %shift_left3A_2211 = vector.broadcast %shift_left3A_2210 : i32 to vector<16xi32>
      %shift_left3A_2212 = arith.shli %shift_right_arithmetic3A_2209, %shift_left3A_2211 : vector<16xi32>
      %add3A_2213 = arith.addi %add3A_1736, %shift_left3A_2212 : vector<16xi32>
      %and3A_2214 = arith.constant 31 : i32
      %and3A_2215 = vector.broadcast %and3A_2214 : i32 to vector<16xi32>
      %and3A_2216 = arith.andi %add3A_2203, %and3A_2215 : vector<16xi32>
      %gather3A_2217 = tpu.vector_load_idx %arg13[%add3A_2213, %and3A_2216] : memref<1024x32xf32, #tpu.memory_space<vmem>>[vector<16xi32>, vector<16xi32>], vector<16xf32>,
      %shift_right_arithmetic3A_2218 = arith.constant 5 : i32
      %shift_right_arithmetic3A_2219 = vector.broadcast %shift_right_arithmetic3A_2218 : i32 to vector<16xi32>
      %shift_right_arithmetic3A_2220 = arith.shrsi %add3A_2206, %shift_right_arithmetic3A_2219 : vector<16xi32>
      %shift_left3A_2221 = arith.constant 9 : i32
      %shift_left3A_2222 = vector.broadcast %shift_left3A_2221 : i32 to vector<16xi32>
      %shift_left3A_2223 = arith.shli %shift_right_arithmetic3A_2220, %shift_left3A_2222 : vector<16xi32>
      %add3A_2224 = arith.addi %add3A_1736, %shift_left3A_2223 : vector<16xi32>
      %and3A_2225 = arith.constant 31 : i32
      %and3A_2226 = vector.broadcast %and3A_2225 : i32 to vector<16xi32>
      %and3A_2227 = arith.andi %add3A_2206, %and3A_2226 : vector<16xi32>
      %gather3A_2228 = tpu.vector_load_idx %arg14[%add3A_2224, %and3A_2227] : memref<1024x32xf32, #tpu.memory_space<vmem>>[vector<16xi32>, vector<16xi32>], vector<16xf32>,
      %mul3A_2229 = arith.mulf %gather3A_2217, %gather3A_2228 : vector<16xf32>
      %add3A_2230 = arith.addf %add3A_2200, %mul3A_2229 : vector<16xf32>
      %add3A_2231 = arith.constant 16 : i32
      %add3A_2232 = vector.broadcast %add3A_2231 : i32 to vector<16xi32>
      %add3A_2233 = arith.addi %and3A_1743, %add3A_2232 : vector<16xi32>
      %add3A_2234 = arith.constant 16 : i32
      %add3A_2235 = vector.broadcast %add3A_2234 : i32 to vector<16xi32>
      %add3A_2236 = arith.addi %and3A_1751, %add3A_2235 : vector<16xi32>
      %shift_right_arithmetic3A_2237 = arith.constant 5 : i32
      %shift_right_arithmetic3A_2238 = vector.broadcast %shift_right_arithmetic3A_2237 : i32 to vector<16xi32>
      %shift_right_arithmetic3A_2239 = arith.shrsi %add3A_2233, %shift_right_arithmetic3A_2238 : vector<16xi32>
      %shift_left3A_2240 = arith.constant 9 : i32
      %shift_left3A_2241 = vector.broadcast %shift_left3A_2240 : i32 to vector<16xi32>
      %shift_left3A_2242 = arith.shli %shift_right_arithmetic3A_2239, %shift_left3A_2241 : vector<16xi32>
      %add3A_2243 = arith.addi %add3A_1736, %shift_left3A_2242 : vector<16xi32>
      %and3A_2244 = arith.constant 31 : i32
      %and3A_2245 = vector.broadcast %and3A_2244 : i32 to vector<16xi32>
      %and3A_2246 = arith.andi %add3A_2233, %and3A_2245 : vector<16xi32>
      %gather3A_2247 = tpu.vector_load_idx %arg13[%add3A_2243, %and3A_2246] : memref<1024x32xf32, #tpu.memory_space<vmem>>[vector<16xi32>, vector<16xi32>], vector<16xf32>,
      %shift_right_arithmetic3A_2248 = arith.constant 5 : i32
      %shift_right_arithmetic3A_2249 = vector.broadcast %shift_right_arithmetic3A_2248 : i32 to vector<16xi32>
      %shift_right_arithmetic3A_2250 = arith.shrsi %add3A_2236, %shift_right_arithmetic3A_2249 : vector<16xi32>
      %shift_left3A_2251 = arith.constant 9 : i32
      %shift_left3A_2252 = vector.broadcast %shift_left3A_2251 : i32 to vector<16xi32>
      %shift_left3A_2253 = arith.shli %shift_right_arithmetic3A_2250, %shift_left3A_2252 : vector<16xi32>
      %add3A_2254 = arith.addi %add3A_1736, %shift_left3A_2253 : vector<16xi32>
      %and3A_2255 = arith.constant 31 : i32
      %and3A_2256 = vector.broadcast %and3A_2255 : i32 to vector<16xi32>
      %and3A_2257 = arith.andi %add3A_2236, %and3A_2256 : vector<16xi32>
      %gather3A_2258 = tpu.vector_load_idx %arg14[%add3A_2254, %and3A_2257] : memref<1024x32xf32, #tpu.memory_space<vmem>>[vector<16xi32>, vector<16xi32>], vector<16xf32>,
      %mul3A_2259 = arith.mulf %gather3A_2247, %gather3A_2258 : vector<16xf32>
      %add3A_2260 = arith.addf %add3A_2230, %mul3A_2259 : vector<16xf32>
      %add3A_2261 = arith.constant 17 : i32
      %add3A_2262 = vector.broadcast %add3A_2261 : i32 to vector<16xi32>
      %add3A_2263 = arith.addi %and3A_1743, %add3A_2262 : vector<16xi32>
      %add3A_2264 = arith.constant 17 : i32
      %add3A_2265 = vector.broadcast %add3A_2264 : i32 to vector<16xi32>
      %add3A_2266 = arith.addi %and3A_1751, %add3A_2265 : vector<16xi32>
      %shift_right_arithmetic3A_2267 = arith.constant 5 : i32
      %shift_right_arithmetic3A_2268 = vector.broadcast %shift_right_arithmetic3A_2267 : i32 to vector<16xi32>
      %shift_right_arithmetic3A_2269 = arith.shrsi %add3A_2263, %shift_right_arithmetic3A_2268 : vector<16xi32>
      %shift_left3A_2270 = arith.constant 9 : i32
      %shift_left3A_2271 = vector.broadcast %shift_left3A_2270 : i32 to vector<16xi32>
      %shift_left3A_2272 = arith.shli %shift_right_arithmetic3A_2269, %shift_left3A_2271 : vector<16xi32>
      %add3A_2273 = arith.addi %add3A_1736, %shift_left3A_2272 : vector<16xi32>
      %and3A_2274 = arith.constant 31 : i32
      %and3A_2275 = vector.broadcast %and3A_2274 : i32 to vector<16xi32>
      %and3A_2276 = arith.andi %add3A_2263, %and3A_2275 : vector<16xi32>
      %gather3A_2277 = tpu.vector_load_idx %arg13[%add3A_2273, %and3A_2276] : memref<1024x32xf32, #tpu.memory_space<vmem>>[vector<16xi32>, vector<16xi32>], vector<16xf32>,
      %shift_right_arithmetic3A_2278 = arith.constant 5 : i32
      %shift_right_arithmetic3A_2279 = vector.broadcast %shift_right_arithmetic3A_2278 : i32 to vector<16xi32>
      %shift_right_arithmetic3A_2280 = arith.shrsi %add3A_2266, %shift_right_arithmetic3A_2279 : vector<16xi32>
      %shift_left3A_2281 = arith.constant 9 : i32
      %shift_left3A_2282 = vector.broadcast %shift_left3A_2281 : i32 to vector<16xi32>
      %shift_left3A_2283 = arith.shli %shift_right_arithmetic3A_2280, %shift_left3A_2282 : vector<16xi32>
      %add3A_2284 = arith.addi %add3A_1736, %shift_left3A_2283 : vector<16xi32>
      %and3A_2285 = arith.constant 31 : i32
      %and3A_2286 = vector.broadcast %and3A_2285 : i32 to vector<16xi32>
      %and3A_2287 = arith.andi %add3A_2266, %and3A_2286 : vector<16xi32>
      %gather3A_2288 = tpu.vector_load_idx %arg14[%add3A_2284, %and3A_2287] : memref<1024x32xf32, #tpu.memory_space<vmem>>[vector<16xi32>, vector<16xi32>], vector<16xf32>,
      %mul3A_2289 = arith.mulf %gather3A_2277, %gather3A_2288 : vector<16xf32>
      %add3A_2290 = arith.addf %add3A_2260, %mul3A_2289 : vector<16xf32>
      %add3A_2291 = arith.constant 18 : i32
      %add3A_2292 = vector.broadcast %add3A_2291 : i32 to vector<16xi32>
      %add3A_2293 = arith.addi %and3A_1743, %add3A_2292 : vector<16xi32>
      %add3A_2294 = arith.constant 18 : i32
      %add3A_2295 = vector.broadcast %add3A_2294 : i32 to vector<16xi32>
      %add3A_2296 = arith.addi %and3A_1751, %add3A_2295 : vector<16xi32>
      %shift_right_arithmetic3A_2297 = arith.constant 5 : i32
      %shift_right_arithmetic3A_2298 = vector.broadcast %shift_right_arithmetic3A_2297 : i32 to vector<16xi32>
      %shift_right_arithmetic3A_2299 = arith.shrsi %add3A_2293, %shift_right_arithmetic3A_2298 : vector<16xi32>
      %shift_left3A_2300 = arith.constant 9 : i32
      %shift_left3A_2301 = vector.broadcast %shift_left3A_2300 : i32 to vector<16xi32>
      %shift_left3A_2302 = arith.shli %shift_right_arithmetic3A_2299, %shift_left3A_2301 : vector<16xi32>
      %add3A_2303 = arith.addi %add3A_1736, %shift_left3A_2302 : vector<16xi32>
      %and3A_2304 = arith.constant 31 : i32
      %and3A_2305 = vector.broadcast %and3A_2304 : i32 to vector<16xi32>
      %and3A_2306 = arith.andi %add3A_2293, %and3A_2305 : vector<16xi32>
      %gather3A_2307 = tpu.vector_load_idx %arg13[%add3A_2303, %and3A_2306] : memref<1024x32xf32, #tpu.memory_space<vmem>>[vector<16xi32>, vector<16xi32>], vector<16xf32>,
      %shift_right_arithmetic3A_2308 = arith.constant 5 : i32
      %shift_right_arithmetic3A_2309 = vector.broadcast %shift_right_arithmetic3A_2308 : i32 to vector<16xi32>
      %shift_right_arithmetic3A_2310 = arith.shrsi %add3A_2296, %shift_right_arithmetic3A_2309 : vector<16xi32>
      %shift_left3A_2311 = arith.constant 9 : i32
      %shift_left3A_2312 = vector.broadcast %shift_left3A_2311 : i32 to vector<16xi32>
      %shift_left3A_2313 = arith.shli %shift_right_arithmetic3A_2310, %shift_left3A_2312 : vector<16xi32>
      %add3A_2314 = arith.addi %add3A_1736, %shift_left3A_2313 : vector<16xi32>
      %and3A_2315 = arith.constant 31 : i32
      %and3A_2316 = vector.broadcast %and3A_2315 : i32 to vector<16xi32>
      %and3A_2317 = arith.andi %add3A_2296, %and3A_2316 : vector<16xi32>
      %gather3A_2318 = tpu.vector_load_idx %arg14[%add3A_2314, %and3A_2317] : memref<1024x32xf32, #tpu.memory_space<vmem>>[vector<16xi32>, vector<16xi32>], vector<16xf32>,
      %mul3A_2319 = arith.mulf %gather3A_2307, %gather3A_2318 : vector<16xf32>
      %add3A_2320 = arith.addf %add3A_2290, %mul3A_2319 : vector<16xf32>
      %add3A_2321 = arith.constant 19 : i32
      %add3A_2322 = vector.broadcast %add3A_2321 : i32 to vector<16xi32>
      %add3A_2323 = arith.addi %and3A_1743, %add3A_2322 : vector<16xi32>
      %add3A_2324 = arith.constant 19 : i32
      %add3A_2325 = vector.broadcast %add3A_2324 : i32 to vector<16xi32>
      %add3A_2326 = arith.addi %and3A_1751, %add3A_2325 : vector<16xi32>
      %shift_right_arithmetic3A_2327 = arith.constant 5 : i32
      %shift_right_arithmetic3A_2328 = vector.broadcast %shift_right_arithmetic3A_2327 : i32 to vector<16xi32>
      %shift_right_arithmetic3A_2329 = arith.shrsi %add3A_2323, %shift_right_arithmetic3A_2328 : vector<16xi32>
      %shift_left3A_2330 = arith.constant 9 : i32
      %shift_left3A_2331 = vector.broadcast %shift_left3A_2330 : i32 to vector<16xi32>
      %shift_left3A_2332 = arith.shli %shift_right_arithmetic3A_2329, %shift_left3A_2331 : vector<16xi32>
      %add3A_2333 = arith.addi %add3A_1736, %shift_left3A_2332 : vector<16xi32>
      %and3A_2334 = arith.constant 31 : i32
      %and3A_2335 = vector.broadcast %and3A_2334 : i32 to vector<16xi32>
      %and3A_2336 = arith.andi %add3A_2323, %and3A_2335 : vector<16xi32>
      %gather3A_2337 = tpu.vector_load_idx %arg13[%add3A_2333, %and3A_2336] : memref<1024x32xf32, #tpu.memory_space<vmem>>[vector<16xi32>, vector<16xi32>], vector<16xf32>,
      %shift_right_arithmetic3A_2338 = arith.constant 5 : i32
      %shift_right_arithmetic3A_2339 = vector.broadcast %shift_right_arithmetic3A_2338 : i32 to vector<16xi32>
      %shift_right_arithmetic3A_2340 = arith.shrsi %add3A_2326, %shift_right_arithmetic3A_2339 : vector<16xi32>
      %shift_left3A_2341 = arith.constant 9 : i32
      %shift_left3A_2342 = vector.broadcast %shift_left3A_2341 : i32 to vector<16xi32>
      %shift_left3A_2343 = arith.shli %shift_right_arithmetic3A_2340, %shift_left3A_2342 : vector<16xi32>
      %add3A_2344 = arith.addi %add3A_1736, %shift_left3A_2343 : vector<16xi32>
      %and3A_2345 = arith.constant 31 : i32
      %and3A_2346 = vector.broadcast %and3A_2345 : i32 to vector<16xi32>
      %and3A_2347 = arith.andi %add3A_2326, %and3A_2346 : vector<16xi32>
      %gather3A_2348 = tpu.vector_load_idx %arg14[%add3A_2344, %and3A_2347] : memref<1024x32xf32, #tpu.memory_space<vmem>>[vector<16xi32>, vector<16xi32>], vector<16xf32>,
      %mul3A_2349 = arith.mulf %gather3A_2337, %gather3A_2348 : vector<16xf32>
      %add3A_2350 = arith.addf %add3A_2320, %mul3A_2349 : vector<16xf32>
      %add3A_2351 = arith.constant 20 : i32
      %add3A_2352 = vector.broadcast %add3A_2351 : i32 to vector<16xi32>
      %add3A_2353 = arith.addi %and3A_1743, %add3A_2352 : vector<16xi32>
      %add3A_2354 = arith.constant 20 : i32
      %add3A_2355 = vector.broadcast %add3A_2354 : i32 to vector<16xi32>
      %add3A_2356 = arith.addi %and3A_1751, %add3A_2355 : vector<16xi32>
      %shift_right_arithmetic3A_2357 = arith.constant 5 : i32
      %shift_right_arithmetic3A_2358 = vector.broadcast %shift_right_arithmetic3A_2357 : i32 to vector<16xi32>
      %shift_right_arithmetic3A_2359 = arith.shrsi %add3A_2353, %shift_right_arithmetic3A_2358 : vector<16xi32>
      %shift_left3A_2360 = arith.constant 9 : i32
      %shift_left3A_2361 = vector.broadcast %shift_left3A_2360 : i32 to vector<16xi32>
      %shift_left3A_2362 = arith.shli %shift_right_arithmetic3A_2359, %shift_left3A_2361 : vector<16xi32>
      %add3A_2363 = arith.addi %add3A_1736, %shift_left3A_2362 : vector<16xi32>
      %and3A_2364 = arith.constant 31 : i32
      %and3A_2365 = vector.broadcast %and3A_2364 : i32 to vector<16xi32>
      %and3A_2366 = arith.andi %add3A_2353, %and3A_2365 : vector<16xi32>
      %gather3A_2367 = tpu.vector_load_idx %arg13[%add3A_2363, %and3A_2366] : memref<1024x32xf32, #tpu.memory_space<vmem>>[vector<16xi32>, vector<16xi32>], vector<16xf32>,
      %shift_right_arithmetic3A_2368 = arith.constant 5 : i32
      %shift_right_arithmetic3A_2369 = vector.broadcast %shift_right_arithmetic3A_2368 : i32 to vector<16xi32>
      %shift_right_arithmetic3A_2370 = arith.shrsi %add3A_2356, %shift_right_arithmetic3A_2369 : vector<16xi32>
      %shift_left3A_2371 = arith.constant 9 : i32
      %shift_left3A_2372 = vector.broadcast %shift_left3A_2371 : i32 to vector<16xi32>
      %shift_left3A_2373 = arith.shli %shift_right_arithmetic3A_2370, %shift_left3A_2372 : vector<16xi32>
      %add3A_2374 = arith.addi %add3A_1736, %shift_left3A_2373 : vector<16xi32>
      %and3A_2375 = arith.constant 31 : i32
      %and3A_2376 = vector.broadcast %and3A_2375 : i32 to vector<16xi32>
      %and3A_2377 = arith.andi %add3A_2356, %and3A_2376 : vector<16xi32>
      %gather3A_2378 = tpu.vector_load_idx %arg14[%add3A_2374, %and3A_2377] : memref<1024x32xf32, #tpu.memory_space<vmem>>[vector<16xi32>, vector<16xi32>], vector<16xf32>,
      %mul3A_2379 = arith.mulf %gather3A_2367, %gather3A_2378 : vector<16xf32>
      %add3A_2380 = arith.addf %add3A_2350, %mul3A_2379 : vector<16xf32>
      %add3A_2381 = arith.constant 21 : i32
      %add3A_2382 = vector.broadcast %add3A_2381 : i32 to vector<16xi32>
      %add3A_2383 = arith.addi %and3A_1743, %add3A_2382 : vector<16xi32>
      %add3A_2384 = arith.constant 21 : i32
      %add3A_2385 = vector.broadcast %add3A_2384 : i32 to vector<16xi32>
      %add3A_2386 = arith.addi %and3A_1751, %add3A_2385 : vector<16xi32>
      %shift_right_arithmetic3A_2387 = arith.constant 5 : i32
      %shift_right_arithmetic3A_2388 = vector.broadcast %shift_right_arithmetic3A_2387 : i32 to vector<16xi32>
      %shift_right_arithmetic3A_2389 = arith.shrsi %add3A_2383, %shift_right_arithmetic3A_2388 : vector<16xi32>
      %shift_left3A_2390 = arith.constant 9 : i32
      %shift_left3A_2391 = vector.broadcast %shift_left3A_2390 : i32 to vector<16xi32>
      %shift_left3A_2392 = arith.shli %shift_right_arithmetic3A_2389, %shift_left3A_2391 : vector<16xi32>
      %add3A_2393 = arith.addi %add3A_1736, %shift_left3A_2392 : vector<16xi32>
      %and3A_2394 = arith.constant 31 : i32
      %and3A_2395 = vector.broadcast %and3A_2394 : i32 to vector<16xi32>
      %and3A_2396 = arith.andi %add3A_2383, %and3A_2395 : vector<16xi32>
      %gather3A_2397 = tpu.vector_load_idx %arg13[%add3A_2393, %and3A_2396] : memref<1024x32xf32, #tpu.memory_space<vmem>>[vector<16xi32>, vector<16xi32>], vector<16xf32>,
      %shift_right_arithmetic3A_2398 = arith.constant 5 : i32
      %shift_right_arithmetic3A_2399 = vector.broadcast %shift_right_arithmetic3A_2398 : i32 to vector<16xi32>
      %shift_right_arithmetic3A_2400 = arith.shrsi %add3A_2386, %shift_right_arithmetic3A_2399 : vector<16xi32>
      %shift_left3A_2401 = arith.constant 9 : i32
      %shift_left3A_2402 = vector.broadcast %shift_left3A_2401 : i32 to vector<16xi32>
      %shift_left3A_2403 = arith.shli %shift_right_arithmetic3A_2400, %shift_left3A_2402 : vector<16xi32>
      %add3A_2404 = arith.addi %add3A_1736, %shift_left3A_2403 : vector<16xi32>
      %and3A_2405 = arith.constant 31 : i32
      %and3A_2406 = vector.broadcast %and3A_2405 : i32 to vector<16xi32>
      %and3A_2407 = arith.andi %add3A_2386, %and3A_2406 : vector<16xi32>
      %gather3A_2408 = tpu.vector_load_idx %arg14[%add3A_2404, %and3A_2407] : memref<1024x32xf32, #tpu.memory_space<vmem>>[vector<16xi32>, vector<16xi32>], vector<16xf32>,
      %mul3A_2409 = arith.mulf %gather3A_2397, %gather3A_2408 : vector<16xf32>
      %add3A_2410 = arith.addf %add3A_2380, %mul3A_2409 : vector<16xf32>
      %add3A_2411 = arith.constant 22 : i32
      %add3A_2412 = vector.broadcast %add3A_2411 : i32 to vector<16xi32>
      %add3A_2413 = arith.addi %and3A_1743, %add3A_2412 : vector<16xi32>
      %add3A_2414 = arith.constant 22 : i32
      %add3A_2415 = vector.broadcast %add3A_2414 : i32 to vector<16xi32>
      %add3A_2416 = arith.addi %and3A_1751, %add3A_2415 : vector<16xi32>
      %shift_right_arithmetic3A_2417 = arith.constant 5 : i32
      %shift_right_arithmetic3A_2418 = vector.broadcast %shift_right_arithmetic3A_2417 : i32 to vector<16xi32>
      %shift_right_arithmetic3A_2419 = arith.shrsi %add3A_2413, %shift_right_arithmetic3A_2418 : vector<16xi32>
      %shift_left3A_2420 = arith.constant 9 : i32
      %shift_left3A_2421 = vector.broadcast %shift_left3A_2420 : i32 to vector<16xi32>
      %shift_left3A_2422 = arith.shli %shift_right_arithmetic3A_2419, %shift_left3A_2421 : vector<16xi32>
      %add3A_2423 = arith.addi %add3A_1736, %shift_left3A_2422 : vector<16xi32>
      %and3A_2424 = arith.constant 31 : i32
      %and3A_2425 = vector.broadcast %and3A_2424 : i32 to vector<16xi32>
      %and3A_2426 = arith.andi %add3A_2413, %and3A_2425 : vector<16xi32>
      %gather3A_2427 = tpu.vector_load_idx %arg13[%add3A_2423, %and3A_2426] : memref<1024x32xf32, #tpu.memory_space<vmem>>[vector<16xi32>, vector<16xi32>], vector<16xf32>,
      %shift_right_arithmetic3A_2428 = arith.constant 5 : i32
      %shift_right_arithmetic3A_2429 = vector.broadcast %shift_right_arithmetic3A_2428 : i32 to vector<16xi32>
      %shift_right_arithmetic3A_2430 = arith.shrsi %add3A_2416, %shift_right_arithmetic3A_2429 : vector<16xi32>
      %shift_left3A_2431 = arith.constant 9 : i32
      %shift_left3A_2432 = vector.broadcast %shift_left3A_2431 : i32 to vector<16xi32>
      %shift_left3A_2433 = arith.shli %shift_right_arithmetic3A_2430, %shift_left3A_2432 : vector<16xi32>
      %add3A_2434 = arith.addi %add3A_1736, %shift_left3A_2433 : vector<16xi32>
      %and3A_2435 = arith.constant 31 : i32
      %and3A_2436 = vector.broadcast %and3A_2435 : i32 to vector<16xi32>
      %and3A_2437 = arith.andi %add3A_2416, %and3A_2436 : vector<16xi32>
      %gather3A_2438 = tpu.vector_load_idx %arg14[%add3A_2434, %and3A_2437] : memref<1024x32xf32, #tpu.memory_space<vmem>>[vector<16xi32>, vector<16xi32>], vector<16xf32>,
      %mul3A_2439 = arith.mulf %gather3A_2427, %gather3A_2438 : vector<16xf32>
      %add3A_2440 = arith.addf %add3A_2410, %mul3A_2439 : vector<16xf32>
      %add3A_2441 = arith.constant 23 : i32
      %add3A_2442 = vector.broadcast %add3A_2441 : i32 to vector<16xi32>
      %add3A_2443 = arith.addi %and3A_1743, %add3A_2442 : vector<16xi32>
      %add3A_2444 = arith.constant 23 : i32
      %add3A_2445 = vector.broadcast %add3A_2444 : i32 to vector<16xi32>
      %add3A_2446 = arith.addi %and3A_1751, %add3A_2445 : vector<16xi32>
      %shift_right_arithmetic3A_2447 = arith.constant 5 : i32
      %shift_right_arithmetic3A_2448 = vector.broadcast %shift_right_arithmetic3A_2447 : i32 to vector<16xi32>
      %shift_right_arithmetic3A_2449 = arith.shrsi %add3A_2443, %shift_right_arithmetic3A_2448 : vector<16xi32>
      %shift_left3A_2450 = arith.constant 9 : i32
      %shift_left3A_2451 = vector.broadcast %shift_left3A_2450 : i32 to vector<16xi32>
      %shift_left3A_2452 = arith.shli %shift_right_arithmetic3A_2449, %shift_left3A_2451 : vector<16xi32>
      %add3A_2453 = arith.addi %add3A_1736, %shift_left3A_2452 : vector<16xi32>
      %and3A_2454 = arith.constant 31 : i32
      %and3A_2455 = vector.broadcast %and3A_2454 : i32 to vector<16xi32>
      %and3A_2456 = arith.andi %add3A_2443, %and3A_2455 : vector<16xi32>
      %gather3A_2457 = tpu.vector_load_idx %arg13[%add3A_2453, %and3A_2456] : memref<1024x32xf32, #tpu.memory_space<vmem>>[vector<16xi32>, vector<16xi32>], vector<16xf32>,
      %shift_right_arithmetic3A_2458 = arith.constant 5 : i32
      %shift_right_arithmetic3A_2459 = vector.broadcast %shift_right_arithmetic3A_2458 : i32 to vector<16xi32>
      %shift_right_arithmetic3A_2460 = arith.shrsi %add3A_2446, %shift_right_arithmetic3A_2459 : vector<16xi32>
      %shift_left3A_2461 = arith.constant 9 : i32
      %shift_left3A_2462 = vector.broadcast %shift_left3A_2461 : i32 to vector<16xi32>
      %shift_left3A_2463 = arith.shli %shift_right_arithmetic3A_2460, %shift_left3A_2462 : vector<16xi32>
      %add3A_2464 = arith.addi %add3A_1736, %shift_left3A_2463 : vector<16xi32>
      %and3A_2465 = arith.constant 31 : i32
      %and3A_2466 = vector.broadcast %and3A_2465 : i32 to vector<16xi32>
      %and3A_2467 = arith.andi %add3A_2446, %and3A_2466 : vector<16xi32>
      %gather3A_2468 = tpu.vector_load_idx %arg14[%add3A_2464, %and3A_2467] : memref<1024x32xf32, #tpu.memory_space<vmem>>[vector<16xi32>, vector<16xi32>], vector<16xf32>,
      %mul3A_2469 = arith.mulf %gather3A_2457, %gather3A_2468 : vector<16xf32>
      %add3A_2470 = arith.addf %add3A_2440, %mul3A_2469 : vector<16xf32>
      %add3A_2471 = arith.constant 24 : i32
      %add3A_2472 = vector.broadcast %add3A_2471 : i32 to vector<16xi32>
      %add3A_2473 = arith.addi %and3A_1743, %add3A_2472 : vector<16xi32>
      %add3A_2474 = arith.constant 24 : i32
      %add3A_2475 = vector.broadcast %add3A_2474 : i32 to vector<16xi32>
      %add3A_2476 = arith.addi %and3A_1751, %add3A_2475 : vector<16xi32>
      %shift_right_arithmetic3A_2477 = arith.constant 5 : i32
      %shift_right_arithmetic3A_2478 = vector.broadcast %shift_right_arithmetic3A_2477 : i32 to vector<16xi32>
      %shift_right_arithmetic3A_2479 = arith.shrsi %add3A_2473, %shift_right_arithmetic3A_2478 : vector<16xi32>
      %shift_left3A_2480 = arith.constant 9 : i32
      %shift_left3A_2481 = vector.broadcast %shift_left3A_2480 : i32 to vector<16xi32>
      %shift_left3A_2482 = arith.shli %shift_right_arithmetic3A_2479, %shift_left3A_2481 : vector<16xi32>
      %add3A_2483 = arith.addi %add3A_1736, %shift_left3A_2482 : vector<16xi32>
      %and3A_2484 = arith.constant 31 : i32
      %and3A_2485 = vector.broadcast %and3A_2484 : i32 to vector<16xi32>
      %and3A_2486 = arith.andi %add3A_2473, %and3A_2485 : vector<16xi32>
      %gather3A_2487 = tpu.vector_load_idx %arg13[%add3A_2483, %and3A_2486] : memref<1024x32xf32, #tpu.memory_space<vmem>>[vector<16xi32>, vector<16xi32>], vector<16xf32>,
      %shift_right_arithmetic3A_2488 = arith.constant 5 : i32
      %shift_right_arithmetic3A_2489 = vector.broadcast %shift_right_arithmetic3A_2488 : i32 to vector<16xi32>
      %shift_right_arithmetic3A_2490 = arith.shrsi %add3A_2476, %shift_right_arithmetic3A_2489 : vector<16xi32>
      %shift_left3A_2491 = arith.constant 9 : i32
      %shift_left3A_2492 = vector.broadcast %shift_left3A_2491 : i32 to vector<16xi32>
      %shift_left3A_2493 = arith.shli %shift_right_arithmetic3A_2490, %shift_left3A_2492 : vector<16xi32>
      %add3A_2494 = arith.addi %add3A_1736, %shift_left3A_2493 : vector<16xi32>
      %and3A_2495 = arith.constant 31 : i32
      %and3A_2496 = vector.broadcast %and3A_2495 : i32 to vector<16xi32>
      %and3A_2497 = arith.andi %add3A_2476, %and3A_2496 : vector<16xi32>
      %gather3A_2498 = tpu.vector_load_idx %arg14[%add3A_2494, %and3A_2497] : memref<1024x32xf32, #tpu.memory_space<vmem>>[vector<16xi32>, vector<16xi32>], vector<16xf32>,
      %mul3A_2499 = arith.mulf %gather3A_2487, %gather3A_2498 : vector<16xf32>
      %add3A_2500 = arith.addf %add3A_2470, %mul3A_2499 : vector<16xf32>
      %add3A_2501 = arith.constant 25 : i32
      %add3A_2502 = vector.broadcast %add3A_2501 : i32 to vector<16xi32>
      %add3A_2503 = arith.addi %and3A_1743, %add3A_2502 : vector<16xi32>
      %add3A_2504 = arith.constant 25 : i32
      %add3A_2505 = vector.broadcast %add3A_2504 : i32 to vector<16xi32>
      %add3A_2506 = arith.addi %and3A_1751, %add3A_2505 : vector<16xi32>
      %shift_right_arithmetic3A_2507 = arith.constant 5 : i32
      %shift_right_arithmetic3A_2508 = vector.broadcast %shift_right_arithmetic3A_2507 : i32 to vector<16xi32>
      %shift_right_arithmetic3A_2509 = arith.shrsi %add3A_2503, %shift_right_arithmetic3A_2508 : vector<16xi32>
      %shift_left3A_2510 = arith.constant 9 : i32
      %shift_left3A_2511 = vector.broadcast %shift_left3A_2510 : i32 to vector<16xi32>
      %shift_left3A_2512 = arith.shli %shift_right_arithmetic3A_2509, %shift_left3A_2511 : vector<16xi32>
      %add3A_2513 = arith.addi %add3A_1736, %shift_left3A_2512 : vector<16xi32>
      %and3A_2514 = arith.constant 31 : i32
      %and3A_2515 = vector.broadcast %and3A_2514 : i32 to vector<16xi32>
      %and3A_2516 = arith.andi %add3A_2503, %and3A_2515 : vector<16xi32>
      %gather3A_2517 = tpu.vector_load_idx %arg13[%add3A_2513, %and3A_2516] : memref<1024x32xf32, #tpu.memory_space<vmem>>[vector<16xi32>, vector<16xi32>], vector<16xf32>,
      %shift_right_arithmetic3A_2518 = arith.constant 5 : i32
      %shift_right_arithmetic3A_2519 = vector.broadcast %shift_right_arithmetic3A_2518 : i32 to vector<16xi32>
      %shift_right_arithmetic3A_2520 = arith.shrsi %add3A_2506, %shift_right_arithmetic3A_2519 : vector<16xi32>
      %shift_left3A_2521 = arith.constant 9 : i32
      %shift_left3A_2522 = vector.broadcast %shift_left3A_2521 : i32 to vector<16xi32>
      %shift_left3A_2523 = arith.shli %shift_right_arithmetic3A_2520, %shift_left3A_2522 : vector<16xi32>
      %add3A_2524 = arith.addi %add3A_1736, %shift_left3A_2523 : vector<16xi32>
      %and3A_2525 = arith.constant 31 : i32
      %and3A_2526 = vector.broadcast %and3A_2525 : i32 to vector<16xi32>
      %and3A_2527 = arith.andi %add3A_2506, %and3A_2526 : vector<16xi32>
      %gather3A_2528 = tpu.vector_load_idx %arg14[%add3A_2524, %and3A_2527] : memref<1024x32xf32, #tpu.memory_space<vmem>>[vector<16xi32>, vector<16xi32>], vector<16xf32>,
      %mul3A_2529 = arith.mulf %gather3A_2517, %gather3A_2528 : vector<16xf32>
      %add3A_2530 = arith.addf %add3A_2500, %mul3A_2529 : vector<16xf32>
      %add3A_2531 = arith.constant 26 : i32
      %add3A_2532 = vector.broadcast %add3A_2531 : i32 to vector<16xi32>
      %add3A_2533 = arith.addi %and3A_1743, %add3A_2532 : vector<16xi32>
      %add3A_2534 = arith.constant 26 : i32
      %add3A_2535 = vector.broadcast %add3A_2534 : i32 to vector<16xi32>
      %add3A_2536 = arith.addi %and3A_1751, %add3A_2535 : vector<16xi32>
      %shift_right_arithmetic3A_2537 = arith.constant 5 : i32
      %shift_right_arithmetic3A_2538 = vector.broadcast %shift_right_arithmetic3A_2537 : i32 to vector<16xi32>
      %shift_right_arithmetic3A_2539 = arith.shrsi %add3A_2533, %shift_right_arithmetic3A_2538 : vector<16xi32>
      %shift_left3A_2540 = arith.constant 9 : i32
      %shift_left3A_2541 = vector.broadcast %shift_left3A_2540 : i32 to vector<16xi32>
      %shift_left3A_2542 = arith.shli %shift_right_arithmetic3A_2539, %shift_left3A_2541 : vector<16xi32>
      %add3A_2543 = arith.addi %add3A_1736, %shift_left3A_2542 : vector<16xi32>
      %and3A_2544 = arith.constant 31 : i32
      %and3A_2545 = vector.broadcast %and3A_2544 : i32 to vector<16xi32>
      %and3A_2546 = arith.andi %add3A_2533, %and3A_2545 : vector<16xi32>
      %gather3A_2547 = tpu.vector_load_idx %arg13[%add3A_2543, %and3A_2546] : memref<1024x32xf32, #tpu.memory_space<vmem>>[vector<16xi32>, vector<16xi32>], vector<16xf32>,
      %shift_right_arithmetic3A_2548 = arith.constant 5 : i32
      %shift_right_arithmetic3A_2549 = vector.broadcast %shift_right_arithmetic3A_2548 : i32 to vector<16xi32>
      %shift_right_arithmetic3A_2550 = arith.shrsi %add3A_2536, %shift_right_arithmetic3A_2549 : vector<16xi32>
      %shift_left3A_2551 = arith.constant 9 : i32
      %shift_left3A_2552 = vector.broadcast %shift_left3A_2551 : i32 to vector<16xi32>
      %shift_left3A_2553 = arith.shli %shift_right_arithmetic3A_2550, %shift_left3A_2552 : vector<16xi32>
      %add3A_2554 = arith.addi %add3A_1736, %shift_left3A_2553 : vector<16xi32>
      %and3A_2555 = arith.constant 31 : i32
      %and3A_2556 = vector.broadcast %and3A_2555 : i32 to vector<16xi32>
      %and3A_2557 = arith.andi %add3A_2536, %and3A_2556 : vector<16xi32>
      %gather3A_2558 = tpu.vector_load_idx %arg14[%add3A_2554, %and3A_2557] : memref<1024x32xf32, #tpu.memory_space<vmem>>[vector<16xi32>, vector<16xi32>], vector<16xf32>,
      %mul3A_2559 = arith.mulf %gather3A_2547, %gather3A_2558 : vector<16xf32>
      %add3A_2560 = arith.addf %add3A_2530, %mul3A_2559 : vector<16xf32>
      %add3A_2561 = arith.constant 27 : i32
      %add3A_2562 = vector.broadcast %add3A_2561 : i32 to vector<16xi32>
      %add3A_2563 = arith.addi %and3A_1743, %add3A_2562 : vector<16xi32>
      %add3A_2564 = arith.constant 27 : i32
      %add3A_2565 = vector.broadcast %add3A_2564 : i32 to vector<16xi32>
      %add3A_2566 = arith.addi %and3A_1751, %add3A_2565 : vector<16xi32>
      %shift_right_arithmetic3A_2567 = arith.constant 5 : i32
      %shift_right_arithmetic3A_2568 = vector.broadcast %shift_right_arithmetic3A_2567 : i32 to vector<16xi32>
      %shift_right_arithmetic3A_2569 = arith.shrsi %add3A_2563, %shift_right_arithmetic3A_2568 : vector<16xi32>
      %shift_left3A_2570 = arith.constant 9 : i32
      %shift_left3A_2571 = vector.broadcast %shift_left3A_2570 : i32 to vector<16xi32>
      %shift_left3A_2572 = arith.shli %shift_right_arithmetic3A_2569, %shift_left3A_2571 : vector<16xi32>
      %add3A_2573 = arith.addi %add3A_1736, %shift_left3A_2572 : vector<16xi32>
      %and3A_2574 = arith.constant 31 : i32
      %and3A_2575 = vector.broadcast %and3A_2574 : i32 to vector<16xi32>
      %and3A_2576 = arith.andi %add3A_2563, %and3A_2575 : vector<16xi32>
      %gather3A_2577 = tpu.vector_load_idx %arg13[%add3A_2573, %and3A_2576] : memref<1024x32xf32, #tpu.memory_space<vmem>>[vector<16xi32>, vector<16xi32>], vector<16xf32>,
      %shift_right_arithmetic3A_2578 = arith.constant 5 : i32
      %shift_right_arithmetic3A_2579 = vector.broadcast %shift_right_arithmetic3A_2578 : i32 to vector<16xi32>
      %shift_right_arithmetic3A_2580 = arith.shrsi %add3A_2566, %shift_right_arithmetic3A_2579 : vector<16xi32>
      %shift_left3A_2581 = arith.constant 9 : i32
      %shift_left3A_2582 = vector.broadcast %shift_left3A_2581 : i32 to vector<16xi32>
      %shift_left3A_2583 = arith.shli %shift_right_arithmetic3A_2580, %shift_left3A_2582 : vector<16xi32>
      %add3A_2584 = arith.addi %add3A_1736, %shift_left3A_2583 : vector<16xi32>
      %and3A_2585 = arith.constant 31 : i32
      %and3A_2586 = vector.broadcast %and3A_2585 : i32 to vector<16xi32>
      %and3A_2587 = arith.andi %add3A_2566, %and3A_2586 : vector<16xi32>
      %gather3A_2588 = tpu.vector_load_idx %arg14[%add3A_2584, %and3A_2587] : memref<1024x32xf32, #tpu.memory_space<vmem>>[vector<16xi32>, vector<16xi32>], vector<16xf32>,
      %mul3A_2589 = arith.mulf %gather3A_2577, %gather3A_2588 : vector<16xf32>
      %add3A_2590 = arith.addf %add3A_2560, %mul3A_2589 : vector<16xf32>
      %add3A_2591 = arith.constant 28 : i32
      %add3A_2592 = vector.broadcast %add3A_2591 : i32 to vector<16xi32>
      %add3A_2593 = arith.addi %and3A_1743, %add3A_2592 : vector<16xi32>
      %add3A_2594 = arith.constant 28 : i32
      %add3A_2595 = vector.broadcast %add3A_2594 : i32 to vector<16xi32>
      %add3A_2596 = arith.addi %and3A_1751, %add3A_2595 : vector<16xi32>
      %shift_right_arithmetic3A_2597 = arith.constant 5 : i32
      %shift_right_arithmetic3A_2598 = vector.broadcast %shift_right_arithmetic3A_2597 : i32 to vector<16xi32>
      %shift_right_arithmetic3A_2599 = arith.shrsi %add3A_2593, %shift_right_arithmetic3A_2598 : vector<16xi32>
      %shift_left3A_2600 = arith.constant 9 : i32
      %shift_left3A_2601 = vector.broadcast %shift_left3A_2600 : i32 to vector<16xi32>
      %shift_left3A_2602 = arith.shli %shift_right_arithmetic3A_2599, %shift_left3A_2601 : vector<16xi32>
      %add3A_2603 = arith.addi %add3A_1736, %shift_left3A_2602 : vector<16xi32>
      %and3A_2604 = arith.constant 31 : i32
      %and3A_2605 = vector.broadcast %and3A_2604 : i32 to vector<16xi32>
      %and3A_2606 = arith.andi %add3A_2593, %and3A_2605 : vector<16xi32>
      %gather3A_2607 = tpu.vector_load_idx %arg13[%add3A_2603, %and3A_2606] : memref<1024x32xf32, #tpu.memory_space<vmem>>[vector<16xi32>, vector<16xi32>], vector<16xf32>,
      %shift_right_arithmetic3A_2608 = arith.constant 5 : i32
      %shift_right_arithmetic3A_2609 = vector.broadcast %shift_right_arithmetic3A_2608 : i32 to vector<16xi32>
      %shift_right_arithmetic3A_2610 = arith.shrsi %add3A_2596, %shift_right_arithmetic3A_2609 : vector<16xi32>
      %shift_left3A_2611 = arith.constant 9 : i32
      %shift_left3A_2612 = vector.broadcast %shift_left3A_2611 : i32 to vector<16xi32>
      %shift_left3A_2613 = arith.shli %shift_right_arithmetic3A_2610, %shift_left3A_2612 : vector<16xi32>
      %add3A_2614 = arith.addi %add3A_1736, %shift_left3A_2613 : vector<16xi32>
      %and3A_2615 = arith.constant 31 : i32
      %and3A_2616 = vector.broadcast %and3A_2615 : i32 to vector<16xi32>
      %and3A_2617 = arith.andi %add3A_2596, %and3A_2616 : vector<16xi32>
      %gather3A_2618 = tpu.vector_load_idx %arg14[%add3A_2614, %and3A_2617] : memref<1024x32xf32, #tpu.memory_space<vmem>>[vector<16xi32>, vector<16xi32>], vector<16xf32>,
      %mul3A_2619 = arith.mulf %gather3A_2607, %gather3A_2618 : vector<16xf32>
      %add3A_2620 = arith.addf %add3A_2590, %mul3A_2619 : vector<16xf32>
      %add3A_2621 = arith.constant 29 : i32
      %add3A_2622 = vector.broadcast %add3A_2621 : i32 to vector<16xi32>
      %add3A_2623 = arith.addi %and3A_1743, %add3A_2622 : vector<16xi32>
      %add3A_2624 = arith.constant 29 : i32
      %add3A_2625 = vector.broadcast %add3A_2624 : i32 to vector<16xi32>
      %add3A_2626 = arith.addi %and3A_1751, %add3A_2625 : vector<16xi32>
      %shift_right_arithmetic3A_2627 = arith.constant 5 : i32
      %shift_right_arithmetic3A_2628 = vector.broadcast %shift_right_arithmetic3A_2627 : i32 to vector<16xi32>
      %shift_right_arithmetic3A_2629 = arith.shrsi %add3A_2623, %shift_right_arithmetic3A_2628 : vector<16xi32>
      %shift_left3A_2630 = arith.constant 9 : i32
      %shift_left3A_2631 = vector.broadcast %shift_left3A_2630 : i32 to vector<16xi32>
      %shift_left3A_2632 = arith.shli %shift_right_arithmetic3A_2629, %shift_left3A_2631 : vector<16xi32>
      %add3A_2633 = arith.addi %add3A_1736, %shift_left3A_2632 : vector<16xi32>
      %and3A_2634 = arith.constant 31 : i32
      %and3A_2635 = vector.broadcast %and3A_2634 : i32 to vector<16xi32>
      %and3A_2636 = arith.andi %add3A_2623, %and3A_2635 : vector<16xi32>
      %gather3A_2637 = tpu.vector_load_idx %arg13[%add3A_2633, %and3A_2636] : memref<1024x32xf32, #tpu.memory_space<vmem>>[vector<16xi32>, vector<16xi32>], vector<16xf32>,
      %shift_right_arithmetic3A_2638 = arith.constant 5 : i32
      %shift_right_arithmetic3A_2639 = vector.broadcast %shift_right_arithmetic3A_2638 : i32 to vector<16xi32>
      %shift_right_arithmetic3A_2640 = arith.shrsi %add3A_2626, %shift_right_arithmetic3A_2639 : vector<16xi32>
      %shift_left3A_2641 = arith.constant 9 : i32
      %shift_left3A_2642 = vector.broadcast %shift_left3A_2641 : i32 to vector<16xi32>
      %shift_left3A_2643 = arith.shli %shift_right_arithmetic3A_2640, %shift_left3A_2642 : vector<16xi32>
      %add3A_2644 = arith.addi %add3A_1736, %shift_left3A_2643 : vector<16xi32>
      %and3A_2645 = arith.constant 31 : i32
      %and3A_2646 = vector.broadcast %and3A_2645 : i32 to vector<16xi32>
      %and3A_2647 = arith.andi %add3A_2626, %and3A_2646 : vector<16xi32>
      %gather3A_2648 = tpu.vector_load_idx %arg14[%add3A_2644, %and3A_2647] : memref<1024x32xf32, #tpu.memory_space<vmem>>[vector<16xi32>, vector<16xi32>], vector<16xf32>,
      %mul3A_2649 = arith.mulf %gather3A_2637, %gather3A_2648 : vector<16xf32>
      %add3A_2650 = arith.addf %add3A_2620, %mul3A_2649 : vector<16xf32>
      %swap3A_2651 = arith.index_cast %mul3A_1732 : i32 to index
      %swap3A_2652 = tpu.vector_load %arg15[%swap3A_2651] {strides = array<i32>} : memref<512xf32, #tpu.memory_space<vmem>>, vector<16xf32>,
      tpu.vector_store %arg15[%swap3A_2651], %add3A_2650 {strides = array<i32>} : memref<512xf32, #tpu.memory_space<vmem>>, vector<16xf32>,
    }
    %scan3A_1729 = arith.constant 32 : i32
    "tpu.region"() ({
      %run_scoped3A = tpu.sem_alloc : memref<!tpu.dma_semaphore, #tpu.memory_space<semaphore_mem>>
      %dma_start3A_1730 = tpu.memref_slice %arg6[%mul3A_2] : memref<16384xf32, #tpu.memory_space<hbm>> -> memref<512xf32, #tpu.memory_space<hbm>>
      %dma_start3A_1731 = tpu.memref_slice %arg6[%mul3A_2] : memref<16384xf32, #tpu.memory_space<hbm>> -> memref<512xf32, #tpu.memory_space<hbm>>
      tpu.enqueue_dma source(%arg15 : memref<512xf32, #tpu.memory_space<vmem>>) target(%dma_start3A_1731 : memref<512xf32, #tpu.memory_space<hbm>>) target_semaphore(%run_scoped3A : memref<!tpu.dma_semaphore, #tpu.memory_space<semaphore_mem>>)
      %dma_wait3A_1732 = tpu.memref_slice %arg6[%mul3A_2] : memref<16384xf32, #tpu.memory_space<hbm>> -> memref<512xf32, #tpu.memory_space<hbm>>
      %dma_wait3A_1733 = tpu.memref_slice %arg6[%mul3A_2] : memref<16384xf32, #tpu.memory_space<hbm>> -> memref<512xf32, #tpu.memory_space<hbm>>
      tpu.wait_dma2 semaphore(%run_scoped3A : memref<!tpu.dma_semaphore, #tpu.memory_space<semaphore_mem>>) src(%arg15 : memref<512xf32, #tpu.memory_space<vmem>>) dst(%dma_wait3A_1733 : memref<512xf32, #tpu.memory_space<hbm>>)
      tpu.yield
    }) : () -> ()
    return
  }
}

</mosaic_0001>

<sc_bundles>
// kernel: kernel.3.cloned.1.call-start
scs
__scs_entry_jumppad:
0x0: {  	(pc) =	sbr.rel $0x88, $3  }
0x1: {  	(tag) =	ssettag $0x0;
	lr =	simm.s32 $0x1  }
0x2: {  	[smem:$0x3F9E] =	sst lr;
	_ =	strace $0xD0000000  }
0x3: {  	_ = 	snop  }
0x4: {  	_ = 	snop  }
0x5: {  	_ = 	snop  }
0x6: {  	_ = 	snop  }
0x7: {  	_ = 	snop  }
__scs_overlays_trampoline_lowered:
0x8: {  	[smem:$0x3FAD] =	sst s0  }
0x9: {  	[smem:$0x3FAE] =	sst s1  }
0xa: {  	[smem:$0x3FAF] =	sst s2  }
0xb: {  	[smem:$0x3FB0] =	sst s3  }
0xc: {  	[smem:$0x3FB1] =	sst s4  }
0xd: {  	[smem:$0x3FB2] =	sst s5  }
0xe: {  	[smem:$0x3FB3] =	sst s6  }
0xf: {  	[smem:$0x3FB4] =	sst s7  }
0x10: {  	[smem:$0x3FB5] =	sst s8  }
0x11: {  	[smem:$0x3FB6] =	sst s9;
	s0 =	simm.s32 @!p0 $0x0  }
0x12: {  	s1 =	sld [smem:$0x3F9C];
	s0 =	simm.s32 @p0 $0x1  }
0x13: {  	[smem:$0x3FB7] =	sst s0;
	s0 =	simm.s32 @!p1 $0x0  }
0x14: {  	s2 =	sld [smem:$0x3F9B];
	s0 =	simm.s32 @p1 $0x1  }
0x15: {  	[smem:$0x3FB8] =	sst s0;
	s0 =	simm.s32 @!p2 $0x0  }
0x16: {  	s3 =	sld [smem:$0x3FDB];
	s0 =	simm.s32 @p2 $0x1  }
0x17: {  	s4 =	simm.s32 $0x1BF5;
	[smem:$0x3FBA] =	sst s0  }
0x18: {  	s0 =	sld [smem:$0x3F9D];
	_ =	swait.ge [sflag:s4], $0x0  }
0x19: {  	s7 =	sld [smem:$0x3F9E]  }
0x1a: {  	s8 =	sadd.s32 $0xFFFFE003, lr  }
0x1b: {  	s9 =	sadd.s32 $0xFFFFFEF7, lr;
	s5 =	simm.s32 $0xFFFFFFFF;
	p2 =	slt.u32 s8, $0xFFFFF086  }
0x1c: {  	p1 =	slt.u32 s9, $0xF7A;
	s5 =	simm.s32 @!p2 $0x0  }
0x1d: {  	s5 =	simm.s32 @p1 $0x1;
	p0 =	seq.s32 s7, s2  }
0x1e: {  	s7 =	smul.u32 @!p0 $0xF7A, s2;
	p2 =	seq.s32 @!p0 s5, $0x0  }
0x1f: {  	s9 =	smul.u32 $0xF7A, s1;
	s8 =	simm.s32 @!p0 $0x1BF5;
	p2 =	por !p2, p0  }
0x20: {  	[sflag:s8] =	ssyncset.s32 @!p0 $0xFFFFF086;
	s6 =	sadd.s32 @!p0 s3, s7;
	s7 =	simm.s32 @!p0 $0x108  }
0x21: {  	s3 =	sadd.s32 s3, s9;
	s6 =	sadd.s32 @!p0 $0x88, s6;
	s7 =	simm.s32 @p2 $0x1082  }
0x22: {  	[simem:s7], [sflag:s8] =	dma.local @!p0 [hbm:s6], $0xF7A  }
0x23: {  	s9 =	sor.u32 $0xD0000000, s2;
	s6 =	simm.s32 $0x108;
	_ =	swait.ge @!p0 [sflag:s8], $0x0  }
0x24: {  	s3 =	sadd.s32 $0x88, s3;
	s6 =	simm.s32 @!p1 $0x1082;
	[sflag:s4] =	ssyncset.s32 $0xFFFFF086  }
0x25: {  	[simem:s6], [sflag:s4] =	dma.local [hbm:s3], $0xF7A  }
0x26: {  	[smem:$0x3F9E] =	sst s1;
	(tag) =	ssettag s2;
	_ =	strace s9  }
0x27: {  	s1 =	sld [smem:$0x3FAE]  }
0x28: {  	s2 =	sld [smem:$0x3FAF]  }
0x29: {  	s4 =	sld [smem:$0x3FB1]  }
0x2a: {  	p0 =	seq.s32 s5, $0x0;
	s5 =	sld [smem:$0x3FB2]  }
0x2b: {  	s6 =	sld [smem:$0x3FB3]  }
0x2c: {  	s7 =	sld [smem:$0x3FB4]  }
0x2d: {  	s3 =	simm.s32 $0x108;
	s8 =	sld [smem:$0x3FB5]  }
0x2e: {  	s3 =	simm.s32 @!p0 $0x1082;
	s9 =	sld [smem:$0x3FB6]  }
0x2f: {  	lr =	sadd.s32 s0, s3;
	s0 =	sld [smem:$0x3FAD]  }
0x30: {  	s3 =	sld [smem:$0x3FB0]  }
0x31: {  	[smem:$0x3FB9] =	sst s10  }
0x32: {  	s10 =	sld [smem:$0x3FB7];
	_ =	sdelay $0x3  }
0x33: {  	p0 =	seq.s32 s10, $0x1;
	s10 =	sld [smem:$0x3FB9];
	_ =	sdelay $0x3  }
0x34: {  	[smem:$0x3FB9] =	sst s10  }
0x35: {  	s10 =	sld [smem:$0x3FB8];
	_ =	sdelay $0x3  }
0x36: {  	p1 =	seq.s32 s10, $0x1;
	s10 =	sld [smem:$0x3FB9];
	_ =	sdelay $0x3  }
0x37: {  	[smem:$0x3FB9] =	sst s10  }
0x38: {  	s10 =	sld [smem:$0x3FBA]  }
0x39: {  	_ = 	snop;
	(pc) =	sbr.ind lr, $3  }
0x3a: {  	_ = 	snop  }
0x3b: {  	_ = 	snop  }
0x3c: {  	p2 =	seq.s32 s10, $0x1;
	s10 =	sld [smem:$0x3FB9]  }
0x3d: {  	_ =	shalt  }
0x3e: {  	_ =	shalt  }
0x3f: {  	_ =	shalt  }
0x40: {  	_ =	shalt  }
0x41: {  	_ =	shalt  }
0x42: {  	_ =	shalt  }
0x43: {  	_ =	shalt  }
0x44: {  	_ =	shalt  }
0x45: {  	_ =	shalt  }
0x46: {  	_ =	shalt  }
0x47: {  	_ =	shalt  }
0x48: {  	_ =	shalt  }
0x49: {  	_ =	shalt  }
0x4a: {  	_ =	shalt  }
0x4b: {  	_ =	shalt  }
0x4c: {  	_ =	shalt  }
0x4d: {  	_ =	shalt  }
0x4e: {  	_ =	shalt  }
0x4f: {  	_ =	shalt  }
0x50: {  	_ =	shalt  }
0x51: {  	_ =	shalt  }
0x52: {  	_ =	shalt  }
0x53: {  	_ =	shalt  }
0x54: {  	_ =	shalt  }
0x55: {  	_ =	shalt  }
0x56: {  	_ =	shalt  }
0x57: {  	_ =	shalt  }
0x58: {  	_ =	shalt  }
0x59: {  	_ =	shalt  }
0x5a: {  	_ =	shalt  }
0x5b: {  	_ =	shalt  }
0x5c: {  	_ =	shalt  }
0x5d: {  	_ =	shalt  }
0x5e: {  	_ =	shalt  }
0x5f: {  	_ =	shalt  }
0x60: {  	_ =	shalt  }
0x61: {  	_ =	shalt  }
0x62: {  	_ =	shalt  }
0x63: {  	_ =	shalt  }
0x64: {  	_ =	shalt  }
0x65: {  	_ =	shalt  }
0x66: {  	_ =	shalt  }
0x67: {  	_ =	shalt  }
0x68: {  	_ =	shalt  }
0x69: {  	_ =	shalt  }
0x6a: {  	_ =	shalt  }
0x6b: {  	_ =	shalt  }
0x6c: {  	_ =	shalt  }
0x6d: {  	_ =	shalt  }
0x6e: {  	_ =	shalt  }
0x6f: {  	_ =	shalt  }
0x70: {  	_ =	shalt  }
0x71: {  	_ =	shalt  }
0x72: {  	_ =	shalt  }
0x73: {  	_ =	shalt  }
0x74: {  	_ =	shalt  }
0x75: {  	_ =	shalt  }
0x76: {  	_ =	shalt  }
0x77: {  	_ =	shalt  }
0x78: {  	_ =	shalt  }
0x79: {  	_ =	shalt  }
0x7a: {  	_ =	shalt  }
0x7b: {  	_ =	shalt  }
0x7c: {  	_ =	shalt  }
0x7d: {  	_ =	shalt  }
0x7e: {  	_ =	shalt  }
0x7f: {  	_ =	shalt  }
0x80: {  	_ =	shalt  }
0x81: {  	_ =	shalt  }
0x82: {  	_ =	shalt  }
0x83: {  	_ =	shalt  }
0x84: {  	_ =	shalt  }
0x85: {  	_ =	shalt  }
0x86: {  	_ =	shalt  }
0x87: {  	_ =	shalt  }
.Lfunc_end0:
.L_simem_size_0:
called_computation_lowered:
.L_overlay_start_0:
0x88: {  	s2 =	sld [smem:$0x3FD9]  }
0x89: {  	s3 =	sld [smem:$0x3FFE];
	_ =	sdelay $0x1  }
0x8a: {  	s1 =	srdreg.scid  }
0x8b: {  	s0 =	sand.u32 $0x1, s1  }
0x8c: {  	s17 =	sshll.u32 s0, $0xA;
	s2 =	sadd.s32 s3, s2  }
0x8d: {  	s2 =	sadd.s32 s2, s17  }
0x8e: {  	[smem:$0x3FC5] =	sst s2  }
0x8f: {  	_ = 	snop  }
0x90: {  	s2 =	sld [smem:$0x3FD0];
	(tm) =	ssettm $0x1  }
0x91: {  	s18 =	sld [smem:$0x3FFB];
	_ =	sdelay $0x3  }
0x92: {  	_ =	strace s18  }
0x93: {  	s3 =	sld [smem:$0x3FFC];
	_ =	sdelay $0x3  }
0x94: {  	_ =	strace s3  }
0x95: {  	s3 =	sld [smem:$0x3FFD];
	_ =	sdelay $0x3  }
0x96: {  	_ =	strace s3  }
0x97: {  	_ =	strace $0x8FFFFFFF  }
0x98: {  	s19 =	sld [smem:$0x3FDB];
	_ =	sdelay $0x1  }
0x99: {  	s4 =	simm.s32 $_scs_section_size  }
0x9a: {  	s5 =	simm.s32 $_size__tile_overlayer_lowered;
	s6 =	simm.s32 $_tile_overlayer_lowered  }
0x9b: {  	s22 =	simm.s32 $0x1BFF;
	s21 =	sshll.u32 s6, $0x1;
	s3 =	sadd.s32 s4, s19  }
0x9c: {  	s7 =	simm.s32 $0x0;
	s20 =	sshll.u32 s5, $0x1;
	s5 =	sadd.s32 s21, s3  }
0x9d: {  	[timem:s7], [sflag:s22] =	dma.local [hbm:s5], s20  }
0x9e: {  	_ =	swait.ge [sflag:s22], s20  }
0x9f: {  	s4 =	ssub.s32 $0x0, s20;
	[sflag:s22] =	ssyncset.done $0x0  }
0xa0: {  	[sflag:s22] =	ssyncadd.s32 s4;
	_ =	sdelay $0x1  }
0xa1: {  	s23 =	simm.s32 $0x1B8B  }
0xa2: {  	_ =	swait.ge [sflag:s23], $0x1  }
0xa3: {  	[sflag:s23] =	ssyncset.done $0x0  }
0xa4: {  	s25 =	simm.s32 $0x1B8E;
	s24 =	sld [smem:$0x3FFE];
	[sflag:s23] =	ssyncadd.s32 $0xFFFFFFFF  }
0xa5: {  	s26 =	simm.s32 $execute0_lowered;
	[smem:$0x3FD2] =	sst s25  }
0xa6: {  	s5 =	sshll.u32 s26, $0x1;
	_ =	strace $0x80000046;
	[dreg:$0x1] =	wrdreg $0xFFFFFFFF  }
0xa7: {  	s28 =	simm.s32 $_size_execute0_lowered;
	s3 =	sadd.s32 s3, s5;
	[dreg:$0x0] =	wrdreg $0x0  }
0xa8: {  	s5 =	sshll.u32 s28, $0x1;
	[dreg:$0x2] =	wrdreg s3  }
0xa9: {  	[dreg:$0x3] =	wrdreg s5  }
0xaa: {  	[dreg:$0x4] =	wrdreg $0xC0  }
0xab: {  	_ =	task [dreg:s7], $0x5FFFF  }
0xac: {  	[dreg:$0x1] =	wrdreg $0xFFFFFFFF  }
0xad: {  	[dreg:$0x0] =	wrdreg $0x60  }
0xae: {  	[dreg:$0x2] =	wrdreg s24  }
0xaf: {  	[dreg:$0x3] =	wrdreg s2  }
0xb0: {  	[dreg:$0x4] =	wrdreg $0x9  }
0xb1: {  	_ =	task.clear_ibuf [dreg:s7], $0x5FFFF;
	_ =	strace $0x90000046  }
0xb2: {  	s29 =	simm.s32 $0x9;
	_ =	strace $0x80000048  }
0xb3: {  	_ =	swait.ge [sflag:s29], $0x1  }
0xb4: {  	[sflag:s29] =	ssyncadd.s32 $0xFFFFFFFF  }
0xb5: {  	_ =	strace $0x90000048  }
0xb6: {  	_ =	sfence  }
0xb7: {  	s30 =	sld [smem:$0x0];
	_ =	sdelay $0x2  }
0xb8: {  	s31 =	sshll.u32 s1, $0xD;
	s1 =	sshrl.u32 s1, $0x2  }
0xb9: {  	s3 =	sand.u32 $0x4000, s31;
	s1 =	sadd.s32 s1, s30  }
0xba: {  	s0 =	sor.u32 s3, s0;
	s1 =	sshll.u32 s1, $0x11  }
0xbb: {  	s0 =	sor.u32 s1, s0  }
0xbc: {  	s0 =	sadd.s32 $0x8F2B, s0  }
0xbd: {  	[sflag:s0] =	ssyncadd.remote.s32 $0x1  }
0xbe: {  	_ =	sfence.sel $0xFFFF  }
0xbf: {  	[dreg:$0x0] =	wrdreg $0xFFFFFFFF;
	(pc) =	sbr.abs _section_cstart, $3  }
0xc0: {  	[dreg:$0x1] =	wrdreg $0xFFFFFFFF  }
0xc1: {  	_ =	task.clear_ibuf [dreg:s7], $0x2FFFF;
	_ =	strace $0x9FFFFFFF  }
0xc2: {  	(tm) =	ssettm $0x7FFFFFFF  }
0xc3: {  	_ =	shalt  }
tec
execute0_lowered:
.L_overlay_start_1:
0x0: {  	(tag) =	ssettag $0x1  }
0x1: {  	s0 =	rddreg [dreg:$0x0]  }
0x2: {  	s1 =	rddreg [dreg:$0x1]  }
0x3: {  	s2 =	srdreg.scid;
	s4 =	stileid.u32;
	s9 =	simm.s32 $0x2  }
0x4: {  	s10 =	simm.s32 $0x80;
	s12 =	simm.s32 $0xC00;
	s16 =	simm.s32 $0x8C00  }
0x5: {  	s31 =	simm.s32 $0x6C00;
	s11 =	simm.s32 $0xB00;
	s13 =	simm.s32 $0xEC00  }
0x6: {  	s14 =	simm.s32 $0x580;
	s15 =	simm.s32 $0x3C00;
	s17 =	simm.s32 $0x780  }
0x7: {  	s18 =	simm.s32 $0x7C00;
	s19 =	simm.s32 $0x980;
	s20 =	simm.s32 $0xBC00  }
0x8: {  	s21 =	simm.s32 $0xB80;
	s22 =	simm.s32 $0xFC00;
	s23 =	simm.s32 $0x1  }
0x9: {  	s24 =	simm.s32 $0x10C00;
	s25 =	simm.s32 $0x0;
	s3 =	sand.u32 $0x1, s2  }
0xa: {  	s2 =	simm.s32 $0x0;
	s4 =	sshll.u32 s4, $0x7;
	s5 =	sshll.u32 s3, $0x6  }
0xb: {  	[smem:$0x7FF] =	sst s2;
	s29 =	ssub.s32 $0x2, s3;
	s3 =	sadd.s32 $0xF43A00, s0  }
0xc: {  	s7 =	sor.u32 s5, s4;
	_ =	strace $0x80000047;
	s30 =	sshrl.u32 s29, $0x1  }
0xd: {  	s4 =	sadd.s32 $0x12D7400, s0;
	s6 =	sadd.s32 s7, s0;
	s0 =	ssub.s32 s29, s30  }
0xe: {  	s7 =	sadd.s32 s1, s7;
	s1 =	simm.s32 $0xAC00;
	s5 =	sadd.s32 $0xE00, s6  }
0xf: {  	v6 =	vlaneseq.u32;
	s6 =	sadd.s32 $0x600, s6;
	s8 =	smax.u32 s0, $0x1;
	s0 =	simm.s32 $0x900  }
.LBB2_1:
0x10: {  	[tilespmem:s2], [sflag:$0x2] =	stream.linear.gather [hbm4b:s5+s2], $0x200, $0x38;
	[tilespmem:$0x10E00] =	vst v63  }
0x11: {  	_ =	swait.ge [sflag:s9], $0x200  }
0x12: {  	[sflag:s9] =	ssyncset.done $0x0  }
0x13: {  	s26 =	simm.s32 $0x200;
	[sflag:s9] =	ssyncadd.s32 $0xFFFFFE00  }
0x14: {  	[tilespmem:s26], [sflag:$0x2] =	stream.linear.gather [hbm4b:s6+s2], $0x200, $0x38;
	[tilespmem:$0x10E00] =	vst v63  }
0x15: {  	_ =	swait.ge [sflag:s9], $0x200  }
0x16: {  	[sflag:s9] =	ssyncset.done $0x0  }
0x17: {  	[sflag:s9] =	ssyncadd.s32 $0xFFFFFE00  }
0x18: {  	v0 =	vld [tilespmem:$0x0];
	_ =	sdelay $0x1  }
0x19: {  	v1 =	vld [tilespmem:$0x200];
	_ =	sdelay $0x1  }
0x1a: {  	v2 =	vld [tilespmem:$0x10]  }
0x1b: {  	v0 =	vmul.u32 $0x1E, v0  }
0x1c: {  	v3 =	vld [tilespmem:$0x210]  }
0x1d: {  	v1 =	vmul.u32 $0x1E, v1;
	v0 =	vshra.s32 v0, $0x5  }
0x1e: {  	v4 =	vld [tilespmem:$0x20];
	vm0 =	vlt.s32 v0, $0xE4E1A  }
0x1f: {  	v2 =	vmul.u32 $0x1E, v2;
	v1 =	vshra.s32 v1, $0x5;
	v5 =	vnsel vm0, $0xE4E1A, v0  }
0x20: {  	[tilespmem:$0x400] =	vst v0;
	vm13 =	vlt.s32 v1, $0xE4E1A;
	v0 =	vadd.s32 $0x1, v5;
	v5 =	vld [tilespmem:$0x220]  }
0x21: {  	v3 =	vmul.u32 $0x1E, v3;
	v2 =	vshra.s32 v2, $0x5;
	[tilespmem:$0x600] =	vst v0;
	v0 =	vnsel vm13, $0xE4E1A, v1  }
0x22: {  	[tilespmem:$0x800] =	vst v1;
	vm14 =	vlt.s32 v2, $0xE4E1A;
	v1 =	vld [tilespmem:$0x30];
	v0 =	vadd.s32 $0x1, v0  }
0x23: {  	v4 =	vmul.u32 $0x1E, v4;
	v3 =	vshra.s32 v3, $0x5;
	[tilespmem:$0xA00] =	vst v0;
	v0 =	vnsel vm14, $0xE4E1A, v2  }
0x24: {  	[tilespmem:$0x410] =	vst v2;
	vm15 =	vlt.s32 v3, $0xE4E1A;
	v2 =	vld [tilespmem:$0x230];
	v0 =	vadd.s32 $0x1, v0  }
0x25: {  	v4 =	vshra.s32 v4, $0x5;
	[tilespmem:$0x610] =	vst v0;
	v0 =	vnsel vm15, $0xE4E1A, v3;
	v5 =	vmul.u32 $0x1E, v5  }
0x26: {  	[tilespmem:$0x810] =	vst v3;
	vm4 =	vlt.s32 v4, $0xE4E1A;
	v3 =	vld [tilespmem:$0x40];
	v0 =	vadd.s32 $0x1, v0  }
0x27: {  	v1 =	vmul.u32 $0x1E, v1;
	[tilespmem:$0xA10] =	vst v0;
	v0 =	vnsel vm4, $0xE4E1A, v4;
	v5 =	vshra.s32 v5, $0x5  }
0x28: {  	[tilespmem:$0x420] =	vst v4;
	v4 =	vld [tilespmem:$0x240];
	v0 =	vadd.s32 $0x1, v0;
	vm5 =	vlt.s32 v5, $0xE4E1A  }
0x29: {  	v1 =	vshra.s32 v1, $0x5;
	v2 =	vmul.u32 $0x1E, v2;
	[tilespmem:$0x620] =	vst v0;
	v0 =	vnsel vm5, $0xE4E1A, v5  }
0x2a: {  	[tilespmem:$0x820] =	vst v5;
	vm6 =	vlt.s32 v1, $0xE4E1A;
	v5 =	vld [tilespmem:$0x50];
	v0 =	vadd.s32 $0x1, v0  }
0x2b: {  	v2 =	vshra.s32 v2, $0x5;
	v3 =	vmul.u32 $0x1E, v3;
	[tilespmem:$0xA20] =	vst v0;
	v0 =	vnsel vm6, $0xE4E1A, v1  }
0x2c: {  	[tilespmem:$0x430] =	vst v1;
	vm7 =	vlt.s32 v2, $0xE4E1A;
	v1 =	vld [tilespmem:$0x250];
	v0 =	vadd.s32 $0x1, v0  }
0x2d: {  	v3 =	vshra.s32 v3, $0x5;
	v4 =	vmul.u32 $0x1E, v4;
	[tilespmem:$0x630] =	vst v0;
	v0 =	vnsel vm7, $0xE4E1A, v2  }
0x2e: {  	[tilespmem:$0x830] =	vst v2;
	vm8 =	vlt.s32 v3, $0xE4E1A;
	v2 =	vld [tilespmem:$0x60];
	v0 =	vadd.s32 $0x1, v0  }
0x2f: {  	v4 =	vshra.s32 v4, $0x5;
	v5 =	vmul.u32 $0x1E, v5;
	[tilespmem:$0xA30] =	vst v0;
	v0 =	vnsel vm8, $0xE4E1A, v3  }
0x30: {  	[tilespmem:$0x440] =	vst v3;
	vm9 =	vlt.s32 v4, $0xE4E1A;
	v3 =	vld [tilespmem:$0x260];
	v0 =	vadd.s32 $0x1, v0  }
0x31: {  	v5 =	vshra.s32 v5, $0x5;
	v1 =	vmul.u32 $0x1E, v1;
	[tilespmem:$0x640] =	vst v0;
	v0 =	vnsel vm9, $0xE4E1A, v4  }
0x32: {  	[tilespmem:$0x840] =	vst v4;
	vm10 =	vlt.s32 v5, $0xE4E1A;
	v4 =	vld [tilespmem:$0x70];
	v0 =	vadd.s32 $0x1, v0  }
0x33: {  	v1 =	vshra.s32 v1, $0x5;
	v2 =	vmul.u32 $0x1E, v2;
	[tilespmem:$0xA40] =	vst v0;
	v0 =	vnsel vm10, $0xE4E1A, v5  }
0x34: {  	[tilespmem:$0x450] =	vst v5;
	vm11 =	vlt.s32 v1, $0xE4E1A;
	v5 =	vld [tilespmem:$0x270];
	v0 =	vadd.s32 $0x1, v0  }
0x35: {  	v2 =	vshra.s32 v2, $0x5;
	v3 =	vmul.u32 $0x1E, v3;
	[tilespmem:$0x650] =	vst v0;
	v0 =	vnsel vm11, $0xE4E1A, v1  }
0x36: {  	[tilespmem:$0x850] =	vst v1;
	vm12 =	vlt.s32 v2, $0xE4E1A;
	v1 =	vld [tilespmem:$0x80];
	v0 =	vadd.s32 $0x1, v0  }
0x37: {  	v3 =	vshra.s32 v3, $0x5;
	v4 =	vmul.u32 $0x1E, v4;
	[tilespmem:$0xA50] =	vst v0;
	v0 =	vnsel vm12, $0xE4E1A, v2  }
0x38: {  	[tilespmem:$0x460] =	vst v2;
	vm13 =	vlt.s32 v3, $0xE4E1A;
	v2 =	vld [tilespmem:$0x280];
	v0 =	vadd.s32 $0x1, v0  }
0x39: {  	v4 =	vshra.s32 v4, $0x5;
	v5 =	vmul.u32 $0x1E, v5;
	[tilespmem:$0x660] =	vst v0;
	v0 =	vnsel vm13, $0xE4E1A, v3  }
0x3a: {  	[tilespmem:$0x860] =	vst v3;
	vm14 =	vlt.s32 v4, $0xE4E1A;
	v3 =	vld [tilespmem:$0x90];
	v0 =	vadd.s32 $0x1, v0  }
0x3b: {  	v5 =	vshra.s32 v5, $0x5;
	v1 =	vmul.u32 $0x1E, v1;
	[tilespmem:$0xA60] =	vst v0;
	v0 =	vnsel vm14, $0xE4E1A, v4  }
0x3c: {  	[tilespmem:$0x470] =	vst v4;
	vm15 =	vlt.s32 v5, $0xE4E1A;
	v4 =	vld [tilespmem:$0x290];
	v0 =	vadd.s32 $0x1, v0  }
0x3d: {  	v1 =	vshra.s32 v1, $0x5;
	v2 =	vmul.u32 $0x1E, v2;
	[tilespmem:$0x670] =	vst v0;
	v0 =	vnsel vm15, $0xE4E1A, v5  }
0x3e: {  	[tilespmem:$0x870] =	vst v5;
	vm4 =	vlt.s32 v1, $0xE4E1A;
	v5 =	vld [tilespmem:$0xA0];
	v0 =	vadd.s32 $0x1, v0  }
0x3f: {  	v2 =	vshra.s32 v2, $0x5;
	v3 =	vmul.u32 $0x1E, v3;
	[tilespmem:$0xA70] =	vst v0;
	v0 =	vnsel vm4, $0xE4E1A, v1  }
0x40: {  	[tilespmem:$0x480] =	vst v1;
	vm5 =	vlt.s32 v2, $0xE4E1A;
	v1 =	vld [tilespmem:$0x2A0];
	v0 =	vadd.s32 $0x1, v0  }
0x41: {  	v3 =	vshra.s32 v3, $0x5;
	v4 =	vmul.u32 $0x1E, v4;
	[tilespmem:$0x680] =	vst v0;
	v0 =	vnsel vm5, $0xE4E1A, v2  }
0x42: {  	[tilespmem:$0x880] =	vst v2;
	vm6 =	vlt.s32 v3, $0xE4E1A;
	v2 =	vld [tilespmem:$0xB0];
	v0 =	vadd.s32 $0x1, v0  }
0x43: {  	v4 =	vshra.s32 v4, $0x5;
	v5 =	vmul.u32 $0x1E, v5;
	[tilespmem:$0xA80] =	vst v0;
	v0 =	vnsel vm6, $0xE4E1A, v3  }
0x44: {  	[tilespmem:$0x490] =	vst v3;
	vm7 =	vlt.s32 v4, $0xE4E1A;
	v3 =	vld [tilespmem:$0x2B0];
	v0 =	vadd.s32 $0x1, v0  }
0x45: {  	v5 =	vshra.s32 v5, $0x5;
	v1 =	vmul.u32 $0x1E, v1;
	[tilespmem:$0x690] =	vst v0;
	v0 =	vnsel vm7, $0xE4E1A, v4  }
0x46: {  	[tilespmem:$0x890] =	vst v4;
	vm8 =	vlt.s32 v5, $0xE4E1A;
	v4 =	vld [tilespmem:$0xC0];
	v0 =	vadd.s32 $0x1, v0  }
0x47: {  	v1 =	vshra.s32 v1, $0x5;
	v2 =	vmul.u32 $0x1E, v2;
	[tilespmem:$0xA90] =	vst v0;
	v0 =	vnsel vm8, $0xE4E1A, v5  }
0x48: {  	[tilespmem:$0x4A0] =	vst v5;
	vm9 =	vlt.s32 v1, $0xE4E1A;
	v5 =	vld [tilespmem:$0x2C0];
	v0 =	vadd.s32 $0x1, v0  }
0x49: {  	v2 =	vshra.s32 v2, $0x5;
	v3 =	vmul.u32 $0x1E, v3;
	[tilespmem:$0x6A0] =	vst v0;
	v0 =	vnsel vm9, $0xE4E1A, v1  }
0x4a: {  	[tilespmem:$0x8A0] =	vst v1;
	vm10 =	vlt.s32 v2, $0xE4E1A;
	v1 =	vld [tilespmem:$0xD0];
	v0 =	vadd.s32 $0x1, v0  }
0x4b: {  	v3 =	vshra.s32 v3, $0x5;
	v4 =	vmul.u32 $0x1E, v4;
	[tilespmem:$0xAA0] =	vst v0;
	v0 =	vnsel vm10, $0xE4E1A, v2  }
0x4c: {  	[tilespmem:$0x4B0] =	vst v2;
	vm11 =	vlt.s32 v3, $0xE4E1A;
	v2 =	vld [tilespmem:$0x2D0];
	v0 =	vadd.s32 $0x1, v0  }
0x4d: {  	v4 =	vshra.s32 v4, $0x5;
	v5 =	vmul.u32 $0x1E, v5;
	[tilespmem:$0x6B0] =	vst v0;
	v0 =	vnsel vm11, $0xE4E1A, v3  }
0x4e: {  	[tilespmem:$0x8B0] =	vst v3;
	vm12 =	vlt.s32 v4, $0xE4E1A;
	v3 =	vld [tilespmem:$0xE0];
	v0 =	vadd.s32 $0x1, v0  }
0x4f: {  	v5 =	vshra.s32 v5, $0x5;
	v1 =	vmul.u32 $0x1E, v1;
	[tilespmem:$0xAB0] =	vst v0;
	v0 =	vnsel vm12, $0xE4E1A, v4  }
0x50: {  	[tilespmem:$0x4C0] =	vst v4;
	vm13 =	vlt.s32 v5, $0xE4E1A;
	v4 =	vld [tilespmem:$0x2E0];
	v0 =	vadd.s32 $0x1, v0  }
0x51: {  	v1 =	vshra.s32 v1, $0x5;
	v2 =	vmul.u32 $0x1E, v2;
	[tilespmem:$0x6C0] =	vst v0;
	v0 =	vnsel vm13, $0xE4E1A, v5  }
0x52: {  	[tilespmem:$0x8C0] =	vst v5;
	vm14 =	vlt.s32 v1, $0xE4E1A;
	v5 =	vld [tilespmem:$0xF0];
	v0 =	vadd.s32 $0x1, v0  }
0x53: {  	v2 =	vshra.s32 v2, $0x5;
	v3 =	vmul.u32 $0x1E, v3;
	[tilespmem:$0xAC0] =	vst v0;
	v0 =	vnsel vm14, $0xE4E1A, v1  }
0x54: {  	[tilespmem:$0x4D0] =	vst v1;
	vm15 =	vlt.s32 v2, $0xE4E1A;
	v1 =	vld [tilespmem:$0x2F0];
	v0 =	vadd.s32 $0x1, v0  }
0x55: {  	v3 =	vshra.s32 v3, $0x5;
	v4 =	vmul.u32 $0x1E, v4;
	[tilespmem:$0x6D0] =	vst v0;
	v0 =	vnsel vm15, $0xE4E1A, v2  }
0x56: {  	[tilespmem:$0x8D0] =	vst v2;
	vm4 =	vlt.s32 v3, $0xE4E1A;
	v2 =	vld [tilespmem:$0x100];
	v0 =	vadd.s32 $0x1, v0  }
0x57: {  	v4 =	vshra.s32 v4, $0x5;
	v5 =	vmul.u32 $0x1E, v5;
	[tilespmem:$0xAD0] =	vst v0;
	v0 =	vnsel vm4, $0xE4E1A, v3  }
0x58: {  	[tilespmem:$0x4E0] =	vst v3;
	vm5 =	vlt.s32 v4, $0xE4E1A;
	v3 =	vld [tilespmem:$0x300];
	v0 =	vadd.s32 $0x1, v0  }
0x59: {  	v5 =	vshra.s32 v5, $0x5;
	v1 =	vmul.u32 $0x1E, v1;
	[tilespmem:$0x6E0] =	vst v0;
	v0 =	vnsel vm5, $0xE4E1A, v4  }
0x5a: {  	[tilespmem:$0x8E0] =	vst v4;
	vm6 =	vlt.s32 v5, $0xE4E1A;
	v4 =	vld [tilespmem:$0x110];
	v0 =	vadd.s32 $0x1, v0  }
0x5b: {  	v1 =	vshra.s32 v1, $0x5;
	v2 =	vmul.u32 $0x1E, v2;
	[tilespmem:$0xAE0] =	vst v0;
	v0 =	vnsel vm6, $0xE4E1A, v5  }
0x5c: {  	[tilespmem:$0x4F0] =	vst v5;
	vm7 =	vlt.s32 v1, $0xE4E1A;
	v5 =	vld [tilespmem:$0x310];
	v0 =	vadd.s32 $0x1, v0  }
0x5d: {  	v2 =	vshra.s32 v2, $0x5;
	v3 =	vmul.u32 $0x1E, v3;
	[tilespmem:$0x6F0] =	vst v0;
	v0 =	vnsel vm7, $0xE4E1A, v1  }
0x5e: {  	[tilespmem:$0x8F0] =	vst v1;
	vm8 =	vlt.s32 v2, $0xE4E1A;
	v1 =	vld [tilespmem:$0x120];
	v0 =	vadd.s32 $0x1, v0  }
0x5f: {  	v3 =	vshra.s32 v3, $0x5;
	v4 =	vmul.u32 $0x1E, v4;
	[tilespmem:$0xAF0] =	vst v0;
	v0 =	vnsel vm8, $0xE4E1A, v2  }
0x60: {  	[tilespmem:$0x500] =	vst v2;
	vm9 =	vlt.s32 v3, $0xE4E1A;
	v2 =	vld [tilespmem:$0x320];
	v0 =	vadd.s32 $0x1, v0  }
0x61: {  	v4 =	vshra.s32 v4, $0x5;
	v5 =	vmul.u32 $0x1E, v5;
	[tilespmem:$0x700] =	vst v0;
	v0 =	vnsel vm9, $0xE4E1A, v3  }
0x62: {  	[tilespmem:$0x900] =	vst v3;
	vm10 =	vlt.s32 v4, $0xE4E1A;
	v3 =	vld [tilespmem:$0x130];
	v0 =	vadd.s32 $0x1, v0  }
0x63: {  	v5 =	vshra.s32 v5, $0x5;
	v1 =	vmul.u32 $0x1E, v1;
	[tilespmem:$0xB00] =	vst v0;
	v0 =	vnsel vm10, $0xE4E1A, v4  }
0x64: {  	[tilespmem:$0x510] =	vst v4;
	vm11 =	vlt.s32 v5, $0xE4E1A;
	v4 =	vld [tilespmem:$0x330];
	v0 =	vadd.s32 $0x1, v0  }
0x65: {  	v1 =	vshra.s32 v1, $0x5;
	v2 =	vmul.u32 $0x1E, v2;
	[tilespmem:$0x710] =	vst v0;
	v0 =	vnsel vm11, $0xE4E1A, v5  }
0x66: {  	[tilespmem:$0x910] =	vst v5;
	vm12 =	vlt.s32 v1, $0xE4E1A;
	v5 =	vld [tilespmem:$0x140];
	v0 =	vadd.s32 $0x1, v0  }
0x67: {  	v2 =	vshra.s32 v2, $0x5;
	v3 =	vmul.u32 $0x1E, v3;
	[tilespmem:$0xB10] =	vst v0;
	v0 =	vnsel vm12, $0xE4E1A, v1  }
0x68: {  	[tilespmem:$0x520] =	vst v1;
	vm13 =	vlt.s32 v2, $0xE4E1A;
	v1 =	vld [tilespmem:$0x340];
	v0 =	vadd.s32 $0x1, v0  }
0x69: {  	v3 =	vshra.s32 v3, $0x5;
	v4 =	vmul.u32 $0x1E, v4;
	[tilespmem:$0x720] =	vst v0;
	v0 =	vnsel vm13, $0xE4E1A, v2  }
0x6a: {  	[tilespmem:$0x920] =	vst v2;
	vm14 =	vlt.s32 v3, $0xE4E1A;
	v2 =	vld [tilespmem:$0x150];
	v0 =	vadd.s32 $0x1, v0  }
0x6b: {  	v4 =	vshra.s32 v4, $0x5;
	v5 =	vmul.u32 $0x1E, v5;
	[tilespmem:$0xB20] =	vst v0;
	v0 =	vnsel vm14, $0xE4E1A, v3  }
0x6c: {  	[tilespmem:$0x530] =	vst v3;
	vm15 =	vlt.s32 v4, $0xE4E1A;
	v3 =	vld [tilespmem:$0x350];
	v0 =	vadd.s32 $0x1, v0  }
0x6d: {  	v5 =	vshra.s32 v5, $0x5;
	v1 =	vmul.u32 $0x1E, v1;
	[tilespmem:$0x730] =	vst v0;
	v0 =	vnsel vm15, $0xE4E1A, v4  }
0x6e: {  	[tilespmem:$0x930] =	vst v4;
	vm4 =	vlt.s32 v5, $0xE4E1A;
	v4 =	vld [tilespmem:$0x160];
	v0 =	vadd.s32 $0x1, v0  }
0x6f: {  	v1 =	vshra.s32 v1, $0x5;
	v2 =	vmul.u32 $0x1E, v2;
	[tilespmem:$0xB30] =	vst v0;
	v0 =	vnsel vm4, $0xE4E1A, v5  }
0x70: {  	[tilespmem:$0x540] =	vst v5;
	vm5 =	vlt.s32 v1, $0xE4E1A;
	v5 =	vld [tilespmem:$0x360];
	v0 =	vadd.s32 $0x1, v0  }
0x71: {  	v2 =	vshra.s32 v2, $0x5;
	v3 =	vmul.u32 $0x1E, v3;
	[tilespmem:$0x740] =	vst v0;
	v0 =	vnsel vm5, $0xE4E1A, v1  }
0x72: {  	[tilespmem:$0x940] =	vst v1;
	vm6 =	vlt.s32 v2, $0xE4E1A;
	v1 =	vld [tilespmem:$0x170];
	v0 =	vadd.s32 $0x1, v0  }
0x73: {  	v3 =	vshra.s32 v3, $0x5;
	v4 =	vmul.u32 $0x1E, v4;
	[tilespmem:$0xB40] =	vst v0;
	v0 =	vnsel vm6, $0xE4E1A, v2  }
0x74: {  	[tilespmem:$0x550] =	vst v2;
	vm7 =	vlt.s32 v3, $0xE4E1A;
	v2 =	vld [tilespmem:$0x370];
	v0 =	vadd.s32 $0x1, v0  }
0x75: {  	v4 =	vshra.s32 v4, $0x5;
	v5 =	vmul.u32 $0x1E, v5;
	[tilespmem:$0x750] =	vst v0;
	v0 =	vnsel vm7, $0xE4E1A, v3  }
0x76: {  	[tilespmem:$0x950] =	vst v3;
	vm8 =	vlt.s32 v4, $0xE4E1A;
	v3 =	vld [tilespmem:$0x180];
	v0 =	vadd.s32 $0x1, v0  }
0x77: {  	v5 =	vshra.s32 v5, $0x5;
	v1 =	vmul.u32 $0x1E, v1;
	[tilespmem:$0xB50] =	vst v0;
	v0 =	vnsel vm8, $0xE4E1A, v4  }
0x78: {  	[tilespmem:$0x560] =	vst v4;
	vm9 =	vlt.s32 v5, $0xE4E1A;
	v4 =	vld [tilespmem:$0x380];
	v0 =	vadd.s32 $0x1, v0  }
0x79: {  	v1 =	vshra.s32 v1, $0x5;
	v2 =	vmul.u32 $0x1E, v2;
	[tilespmem:$0x760] =	vst v0;
	v0 =	vnsel vm9, $0xE4E1A, v5  }
0x7a: {  	[tilespmem:$0x960] =	vst v5;
	vm10 =	vlt.s32 v1, $0xE4E1A;
	v5 =	vld [tilespmem:$0x190];
	v0 =	vadd.s32 $0x1, v0  }
0x7b: {  	v2 =	vshra.s32 v2, $0x5;
	v3 =	vmul.u32 $0x1E, v3;
	[tilespmem:$0xB60] =	vst v0;
	v0 =	vnsel vm10, $0xE4E1A, v1  }
0x7c: {  	[tilespmem:$0x570] =	vst v1;
	vm11 =	vlt.s32 v2, $0xE4E1A;
	v1 =	vld [tilespmem:$0x390];
	v0 =	vadd.s32 $0x1, v0  }
0x7d: {  	v3 =	vshra.s32 v3, $0x5;
	v4 =	vmul.u32 $0x1E, v4;
	[tilespmem:$0x770] =	vst v0;
	v0 =	vnsel vm11, $0xE4E1A, v2  }
0x7e: {  	[tilespmem:$0x970] =	vst v2;
	vm12 =	vlt.s32 v3, $0xE4E1A;
	v2 =	vld [tilespmem:$0x1A0];
	v0 =	vadd.s32 $0x1, v0  }
0x7f: {  	v4 =	vshra.s32 v4, $0x5;
	v5 =	vmul.u32 $0x1E, v5;
	[tilespmem:$0xB70] =	vst v0;
	v0 =	vnsel vm12, $0xE4E1A, v3  }
0x80: {  	[tilespmem:$0x580] =	vst v3;
	vm13 =	vlt.s32 v4, $0xE4E1A;
	v3 =	vld [tilespmem:$0x3A0];
	v0 =	vadd.s32 $0x1, v0  }
0x81: {  	v5 =	vshra.s32 v5, $0x5;
	v1 =	vmul.u32 $0x1E, v1;
	[tilespmem:$0x780] =	vst v0;
	v0 =	vnsel vm13, $0xE4E1A, v4  }
0x82: {  	[tilespmem:$0x980] =	vst v4;
	vm14 =	vlt.s32 v5, $0xE4E1A;
	v4 =	vld [tilespmem:$0x1B0];
	v0 =	vadd.s32 $0x1, v0  }
0x83: {  	v1 =	vshra.s32 v1, $0x5;
	v2 =	vmul.u32 $0x1E, v2;
	[tilespmem:$0xB80] =	vst v0;
	v0 =	vnsel vm14, $0xE4E1A, v5  }
0x84: {  	[tilespmem:$0x590] =	vst v5;
	vm15 =	vlt.s32 v1, $0xE4E1A;
	v5 =	vld [tilespmem:$0x3B0];
	v0 =	vadd.s32 $0x1, v0  }
0x85: {  	v2 =	vshra.s32 v2, $0x5;
	v3 =	vmul.u32 $0x1E, v3;
	[tilespmem:$0x790] =	vst v0;
	v0 =	vnsel vm15, $0xE4E1A, v1  }
0x86: {  	[tilespmem:$0x990] =	vst v1;
	vm4 =	vlt.s32 v2, $0xE4E1A;
	v1 =	vld [tilespmem:$0x1C0];
	v0 =	vadd.s32 $0x1, v0  }
0x87: {  	v3 =	vshra.s32 v3, $0x5;
	v4 =	vmul.u32 $0x1E, v4;
	[tilespmem:$0xB90] =	vst v0;
	v0 =	vnsel vm4, $0xE4E1A, v2  }
0x88: {  	[tilespmem:$0x5A0] =	vst v2;
	vm5 =	vlt.s32 v3, $0xE4E1A;
	v2 =	vld [tilespmem:$0x3C0];
	v0 =	vadd.s32 $0x1, v0  }
0x89: {  	v4 =	vshra.s32 v4, $0x5;
	v5 =	vmul.u32 $0x1E, v5;
	[tilespmem:$0x7A0] =	vst v0;
	v0 =	vnsel vm5, $0xE4E1A, v3  }
0x8a: {  	[tilespmem:$0x9A0] =	vst v3;
	vm6 =	vlt.s32 v4, $0xE4E1A;
	v3 =	vld [tilespmem:$0x1D0];
	v0 =	vadd.s32 $0x1, v0  }
0x8b: {  	v5 =	vshra.s32 v5, $0x5;
	v1 =	vmul.u32 $0x1E, v1;
	[tilespmem:$0xBA0] =	vst v0;
	v0 =	vnsel vm6, $0xE4E1A, v4  }
0x8c: {  	[tilespmem:$0x5B0] =	vst v4;
	vm7 =	vlt.s32 v5, $0xE4E1A;
	v4 =	vld [tilespmem:$0x3D0];
	v0 =	vadd.s32 $0x1, v0  }
0x8d: {  	v1 =	vshra.s32 v1, $0x5;
	v2 =	vmul.u32 $0x1E, v2;
	[tilespmem:$0x7B0] =	vst v0;
	v0 =	vnsel vm7, $0xE4E1A, v5  }
0x8e: {  	[tilespmem:$0x9B0] =	vst v5;
	vm8 =	vlt.s32 v1, $0xE4E1A;
	v5 =	vld [tilespmem:$0x1E0];
	v0 =	vadd.s32 $0x1, v0  }
0x8f: {  	v2 =	vshra.s32 v2, $0x5;
	v3 =	vmul.u32 $0x1E, v3;
	[tilespmem:$0xBB0] =	vst v0;
	v0 =	vnsel vm8, $0xE4E1A, v1  }
0x90: {  	[tilespmem:$0x5C0] =	vst v1;
	vm9 =	vlt.s32 v2, $0xE4E1A;
	v1 =	vld [tilespmem:$0x3E0];
	v0 =	vadd.s32 $0x1, v0  }
0x91: {  	v3 =	vshra.s32 v3, $0x5;
	v4 =	vmul.u32 $0x1E, v4;
	[tilespmem:$0x7C0] =	vst v0;
	v0 =	vnsel vm9, $0xE4E1A, v2  }
0x92: {  	[tilespmem:$0x9C0] =	vst v2;
	vm10 =	vlt.s32 v3, $0xE4E1A;
	v2 =	vld [tilespmem:$0x1F0];
	v0 =	vadd.s32 $0x1, v0  }
0x93: {  	v4 =	vshra.s32 v4, $0x5;
	v5 =	vmul.u32 $0x1E, v5;
	[tilespmem:$0xBC0] =	vst v0;
	v0 =	vnsel vm10, $0xE4E1A, v3  }
0x94: {  	[tilespmem:$0x5D0] =	vst v3;
	vm11 =	vlt.s32 v4, $0xE4E1A;
	v3 =	vld [tilespmem:$0x3F0];
	v0 =	vadd.s32 $0x1, v0  }
0x95: {  	v5 =	vshra.s32 v5, $0x5;
	v1 =	vmul.u32 $0x1E, v1;
	[tilespmem:$0x7D0] =	vst v0;
	v0 =	vnsel vm11, $0xE4E1A, v4  }
0x96: {  	[tilespmem:$0x9D0] =	vst v4;
	vm12 =	vlt.s32 v5, $0xE4E1A;
	v0 =	vadd.s32 $0x1, v0  }
0x97: {  	v1 =	vshra.s32 v1, $0x5;
	v2 =	vmul.u32 $0x1E, v2;
	[tilespmem:$0xBD0] =	vst v0;
	v0 =	vnsel vm12, $0xE4E1A, v5  }
0x98: {  	[tilespmem:$0x5E0] =	vst v5;
	vm13 =	vlt.s32 v1, $0xE4E1A;
	v0 =	vadd.s32 $0x1, v0  }
0x99: {  	v2 =	vshra.s32 v2, $0x5;
	v3 =	vmul.u32 $0x1E, v3;
	[tilespmem:$0x7E0] =	vst v0;
	v0 =	vnsel vm13, $0xE4E1A, v1  }
0x9a: {  	[tilespmem:$0x9E0] =	vst v1;
	vm14 =	vlt.s32 v2, $0xE4E1A;
	v0 =	vadd.s32 $0x1, v0  }
0x9b: {  	v1 =	vshra.s32 v3, $0x5;
	[tilespmem:$0xBE0] =	vst v0;
	v0 =	vnsel vm14, $0xE4E1A, v2  }
0x9c: {  	[tilespmem:$0x5F0] =	vst v2;
	vm15 =	vlt.s32 v1, $0xE4E1A;
	v0 =	vadd.s32 $0x1, v0  }
0x9d: {  	[tilespmem:$0x7F0] =	vst v0;
	v0 =	vnsel vm15, $0xE4E1A, v1  }
0x9e: {  	[tilespmem:$0x9F0] =	vst v1;
	v0 =	vadd.s32 $0x1, v0  }
0x9f: {  	s28 =	simm.s32 $0x400;
	[tilespmem:$0xBF0] =	vst v0  }
0xa0: {  	[tilespmem:s12], [sflag:$0x1] =	stream.indirect.gather [hbm4b:s3+s10], $0x20, s28, s10, $0xb8;
	[tilespmem:$0x10E00] =	vst v63  }
0xa1: {  	s29 =	simm.s32 $0x4C00;
	s28 =	simm.s32 $0x600  }
0xa2: {  	[tilespmem:s29], [sflag:$0x1] =	stream.indirect.gather [hbm4b:s3+s10], $0x20, s28, s10, $0xb8;
	[tilespmem:$0x10E00] =	vst v63  }
0xa3: {  	s28 =	simm.s32 $0x800  }
0xa4: {  	[tilespmem:s16], [sflag:$0x1] =	stream.indirect.gather [hbm4b:s4+s10], $0x20, s28, s10, $0xb8;
	[tilespmem:$0x10E00] =	vst v63  }
0xa5: {  	s29 =	simm.s32 $0xCC00;
	s28 =	simm.s32 $0xA00  }
0xa6: {  	[tilespmem:s29], [sflag:$0x1] =	stream.indirect.gather [hbm4b:s4+s10], $0x20, s28, s10, $0xb8;
	[tilespmem:$0x10E00] =	vst v63  }
0xa7: {  	s28 =	simm.s32 $0x480;
	s29 =	simm.s32 $0x1C00  }
0xa8: {  	[tilespmem:s29], [sflag:$0x1] =	stream.indirect.gather [hbm4b:s3+s10], $0x20, s28, s10, $0xb8;
	[tilespmem:$0x10E00] =	vst v63  }
0xa9: {  	s28 =	simm.s32 $0x680;
	s29 =	simm.s32 $0x5C00  }
0xaa: {  	[tilespmem:s29], [sflag:$0x1] =	stream.indirect.gather [hbm4b:s3+s10], $0x20, s28, s10, $0xb8;
	[tilespmem:$0x10E00] =	vst v63  }
0xab: {  	s28 =	simm.s32 $0x880;
	s29 =	simm.s32 $0x9C00  }
0xac: {  	[tilespmem:s29], [sflag:$0x1] =	stream.indirect.gather [hbm4b:s4+s10], $0x20, s28, s10, $0xb8;
	[tilespmem:$0x10E00] =	vst v63  }
0xad: {  	s28 =	simm.s32 $0xA80;
	s29 =	simm.s32 $0xDC00  }
0xae: {  	[tilespmem:s29], [sflag:$0x1] =	stream.indirect.gather [hbm4b:s4+s10], $0x20, s28, s10, $0xb8;
	[tilespmem:$0x10E00] =	vst v63  }
0xaf: {  	s28 =	simm.s32 $0x500;
	s29 =	simm.s32 $0x2C00  }
0xb0: {  	[tilespmem:s29], [sflag:$0x1] =	stream.indirect.gather [hbm4b:s3+s10], $0x20, s28, s10, $0xb8;
	[tilespmem:$0x10E00] =	vst v63  }
0xb1: {  	s28 =	simm.s32 $0x700  }
0xb2: {  	[tilespmem:s31], [sflag:$0x1] =	stream.indirect.gather [hbm4b:s3+s10], $0x20, s28, s10, $0xb8;
	[tilespmem:$0x10E00] =	vst v63  }
0xb3: {  	_ = 	snop  }
0xb4: {  	[tilespmem:s1], [sflag:$0x1] =	stream.indirect.gather [hbm4b:s4+s10], $0x20, s0, s10, $0xb8;
	[tilespmem:$0x10E00] =	vst v63  }
0xb5: {  	_ = 	snop  }
0xb6: {  	[tilespmem:s13], [sflag:$0x1] =	stream.indirect.gather [hbm4b:s4+s10], $0x20, s11, s10, $0xb8;
	[tilespmem:$0x10E00] =	vst v63  }
0xb7: {  	_ = 	snop  }
0xb8: {  	[tilespmem:s15], [sflag:$0x1] =	stream.indirect.gather [hbm4b:s3+s10], $0x20, s14, s10, $0xb8;
	[tilespmem:$0x10E00] =	vst v63  }
0xb9: {  	_ = 	snop  }
0xba: {  	[tilespmem:s18], [sflag:$0x1] =	stream.indirect.gather [hbm4b:s3+s10], $0x20, s17, s10, $0xb8;
	[tilespmem:$0x10E00] =	vst v63  }
0xbb: {  	_ = 	snop  }
0xbc: {  	[tilespmem:s20], [sflag:$0x1] =	stream.indirect.gather [hbm4b:s4+s10], $0x20, s19, s10, $0xb8;
	[tilespmem:$0x10E00] =	vst v63  }
0xbd: {  	_ = 	snop  }
0xbe: {  	[tilespmem:s22], [sflag:$0x1] =	stream.indirect.gather [hbm4b:s4+s10], $0x20, s21, s10, $0xb8;
	[tilespmem:$0x10E00] =	vst v63  }
0xbf: {  	_ =	swait.ge [sflag:s23], $0x1000  }
0xc0: {  	[sflag:s23] =	ssyncset.done $0x0  }
0xc1: {  	[sflag:s23] =	ssyncadd.s32 $0xFFFFF000  }
0xc2: {  	_ =	swait.ge [sflag:s23], $0x1000  }
0xc3: {  	[sflag:s23] =	ssyncset.done $0x0  }
0xc4: {  	[sflag:s23] =	ssyncadd.s32 $0xFFFFF000  }
0xc5: {  	_ =	swait.ge [sflag:s23], $0x1000  }
0xc6: {  	[sflag:s23] =	ssyncset.done $0x0  }
0xc7: {  	[sflag:s23] =	ssyncadd.s32 $0xFFFFF000  }
0xc8: {  	_ =	swait.ge [sflag:s23], $0x1000  }
0xc9: {  	[sflag:s23] =	ssyncset.done $0x0  }
0xca: {  	[sflag:s23] =	ssyncadd.s32 $0xFFFFF000  }
0xcb: {  	_ =	swait.ge [sflag:s23], $0x1000  }
0xcc: {  	[sflag:s23] =	ssyncset.done $0x0  }
0xcd: {  	[sflag:s23] =	ssyncadd.s32 $0xFFFFF000  }
0xce: {  	_ =	swait.ge [sflag:s23], $0x1000  }
0xcf: {  	[sflag:s23] =	ssyncset.done $0x0  }
0xd0: {  	[sflag:s23] =	ssyncadd.s32 $0xFFFFF000  }
0xd1: {  	_ =	swait.ge [sflag:s23], $0x1000  }
0xd2: {  	[sflag:s23] =	ssyncset.done $0x0  }
0xd3: {  	[sflag:s23] =	ssyncadd.s32 $0xFFFFF000  }
0xd4: {  	_ =	swait.ge [sflag:s23], $0x1000  }
0xd5: {  	[sflag:s23] =	ssyncset.done $0x0  }
0xd6: {  	[sflag:s23] =	ssyncadd.s32 $0xFFFFF000  }
0xd7: {  	_ =	swait.ge [sflag:s23], $0x1000  }
0xd8: {  	[sflag:s23] =	ssyncset.done $0x0  }
0xd9: {  	[sflag:s23] =	ssyncadd.s32 $0xFFFFF000  }
0xda: {  	_ =	swait.ge [sflag:s23], $0x1000  }
0xdb: {  	[sflag:s23] =	ssyncset.done $0x0  }
0xdc: {  	[sflag:s23] =	ssyncadd.s32 $0xFFFFF000  }
0xdd: {  	_ =	swait.ge [sflag:s23], $0x1000  }
0xde: {  	[sflag:s23] =	ssyncset.done $0x0  }
0xdf: {  	[sflag:s23] =	ssyncadd.s32 $0xFFFFF000  }
0xe0: {  	_ =	swait.ge [sflag:s23], $0x1000  }
0xe1: {  	[sflag:s23] =	ssyncset.done $0x0  }
0xe2: {  	[sflag:s23] =	ssyncadd.s32 $0xFFFFF000  }
0xe3: {  	_ =	swait.ge [sflag:s23], $0x1000  }
0xe4: {  	[sflag:s23] =	ssyncset.done $0x0  }
0xe5: {  	[sflag:s23] =	ssyncadd.s32 $0xFFFFF000  }
0xe6: {  	_ =	swait.ge [sflag:s23], $0x1000  }
0xe7: {  	[sflag:s23] =	ssyncset.done $0x0  }
0xe8: {  	[sflag:s23] =	ssyncadd.s32 $0xFFFFF000  }
0xe9: {  	_ =	swait.ge [sflag:s23], $0x1000  }
0xea: {  	[sflag:s23] =	ssyncset.done $0x0  }
0xeb: {  	[sflag:s23] =	ssyncadd.s32 $0xFFFFF000  }
0xec: {  	_ =	swait.ge [sflag:s23], $0x1000  }
0xed: {  	[sflag:s23] =	ssyncset.done $0x0  }
0xee: {  	[sflag:s23] =	ssyncadd.s32 $0xFFFFF000  }
0xef: {  	v0 =	vld [tilespmem:s2+$0x0];
	_ =	sdelay $0x4  }
0xf0: {  	v1 =	vor.u32 s2, v6;
	v0 =	vmul.u32 $0x1E, v0  }
0xf1: {  	v19 =	vshll.u32 v1, $0x5  }
0xf2: {  	v20 =	vor.u32 $0x1, v19;
	v2 =	vand.u32 $0x1E, v0;
	v3 =	vand.u32 $0x18, v0  }
0xf3: {  	v10 =	vand.u32 $0x6, v0;
	v4 =	vadd.s32 $0x1D, v2;
	v5 =	vadd.s32 $0x1A, v2  }
0xf4: {  	v7 =	vadd.s32 $0x1B, v2;
	v8 =	vadd.s32 $0x1C, v2;
	v14 =	vadd.s32 $0x17, v2  }
0xf5: {  	v15 =	vadd.s32 $0x18, v2;
	v13 =	vadd.s32 $0x19, v2;
	v17 =	vadd.s32 $0x14, v2  }
0xf6: {  	v16 =	vadd.s32 $0x15, v2;
	v18 =	vadd.s32 $0x16, v2;
	v22 =	vadd.s32 $0x11, v2  }
0xf7: {  	v21 =	vadd.s32 $0x12, v2;
	v23 =	vadd.s32 $0x13, v2;
	v25 =	vadd.s32 $0xE, v2  }
0xf8: {  	v26 =	vadd.s32 $0xF, v2;
	v27 =	vadd.s32 $0x10, v2;
	v28 =	vadd.s32 $0xB, v2  }
0xf9: {  	v29 =	vadd.s32 $0xC, v2;
	v30 =	vadd.s32 $0xD, v2;
	v31 =	vadd.s32 $0x8, v2  }
0xfa: {  	v32 =	vadd.s32 $0x9, v2;
	v33 =	vadd.s32 $0xA, v2;
	v34 =	vadd.s32 $0x5, v2  }
0xfb: {  	v35 =	vadd.s32 $0x6, v2;
	v36 =	vadd.s32 $0x7, v2;
	v37 =	vor.u32 v3, v20  }
0xfc: {  	v38 =	vadd.s32 $0x3, v2;
	v39 =	vadd.s32 $0x4, v2;
	v24 =	vor.u32 v19, v2  }
0xfd: {  	v40 =	vadd.s32 $0x2, v2;
	v0 =	vand.u32 $0x1F, v4;
	v2 =	vand.u32 $0x1E, v8  }
0xfe: {  	v6 =	vand.u32 $0x1E, v5;
	v41 =	vshll.u32 v8, $0x4;
	v8 =	vand.u32 $0x18, v15  }
0xff: {  	v12 =	vand.u32 $0x1F, v13;
	v5 =	vshll.u32 v5, $0x4;
	v11 =	vand.u32 $0x1E, v18  }
0x100: {  	v9 =	vand.u32 $0x1F, v14;
	v42 =	vshll.u32 v13, $0x4;
	v13 =	vand.u32 $0x1F, v16  }
0x101: {  	v43 =	vshll.u32 v14, $0x4;
	v44 =	vshll.u32 v15, $0x4;
	v14 =	vand.u32 $0x1E, v17  }
0x102: {  	v45 =	vshll.u32 v16, $0x4;
	v18 =	vshll.u32 v18, $0x4;
	v15 =	vand.u32 $0x1E, v21  }
0x103: {  	v16 =	vand.u32 $0x1F, v23;
	v17 =	vshll.u32 v17, $0x4;
	v46 =	vand.u32 $0x1F, v22  }
0x104: {  	v47 =	vshll.u32 v21, $0x4;
	v48 =	vshll.u32 v23, $0x4;
	v21 =	vand.u32 $0x1F, v26  }
0x105: {  	v23 =	vand.u32 $0x18, v27;
	v22 =	vshll.u32 v22, $0x4;
	v49 =	vand.u32 $0x1E, v25  }
0x106: {  	v26 =	vshll.u32 v26, $0x4;
	v50 =	vshll.u32 v27, $0x4;
	v51 =	vand.u32 $0x1E, v29  }
0x107: {  	v52 =	vand.u32 $0x1F, v30;
	v25 =	vshll.u32 v25, $0x4;
	v53 =	vand.u32 $0x1F, v28  }
0x108: {  	v29 =	vshll.u32 v29, $0x4;
	v30 =	vshll.u32 v30, $0x4;
	v54 =	vand.u32 $0x1F, v32  }
0x109: {  	v55 =	vand.u32 $0x1E, v33;
	v28 =	vshll.u32 v28, $0x4;
	v56 =	vand.u32 $0x18, v31  }
0x10a: {  	v32 =	vshll.u32 v32, $0x4;
	v33 =	vshll.u32 v33, $0x4;
	v57 =	vand.u32 $0x1E, v35  }
0x10b: {  	v58 =	vand.u32 $0x1F, v36;
	v31 =	vshll.u32 v31, $0x4;
	v59 =	vand.u32 $0x1F, v34  }
0x10c: {  	v35 =	vshll.u32 v35, $0x4;
	v36 =	vshll.u32 v36, $0x4;
	v60 =	vand.u32 $0x1F, v38  }
0x10d: {  	v61 =	vand.u32 $0x1E, v39;
	v34 =	vshll.u32 v34, $0x4;
	v27 =	vor.u32 v10, v37  }
0x10e: {  	v37 =	vand.u32 $0x1E, v40;
	v39 =	vshll.u32 v39, $0x4;
	v40 =	vshll.u32 v40, $0x4  }
0x10f: {  	v38 =	vshll.u32 v38, $0x4;
	[tilespmem:$0x1FEB0] =	vst v0;
	v0 =	vand.u32 $0x1F, v7;
	v7 =	vshll.u32 v7, $0x4  }
0x110: {  	v5 =	vand.u32 $0x200, v5;
	v41 =	vand.u32 $0x200, v41;
	v43 =	vand.u32 $0x200, v43  }
0x111: {  	v44 =	vand.u32 $0x200, v44;
	v42 =	vand.u32 $0x200, v42;
	v17 =	vand.u32 $0x200, v17  }
0x112: {  	v45 =	vand.u32 $0x200, v45;
	v18 =	vand.u32 $0x200, v18;
	v22 =	vand.u32 $0x200, v22  }
0x113: {  	v47 =	vand.u32 $0x200, v47;
	v48 =	vand.u32 $0x200, v48;
	v25 =	vand.u32 $0x200, v25  }
0x114: {  	v26 =	vand.u32 $0x200, v26;
	v50 =	vand.u32 $0x200, v50;
	v28 =	vand.u32 $0x200, v28  }
0x115: {  	v29 =	vand.u32 $0x200, v29;
	v30 =	vand.u32 $0x200, v30;
	v31 =	vand.u32 $0x200, v31  }
0x116: {  	v32 =	vand.u32 $0x200, v32;
	v33 =	vand.u32 $0x200, v33;
	v34 =	vand.u32 $0x200, v34  }
0x117: {  	v35 =	vand.u32 $0x200, v35;
	v36 =	vand.u32 $0x200, v36;
	v40 =	vand.u32 $0x200, v40  }
0x118: {  	v38 =	vand.u32 $0x200, v38;
	v39 =	vand.u32 $0x200, v39;
	v7 =	vand.u32 $0x200, v7  }
0x119: {  	v41 =	vadd.s32 v1, v41;
	v44 =	vadd.s32 v1, v44;
	v42 =	vadd.s32 v1, v42  }
0x11a: {  	v62 =	vadd.s32 v1, v5;
	v45 =	vadd.s32 v1, v45;
	v18 =	vadd.s32 v1, v18  }
0x11b: {  	v43 =	vadd.s32 v1, v43;
	v47 =	vadd.s32 v1, v47;
	v48 =	vadd.s32 v1, v48  }
0x11c: {  	v17 =	vadd.s32 v1, v17;
	v26 =	vadd.s32 v1, v26;
	v50 =	vadd.s32 v1, v50  }
0x11d: {  	v22 =	vadd.s32 v1, v22;
	v29 =	vadd.s32 v1, v29;
	v30 =	vadd.s32 v1, v30  }
0x11e: {  	v25 =	vadd.s32 v1, v25;
	v32 =	vadd.s32 v1, v32;
	v33 =	vadd.s32 v1, v33  }
0x11f: {  	v28 =	vadd.s32 v1, v28;
	v35 =	vadd.s32 v1, v35;
	v36 =	vadd.s32 v1, v36  }
0x120: {  	v31 =	vadd.s32 v1, v31;
	v38 =	vadd.s32 v1, v38;
	v39 =	vadd.s32 v1, v39  }
0x121: {  	v34 =	vadd.s32 v1, v34;
	v40 =	vadd.s32 v1, v40;
	v7 =	vadd.s32 v1, v7  }
0x122: {  	v5 =	vshll.u32 v41, $0x5;
	v41 =	vshll.u32 v42, $0x5;
	v42 =	vshll.u32 v62, $0x5  }
0x123: {  	v18 =	vshll.u32 v18, $0x5;
	v43 =	vshll.u32 v43, $0x5;
	v44 =	vshll.u32 v44, $0x5  }
0x124: {  	v48 =	vshll.u32 v48, $0x5;
	v17 =	vshll.u32 v17, $0x5;
	v45 =	vshll.u32 v45, $0x5  }
0x125: {  	v50 =	vshll.u32 v50, $0x5;
	v22 =	vshll.u32 v22, $0x5;
	v47 =	vshll.u32 v47, $0x5  }
0x126: {  	v30 =	vshll.u32 v30, $0x5;
	v25 =	vshll.u32 v25, $0x5;
	v26 =	vshll.u32 v26, $0x5  }
0x127: {  	v33 =	vshll.u32 v33, $0x5;
	v28 =	vshll.u32 v28, $0x5;
	v29 =	vshll.u32 v29, $0x5  }
0x128: {  	v36 =	vshll.u32 v36, $0x5;
	v31 =	vshll.u32 v31, $0x5;
	v32 =	vshll.u32 v32, $0x5  }
0x129: {  	v39 =	vshll.u32 v39, $0x5;
	v34 =	vshll.u32 v34, $0x5;
	v35 =	vshll.u32 v35, $0x5  }
0x12a: {  	v63 =	vshll.u32 v40, $0x5;
	v38 =	vshll.u32 v38, $0x5;
	v62 =	vshll.u32 v7, $0x5  }
0x12b: {  	v7 =	vor.u32 v6, v42;
	v9 =	vor.u32 v9, v43;
	v14 =	vor.u32 v14, v17  }
0x12c: {  	v13 =	vor.u32 v13, v45;
	v11 =	vor.u32 v11, v18;
	v18 =	vor.u32 v46, v22  }
0x12d: {  	v17 =	vor.u32 v15, v47;
	v16 =	vor.u32 v16, v48;
	v22 =	vor.u32 v49, v25  }
0x12e: {  	v6 =	vor.u32 v0, v62;
	v62 =	vor.u32 v8, v44;
	v8 =	vor.u32 v12, v41;
	v12 =	vld [tilespmem:s26+$0x0]  }
0x12f: {  	v21 =	vor.u32 v21, v26;
	v15 =	vor.u32 v23, v50;
	v3 =	vor.u32 v53, v28  }
0x130: {  	v26 =	vor.u32 v51, v29;
	v25 =	vor.u32 v52, v30;
	v28 =	vor.u32 v56, v31  }
0x131: {  	v31 =	vor.u32 v54, v32;
	v29 =	vor.u32 v55, v33;
	v45 =	vor.u32 v57, v35  }
0x132: {  	v40 =	vor.u32 v58, v36;
	v32 =	vor.u32 v60, v38;
	v38 =	vor.u32 v61, v39  }
0x133: {  	v37 =	vor.u32 v37, v63;
	v41 =	vor.u32 v59, v34;
	v30 =	vmul.u32 $0x1E, v12  }
0x134: {  	v23 =	vor.u32 v10, v15;
	v34 =	vor.u32 v10, v28;
	v12 =	vor.u32 v10, v62  }
0x135: {  	v46 =	vand.u32 $0x1E, v30;
	v15 =	vand.u32 $0x6, v30;
	v28 =	vand.u32 $0x18, v30  }
0x136: {  	v30 =	vadd.s32 $0x1C, v46;
	v10 =	vadd.s32 $0x1D, v46;
	v47 =	vadd.s32 $0x19, v46  }
0x137: {  	v48 =	vadd.s32 $0x1A, v46;
	v49 =	vadd.s32 $0x1B, v46;
	v50 =	vadd.s32 $0x16, v46  }
0x138: {  	v51 =	vadd.s32 $0x17, v46;
	v52 =	vadd.s32 $0x18, v46;
	v44 =	vadd.s32 $0x13, v46  }
0x139: {  	v53 =	vadd.s32 $0x14, v46;
	v54 =	vadd.s32 $0x15, v46;
	v33 =	vadd.s32 $0x10, v46  }
0x13a: {  	v42 =	vadd.s32 $0x11, v46;
	v39 =	vadd.s32 $0x12, v46;
	v43 =	vadd.s32 $0xD, v46  }
0x13b: {  	v36 =	vadd.s32 $0xE, v46;
	v35 =	vadd.s32 $0xF, v46;
	v55 =	vadd.s32 $0xA, v46  }
0x13c: {  	v56 =	vadd.s32 $0xB, v46;
	v57 =	vadd.s32 $0xC, v46;
	v58 =	vadd.s32 $0x4, v46  }
0x13d: {  	v59 =	vadd.s32 $0x2, v46;
	v60 =	vadd.s32 $0x5, v46;
	v19 =	vor.u32 v19, v46  }
0x13e: {  	v20 =	vor.u32 v28, v20;
	v28 =	vadd.s32 $0x3, v46;
	v61 =	vshll.u32 v59, $0x4  }
0x13f: {  	v63 =	vadd.s32 $0x7, v46;
	v20 =	vor.u32 v15, v20;
	v61 =	vand.u32 $0x200, v61  }
0x140: {  	v62 =	vshll.u32 v28, $0x4;
	v59 =	vand.u32 $0x1E, v59;
	v61 =	vadd.s32 v1, v61  }
0x141: {  	v24 =	vld.idx.msk [tilespmem:v24+s12+$0x0], $0xffff;
	v28 =	vand.u32 $0x1F, v28;
	v62 =	vand.u32 $0x200, v62;
	v61 =	vshll.u32 v61, $0x5  }
0x142: {  	v59 =	vor.u32 v59, v61;
	v61 =	vadd.s32 v1, v62;
	v62 =	vshll.u32 v58, $0x4;
	v19 =	vld.idx.msk [tilespmem:v19+s16+$0x0], $0xffff  }
0x143: {  	v27 =	vld.idx.msk [tilespmem:v27+s12+$0x0], $0xffff;
	v58 =	vand.u32 $0x1E, v58;
	v61 =	vshll.u32 v61, $0x5;
	v62 =	vand.u32 $0x200, v62  }
0x144: {  	v20 =	vld.idx.msk [tilespmem:v20+s16+$0x0], $0xffff;
	v28 =	vor.u32 v28, v61;
	v61 =	vadd.s32 v1, v62;
	v62 =	vshll.u32 v60, $0x4  }
0x145: {  	v60 =	vand.u32 $0x1F, v60;
	v61 =	vshll.u32 v61, $0x5;
	v62 =	vand.u32 $0x200, v62  }
0x146: {  	v58 =	vor.u32 v58, v61;
	v61 =	vadd.s32 v1, v62;
	v62 =	vadd.s32 $0x6, v46  }
0x147: {  	v61 =	vshll.u32 v61, $0x5;
	v19 =	vmul.f32 v19, v24;
	v24 =	vadd.s32 $0x8, v46  }
0x148: {  	v37 =	vld.idx.msk [tilespmem:v37+s12+$0x0], $0xffff;
	v46 =	vadd.s32 $0x9, v46;
	v60 =	vor.u32 v60, v61;
	v61 =	vshll.u32 v62, $0x4  }
0x149: {  	v59 =	vld.idx.msk [tilespmem:v59+s16+$0x0], $0xffff;
	v20 =	vmul.f32 v20, v27;
	v27 =	vshll.u32 v63, $0x4;
	v61 =	vand.u32 $0x200, v61  }
0x14a: {  	v62 =	vand.u32 $0x1E, v62;
	v27 =	vand.u32 $0x200, v27;
	v61 =	vadd.s32 v1, v61  }
0x14b: {  	[tilespmem:$0x1FEA0] =	vst v2;
	v2 =	vld.idx.msk [tilespmem:v32+s12+$0x0], $0xffff;
	v27 =	vadd.s32 v1, v27;
	v32 =	vshll.u32 v61, $0x5;
	v61 =	vadd.f32 $0.0e+00, v19  }
0x14c: {  	v28 =	vld.idx.msk [tilespmem:v28+s16+$0x0], $0xffff;
	v19 =	vand.u32 $0x1E, v30;
	v0 =	vshll.u32 v27, $0x5;
	v27 =	vshll.u32 v30, $0x4  }
0x14d: {  	v30 =	vshll.u32 v49, $0x4;
	v62 =	vor.u32 v62, v32;
	v32 =	vand.u32 $0x1F, v63  }
0x14e: {  	v37 =	vmul.f32 v59, v37;
	v63 =	vand.u32 $0x1F, v49;
	v59 =	vand.u32 $0x1F, v47  }
0x14f: {  	v49 =	vld.idx.msk [tilespmem:v58+s16+$0x0], $0xffff;
	v58 =	vand.u32 $0x1F, v46;
	v20 =	vadd.f32 v20, v61;
	v61 =	vand.u32 $0x1E, v48  }
0x150: {  	v0 =	vor.u32 v32, v0;
	v32 =	vshll.u32 v48, $0x4;
	v48 =	vld.idx.msk [tilespmem:v38+s12+$0x0], $0xffff;
	v38 =	vand.u32 $0x1F, v51  }
0x151: {  	v51 =	vshll.u32 v51, $0x4;
	v2 =	vmul.f32 v28, v2;
	v28 =	vshll.u32 v24, $0x4  }
0x152: {  	v20 =	vadd.f32 v37, v20;
	v37 =	vshll.u32 v46, $0x4;
	v28 =	vand.u32 $0x200, v28  }
0x153: {  	v24 =	vand.u32 $0x18, v24;
	v37 =	vand.u32 $0x200, v37;
	v28 =	vadd.s32 v1, v28  }
0x154: {  	v46 =	vand.u32 $0x1E, v50;
	v37 =	vadd.s32 v1, v37;
	v28 =	vshll.u32 v28, $0x5  }
0x155: {  	v40 =	vld.idx.msk [tilespmem:v40+s12+$0x0], $0xffff;
	v20 =	vadd.f32 v2, v20;
	v37 =	vshll.u32 v37, $0x5;
	v24 =	vor.u32 v24, v28  }
0x156: {  	v28 =	vshll.u32 v55, $0x4;
	v55 =	vand.u32 $0x1E, v55;
	v48 =	vmul.f32 v49, v48;
	v0 =	vld.idx.msk [tilespmem:v0+s16+$0x0], $0xffff  }
0x157: {  	v58 =	vor.u32 v58, v37;
	v37 =	vld.idx.msk [tilespmem:v41+s12+$0x0], $0xffff;
	v28 =	vand.u32 $0x200, v28;
	v41 =	vshll.u32 v47, $0x4  }
0x158: {  	v47 =	vld.idx.msk [tilespmem:v60+s16+$0x0], $0xffff;
	v60 =	vshll.u32 v56, $0x4;
	v56 =	vand.u32 $0x1F, v56;
	v24 =	vor.u32 v15, v24  }
0x159: {  	v28 =	vadd.s32 v1, v28;
	v49 =	vand.u32 $0x200, v60;
	v20 =	vadd.f32 v48, v20  }
0x15a: {  	v48 =	vand.u32 $0x1E, v53;
	v60 =	vshll.u32 v57, $0x4;
	v53 =	vshll.u32 v53, $0x4  }
0x15b: {  	v45 =	vld.idx.msk [tilespmem:v45+s12+$0x0], $0xffff;
	v57 =	vand.u32 $0x1E, v57;
	v28 =	vshll.u32 v28, $0x5;
	v49 =	vadd.s32 v1, v49  }
0x15c: {  	v28 =	vor.u32 v55, v28;
	v55 =	vld.idx.msk [tilespmem:v62+s16+$0x0], $0xffff;
	v62 =	vshll.u32 v49, $0x5;
	v49 =	vand.u32 $0x1F, v54  }
0x15d: {  	v54 =	vshll.u32 v54, $0x4;
	v0 =	vmul.f32 v0, v40;
	v40 =	vand.u32 $0x18, v33  }
0x15e: {  	v33 =	vshll.u32 v33, $0x4;
	v37 =	vmul.f32 v47, v37;
	v47 =	vor.u32 v56, v62  }
0x15f: {  	v34 =	vld.idx.msk [tilespmem:v34+s12+$0x0], $0xffff;
	v56 =	vand.u32 $0x1F, v44;
	v62 =	vshll.u32 v43, $0x4;
	v44 =	vshll.u32 v44, $0x4  }
0x160: {  	v43 =	vand.u32 $0x1F, v43;
	v24 =	vld.idx.msk [tilespmem:v24+s16+$0x0], $0xffff;
	v20 =	vadd.f32 v37, v20;
	v37 =	vand.u32 $0x200, v60  }
0x161: {  	v33 =	vand.u32 $0x200, v33;
	v37 =	vadd.s32 v1, v37;
	v45 =	vmul.f32 v55, v45  }
0x162: {  	v55 =	vand.u32 $0x1F, v42;
	v42 =	vshll.u32 v42, $0x4;
	v37 =	vshll.u32 v37, $0x5  }
0x163: {  	v31 =	vld.idx.msk [tilespmem:v31+s12+$0x0], $0xffff;
	v37 =	vor.u32 v57, v37;
	v20 =	vadd.f32 v45, v20;
	v57 =	vand.u32 $0x200, v62  }
0x164: {  	v29 =	vld.idx.msk [tilespmem:v29+s12+$0x0], $0xffff;
	v33 =	vadd.s32 v1, v33;
	v42 =	vand.u32 $0x200, v42;
	v57 =	vadd.s32 v1, v57  }
0x165: {  	v58 =	vld.idx.msk [tilespmem:v58+s16+$0x0], $0xffff;
	v24 =	vmul.f32 v24, v34;
	v57 =	vshll.u32 v57, $0x5;
	v0 =	vadd.f32 v0, v20  }
0x166: {  	v3 =	vld.idx.msk [tilespmem:v3+s12+$0x0], $0xffff;
	v43 =	vor.u32 v43, v57;
	v57 =	vand.u32 $0x1E, v36;
	v36 =	vshll.u32 v36, $0x4  }
0x167: {  	v28 =	vld.idx.msk [tilespmem:v28+s16+$0x0], $0xffff;
	v20 =	vand.u32 $0x1F, v35;
	v35 =	vshll.u32 v35, $0x4;
	v36 =	vand.u32 $0x200, v36  }
0x168: {  	v45 =	vand.u32 $0x1E, v39;
	v62 =	vld.idx.msk [tilespmem:v47+s16+$0x0], $0xffff;
	v35 =	vand.u32 $0x200, v35;
	v36 =	vadd.s32 v1, v36  }
0x169: {  	v35 =	vadd.s32 v1, v35;
	v0 =	vadd.f32 v24, v0;
	v60 =	vshll.u32 v36, $0x5  }
0x16a: {  	v26 =	vld.idx.msk [tilespmem:v26+s12+$0x0], $0xffff;
	v24 =	vmul.f32 v58, v31;
	v31 =	vshll.u32 v35, $0x5;
	v34 =	vor.u32 v57, v60  }
0x16b: {  	v39 =	vshll.u32 v39, $0x4;
	v37 =	vld.idx.msk [tilespmem:v37+s16+$0x0], $0xffff;
	v20 =	vor.u32 v20, v31;
	v31 =	vshll.u32 v33, $0x5  }
0x16c: {  	v25 =	vld.idx.msk [tilespmem:v25+s12+$0x0], $0xffff;
	v0 =	vadd.f32 v24, v0;
	v24 =	vmul.f32 v28, v29;
	v28 =	vor.u32 v40, v31  }
0x16d: {  	v3 =	vmul.f32 v62, v3;
	v31 =	vadd.s32 v1, v42;
	v29 =	vld.idx.msk [tilespmem:v43+s16+$0x0], $0xffff;
	v28 =	vor.u32 v15, v28  }
0x16e: {  	v22 =	vld.idx.msk [tilespmem:v22+s12+$0x0], $0xffff;
	v43 =	vand.u32 $0x200, v39;
	v0 =	vadd.f32 v24, v0;
	v24 =	vshll.u32 v31, $0x5  }
0x16f: {  	v44 =	vand.u32 $0x200, v44;
	v24 =	vor.u32 v55, v24;
	v33 =	vadd.s32 v1, v43;
	v31 =	vld.idx.msk [tilespmem:v34+s16+$0x0], $0xffff  }
0x170: {  	v21 =	vld.idx.msk [tilespmem:v21+s12+$0x0], $0xffff;
	v0 =	vadd.f32 v3, v0;
	v3 =	vmul.f32 v37, v26;
	v26 =	vshll.u32 v33, $0x5  }
0x171: {  	v47 =	vand.u32 $0x200, v53;
	v20 =	vld.idx.msk [tilespmem:v20+s16+$0x0], $0xffff;
	v26 =	vor.u32 v45, v26;
	v45 =	vadd.s32 v1, v44  }
0x172: {  	v23 =	vld.idx.msk [tilespmem:v23+s12+$0x0], $0xffff;
	v0 =	vadd.f32 v3, v0;
	v3 =	vmul.f32 v29, v25;
	v25 =	vshll.u32 v45, $0x5  }
0x173: {  	v53 =	vand.u32 $0x200, v54;
	v28 =	vld.idx.msk [tilespmem:v28+s16+$0x0], $0xffff;
	v29 =	vadd.s32 v1, v47;
	v25 =	vor.u32 v56, v25  }
0x174: {  	v18 =	vld.idx.msk [tilespmem:v18+s12+$0x0], $0xffff;
	v54 =	vshll.u32 v29, $0x5;
	v0 =	vadd.f32 v3, v0;
	v3 =	vmul.f32 v31, v22  }
0x175: {  	v50 =	vshll.u32 v50, $0x4;
	v24 =	vld.idx.msk [tilespmem:v24+s16+$0x0], $0xffff;
	v29 =	vadd.s32 v1, v53;
	v22 =	vor.u32 v48, v54  }
0x176: {  	v17 =	vld.idx.msk [tilespmem:v17+s12+$0x0], $0xffff;
	v31 =	vand.u32 $0x200, v50;
	v0 =	vadd.f32 v3, v0;
	v3 =	vmul.f32 v20, v21  }
0x177: {  	v55 =	vld.idx.msk [tilespmem:v26+s16+$0x0], $0xffff;
	v26 =	vadd.s32 v1, v31;
	v20 =	vshll.u32 v29, $0x5;
	v29 =	vand.u32 $0x200, v51  }
0x178: {  	v16 =	vld.idx.msk [tilespmem:v16+s12+$0x0], $0xffff;
	v20 =	vor.u32 v49, v20;
	v0 =	vadd.f32 v3, v0;
	v3 =	vmul.f32 v28, v23  }
0x179: {  	v56 =	vshll.u32 v26, $0x5;
	v25 =	vld.idx.msk [tilespmem:v25+s16+$0x0], $0xffff;
	v26 =	vadd.s32 v1, v29  }
0x17a: {  	v14 =	vld.idx.msk [tilespmem:v14+s12+$0x0], $0xffff;
	v23 =	vor.u32 v46, v56;
	v0 =	vadd.f32 v3, v0;
	v3 =	vmul.f32 v24, v18  }
0x17b: {  	v2 =	vand.u32 $0x18, v52;
	v52 =	vshll.u32 v52, $0x4;
	v22 =	vld.idx.msk [tilespmem:v22+s16+$0x0], $0xffff;
	v18 =	vshll.u32 v26, $0x5  }
0x17c: {  	v13 =	vld.idx.msk [tilespmem:v13+s12+$0x0], $0xffff;
	v18 =	vor.u32 v38, v18;
	v0 =	vadd.f32 v3, v0;
	v3 =	vmul.f32 v55, v17  }
0x17d: {  	v52 =	vand.u32 $0x200, v52;
	v17 =	vld.idx.msk [tilespmem:v20+s16+$0x0], $0xffff  }
0x17e: {  	v11 =	vld.idx.msk [tilespmem:v11+s12+$0x0], $0xffff;
	v28 =	vadd.s32 v1, v52;
	v0 =	vadd.f32 v3, v0;
	v3 =	vmul.f32 v25, v16  }
0x17f: {  	v4 =	vshll.u32 v4, $0x4;
	v24 =	vshll.u32 v28, $0x5;
	v26 =	vand.u32 $0x200, v41;
	v16 =	vld.idx.msk [tilespmem:v23+s16+$0x0], $0xffff  }
0x180: {  	v9 =	vld.idx.msk [tilespmem:v9+s12+$0x0], $0xffff;
	v2 =	vor.u32 v2, v24;
	v0 =	vadd.f32 v3, v0;
	v3 =	vmul.f32 v22, v14  }
0x181: {  	v4 =	vand.u32 $0x200, v4;
	v2 =	vor.u32 v15, v2;
	v15 =	vadd.s32 v1, v26;
	v18 =	vld.idx.msk [tilespmem:v18+s16+$0x0], $0xffff  }
0x182: {  	v20 =	vand.u32 $0x200, v32;
	v0 =	vadd.f32 v3, v0;
	v3 =	vmul.f32 v17, v13  }
0x183: {  	v57 =	vand.u32 $0x200, v30;
	v15 =	vshll.u32 v15, $0x5;
	v20 =	vadd.s32 v1, v20  }
0x184: {  	v15 =	vor.u32 v59, v15;
	v0 =	vadd.f32 v3, v0;
	v3 =	vmul.f32 v16, v11;
	v16 =	vld [tilespmem:$0x1FEA0]  }
0x185: {  	v12 =	vld.idx.msk [tilespmem:v12+s12+$0x0], $0xffff;
	v58 =	vand.u32 $0x200, v27;
	v14 =	vshll.u32 v20, $0x5;
	v20 =	vadd.s32 v1, v57  }
0x186: {  	v14 =	vor.u32 v61, v14;
	v0 =	vadd.f32 v3, v0;
	v3 =	vmul.f32 v18, v9;
	v9 =	vld [tilespmem:$0x1FEB0]  }
0x187: {  	v4 =	vadd.s32 v1, v4;
	v2 =	vld.idx.msk [tilespmem:v2+s16+$0x0], $0xffff;
	v13 =	vshll.u32 v20, $0x5;
	v20 =	vadd.s32 v1, v58  }
0x188: {  	v8 =	vld.idx.msk [tilespmem:v8+s12+$0x0], $0xffff;
	v17 =	vshll.u32 v10, $0x4;
	v13 =	vor.u32 v63, v13;
	v11 =	vshll.u32 v20, $0x5  }
0x189: {  	v15 =	vld.idx.msk [tilespmem:v15+s16+$0x0], $0xffff;
	v11 =	vor.u32 v19, v11;
	v5 =	vor.u32 v16, v5;
	v16 =	vand.u32 $0x200, v17  }
0x18a: {  	v4 =	vshll.u32 v4, $0x5;
	v7 =	vld.idx.msk [tilespmem:v7+s12+$0x0], $0xffff;
	v1 =	vadd.s32 v1, v16  }
0x18b: {  	v4 =	vor.u32 v9, v4;
	v9 =	vand.u32 $0x1F, v10;
	v10 =	vld.idx.msk [tilespmem:v14+s16+$0x0], $0xffff;
	v1 =	vshll.u32 v1, $0x5  }
0x18c: {  	v6 =	vld.idx.msk [tilespmem:v6+s12+$0x0], $0xffff;
	v2 =	vmul.f32 v2, v12;
	v0 =	vadd.f32 v3, v0;
	v1 =	vor.u32 v9, v1  }
0x18d: {  	v3 =	vld.idx.msk [tilespmem:v13+s16+$0x0], $0xffff  }
0x18e: {  	v0 =	vadd.f32 v2, v0;
	v2 =	vmul.f32 v15, v8;
	v8 =	vld.idx.msk [tilespmem:v11+s16+$0x0], $0xffff  }
0x18f: {  	v5 =	vld.idx.msk [tilespmem:v5+s12+$0x0], $0xffff  }
0x190: {  	v0 =	vadd.f32 v2, v0;
	v4 =	vld.idx.msk [tilespmem:v4+s12+$0x0], $0xffff;
	v2 =	vmul.f32 v10, v7  }
0x191: {  	v1 =	vld.idx.msk [tilespmem:v1+s16+$0x0], $0xffff  }
0x192: {  	v0 =	vadd.f32 v2, v0;
	v2 =	vmul.f32 v3, v6;
	_ =	sdelay $0x1  }
0x193: {  	v0 =	vadd.f32 v2, v0;
	v2 =	vmul.f32 v8, v5;
	_ =	sdelay $0x1  }
0x194: {  	v0 =	vadd.f32 v2, v0;
	v1 =	vmul.f32 v1, v4;
	_ =	sdelay $0x1  }
0x195: {  	v0 =	vadd.f32 v1, v0;
	_ =	sdelay $0x1  }
0x196: {  	s28 =	simm.s32 $0x10;
	[tilespmem:s24+$0x0] =	vst v0  }
0x197: {  	v0 =	vld [tilespmem:s28+$0x0];
	_ =	sdelay $0x3  }
0x198: {  	v1 =	vlaneseq.u32  }
0x199: {  	v1 =	vor.u32 s28, v1;
	v0 =	vmul.u32 $0x1E, v0  }
0x19a: {  	v15 =	vshll.u32 v1, $0x5  }
0x19b: {  	v7 =	vor.u32 $0x1, v15;
	v2 =	vand.u32 $0x1E, v0  }
0x19c: {  	v3 =	vand.u32 $0x18, v0;
	v8 =	vand.u32 $0x6, v0;
	v4 =	vadd.s32 $0x1D, v2  }
0x19d: {  	v9 =	vadd.s32 $0x1A, v2;
	v5 =	vadd.s32 $0x1B, v2;
	v6 =	vadd.s32 $0x1C, v2  }
0x19e: {  	v10 =	vadd.s32 $0x17, v2;
	v11 =	vadd.s32 $0x18, v2;
	v13 =	vadd.s32 $0x19, v2  }
0x19f: {  	v14 =	vadd.s32 $0x14, v2;
	v16 =	vadd.s32 $0x15, v2;
	v17 =	vadd.s32 $0x16, v2  }
0x1a0: {  	v20 =	vadd.s32 $0x11, v2;
	v19 =	vadd.s32 $0x12, v2;
	v59 =	vadd.s32 $0x13, v2  }
0x1a1: {  	v60 =	vadd.s32 $0xE, v2;
	v61 =	vadd.s32 $0xF, v2;
	v24 =	vadd.s32 $0x10, v2  }
0x1a2: {  	v25 =	vadd.s32 $0xB, v2;
	v26 =	vadd.s32 $0xC, v2;
	v27 =	vadd.s32 $0xD, v2  }
0x1a3: {  	v28 =	vadd.s32 $0x8, v2;
	v29 =	vadd.s32 $0x9, v2;
	v30 =	vadd.s32 $0xA, v2  }
0x1a4: {  	v31 =	vadd.s32 $0x5, v2;
	v62 =	vadd.s32 $0x6, v2;
	v63 =	vadd.s32 $0x7, v2  }
0x1a5: {  	v34 =	vor.u32 v3, v7;
	v35 =	vadd.s32 $0x3, v2;
	v36 =	vadd.s32 $0x4, v2  }
0x1a6: {  	v0 =	vor.u32 v15, v2;
	v37 =	vadd.s32 $0x2, v2;
	v3 =	vand.u32 $0x1F, v4  }
0x1a7: {  	v18 =	vand.u32 $0x1F, v5;
	v2 =	vand.u32 $0x1E, v6;
	v38 =	vshll.u32 v4, $0x4  }
0x1a8: {  	[tilespmem:$0x1FFC0] =	vst v7;
	v7 =	vand.u32 $0x1E, v9;
	v39 =	vshll.u32 v5, $0x4;
	v40 =	vshll.u32 v6, $0x4  }
0x1a9: {  	v5 =	vand.u32 $0x18, v11;
	v6 =	vand.u32 $0x1F, v13;
	v41 =	vshll.u32 v9, $0x4  }
0x1aa: {  	v4 =	vand.u32 $0x1E, v17;
	v12 =	vand.u32 $0x1F, v10;
	v42 =	vshll.u32 v13, $0x4  }
0x1ab: {  	v9 =	vand.u32 $0x1F, v16;
	v43 =	vshll.u32 v10, $0x4;
	v44 =	vshll.u32 v11, $0x4  }
0x1ac: {  	v13 =	vand.u32 $0x1E, v14;
	v16 =	vshll.u32 v16, $0x4;
	v45 =	vshll.u32 v17, $0x4  }
0x1ad: {  	v10 =	vand.u32 $0x1E, v19;
	v11 =	vand.u32 $0x1F, v59;
	v46 =	vshll.u32 v14, $0x4  }
0x1ae: {  	v17 =	vand.u32 $0x1F, v20;
	v47 =	vshll.u32 v19, $0x4;
	v48 =	vshll.u32 v59, $0x4  }
0x1af: {  	v14 =	vand.u32 $0x1F, v61;
	v19 =	vand.u32 $0x18, v24;
	v20 =	vshll.u32 v20, $0x4  }
0x1b0: {  	v49 =	vand.u32 $0x1E, v60;
	v50 =	vshll.u32 v61, $0x4;
	v24 =	vshll.u32 v24, $0x4  }
0x1b1: {  	v21 =	vand.u32 $0x1E, v26;
	v22 =	vand.u32 $0x1F, v27;
	v23 =	vshll.u32 v60, $0x4  }
0x1b2: {  	v51 =	vand.u32 $0x1F, v25;
	v26 =	vshll.u32 v26, $0x4;
	v27 =	vshll.u32 v27, $0x4  }
0x1b3: {  	v52 =	vand.u32 $0x1F, v29;
	v53 =	vand.u32 $0x1E, v30;
	v25 =	vshll.u32 v25, $0x4  }
0x1b4: {  	v54 =	vand.u32 $0x18, v28;
	v29 =	vshll.u32 v29, $0x4;
	v30 =	vshll.u32 v30, $0x4  }
0x1b5: {  	v55 =	vand.u32 $0x1E, v62;
	v56 =	vand.u32 $0x1F, v63;
	v28 =	vshll.u32 v28, $0x4  }
0x1b6: {  	v57 =	vand.u32 $0x1F, v31;
	v58 =	vshll.u32 v62, $0x4;
	v33 =	vshll.u32 v63, $0x4  }
0x1b7: {  	v59 =	vand.u32 $0x1F, v35;
	v60 =	vand.u32 $0x1E, v36;
	v31 =	vshll.u32 v31, $0x4  }
0x1b8: {  	v32 =	vor.u32 v8, v34;
	v34 =	vand.u32 $0x1E, v37;
	v36 =	vshll.u32 v36, $0x4  }
0x1b9: {  	v37 =	vshll.u32 v37, $0x4;
	v35 =	vshll.u32 v35, $0x4;
	v38 =	vand.u32 $0x200, v38  }
0x1ba: {  	v41 =	vand.u32 $0x200, v41;
	v39 =	vand.u32 $0x200, v39;
	v40 =	vand.u32 $0x200, v40  }
0x1bb: {  	v43 =	vand.u32 $0x200, v43;
	v44 =	vand.u32 $0x200, v44;
	v42 =	vand.u32 $0x200, v42  }
0x1bc: {  	v46 =	vand.u32 $0x200, v46;
	v16 =	vand.u32 $0x200, v16;
	v45 =	vand.u32 $0x200, v45  }
0x1bd: {  	v20 =	vand.u32 $0x200, v20;
	v47 =	vand.u32 $0x200, v47;
	v48 =	vand.u32 $0x200, v48  }
0x1be: {  	v23 =	vand.u32 $0x200, v23;
	v50 =	vand.u32 $0x200, v50;
	v24 =	vand.u32 $0x200, v24  }
0x1bf: {  	v25 =	vand.u32 $0x200, v25;
	v26 =	vand.u32 $0x200, v26;
	v27 =	vand.u32 $0x200, v27  }
0x1c0: {  	v28 =	vand.u32 $0x200, v28;
	v29 =	vand.u32 $0x200, v29;
	v30 =	vand.u32 $0x200, v30  }
0x1c1: {  	v31 =	vand.u32 $0x200, v31;
	v58 =	vand.u32 $0x200, v58;
	v33 =	vand.u32 $0x200, v33  }
0x1c2: {  	v37 =	vand.u32 $0x200, v37;
	v35 =	vand.u32 $0x200, v35;
	v36 =	vand.u32 $0x200, v36  }
0x1c3: {  	v39 =	vadd.s32 v1, v39;
	v40 =	vadd.s32 v1, v40;
	v38 =	vadd.s32 v1, v38  }
0x1c4: {  	v44 =	vadd.s32 v1, v44;
	v42 =	vadd.s32 v1, v42;
	v41 =	vadd.s32 v1, v41  }
0x1c5: {  	v16 =	vadd.s32 v1, v16;
	v45 =	vadd.s32 v1, v45;
	v43 =	vadd.s32 v1, v43  }
0x1c6: {  	v47 =	vadd.s32 v1, v47;
	v48 =	vadd.s32 v1, v48;
	v46 =	vadd.s32 v1, v46  }
0x1c7: {  	v50 =	vadd.s32 v1, v50;
	v24 =	vadd.s32 v1, v24;
	v20 =	vadd.s32 v1, v20  }
0x1c8: {  	v26 =	vadd.s32 v1, v26;
	v27 =	vadd.s32 v1, v27;
	v23 =	vadd.s32 v1, v23  }
0x1c9: {  	v29 =	vadd.s32 v1, v29;
	v30 =	vadd.s32 v1, v30;
	v25 =	vadd.s32 v1, v25  }
0x1ca: {  	v58 =	vadd.s32 v1, v58;
	v33 =	vadd.s32 v1, v33;
	v28 =	vadd.s32 v1, v28  }
0x1cb: {  	v35 =	vadd.s32 v1, v35;
	v36 =	vadd.s32 v1, v36;
	v31 =	vadd.s32 v1, v31  }
0x1cc: {  	v37 =	vadd.s32 v1, v37;
	v40 =	vshll.u32 v40, $0x5;
	v38 =	vshll.u32 v38, $0x5  }
0x1cd: {  	v42 =	vshll.u32 v42, $0x5;
	v41 =	vshll.u32 v41, $0x5;
	v39 =	vshll.u32 v39, $0x5  }
0x1ce: {  	v45 =	vshll.u32 v45, $0x5;
	v43 =	vshll.u32 v43, $0x5;
	v44 =	vshll.u32 v44, $0x5  }
0x1cf: {  	v48 =	vshll.u32 v48, $0x5;
	v46 =	vshll.u32 v46, $0x5;
	v16 =	vshll.u32 v16, $0x5  }
0x1d0: {  	v24 =	vshll.u32 v24, $0x5;
	v20 =	vshll.u32 v20, $0x5;
	v47 =	vshll.u32 v47, $0x5  }
0x1d1: {  	[tilespmem:$0x1FEC0] =	vst v0;
	v27 =	vshll.u32 v27, $0x5;
	v23 =	vshll.u32 v23, $0x5;
	v3 =	vor.u32 v3, v38  }
0x1d2: {  	v50 =	vshll.u32 v50, $0x5;
	v30 =	vshll.u32 v30, $0x5;
	v2 =	vor.u32 v2, v40;
	[tilespmem:$0x1FED0] =	vst v3  }
0x1d3: {  	v25 =	vshll.u32 v25, $0x5;
	v61 =	vshll.u32 v26, $0x5;
	v3 =	vor.u32 v7, v41;
	[tilespmem:$0x1FF00] =	vst v2  }
0x1d4: {  	v62 =	vshll.u32 v33, $0x5;
	v63 =	vshll.u32 v28, $0x5;
	[tilespmem:$0x1FEE0] =	vst v3;
	v3 =	vor.u32 v18, v39  }
0x1d5: {  	v29 =	vshll.u32 v29, $0x5;
	v0 =	vshll.u32 v36, $0x5;
	[tilespmem:$0x1FEF0] =	vst v3;
	v3 =	vor.u32 v6, v42  }
0x1d6: {  	v31 =	vshll.u32 v31, $0x5;
	v58 =	vshll.u32 v58, $0x5;
	[tilespmem:$0x1FF20] =	vst v3;
	v3 =	vor.u32 v13, v46  }
0x1d7: {  	v37 =	vshll.u32 v37, $0x5;
	v35 =	vshll.u32 v35, $0x5;
	[tilespmem:$0x1FF30] =	vst v3;
	v3 =	vor.u32 v9, v16  }
0x1d8: {  	s29 =	simm.s32 $0x210;
	v38 =	vor.u32 v51, v25;
	v36 =	vor.u32 v21, v61;
	[tilespmem:$0x1FF40] =	vst v3;
	v3 =	vor.u32 v4, v45  }
0x1d9: {  	v33 =	vor.u32 v22, v27;
	v51 =	vor.u32 v60, v0;
	v2 =	vor.u32 v12, v43;
	[tilespmem:$0x1FF50] =	vst v3;
	v3 =	vld [tilespmem:s29+$0x0]  }
0x1da: {  	[tilespmem:$0x1FF10] =	vst v2;
	v2 =	vor.u32 v5, v44;
	v5 =	vor.u32 v54, v63;
	v4 =	vor.u32 v17, v20  }
0x1db: {  	v54 =	vor.u32 v59, v35;
	v42 =	vor.u32 v53, v30;
	[tilespmem:$0x1FF60] =	vst v4;
	v4 =	vor.u32 v10, v47  }
0x1dc: {  	v26 =	vor.u32 v8, v2;
	v46 =	vor.u32 v56, v62;
	[tilespmem:$0x1FF70] =	vst v4;
	v4 =	vor.u32 v11, v48  }
0x1dd: {  	v45 =	vor.u32 v52, v29;
	v47 =	vor.u32 v8, v5;
	[tilespmem:$0x1FF80] =	vst v4;
	v4 =	vor.u32 v49, v23  }
0x1de: {  	v48 =	vor.u32 v55, v58;
	[tilespmem:$0x1FF90] =	vst v4;
	v4 =	vor.u32 v14, v50;
	v3 =	vmul.u32 $0x1E, v3  }
0x1df: {  	v58 =	vor.u32 v34, v37;
	v49 =	vor.u32 v57, v31;
	[tilespmem:$0x1FFA0] =	vst v4;
	v4 =	vor.u32 v19, v24  }
0x1e0: {  	v0 =	vor.u32 v8, v4;
	v10 =	vand.u32 $0x1E, v3;
	v13 =	vand.u32 $0x6, v3  }
0x1e1: {  	v3 =	vand.u32 $0x18, v3;
	v5 =	vadd.s32 $0x1C, v10;
	v25 =	vadd.s32 $0x1D, v10  }
0x1e2: {  	v14 =	vadd.s32 $0x19, v10;
	v19 =	vadd.s32 $0x1A, v10;
	v23 =	vadd.s32 $0x1B, v10  }
0x1e3: {  	v37 =	vadd.s32 $0x16, v10;
	v30 =	vadd.s32 $0x17, v10;
	v50 =	vadd.s32 $0x18, v10  }
0x1e4: {  	v52 =	vadd.s32 $0x13, v10;
	v21 =	vadd.s32 $0x14, v10;
	v22 =	vadd.s32 $0x15, v10  }
0x1e5: {  	v56 =	vadd.s32 $0x10, v10;
	v55 =	vadd.s32 $0x11, v10;
	v53 =	vadd.s32 $0x12, v10  }
0x1e6: {  	v59 =	vadd.s32 $0xD, v10;
	v60 =	vadd.s32 $0xE, v10;
	v57 =	vadd.s32 $0xF, v10  }
0x1e7: {  	[tilespmem:$0x1FFB0] =	vst v0;
	v2 =	vadd.s32 $0xA, v10;
	v0 =	vadd.s32 $0xB, v10;
	v61 =	vadd.s32 $0xC, v10  }
0x1e8: {  	v6 =	vadd.s32 $0x7, v10;
	v7 =	vadd.s32 $0x8, v10;
	v4 =	vadd.s32 $0x9, v10  }
0x1e9: {  	v8 =	vld [tilespmem:$0x1FFC0];
	v11 =	vadd.s32 $0x4, v10;
	v9 =	vadd.s32 $0x5, v10;
	v12 =	vadd.s32 $0x6, v10  }
0x1ea: {  	v16 =	vor.u32 v15, v10;
	v15 =	vadd.s32 $0x3, v10;
	v17 =	vadd.s32 $0x2, v10  }
0x1eb: {  	v27 =	vand.u32 $0x1E, v5;
	v63 =	vshll.u32 v5, $0x4;
	v28 =	vand.u32 $0x1F, v23  }
0x1ec: {  	v29 =	vshll.u32 v14, $0x4;
	v31 =	vand.u32 $0x1F, v30;
	v35 =	vshll.u32 v30, $0x4  }
0x1ed: {  	v30 =	vand.u32 $0x18, v50;
	v50 =	vshll.u32 v50, $0x4;
	v34 =	vand.u32 $0x1E, v37  }
0x1ee: {  	v39 =	vshll.u32 v37, $0x4;
	v18 =	vor.u32 v3, v8;
	v3 =	vand.u32 $0x1E, v19  }
0x1ef: {  	v40 =	vand.u32 $0x1E, v21;
	v43 =	vshll.u32 v21, $0x4;
	[tilespmem:$0x1FFD0] =	vst v3;
	v3 =	vshll.u32 v19, $0x4  }
0x1f0: {  	v37 =	vand.u32 $0x1F, v22;
	v41 =	vshll.u32 v22, $0x4;
	[tilespmem:$0x1FFE0] =	vst v3;
	v3 =	vand.u32 $0x1F, v14  }
0x1f1: {  	s30 =	simm.s32 $0x20;
	s26 =	simm.s32 $0x10C00;
	v62 =	vshll.u32 v25, $0x4;
	v44 =	vand.u32 $0x1F, v52;
	v19 =	vshll.u32 v23, $0x4;
	[tilespmem:$0x1FFF0] =	vst v3  }
.LBB2_2:
0x1f2: {  	[tilespmem:$0x1FE50] =	vst v63;
	v63 =	vand.u32 $0x1F, v55  }
0x1f3: {  	[tilespmem:$0x1FE30] =	vst v19;
	v3 =	vand.u32 $0x18, v56;
	v10 =	vand.u32 $0x1E, v60;
	v19 =	vshll.u32 v56, $0x4  }
0x1f4: {  	v56 =	vand.u32 $0x1F, v59;
	v20 =	vand.u32 $0x1F, v0;
	v14 =	vand.u32 $0x1E, v61  }
0x1f5: {  	[tilespmem:$0x1FE60] =	vst v28;
	v21 =	vand.u32 $0x1E, v2;
	v22 =	vshll.u32 v0, $0x4;
	v23 =	vand.u32 $0x18, v7  }
0x1f6: {  	[tilespmem:$0x1FE90] =	vst v25;
	v24 =	vand.u32 $0x1F, v4;
	v8 =	vand.u32 $0x1E, v12;
	v25 =	vand.u32 $0x1F, v6;
	v28 =	vld [tilespmem:$0x1FEC0]  }
0x1f7: {  	v4 =	vshll.u32 v4, $0x4;
	v0 =	vshll.u32 v17, $0x4;
	v6 =	vshll.u32 v6, $0x4  }
0x1f8: {  	[tilespmem:$0x1FE40] =	vst v26;
	v7 =	vshll.u32 v7, $0x4;
	v26 =	vand.u32 $0x1F, v9;
	v12 =	vshll.u32 v12, $0x4  }
0x1f9: {  	[tilespmem:$0x1FE80] =	vst v27;
	v18 =	vor.u32 v13, v18;
	v27 =	vshll.u32 v15, $0x4;
	v17 =	vand.u32 $0x1E, v17  }
0x1fa: {  	v15 =	vand.u32 $0x1F, v15;
	v9 =	vshll.u32 v9, $0x4;
	v0 =	vand.u32 $0x200, v0  }
0x1fb: {  	v27 =	vand.u32 $0x200, v27;
	v9 =	vand.u32 $0x200, v9;
	v0 =	vadd.s32 v1, v0  }
0x1fc: {  	v16 =	vld.idx.msk [tilespmem:v16+s16+$0x0], $0xffff;
	v12 =	vand.u32 $0x200, v12;
	v9 =	vadd.s32 v1, v9;
	v0 =	vshll.u32 v0, $0x5  }
0x1fd: {  	v32 =	vld.idx.msk [tilespmem:v32+s12+$0x0], $0xffff;
	v17 =	vor.u32 v17, v0;
	v0 =	vadd.s32 v1, v27;
	v27 =	vshll.u32 v11, $0x4  }
0x1fe: {  	v9 =	vshll.u32 v9, $0x5;
	v0 =	vshll.u32 v0, $0x5;
	v27 =	vand.u32 $0x200, v27;
	v28 =	vld.idx.msk [tilespmem:v28+s12+$0x0], $0xffff  }
0x1ff: {  	v9 =	vor.u32 v26, v9;
	v26 =	vld.idx.msk [tilespmem:v51+s12+$0x0], $0xffff;
	v15 =	vor.u32 v15, v0;
	v0 =	vadd.s32 v1, v27  }
0x200: {  	v12 =	vadd.s32 v1, v12;
	v11 =	vand.u32 $0x1E, v11;
	v18 =	vld.idx.msk [tilespmem:v18+s16+$0x0], $0xffff;
	v0 =	vshll.u32 v0, $0x5  }
0x201: {  	v6 =	vand.u32 $0x200, v6;
	v12 =	vshll.u32 v12, $0x5;
	v27 =	vld.idx.msk [tilespmem:v58+s12+$0x0], $0xffff;
	v11 =	vor.u32 v11, v0  }
0x202: {  	v7 =	vand.u32 $0x200, v7;
	v6 =	vadd.s32 v1, v6;
	v8 =	vor.u32 v8, v12;
	v17 =	vld.idx.msk [tilespmem:v17+s16+$0x0], $0xffff  }
0x203: {  	v4 =	vand.u32 $0x200, v4;
	v6 =	vshll.u32 v6, $0x5;
	v58 =	vld.idx.msk [tilespmem:v54+s12+$0x0], $0xffff;
	v16 =	vmul.f32 v16, v28  }
0x204: {  	v7 =	vadd.s32 v1, v7;
	v4 =	vadd.s32 v1, v4;
	v6 =	vor.u32 v25, v6;
	v15 =	vld.idx.msk [tilespmem:v15+s16+$0x0], $0xffff  }
0x205: {  	v4 =	vshll.u32 v4, $0x5;
	v9 =	vld.idx.msk [tilespmem:v9+s16+$0x0], $0xffff;
	v12 =	vadd.f32 $0.0e+00, v16;
	v16 =	vmul.f32 v18, v32  }
0x206: {  	v2 =	vshll.u32 v2, $0x4;
	v7 =	vshll.u32 v7, $0x5;
	v4 =	vor.u32 v24, v4;
	v11 =	vld.idx.msk [tilespmem:v11+s16+$0x0], $0xffff  }
0x207: {  	v7 =	vor.u32 v23, v7;
	v8 =	vld.idx.msk [tilespmem:v8+s16+$0x0], $0xffff;
	v12 =	vadd.f32 v16, v12;
	v16 =	vmul.f32 v17, v27  }
0x208: {  	v59 =	vshll.u32 v59, $0x4;
	v2 =	vand.u32 $0x200, v2;
	v7 =	vor.u32 v13, v7;
	v18 =	vld.idx.msk [tilespmem:v49+s12+$0x0], $0xffff  }
0x209: {  	v2 =	vadd.s32 v1, v2;
	v6 =	vld.idx.msk [tilespmem:v6+s16+$0x0], $0xffff;
	v15 =	vmul.f32 v15, v58;
	v12 =	vadd.f32 v16, v12  }
0x20a: {  	v61 =	vshll.u32 v61, $0x4;
	v22 =	vand.u32 $0x200, v22;
	v2 =	vshll.u32 v2, $0x5;
	v17 =	vld.idx.msk [tilespmem:v48+s12+$0x0], $0xffff  }
0x20b: {  	v2 =	vor.u32 v21, v2;
	v4 =	vld.idx.msk [tilespmem:v4+s16+$0x0], $0xffff;
	v11 =	vmul.f32 v11, v26;
	v12 =	vadd.f32 v15, v12  }
0x20c: {  	v51 =	vand.u32 $0x200, v61;
	v0 =	vand.u32 $0x200, v50;
	v50 =	vadd.s32 v1, v22;
	v16 =	vld.idx.msk [tilespmem:v46+s12+$0x0], $0xffff  }
0x20d: {  	v7 =	vld.idx.msk [tilespmem:v7+s16+$0x0], $0xffff;
	v9 =	vmul.f32 v9, v18;
	v11 =	vadd.f32 v11, v12;
	v12 =	vshll.u32 v50, $0x5  }
0x20e: {  	v54 =	vand.u32 $0x200, v59;
	v15 =	vld.idx.msk [tilespmem:v47+s12+$0x0], $0xffff;
	v12 =	vor.u32 v20, v12;
	v20 =	vadd.s32 v1, v51  }
0x20f: {  	v18 =	vld.idx.msk [tilespmem:v45+s12+$0x0], $0xffff;
	v8 =	vmul.f32 v8, v17;
	v9 =	vadd.f32 v9, v11;
	v11 =	vshll.u32 v20, $0x5  }
0x210: {  	v60 =	vshll.u32 v60, $0x4;
	v11 =	vor.u32 v14, v11;
	v14 =	vadd.s32 v1, v54  }
0x211: {  	v6 =	vmul.f32 v6, v16;
	v8 =	vadd.f32 v8, v9;
	v9 =	vshll.u32 v14, $0x5  }
0x212: {  	v5 =	vand.u32 $0x1F, v57;
	v2 =	vld.idx.msk [tilespmem:v2+s16+$0x0], $0xffff;
	v20 =	vand.u32 $0x200, v60;
	v9 =	vor.u32 v56, v9  }
0x213: {  	v17 =	vld.idx.msk [tilespmem:v42+s12+$0x0], $0xffff;
	v16 =	vadd.s32 v1, v20;
	v7 =	vmul.f32 v7, v15;
	v6 =	vadd.f32 v6, v8  }
0x214: {  	v57 =	vshll.u32 v57, $0x4;
	v4 =	vmul.f32 v4, v18;
	v8 =	vld.idx.msk [tilespmem:v12+s16+$0x0], $0xffff;
	v12 =	vshll.u32 v16, $0x5  }
0x215: {  	v20 =	vand.u32 $0x200, v57;
	v14 =	vld.idx.msk [tilespmem:v38+s12+$0x0], $0xffff;
	v10 =	vor.u32 v10, v12;
	v6 =	vadd.f32 v7, v6  }
0x216: {  	v55 =	vshll.u32 v55, $0x4;
	v19 =	vand.u32 $0x200, v19;
	v12 =	vadd.s32 v1, v20;
	v7 =	vld.idx.msk [tilespmem:v11+s16+$0x0], $0xffff  }
0x217: {  	v16 =	vadd.s32 v1, v19;
	v11 =	vshll.u32 v12, $0x5;
	v4 =	vadd.f32 v4, v6;
	v6 =	vld.idx.msk [tilespmem:v9+s16+$0x0], $0xffff  }
0x218: {  	v2 =	vmul.f32 v2, v17;
	v5 =	vor.u32 v5, v11;
	v11 =	vshll.u32 v16, $0x5;
	v9 =	vld [tilespmem:$0x1FF90]  }
0x219: {  	v15 =	vld.idx.msk [tilespmem:v36+s12+$0x0], $0xffff;
	v16 =	vand.u32 $0x200, v55;
	v3 =	vor.u32 v3, v11  }
0x21a: {  	v11 =	vadd.s32 v1, v16;
	v2 =	vadd.f32 v2, v4;
	v4 =	vmul.f32 v8, v14;
	v8 =	vld.idx.msk [tilespmem:v10+s16+$0x0], $0xffff  }
0x21b: {  	v10 =	vshll.u32 v11, $0x5;
	v11 =	vld [tilespmem:$0x1FFA0]  }
0x21c: {  	[tilespmem:$0x1FE70] =	vst v62;
	v62 =	vand.u32 $0x1E, v53;
	v53 =	vshll.u32 v53, $0x4  }
0x21d: {  	v12 =	vld.idx.msk [tilespmem:v33+s12+$0x0], $0xffff;
	v16 =	vand.u32 $0x200, v53  }
0x21e: {  	v3 =	vor.u32 v13, v3;
	v14 =	vadd.s32 v1, v16  }
0x21f: {  	v2 =	vadd.f32 v4, v2;
	v4 =	vmul.f32 v7, v15;
	v7 =	vshll.u32 v14, $0x5;
	v14 =	vld [tilespmem:$0x1FFB0]  }
0x220: {  	v10 =	vor.u32 v63, v10;
	v9 =	vld.idx.msk [tilespmem:v9+s12+$0x0], $0xffff  }
0x221: {  	v5 =	vld.idx.msk [tilespmem:v5+s16+$0x0], $0xffff  }
0x222: {  	v2 =	vadd.f32 v4, v2;
	v4 =	vmul.f32 v6, v12;
	v12 =	vld [tilespmem:$0x1FF60]  }
0x223: {  	v11 =	vld.idx.msk [tilespmem:v11+s12+$0x0], $0xffff  }
0x224: {  	v52 =	vshll.u32 v52, $0x4;
	v3 =	vld.idx.msk [tilespmem:v3+s16+$0x0], $0xffff  }
0x225: {  	v16 =	vand.u32 $0x200, v52;
	v2 =	vadd.f32 v4, v2;
	v4 =	vmul.f32 v8, v9;
	v8 =	vld.idx.msk [tilespmem:v10+s16+$0x0], $0xffff  }
0x226: {  	v15 =	vadd.s32 v1, v16;
	v7 =	vor.u32 v62, v7;
	v10 =	vld [tilespmem:$0x1FF70]  }
0x227: {  	v6 =	vshll.u32 v15, $0x5;
	v14 =	vld.idx.msk [tilespmem:v14+s12+$0x0], $0xffff  }
0x228: {  	v6 =	vor.u32 v44, v6;
	v2 =	vadd.f32 v4, v2;
	v4 =	vmul.f32 v5, v11;
	v11 =	vld [tilespmem:$0x1FF80];
	_ =	sdelay $0x1  }
0x229: {  	v12 =	vld.idx.msk [tilespmem:v12+s12+$0x0], $0xffff  }
0x22a: {  	v16 =	vand.u32 $0x200, v43;
	v5 =	vld.idx.msk [tilespmem:v7+s16+$0x0], $0xffff  }
0x22b: {  	v15 =	vadd.s32 v1, v16;
	v3 =	vmul.f32 v3, v14;
	v14 =	vld [tilespmem:$0x1FF30]  }
0x22c: {  	v9 =	vshll.u32 v15, $0x5;
	v2 =	vadd.f32 v4, v2;
	v4 =	vld.idx.msk [tilespmem:v6+s16+$0x0], $0xffff  }
0x22d: {  	v0 =	vadd.s32 v1, v0;
	v16 =	vand.u32 $0x200, v41;
	v9 =	vor.u32 v40, v9;
	v10 =	vld.idx.msk [tilespmem:v10+s12+$0x0], $0xffff  }
0x22e: {  	v15 =	vadd.s32 v1, v16;
	v2 =	vadd.f32 v3, v2;
	v3 =	vmul.f32 v8, v12;
	v12 =	vld [tilespmem:$0x1FF40]  }
0x22f: {  	v0 =	vshll.u32 v0, $0x5;
	v7 =	vshll.u32 v15, $0x5;
	v11 =	vld.idx.msk [tilespmem:v11+s12+$0x0], $0xffff  }
0x230: {  	v0 =	vor.u32 v30, v0;
	v16 =	vand.u32 $0x200, v39;
	v7 =	vor.u32 v37, v7  }
0x231: {  	v0 =	vor.u32 v13, v0;
	v13 =	vld [tilespmem:$0x1FFE0];
	v15 =	vadd.s32 v1, v16  }
0x232: {  	v6 =	vshll.u32 v15, $0x5;
	v8 =	vld.idx.msk [tilespmem:v9+s16+$0x0], $0xffff;
	v2 =	vadd.f32 v3, v2;
	v3 =	vmul.f32 v5, v10  }
0x233: {  	v6 =	vor.u32 v34, v6;
	v14 =	vld.idx.msk [tilespmem:v14+s12+$0x0], $0xffff  }
0x234: {  	v16 =	vand.u32 $0x200, v35;
	v2 =	vadd.f32 v3, v2;
	v3 =	vmul.f32 v4, v11;
	v11 =	vld [tilespmem:$0x1FFF0]  }
0x235: {  	v15 =	vadd.s32 v1, v16;
	v5 =	vld.idx.msk [tilespmem:v7+s16+$0x0], $0xffff  }
0x236: {  	v9 =	vshll.u32 v15, $0x5;
	v15 =	vand.u32 $0x200, v29;
	v7 =	vld [tilespmem:$0x1FF50]  }
0x237: {  	v9 =	vor.u32 v31, v9;
	v10 =	vadd.s32 v1, v15;
	v12 =	vld.idx.msk [tilespmem:v12+s12+$0x0], $0xffff  }
0x238: {  	v13 =	vand.u32 $0x200, v13;
	v4 =	vld.idx.msk [tilespmem:v6+s16+$0x0], $0xffff;
	v6 =	vshll.u32 v10, $0x5  }
0x239: {  	v6 =	vor.u32 v11, v6;
	v11 =	vadd.s32 v1, v13;
	v13 =	vld [tilespmem:$0x1FE30]  }
0x23a: {  	v2 =	vadd.f32 v3, v2;
	v3 =	vmul.f32 v8, v14;
	v14 =	vld [tilespmem:$0x1FFD0]  }
0x23b: {  	v10 =	vld [tilespmem:$0x1FF10]  }
0x23c: {  	v8 =	vld.idx.msk [tilespmem:v9+s16+$0x0], $0xffff  }
0x23d: {  	v2 =	vadd.f32 v3, v2;
	v3 =	vmul.f32 v5, v12;
	v12 =	vld [tilespmem:$0x1FF20]  }
0x23e: {  	v7 =	vld.idx.msk [tilespmem:v7+s12+$0x0], $0xffff;
	v9 =	vshll.u32 v11, $0x5;
	v13 =	vand.u32 $0x200, v13  }
0x23f: {  	v9 =	vor.u32 v14, v9;
	v14 =	vld [tilespmem:$0x1FE50];
	v13 =	vadd.s32 v1, v13  }
0x240: {  	v5 =	vshll.u32 v13, $0x5;
	v13 =	vld [tilespmem:$0x1FE60]  }
0x241: {  	v11 =	vld [tilespmem:$0x1FE40];
	_ =	sdelay $0x1  }
0x242: {  	v0 =	vld.idx.msk [tilespmem:v0+s16+$0x0], $0xffff  }
0x243: {  	v2 =	vadd.f32 v3, v2;
	v10 =	vld.idx.msk [tilespmem:v10+s12+$0x0], $0xffff;
	v14 =	vand.u32 $0x200, v14  }
0x244: {  	v3 =	vmul.f32 v4, v7;
	v4 =	vld.idx.msk [tilespmem:v6+s16+$0x0], $0xffff;
	v5 =	vor.u32 v13, v5;
	v13 =	vadd.s32 v1, v14  }
0x245: {  	v6 =	vshll.u32 v13, $0x5;
	v13 =	vld [tilespmem:$0x1FE80]  }
0x246: {  	v7 =	vld [tilespmem:$0x1FEE0]  }
0x247: {  	v12 =	vld.idx.msk [tilespmem:v12+s12+$0x0], $0xffff  }
0x248: {  	v11 =	vld.idx.msk [tilespmem:v11+s12+$0x0], $0xffff  }
0x249: {  	v2 =	vadd.f32 v3, v2;
	v3 =	vmul.f32 v8, v10;
	v8 =	vld.idx.msk [tilespmem:v9+s16+$0x0], $0xffff  }
0x24a: {  	v14 =	vld [tilespmem:$0x1FE70];
	v6 =	vor.u32 v13, v6  }
0x24b: {  	v9 =	vld [tilespmem:$0x1FEF0]  }
0x24c: {  	v13 =	vld [tilespmem:$0x1FE90]  }
0x24d: {  	v2 =	vadd.f32 v3, v2;
	v0 =	vmul.f32 v0, v11;
	v3 =	vld.idx.msk [tilespmem:v5+s16+$0x0], $0xffff  }
0x24e: {  	v5 =	vld [tilespmem:$0x1FF00]  }
0x24f: {  	v0 =	vadd.f32 v0, v2;
	v2 =	vmul.f32 v4, v12;
	v14 =	vand.u32 $0x200, v14;
	v4 =	vld.idx.msk [tilespmem:v6+s16+$0x0], $0xffff  }
0x250: {  	v1 =	vadd.s32 v1, v14;
	v6 =	vld [tilespmem:$0x1FED0]  }
0x251: {  	v1 =	vshll.u32 v1, $0x5;
	v13 =	vand.u32 $0x1F, v13  }
0x252: {  	v7 =	vld.idx.msk [tilespmem:v7+s12+$0x0], $0xffff;
	v1 =	vor.u32 v13, v1;
	_ =	sdelay $0x1  }
0x253: {  	v9 =	vld.idx.msk [tilespmem:v9+s12+$0x0], $0xffff;
	_ =	sdelay $0x1  }
0x254: {  	v5 =	vld.idx.msk [tilespmem:v5+s12+$0x0], $0xffff  }
0x255: {  	v0 =	vadd.f32 v2, v0;
	v2 =	vmul.f32 v8, v7;
	v1 =	vld.idx.msk [tilespmem:v1+s16+$0x0], $0xffff  }
0x256: {  	v6 =	vld.idx.msk [tilespmem:v6+s12+$0x0], $0xffff  }
0x257: {  	v0 =	vadd.f32 v2, v0;
	v2 =	vmul.f32 v3, v9;
	_ =	sdelay $0x1  }
0x258: {  	v0 =	vadd.f32 v2, v0;
	v2 =	vmul.f32 v4, v5;
	_ =	sdelay $0x1  }
0x259: {  	v0 =	vadd.f32 v2, v0;
	v1 =	vmul.f32 v1, v6;
	_ =	sdelay $0x1  }
0x25a: {  	v0 =	vadd.f32 v1, v0  }
0x25b: {  	s26 =	sadd.s32 $0x10, s26  }
0x25c: {  	s28 =	sadd.s32 $0x10, s28;
	[tilespmem:s26+$0x0] =	vst v0  }
0x25d: {  	v0 =	vld [tilespmem:s28+$0x0];
	_ =	sdelay $0x3  }
0x25e: {  	v1 =	vlaneseq.u32  }
0x25f: {  	v1 =	vor.u32 s30, v1;
	v0 =	vmul.u32 $0x1E, v0  }
0x260: {  	v15 =	vshll.u32 v1, $0x5  }
0x261: {  	v18 =	vor.u32 $0x1, v15;
	v2 =	vand.u32 $0x1E, v0  }
0x262: {  	v3 =	vand.u32 $0x18, v0;
	v8 =	vand.u32 $0x6, v0;
	v4 =	vadd.s32 $0x1D, v2  }
0x263: {  	v5 =	vadd.s32 $0x1A, v2;
	v6 =	vadd.s32 $0x1B, v2;
	v7 =	vadd.s32 $0x1C, v2  }
0x264: {  	v12 =	vadd.s32 $0x17, v2;
	v13 =	vadd.s32 $0x18, v2;
	v11 =	vadd.s32 $0x19, v2  }
0x265: {  	v16 =	vadd.s32 $0x14, v2;
	v14 =	vadd.s32 $0x15, v2;
	v17 =	vadd.s32 $0x16, v2  }
0x266: {  	v20 =	vadd.s32 $0x11, v2;
	v19 =	vadd.s32 $0x12, v2;
	v58 =	vadd.s32 $0x13, v2  }
0x267: {  	v25 =	vadd.s32 $0xE, v2;
	v59 =	vadd.s32 $0xF, v2;
	v60 =	vadd.s32 $0x10, v2  }
0x268: {  	v26 =	vadd.s32 $0xB, v2;
	v28 =	vadd.s32 $0xC, v2;
	v29 =	vadd.s32 $0xD, v2  }
0x269: {  	v61 =	vadd.s32 $0x8, v2;
	v30 =	vadd.s32 $0x9, v2;
	v62 =	vadd.s32 $0xA, v2  }
0x26a: {  	v36 =	vadd.s32 $0x5, v2;
	v63 =	vadd.s32 $0x6, v2;
	v35 =	vadd.s32 $0x7, v2  }
0x26b: {  	v38 =	vor.u32 v3, v18;
	v40 =	vadd.s32 $0x3, v2;
	v41 =	vadd.s32 $0x4, v2  }
0x26c: {  	v0 =	vor.u32 v15, v2;
	v42 =	vadd.s32 $0x2, v2;
	v3 =	vand.u32 $0x1F, v4  }
0x26d: {  	[tilespmem:$0x1FEC0] =	vst v0;
	v0 =	vand.u32 $0x1F, v6;
	v2 =	vand.u32 $0x1E, v7;
	v43 =	vshll.u32 v4, $0x4  }
0x26e: {  	v4 =	vand.u32 $0x1E, v5;
	v44 =	vshll.u32 v6, $0x4;
	v45 =	vshll.u32 v7, $0x4  }
0x26f: {  	v6 =	vand.u32 $0x18, v13;
	v10 =	vand.u32 $0x1F, v11;
	v46 =	vshll.u32 v5, $0x4  }
0x270: {  	v9 =	vand.u32 $0x1E, v17;
	v7 =	vand.u32 $0x1F, v12;
	v47 =	vshll.u32 v11, $0x4  }
0x271: {  	v11 =	vand.u32 $0x1F, v14;
	v48 =	vshll.u32 v12, $0x4;
	v49 =	vshll.u32 v13, $0x4  }
0x272: {  	v12 =	vand.u32 $0x1E, v16;
	v50 =	vshll.u32 v14, $0x4;
	v51 =	vshll.u32 v17, $0x4  }
0x273: {  	v13 =	vand.u32 $0x1E, v19;
	v14 =	vand.u32 $0x1F, v58;
	v16 =	vshll.u32 v16, $0x4  }
0x274: {  	v17 =	vand.u32 $0x1F, v20;
	v52 =	vshll.u32 v19, $0x4;
	v53 =	vshll.u32 v58, $0x4  }
0x275: {  	v19 =	vand.u32 $0x1F, v59;
	v21 =	vand.u32 $0x18, v60;
	v20 =	vshll.u32 v20, $0x4  }
0x276: {  	v24 =	vand.u32 $0x1E, v25;
	v54 =	vshll.u32 v59, $0x4;
	v55 =	vshll.u32 v60, $0x4  }
0x277: {  	v22 =	vand.u32 $0x1E, v28;
	v23 =	vand.u32 $0x1F, v29;
	v56 =	vshll.u32 v25, $0x4  }
0x278: {  	v27 =	vand.u32 $0x1F, v26;
	v28 =	vshll.u32 v28, $0x4;
	v57 =	vshll.u32 v29, $0x4  }
0x279: {  	v5 =	vand.u32 $0x1F, v30;
	v25 =	vand.u32 $0x1E, v62;
	v26 =	vshll.u32 v26, $0x4  }
0x27a: {  	v31 =	vand.u32 $0x18, v61;
	v58 =	vshll.u32 v30, $0x4;
	v33 =	vshll.u32 v62, $0x4  }
0x27b: {  	v29 =	vand.u32 $0x1E, v63;
	v30 =	vand.u32 $0x1F, v35;
	v59 =	vshll.u32 v61, $0x4  }
0x27c: {  	v37 =	vand.u32 $0x1F, v36;
	v60 =	vshll.u32 v63, $0x4;
	v61 =	vshll.u32 v35, $0x4  }
0x27d: {  	v34 =	vand.u32 $0x1F, v40;
	v35 =	vand.u32 $0x1E, v41;
	v36 =	vshll.u32 v36, $0x4  }
0x27e: {  	v32 =	vor.u32 v8, v38;
	v39 =	vand.u32 $0x1E, v42;
	v38 =	vshll.u32 v41, $0x4  }
0x27f: {  	v41 =	vshll.u32 v42, $0x4;
	v40 =	vshll.u32 v40, $0x4;
	v42 =	vand.u32 $0x200, v43  }
0x280: {  	v43 =	vand.u32 $0x200, v46;
	v44 =	vand.u32 $0x200, v44;
	v45 =	vand.u32 $0x200, v45  }
0x281: {  	v46 =	vand.u32 $0x200, v48;
	v48 =	vand.u32 $0x200, v49;
	v47 =	vand.u32 $0x200, v47  }
0x282: {  	v16 =	vand.u32 $0x200, v16;
	v49 =	vand.u32 $0x200, v50;
	v50 =	vand.u32 $0x200, v51  }
0x283: {  	v20 =	vand.u32 $0x200, v20;
	v51 =	vand.u32 $0x200, v52;
	v52 =	vand.u32 $0x200, v53  }
0x284: {  	v53 =	vand.u32 $0x200, v56;
	v54 =	vand.u32 $0x200, v54;
	v55 =	vand.u32 $0x200, v55  }
0x285: {  	v26 =	vand.u32 $0x200, v26;
	v28 =	vand.u32 $0x200, v28;
	v56 =	vand.u32 $0x200, v57  }
0x286: {  	v57 =	vand.u32 $0x200, v59;
	v58 =	vand.u32 $0x200, v58;
	v33 =	vand.u32 $0x200, v33  }
0x287: {  	v36 =	vand.u32 $0x200, v36;
	v59 =	vand.u32 $0x200, v60;
	v60 =	vand.u32 $0x200, v61  }
0x288: {  	v41 =	vand.u32 $0x200, v41;
	v40 =	vand.u32 $0x200, v40;
	v38 =	vand.u32 $0x200, v38  }
0x289: {  	v44 =	vadd.s32 v1, v44;
	v45 =	vadd.s32 v1, v45;
	v42 =	vadd.s32 v1, v42  }
0x28a: {  	v48 =	vadd.s32 v1, v48;
	v47 =	vadd.s32 v1, v47;
	v43 =	vadd.s32 v1, v43  }
0x28b: {  	v49 =	vadd.s32 v1, v49;
	v50 =	vadd.s32 v1, v50;
	v46 =	vadd.s32 v1, v46  }
0x28c: {  	v51 =	vadd.s32 v1, v51;
	v52 =	vadd.s32 v1, v52;
	v16 =	vadd.s32 v1, v16  }
0x28d: {  	v54 =	vadd.s32 v1, v54;
	v55 =	vadd.s32 v1, v55;
	v20 =	vadd.s32 v1, v20  }
0x28e: {  	v28 =	vadd.s32 v1, v28;
	v56 =	vadd.s32 v1, v56;
	v53 =	vadd.s32 v1, v53  }
0x28f: {  	v58 =	vadd.s32 v1, v58;
	v33 =	vadd.s32 v1, v33;
	v26 =	vadd.s32 v1, v26  }
0x290: {  	v59 =	vadd.s32 v1, v59;
	v60 =	vadd.s32 v1, v60;
	v57 =	vadd.s32 v1, v57  }
0x291: {  	v40 =	vadd.s32 v1, v40;
	v38 =	vadd.s32 v1, v38;
	v36 =	vadd.s32 v1, v36  }
0x292: {  	v41 =	vadd.s32 v1, v41;
	v45 =	vshll.u32 v45, $0x5;
	v42 =	vshll.u32 v42, $0x5  }
0x293: {  	v47 =	vshll.u32 v47, $0x5;
	v43 =	vshll.u32 v43, $0x5;
	v44 =	vshll.u32 v44, $0x5  }
0x294: {  	v50 =	vshll.u32 v50, $0x5;
	v46 =	vshll.u32 v46, $0x5;
	v48 =	vshll.u32 v48, $0x5  }
0x295: {  	v52 =	vshll.u32 v52, $0x5;
	v16 =	vshll.u32 v16, $0x5;
	v49 =	vshll.u32 v49, $0x5  }
0x296: {  	v55 =	vshll.u32 v55, $0x5;
	v20 =	vshll.u32 v20, $0x5;
	v3 =	vor.u32 v3, v42  }
0x297: {  	v51 =	vshll.u32 v51, $0x5;
	v56 =	vshll.u32 v56, $0x5;
	v0 =	vor.u32 v0, v44;
	[tilespmem:$0x1FED0] =	vst v3  }
0x298: {  	v53 =	vshll.u32 v53, $0x5;
	v54 =	vshll.u32 v54, $0x5;
	v3 =	vor.u32 v4, v43;
	[tilespmem:$0x1FEF0] =	vst v0  }
0x299: {  	v61 =	vshll.u32 v33, $0x5;
	v26 =	vshll.u32 v26, $0x5;
	v0 =	vor.u32 v2, v45;
	[tilespmem:$0x1FEE0] =	vst v3  }
0x29a: {  	v28 =	vshll.u32 v28, $0x5;
	v60 =	vshll.u32 v60, $0x5;
	v2 =	vor.u32 v10, v47;
	[tilespmem:$0x1FF00] =	vst v0  }
0x29b: {  	v57 =	vshll.u32 v57, $0x5;
	v58 =	vshll.u32 v58, $0x5;
	v0 =	vor.u32 v7, v46;
	[tilespmem:$0x1FF20] =	vst v2  }
0x29c: {  	v62 =	vshll.u32 v38, $0x5;
	v63 =	vshll.u32 v36, $0x5;
	v2 =	vor.u32 v12, v16;
	[tilespmem:$0x1FF10] =	vst v0  }
0x29d: {  	v59 =	vshll.u32 v59, $0x5;
	v41 =	vshll.u32 v41, $0x5;
	[tilespmem:$0x1FF30] =	vst v2;
	v2 =	vor.u32 v11, v49  }
0x29e: {  	s29 =	sadd.s32 $0x10, s29;
	v40 =	vshll.u32 v40, $0x5;
	v38 =	vor.u32 v27, v26;
	[tilespmem:$0x1FF40] =	vst v2;
	v2 =	vor.u32 v9, v50  }
0x29f: {  	v36 =	vor.u32 v22, v28;
	v33 =	vor.u32 v23, v56;
	v3 =	vor.u32 v17, v20;
	[tilespmem:$0x1FF50] =	vst v2;
	v2 =	vld [tilespmem:s29+$0x0]  }
0x2a0: {  	v42 =	vor.u32 v25, v61;
	v4 =	vor.u32 v31, v57;
	[tilespmem:$0x1FF60] =	vst v3;
	v3 =	vor.u32 v13, v51  }
0x2a1: {  	v45 =	vor.u32 v5, v58;
	v58 =	vor.u32 v39, v41;
	[tilespmem:$0x1FF70] =	vst v3;
	v3 =	vor.u32 v14, v52  }
0x2a2: {  	v46 =	vor.u32 v30, v60;
	v47 =	vor.u32 v8, v4;
	[tilespmem:$0x1FF80] =	vst v3;
	v3 =	vor.u32 v24, v53  }
0x2a3: {  	v0 =	vor.u32 v6, v48;
	v49 =	vor.u32 v37, v63;
	[tilespmem:$0x1FF90] =	vst v3;
	v3 =	vor.u32 v19, v54  }
0x2a4: {  	v48 =	vor.u32 v29, v59;
	[tilespmem:$0x1FFA0] =	vst v3;
	v3 =	vor.u32 v21, v55;
	v2 =	vmul.u32 $0x1E, v2  }
0x2a5: {  	v51 =	vor.u32 v35, v62;
	v26 =	vor.u32 v8, v0;
	v3 =	vor.u32 v8, v3  }
0x2a6: {  	v54 =	vor.u32 v34, v40;
	[tilespmem:$0x1FFB0] =	vst v3;
	v3 =	vand.u32 $0x1E, v2;
	v13 =	vand.u32 $0x6, v2  }
0x2a7: {  	v5 =	vand.u32 $0x18, v2;
	v8 =	vadd.s32 $0x1C, v3;
	v25 =	vadd.s32 $0x1D, v3  }
0x2a8: {  	v10 =	vadd.s32 $0x19, v3;
	v14 =	vadd.s32 $0x1A, v3;
	v19 =	vadd.s32 $0x1B, v3  }
0x2a9: {  	v20 =	vadd.s32 $0x16, v3;
	v44 =	vadd.s32 $0x17, v3;
	v50 =	vadd.s32 $0x18, v3  }
0x2aa: {  	v52 =	vadd.s32 $0x13, v3;
	v23 =	vadd.s32 $0x14, v3;
	v24 =	vadd.s32 $0x15, v3  }
0x2ab: {  	v56 =	vadd.s32 $0x10, v3;
	v55 =	vadd.s32 $0x11, v3;
	v53 =	vadd.s32 $0x12, v3  }
0x2ac: {  	v59 =	vadd.s32 $0xD, v3;
	v60 =	vadd.s32 $0xE, v3;
	v57 =	vadd.s32 $0xF, v3  }
0x2ad: {  	v2 =	vadd.s32 $0xA, v3;
	v0 =	vadd.s32 $0xB, v3;
	v61 =	vadd.s32 $0xC, v3  }
0x2ae: {  	v6 =	vadd.s32 $0x7, v3;
	v7 =	vadd.s32 $0x8, v3;
	v4 =	vadd.s32 $0x9, v3  }
0x2af: {  	v11 =	vadd.s32 $0x4, v3;
	v9 =	vadd.s32 $0x5, v3;
	v12 =	vadd.s32 $0x6, v3  }
0x2b0: {  	v16 =	vor.u32 v15, v3;
	v18 =	vor.u32 v5, v18;
	v15 =	vadd.s32 $0x3, v3  }
0x2b1: {  	v17 =	vadd.s32 $0x2, v3;
	v27 =	vand.u32 $0x1E, v8;
	v62 =	vshll.u32 v25, $0x4  }
0x2b2: {  	p0 =	sne.s32 s30, $0x1F0;
	v3 =	vand.u32 $0x1E, v14;
	v28 =	vand.u32 $0x1F, v19;
	v63 =	vshll.u32 v8, $0x4  }
.Ltmp0:
0x2b3: {  	v19 =	vshll.u32 v19, $0x4;
	v31 =	vand.u32 $0x1F, v44;
	v30 =	vand.u32 $0x18, v50;
	(pc) =	sbr.rel @p0 .LBB2_2-.Ltmp0, $4  }
0x2b4: {  	v29 =	vshll.u32 v10, $0x4;
	v34 =	vand.u32 $0x1E, v20;
	v35 =	vshll.u32 v44, $0x4  }
0x2b5: {  	v50 =	vshll.u32 v50, $0x4;
	v40 =	vand.u32 $0x1E, v23;
	[tilespmem:$0x1FFD0] =	vst v3;
	v3 =	vand.u32 $0x1F, v10  }
0x2b6: {  	v37 =	vand.u32 $0x1F, v24;
	v39 =	vshll.u32 v20, $0x4;
	[tilespmem:$0x1FFF0] =	vst v3;
	v3 =	vshll.u32 v14, $0x4  }
0x2b7: {  	s30 =	sadd.s32 $0x10, s30;
	v44 =	vand.u32 $0x1F, v52;
	v43 =	vshll.u32 v23, $0x4;
	v41 =	vshll.u32 v24, $0x4;
	[tilespmem:$0x1FFE0] =	vst v3  }
0x2b8: {  	v8 =	vld [tilespmem:$0x1FEC0];
	_ =	sdelay $0x1  }
0x2b9: {  	v5 =	vshll.u32 v17, $0x4  }
0x2ba: {  	v5 =	vand.u32 $0x200, v5  }
0x2bb: {  	v5 =	vadd.s32 v1, v5  }
0x2bc: {  	v3 =	vor.u32 v13, v18;
	v10 =	vand.u32 $0x1E, v17;
	v14 =	vld.idx.msk [tilespmem:v16+s16+$0x0], $0xffff;
	v5 =	vshll.u32 v5, $0x5  }
0x2bd: {  	v16 =	vld.idx.msk [tilespmem:v32+s12+$0x0], $0xffff;
	v5 =	vor.u32 v10, v5  }
0x2be: {  	v21 =	vld.idx.msk [tilespmem:v58+s12+$0x0], $0xffff  }
0x2bf: {  	v22 =	vshll.u32 v15, $0x4;
	v32 =	vshll.u32 v11, $0x4;
	v8 =	vld.idx.msk [tilespmem:v8+s12+$0x0], $0xffff  }
0x2c0: {  	v23 =	vand.u32 $0x200, v22;
	v18 =	vand.u32 $0x200, v32;
	v32 =	vld.idx.msk [tilespmem:v54+s12+$0x0], $0xffff  }
0x2c1: {  	v24 =	vand.u32 $0x1F, v15;
	v58 =	vand.u32 $0x1F, v9;
	v10 =	vadd.s32 v1, v23;
	v3 =	vld.idx.msk [tilespmem:v3+s16+$0x0], $0xffff  }
0x2c2: {  	v22 =	vand.u32 $0x1E, v11;
	v54 =	vshll.u32 v12, $0x4;
	v10 =	vshll.u32 v10, $0x5;
	v5 =	vld.idx.msk [tilespmem:v5+s16+$0x0], $0xffff  }
0x2c3: {  	v20 =	vadd.s32 v1, v18;
	v23 =	vshll.u32 v9, $0x4;
	v10 =	vor.u32 v24, v10  }
0x2c4: {  	v24 =	vand.u32 $0x200, v23;
	v8 =	vmul.f32 v14, v8;
	v14 =	vshll.u32 v20, $0x5  }
0x2c5: {  	v17 =	vand.u32 $0x200, v54;
	v11 =	vor.u32 v22, v14;
	v14 =	vadd.s32 v1, v24  }
0x2c6: {  	v3 =	vmul.f32 v3, v16;
	v8 =	vadd.f32 $0.0e+00, v8;
	v14 =	vshll.u32 v14, $0x5  }
0x2c7: {  	v20 =	vshll.u32 v6, $0x4;
	v5 =	vmul.f32 v5, v21;
	v9 =	vor.u32 v58, v14  }
0x2c8: {  	v10 =	vld.idx.msk [tilespmem:v10+s16+$0x0], $0xffff;
	v21 =	vshll.u32 v7, $0x4;
	v3 =	vadd.f32 v3, v8;
	v8 =	vadd.s32 v1, v17  }
0x2c9: {  	v18 =	vld.idx.msk [tilespmem:v51+s12+$0x0], $0xffff;
	v14 =	vand.u32 $0x200, v21;
	v17 =	vand.u32 $0x1E, v12;
	v8 =	vshll.u32 v8, $0x5  }
0x2ca: {  	v8 =	vor.u32 v17, v8;
	v3 =	vadd.f32 v5, v3;
	v5 =	vld.idx.msk [tilespmem:v11+s16+$0x0], $0xffff;
	v11 =	vand.u32 $0x200, v20  }
0x2cb: {  	v6 =	vand.u32 $0x1F, v6;
	v22 =	vld.idx.msk [tilespmem:v49+s12+$0x0], $0xffff;
	v14 =	vadd.s32 v1, v14;
	v11 =	vadd.s32 v1, v11  }
0x2cc: {  	v7 =	vand.u32 $0x18, v7;
	v14 =	vshll.u32 v14, $0x5;
	v9 =	vld.idx.msk [tilespmem:v9+s16+$0x0], $0xffff;
	v11 =	vshll.u32 v11, $0x5  }
0x2cd: {  	v10 =	vmul.f32 v10, v32;
	v7 =	vor.u32 v7, v14;
	v6 =	vor.u32 v6, v11  }
0x2ce: {  	v23 =	vld.idx.msk [tilespmem:v48+s12+$0x0], $0xffff;
	v24 =	vshll.u32 v4, $0x4;
	v7 =	vor.u32 v13, v7  }
0x2cf: {  	v3 =	vadd.f32 v10, v3;
	v11 =	vand.u32 $0x200, v24;
	v5 =	vmul.f32 v5, v18;
	v8 =	vld.idx.msk [tilespmem:v8+s16+$0x0], $0xffff  }
0x2d0: {  	v4 =	vand.u32 $0x1F, v4;
	v49 =	vshll.u32 v2, $0x4;
	v32 =	vadd.s32 v1, v11  }
0x2d1: {  	v48 =	vld.idx.msk [tilespmem:v46+s12+$0x0], $0xffff;
	v3 =	vadd.f32 v5, v3;
	v5 =	vmul.f32 v9, v22;
	v9 =	vshll.u32 v32, $0x5  }
0x2d2: {  	v51 =	vand.u32 $0x200, v49;
	v4 =	vor.u32 v4, v9;
	v6 =	vld.idx.msk [tilespmem:v6+s16+$0x0], $0xffff  }
0x2d3: {  	v54 =	vand.u32 $0x1E, v2;
	v58 =	vld.idx.msk [tilespmem:v47+s12+$0x0], $0xffff;
	v3 =	vadd.f32 v5, v3;
	v5 =	vadd.s32 v1, v51  }
0x2d4: {  	v12 =	vshll.u32 v0, $0x4;
	v7 =	vld.idx.msk [tilespmem:v7+s16+$0x0], $0xffff;
	v8 =	vmul.f32 v8, v23;
	v5 =	vshll.u32 v5, $0x5  }
0x2d5: {  	v2 =	vor.u32 v54, v5;
	v5 =	vand.u32 $0x200, v12  }
0x2d6: {  	v3 =	vadd.f32 v8, v3;
	v5 =	vadd.s32 v1, v5;
	v8 =	vld.idx.msk [tilespmem:v45+s12+$0x0], $0xffff  }
0x2d7: {  	v14 =	vand.u32 $0x1F, v0;
	v6 =	vmul.f32 v6, v48;
	v5 =	vshll.u32 v5, $0x5;
	v4 =	vld.idx.msk [tilespmem:v4+s16+$0x0], $0xffff  }
0x2d8: {  	v0 =	vor.u32 v14, v5  }
0x2d9: {  	v5 =	vmul.f32 v7, v58;
	v7 =	vld.idx.msk [tilespmem:v42+s12+$0x0], $0xffff;
	v3 =	vadd.f32 v6, v3;
	v6 =	vshll.u32 v61, $0x4  }
0x2da: {  	v6 =	vand.u32 $0x200, v6;
	v2 =	vld.idx.msk [tilespmem:v2+s16+$0x0], $0xffff  }
0x2db: {  	v3 =	vadd.f32 v5, v3;
	v5 =	vadd.s32 v1, v6  }
0x2dc: {  	v6 =	vand.u32 $0x1E, v61;
	v4 =	vmul.f32 v4, v8;
	v5 =	vshll.u32 v5, $0x5  }
0x2dd: {  	v5 =	vor.u32 v6, v5;
	v6 =	vshll.u32 v59, $0x4  }
0x2de: {  	v3 =	vadd.f32 v4, v3;
	v4 =	vshll.u32 v60, $0x4;
	v6 =	vand.u32 $0x200, v6  }
0x2df: {  	v8 =	vld.idx.msk [tilespmem:v38+s12+$0x0], $0xffff;
	v2 =	vmul.f32 v2, v7;
	v6 =	vadd.s32 v1, v6;
	v4 =	vand.u32 $0x200, v4  }
0x2e0: {  	v0 =	vld.idx.msk [tilespmem:v0+s16+$0x0], $0xffff;
	v7 =	vand.u32 $0x1F, v59;
	v6 =	vshll.u32 v6, $0x5;
	v4 =	vadd.s32 v1, v4  }
0x2e1: {  	v6 =	vor.u32 v7, v6;
	v7 =	vand.u32 $0x1E, v60;
	v4 =	vshll.u32 v4, $0x5  }
0x2e2: {  	v4 =	vor.u32 v7, v4;
	v7 =	vld.idx.msk [tilespmem:v36+s12+$0x0], $0xffff  }
0x2e3: {  	v5 =	vld.idx.msk [tilespmem:v5+s16+$0x0], $0xffff  }
0x2e4: {  	v15 =	vshll.u32 v57, $0x4  }
0x2e5: {  	v20 =	vshll.u32 v55, $0x4;
	v18 =	vld.idx.msk [tilespmem:v33+s12+$0x0], $0xffff;
	v2 =	vadd.f32 v2, v3;
	v0 =	vmul.f32 v0, v8  }
0x2e6: {  	v21 =	vand.u32 $0x200, v20;
	v33 =	vld [tilespmem:$0x1FFB0];
	v3 =	vand.u32 $0x200, v15  }
0x2e7: {  	v8 =	vshll.u32 v56, $0x4;
	v0 =	vadd.f32 v0, v2;
	v2 =	vadd.s32 v1, v21  }
0x2e8: {  	v2 =	vshll.u32 v2, $0x5;
	v5 =	vmul.f32 v5, v7;
	v7 =	vand.u32 $0x1F, v55  }
0x2e9: {  	v3 =	vadd.s32 v1, v3;
	v8 =	vand.u32 $0x200, v8;
	v2 =	vor.u32 v7, v2;
	v7 =	vld [tilespmem:$0x1FFA0]  }
0x2ea: {  	v17 =	vand.u32 $0x1F, v57;
	v3 =	vshll.u32 v3, $0x5;
	v8 =	vadd.s32 v1, v8  }
0x2eb: {  	v16 =	vand.u32 $0x18, v56;
	v3 =	vor.u32 v17, v3;
	v8 =	vshll.u32 v8, $0x5  }
0x2ec: {  	v22 =	vld [tilespmem:$0x1FF90];
	v8 =	vor.u32 v16, v8  }
0x2ed: {  	v8 =	vor.u32 v13, v8  }
0x2ee: {  	v12 =	vld.idx.msk [tilespmem:v33+s12+$0x0], $0xffff  }
0x2ef: {  	v6 =	vld.idx.msk [tilespmem:v6+s16+$0x0], $0xffff  }
0x2f0: {  	v3 =	vld.idx.msk [tilespmem:v3+s16+$0x0], $0xffff  }
0x2f1: {  	v7 =	vld.idx.msk [tilespmem:v7+s12+$0x0], $0xffff  }
0x2f2: {  	v8 =	vld.idx.msk [tilespmem:v8+s16+$0x0], $0xffff  }
0x2f3: {  	v24 =	vshll.u32 v52, $0x4;
	v36 =	vld [tilespmem:$0x1FF60]  }
0x2f4: {  	v10 =	vand.u32 $0x200, v24;
	v23 =	vshll.u32 v53, $0x4;
	v9 =	vld.idx.msk [tilespmem:v22+s12+$0x0], $0xffff  }
0x2f5: {  	v32 =	vand.u32 $0x1E, v53;
	v4 =	vld.idx.msk [tilespmem:v4+s16+$0x0], $0xffff;
	v0 =	vadd.f32 v5, v0;
	v5 =	vand.u32 $0x200, v23  }
0x2f6: {  	v5 =	vadd.s32 v1, v5;
	v6 =	vmul.f32 v6, v18;
	v3 =	vmul.f32 v3, v7;
	v7 =	vld [tilespmem:$0x1FF70]  }
0x2f7: {  	v5 =	vshll.u32 v5, $0x5;
	v38 =	vmul.f32 v8, v12;
	v8 =	vand.u32 $0x200, v41  }
0x2f8: {  	v10 =	vadd.s32 v1, v10;
	v5 =	vor.u32 v32, v5;
	v42 =	vadd.s32 v1, v8;
	v8 =	vld [tilespmem:$0x1FF80]  }
0x2f9: {  	v0 =	vadd.f32 v6, v0;
	v6 =	vshll.u32 v10, $0x5  }
0x2fa: {  	v6 =	vor.u32 v44, v6  }
0x2fb: {  	v4 =	vmul.f32 v4, v9;
	v9 =	vld.idx.msk [tilespmem:v36+s12+$0x0], $0xffff  }
0x2fc: {  	v2 =	vld.idx.msk [tilespmem:v2+s16+$0x0], $0xffff  }
0x2fd: {  	v0 =	vadd.f32 v4, v0;
	v5 =	vld.idx.msk [tilespmem:v5+s16+$0x0], $0xffff  }
0x2fe: {  	v7 =	vld.idx.msk [tilespmem:v7+s12+$0x0], $0xffff  }
0x2ff: {  	v6 =	vld.idx.msk [tilespmem:v6+s16+$0x0], $0xffff;
	v0 =	vadd.f32 v3, v0  }
0x300: {  	v8 =	vld.idx.msk [tilespmem:v8+s12+$0x0], $0xffff  }
0x301: {  	v46 =	vld [tilespmem:$0x1FF30];
	v2 =	vmul.f32 v2, v9;
	v0 =	vadd.f32 v38, v0  }
0x302: {  	v4 =	vand.u32 $0x200, v43  }
0x303: {  	v4 =	vadd.s32 v1, v4;
	v0 =	vadd.f32 v2, v0;
	v5 =	vmul.f32 v5, v7  }
0x304: {  	v4 =	vshll.u32 v4, $0x5  }
0x305: {  	v4 =	vor.u32 v40, v4;
	v0 =	vadd.f32 v5, v0;
	v5 =	vmul.f32 v6, v8  }
0x306: {  	v41 =	vand.u32 $0x200, v39  }
0x307: {  	v10 =	vadd.s32 v1, v41;
	v0 =	vadd.f32 v5, v0;
	v5 =	vld [tilespmem:$0x1FF50]  }
0x308: {  	v49 =	vld [tilespmem:$0x1FF10];
	v43 =	vshll.u32 v10, $0x5  }
0x309: {  	v11 =	vld.idx.msk [tilespmem:v46+s12+$0x0], $0xffff;
	v44 =	vand.u32 $0x200, v35;
	v9 =	vor.u32 v34, v43  }
0x30a: {  	v10 =	vadd.s32 v1, v44;
	v4 =	vld.idx.msk [tilespmem:v4+s16+$0x0], $0xffff  }
0x30b: {  	v7 =	vshll.u32 v10, $0x5  }
0x30c: {  	v47 =	vld [tilespmem:$0x1FFE0];
	v7 =	vor.u32 v31, v7  }
0x30d: {  	v48 =	vld [tilespmem:$0x1FFF0]  }
0x30e: {  	v9 =	vld.idx.msk [tilespmem:v9+s16+$0x0], $0xffff  }
0x30f: {  	v4 =	vmul.f32 v4, v11;
	v5 =	vld.idx.msk [tilespmem:v5+s12+$0x0], $0xffff  }
0x310: {  	v11 =	vld.idx.msk [tilespmem:v49+s12+$0x0], $0xffff  }
0x311: {  	v0 =	vadd.f32 v4, v0;
	v4 =	vld.idx.msk [tilespmem:v7+s16+$0x0], $0xffff  }
0x312: {  	v6 =	vld [tilespmem:$0x1FF40]  }
0x313: {  	v51 =	vld [tilespmem:$0x1FFD0];
	v3 =	vshll.u32 v42, $0x5;
	v8 =	vand.u32 $0x200, v29  }
0x314: {  	v3 =	vor.u32 v37, v3;
	v8 =	vadd.s32 v1, v8;
	v53 =	vmul.f32 v9, v5;
	v5 =	vld [tilespmem:$0x1FF20]  }
0x315: {  	v45 =	vand.u32 $0x200, v50;
	v10 =	vand.u32 $0x200, v47;
	v8 =	vshll.u32 v8, $0x5  }
0x316: {  	v10 =	vadd.s32 v1, v10;
	v8 =	vor.u32 v48, v8;
	v57 =	vmul.f32 v4, v11;
	v4 =	vld [tilespmem:$0x1FEE0]  }
0x317: {  	v2 =	vadd.s32 v1, v45;
	v10 =	vshll.u32 v10, $0x5  }
0x318: {  	v59 =	vld [tilespmem:$0x1FEF0];
	v2 =	vshll.u32 v2, $0x5;
	v10 =	vor.u32 v51, v10  }
0x319: {  	v2 =	vor.u32 v30, v2;
	v3 =	vld.idx.msk [tilespmem:v3+s16+$0x0], $0xffff  }
0x31a: {  	v2 =	vor.u32 v13, v2;
	v6 =	vld.idx.msk [tilespmem:v6+s12+$0x0], $0xffff  }
0x31b: {  	v8 =	vld.idx.msk [tilespmem:v8+s16+$0x0], $0xffff  }
0x31c: {  	v5 =	vld.idx.msk [tilespmem:v5+s12+$0x0], $0xffff  }
0x31d: {  	v10 =	vld.idx.msk [tilespmem:v10+s16+$0x0], $0xffff  }
0x31e: {  	v4 =	vld.idx.msk [tilespmem:v4+s12+$0x0], $0xffff  }
0x31f: {  	v52 =	vand.u32 $0x200, v63;
	v50 =	vand.u32 $0x200, v19;
	v2 =	vld.idx.msk [tilespmem:v2+s16+$0x0], $0xffff  }
0x320: {  	v55 =	vand.u32 $0x200, v62;
	v7 =	vadd.s32 v1, v50;
	v3 =	vmul.f32 v3, v6;
	v6 =	vld.idx.msk [tilespmem:v26+s12+$0x0], $0xffff  }
0x321: {  	v12 =	vadd.s32 v1, v52;
	v7 =	vshll.u32 v7, $0x5;
	v60 =	vmul.f32 v8, v5;
	v5 =	vld [tilespmem:$0x1FF00]  }
0x322: {  	v54 =	vshll.u32 v12, $0x5;
	v7 =	vor.u32 v28, v7;
	v0 =	vadd.f32 v3, v0  }
0x323: {  	v56 =	vadd.s32 v1, v55;
	v9 =	vor.u32 v27, v54;
	v61 =	vmul.f32 v10, v4;
	v4 =	vld [tilespmem:$0x1FED0]  }
0x324: {  	v58 =	vand.u32 $0x1F, v25;
	v1 =	vshll.u32 v56, $0x5;
	v0 =	vadd.f32 v53, v0  }
0x325: {  	v1 =	vor.u32 v58, v1  }
0x326: {  	v3 =	vld.idx.msk [tilespmem:v59+s12+$0x0], $0xffff;
	v2 =	vmul.f32 v2, v6;
	v0 =	vadd.f32 v57, v0  }
0x327: {  	v6 =	vld.idx.msk [tilespmem:v7+s16+$0x0], $0xffff  }
0x328: {  	v7 =	vld.idx.msk [tilespmem:v9+s16+$0x0], $0xffff;
	v0 =	vadd.f32 v2, v0  }
0x329: {  	v5 =	vld.idx.msk [tilespmem:v5+s12+$0x0], $0xffff  }
0x32a: {  	v1 =	vld.idx.msk [tilespmem:v1+s16+$0x0], $0xffff;
	v0 =	vadd.f32 v60, v0  }
0x32b: {  	v4 =	vld.idx.msk [tilespmem:v4+s12+$0x0], $0xffff  }
0x32c: {  	v62 =	vmul.f32 v6, v3;
	v0 =	vadd.f32 v61, v0;
	_ =	sdelay $0x1  }
0x32d: {  	v0 =	vadd.f32 v62, v0;
	v63 =	vmul.f32 v7, v5;
	_ =	sdelay $0x1  }
0x32e: {  	v1 =	vmul.f32 v1, v4;
	v0 =	vadd.f32 v63, v0;
	_ =	sdelay $0x1  }
0x32f: {  	s25 =	sadd.s32 $0x1, s25;
	v0 =	vadd.f32 v1, v0  }
0x330: {  	s26 =	sadd.s32 $0x10, s26;
	p0 =	sne.s32 s25, s8  }
.Ltmp1:
0x331: {  	[tilespmem:s26+$0x0] =	vst v0;
	(pc) =	sbr.rel @p0 .LBB2_1-.Ltmp1, $4  }
0x332: {  	[hbm4b:s7+s2] =	stream.linear.scatter [tilespmem:s24], [sflag:$0x2], $0x200, $0x38;
	[tilespmem:$0x10E00] =	vst v63  }
0x333: {  	_ =	swait.ge [sflag:s9], $0x200  }
0x334: {  	[sflag:s9] =	ssyncset.done $0x0  }
0x335: {  	v6 =	vlaneseq.u32;
	[sflag:s9] =	ssyncadd.s32 $0xFFFFFE00  }
0x336: {  	_ =	sfence.sel $0x180000  }
0x337: {  	[bflag:$0x0] =	sbarrier.arrive $0xFFFF  }
0x338: {  	_ =	strace $0x90000047  }
0x339: {  	s0 =	stileid.u32;
	[bflag:$0x2] =	sbarrier.arrive $0xFFFF  }
0x33a: {  	p0 =	sne.s32 s0, $0x0;
	s0 =	rddreg [dreg:$0x2]  }
0x33b: {  	s0 =	sadd.s32 @!p0 $0x100000, s0  }
0x33c: {  	[sflag:s0] =	ssyncadd.tile.s32 @!p0 $0x1;
	_ =	shalt  }
.Lfunc_end2:
_tile_overlayer_lowered:
.L_overlay_start_2:
0x33d: {  	(tag) =	ssettag $0x2  }
0x33e: {  	s0 =	rddreg [dreg:$0x0];
	s2 =	stileid.u32  }
0x33f: {  	s1 =	rddreg [dreg:$0x1];
	p0 =	sne.s32 s2, $0x0  }
0x340: {  	s3 =	rddreg [dreg:$0x2];
	[bflag:$0x3] =	sbarrier.arrive $0xFFFF;
	s2 =	simm.s32 @!p0 $0x1C02  }
0x341: {  	[timem:s3], [sflag:s2] =	dma.local @!p0 [hbm:s0], s1  }
0x342: {  	s0 =	simm.s32 @!p0 $0x2  }
0x343: {  	_ =	swait.ge @!p0 [sflag:s0], s1  }
0x344: {  	s1 =	ssub.s32 @!p0 $0x0, s1;
	[sflag:s0] =	ssyncset.done @!p0 $0x0  }
0x345: {  	[sflag:s0] =	ssyncadd.s32 @!p0 s1  }
0x346: {  	[bflag:$0x3] =	sbarrier.arrive $0xFFFF  }
0x347: {  	_ =	shalt  }

</sc_bundles>
